<compile_context>
chip_gen: v7x
topology: tpu7x:2x2x1
jax: 0.10.2.dev20260603
libtpu: 0.0.44.dev20260713+nightly
codegen_flags: <defaults>
</compile_context>

<pallas_src>
import functools

import jax
import jax.numpy as jnp
from jax import lax
from jax.experimental import pallas as pl
from jax.experimental.pallas import tpu as pltpu
from jax.experimental.pallas import tpu_sc as plsc

N_NODES = 10000
N_HE = 10000
NNZ = 320000
D = 128

NC = 2
NS = 16
NW = NC * NS

CHUNK = 128
FAST_CID = 0
CH_FAST = 80
CH_SLOW = 80
TOT_CHUNKS = NS * (CH_FAST + CH_SLOW)
NNZ_PAD = TOT_CHUNKS * CHUNK
ACC_ROWS = 10240
ZROWS = 16
ROWS_PER_SUB = ACC_ROWS // NS
OUT_PER_SUB = ROWS_PER_SUB

_mesh = plsc.VectorSubcoreMesh(core_axis_name="c", subcore_axis_name="s")


@functools.partial(
    pl.kernel,
    mesh=_mesh,
    out_type=jax.ShapeDtypeStruct((NC, ACC_ROWS, D), jnp.float32),
    scratch_types=[
        pltpu.VMEM((4, CHUNK), jnp.int32),
        pltpu.VMEM((4, CHUNK), jnp.int32),
        pltpu.VMEM((CHUNK, D), jnp.float32),
        pltpu.VMEM((CHUNK, D), jnp.float32),
        pltpu.VMEM((ZROWS, D), jnp.float32),
        pltpu.VMEM_SHARED((ACC_ROWS, D), jnp.float32),
        pltpu.SemaphoreType.DMA,
        pltpu.SemaphoreType.DMA,
        pltpu.SemaphoreType.DMA,
        pltpu.SemaphoreType.DMA,
        pltpu.SemaphoreType.DMA,
        pltpu.SemaphoreType.DMA,
    ],
)
def _sc_aggregate(x_hbm, cols_hbm, rows_hbm, out_hbm,
                  icv, irv, buf0, buf1, zbuf, acc,
                  gsem0, gsem1, isem0, isem1, isem2, isem3):
    cid = lax.axis_index("c")
    sid = lax.axis_index("s")
    isems = [isem0, isem1, isem2, isem3]

    n_ch = jnp.where(cid == FAST_CID, CH_FAST, CH_SLOW)
    start = jnp.where(cid == FAST_CID, sid * CH_FAST,
                      NS * CH_FAST + sid * CH_SLOW)

    def fetch_idx(j, p):
        pltpu.async_copy(cols_hbm.at[start + j], icv.at[p], isems[p])
        pltpu.async_copy(rows_hbm.at[start + j], irv.at[p], isems[p])

    def wait_idx(j, p):
        pltpu.make_async_copy(cols_hbm.at[start + j], icv.at[p],
                              isems[p]).wait()
        pltpu.make_async_copy(rows_hbm.at[start + j], irv.at[p],
                              isems[p]).wait()

    for p in range(4):
        fetch_idx(p, p)

    zv = jnp.zeros((16,), jnp.float32)
    for i in range(ZROWS):
        for j in range(D // 16):
            zbuf[i, pl.ds(j * 16, 16)] = zv
    nz = ROWS_PER_SUB // ZROWS
    for t in range(nz):
        pltpu.async_copy(
            zbuf, acc.at[pl.ds(sid * ROWS_PER_SUB + t * ZROWS, ZROWS)], gsem0)
    for t in range(nz):
        pltpu.make_async_copy(
            zbuf, acc.at[pl.ds(sid * ROWS_PER_SUB + t * ZROWS, ZROWS)],
            gsem0).wait()

    plsc.subcore_barrier()

    wait_idx(0, 0)
    pltpu.async_copy(x_hbm.at[icv.at[0]], buf0, gsem0)
    wait_idx(1, 1)
    pltpu.async_copy(x_hbm.at[icv.at[1]], buf1, gsem1)

    def half(j, p, pn, buf, gsem):
        pltpu.make_async_copy(x_hbm.at[icv.at[p]], buf, gsem).wait()
        pltpu.sync_copy(buf, acc.at[irv.at[p]], add=True)
        fetch_idx(lax.rem(j + 4, n_ch), p)
        wait_idx(lax.rem(j + 2, n_ch), pn)
        pltpu.async_copy(x_hbm.at[icv.at[pn]], buf, gsem)

    def body(t, carry):
        j0 = 4 * t
        half(j0, 0, 2, buf0, gsem0)
        half(j0 + 1, 1, 3, buf1, gsem1)
        half(j0 + 2, 2, 0, buf0, gsem0)
        half(j0 + 3, 3, 1, buf1, gsem1)
        return carry

    lax.fori_loop(0, n_ch // 4, body, 0)

    pltpu.make_async_copy(x_hbm.at[icv.at[0]], buf0, gsem0).wait()
    pltpu.make_async_copy(x_hbm.at[icv.at[1]], buf1, gsem1).wait()
    wait_idx(2, 2)
    wait_idx(3, 3)

    plsc.subcore_barrier()

    pltpu.sync_copy(acc.at[pl.ds(sid * OUT_PER_SUB, OUT_PER_SUB)],
                    out_hbm.at[cid, pl.ds(sid * OUT_PER_SUB, OUT_PER_SUB)])


ROW_BLK = 1000


def _tc_x0_body(x_ref, w0_ref, b0_ref, o0_ref):
    o0_ref[...] = jnp.maximum(
        jnp.dot(x_ref[...], w0_ref[...], preferred_element_type=jnp.float32)
        + b0_ref[...], 0.0)


_tc_x0_call = pl.pallas_call(
    _tc_x0_body,
    grid=(N_NODES // ROW_BLK,),
    in_specs=[
        pl.BlockSpec((ROW_BLK, D), lambda i: (i, 0)),
        pl.BlockSpec((D, D), lambda i: (0, 0)),
        pl.BlockSpec((1, D), lambda i: (0, 0)),
    ],
    out_specs=pl.BlockSpec((ROW_BLK, D), lambda i: (i, 0)),
    out_shape=jax.ShapeDtypeStruct((N_NODES, D), jnp.float32),
)


def _tc_x1_body(a0_ref, a1_ref, w1_ref, b1_ref, o1_ref):
    s = a0_ref[0] + a1_ref[0]
    o1_ref[...] = jnp.maximum(
        jnp.dot(s, w1_ref[...], preferred_element_type=jnp.float32)
        + b1_ref[...], 0.0)


_tc_x1_call = pl.pallas_call(
    _tc_x1_body,
    grid=(N_HE // ROW_BLK,),
    in_specs=[
        pl.BlockSpec((1, ROW_BLK, D), lambda i: (0, i, 0)),
        pl.BlockSpec((1, ROW_BLK, D), lambda i: (1, i, 0)),
        pl.BlockSpec((D, D), lambda i: (0, 0)),
        pl.BlockSpec((1, D), lambda i: (0, 0)),
    ],
    out_specs=pl.BlockSpec((ROW_BLK, D), lambda i: (i, 0)),
    out_shape=jax.ShapeDtypeStruct((N_HE, D), jnp.float32),
)


def kernel(x, he_vals, W0, b0, W1, b1, he_rows, he_cols, y, batch_0):
    cols = he_cols.astype(jnp.int32)
    rows = he_rows.astype(jnp.int32)
    pad = NNZ_PAD - NNZ
    pad_cols = jnp.mod(jnp.arange(pad, dtype=jnp.int32), N_NODES)
    cols = jnp.concatenate([cols, pad_cols])
    pad_rows = N_HE + jnp.mod(jnp.arange(pad, dtype=jnp.int32),
                              ACC_ROWS - N_HE)
    rows = jnp.concatenate([rows, pad_rows])
    cols3 = cols.reshape(TOT_CHUNKS, CHUNK)
    rows3 = rows.reshape(TOT_CHUNKS, CHUNK)

    acc = _sc_aggregate(x, cols3, rows3)

    x0 = _tc_x0_call(x, W0.T, b0.reshape(1, D))
    x1 = _tc_x1_call(acc, acc, W1.T, b1.reshape(1, D))
    return (y, batch_0, x0, x1)

# --- scband reference (transcript-rebuilt; emitter-appended) ---
"""Pipeline reference for scband-test-graph-network-82231443849935 (READ-ONLY COPY).

The authoritative reference and input builder live on the scoring server;
editing this copy changes nothing except your own understanding.
"""

import jax, jax.numpy as jnp
import numpy as np

N_NODES = 10000
N_HYPEREDGES = 10000
NNZ = 320000
D_IN = 128
D_HID = 128


def setup_inputs(seed: int = 0) -> dict:
    key = jax.random.key(seed)
    ks = jax.random.split(key, 8)
    x = jax.random.normal(ks[0], (N_NODES, D_IN), dtype=jnp.float32)
    he_rows = jnp.sort(jax.random.randint(ks[1], (NNZ,), 0, N_HYPEREDGES, dtype=jnp.int64))
    he_cols = jax.random.randint(ks[2], (NNZ,), 0, N_NODES, dtype=jnp.int64)
    he_vals = jnp.ones((NNZ,), dtype=jnp.float32)
    y = jax.random.randint(ks[3], (N_NODES,), 0, 10, dtype=jnp.int64)
    batch_0 = jnp.sort(jax.random.randint(ks[4], (N_NODES,), 0, 16, dtype=jnp.int64))
    W0 = jax.random.normal(ks[5], (D_HID, D_IN), dtype=jnp.float32) * 0.05
    b0 = jnp.zeros((D_HID,), dtype=jnp.float32)
    W1 = jax.random.normal(ks[6], (D_HID, D_IN), dtype=jnp.float32) * 0.05
    b1 = jnp.zeros((D_HID,), dtype=jnp.float32)
    return {"x": x, "he_vals": he_vals, "W0": W0, "b0": b0, "W1": W1, "b1": b1,
            "he_rows": he_rows, "he_cols": he_cols, "y": y, "batch_0": batch_0}


def reference(x, he_vals, W0, b0, W1, b1, he_rows, he_cols, y, batch_0):
    # torch.sparse.mm(incidence_hyperedges, x): for each nnz (row=hyperedge, col=node),
    # gather node feature, scale by value, scatter-add into hyperedge row.
    gathered = jnp.take(x, he_cols, axis=0) * he_vals[:, None]
    x_1 = jax.ops.segment_sum(gathered, he_rows, num_segments=N_HYPEREDGES)
    x_0 = jax.nn.relu(x @ W0.T + b0)
    x_1 = jax.nn.relu(x_1 @ W1.T + b1)
    # dict {'labels': y, 'batch_0': batch_0, 'x_0': x_0, 'hyperedge': x_1} as a tuple
    return (y, batch_0, x_0, x_1)

if __name__ == "__main__":
    import jax
    _d = setup_inputs()
    print(jax.jit(kernel)(*tuple(_d.values())))

</pallas_src>

<mosaic_0001>
#map = affine_map<(d0, d1) -> (0, 0)>
#map1 = affine_map<(d0, d1) -> (0, 0, 0)>
module attributes {stable_mosaic.version = 14 : i64} {
  func.func @_sc_aggregate(%arg0: i32, %arg1: i32, %arg2: memref<10000x128xf32, #tpu.memory_space<hbm>>, %arg3: memref<2560x128xi32, #tpu.memory_space<hbm>>, %arg4: memref<2560x128xi32, #tpu.memory_space<hbm>>, %arg5: memref<2x10240x128xf32, #tpu.memory_space<hbm>>, %arg6: memref<4x128xi32, #tpu.memory_space<vmem>>, %arg7: memref<4x128xi32, #tpu.memory_space<vmem>>, %arg8: memref<128x128xf32, #tpu.memory_space<vmem>>, %arg9: memref<128x128xf32, #tpu.memory_space<vmem>>, %arg10: memref<16x128xf32, #tpu.memory_space<vmem>>, %arg11: memref<10240x128xf32, #tpu.memory_space<vmem_shared>>, %arg12: memref<!tpu.dma_semaphore, #tpu.memory_space<semaphore_mem>>, %arg13: memref<!tpu.dma_semaphore, #tpu.memory_space<semaphore_mem>>, %arg14: memref<!tpu.dma_semaphore, #tpu.memory_space<semaphore_mem>>, %arg15: memref<!tpu.dma_semaphore, #tpu.memory_space<semaphore_mem>>, %arg16: memref<!tpu.dma_semaphore, #tpu.memory_space<semaphore_mem>>, %arg17: memref<!tpu.dma_semaphore, #tpu.memory_space<semaphore_mem>>) attributes {dimension_semantics = [#tpu.dimension_semantics<core_parallel>, #tpu.dimension_semantics<subcore_parallel>], iteration_bounds = array<i64: 2, 16>, scalar_prefetch = 0 : i64, scratch_operands = 12 : i64, tpu.core_type = #tpu.core_type<sc_vector_subcore>, window_params = [{transform_indices = #map}, {transform_indices = #map}, {transform_indices = #map}, {transform_indices = #map1}]} {
    %eq3A = arith.constant 0 : i32
    %eq3A_0 = arith.cmpi eq, %arg0, %eq3A : i32
    %jit3A = arith.constant 80 : i32
    %jit3A_1 = arith.constant 80 : i32
    %select_n3A = arith.select %eq3A_0, %jit3A, %jit3A_1 : i32
    %eq3A_2 = arith.constant 0 : i32
    %eq3A_3 = arith.cmpi eq, %arg0, %eq3A_2 : i32
    %mul3A = arith.constant 80 : i32
    %mul3A_4 = arith.muli %arg1, %mul3A : i32
    %mul3A_5 = arith.constant 80 : i32
    %mul3A_6 = arith.muli %arg1, %mul3A_5 : i32
    %add3A = arith.constant 1280 : i32
    %add3A_7 = arith.addi %add3A, %mul3A_6 : i32
    %select_n3A_8 = arith.select %eq3A_3, %mul3A_4, %add3A_7 : i32
    %add3A_9 = arith.constant 0 : i32
    %add3A_10 = arith.addi %select_n3A_8, %add3A_9 : i32
    %dma_start3A = arith.constant 0 : i32
    %dma_start3A_11 = arith.constant 0 : i32
    %dma_start3A_12 = tpu.memref_slice %arg6[%dma_start3A, %dma_start3A_11] : memref<4x128xi32, #tpu.memory_space<vmem>> -> memref<1x128xi32, #tpu.memory_space<vmem>>
    %dma_start3A_13 = tpu.memref_squeeze %dma_start3A_12 : memref<1x128xi32, #tpu.memory_space<vmem>> -> memref<128xi32, #tpu.memory_space<vmem>>
    %dma_start3A_14 = arith.constant 0 : i32
    %dma_start3A_15 = tpu.memref_slice %arg3[%add3A_10, %dma_start3A_14] : memref<2560x128xi32, #tpu.memory_space<hbm>> -> memref<1x128xi32, #tpu.memory_space<hbm>>
    %dma_start3A_16 = tpu.memref_squeeze %dma_start3A_15 : memref<1x128xi32, #tpu.memory_space<hbm>> -> memref<128xi32, #tpu.memory_space<hbm>>
    %dma_start3A_17 = arith.constant 0 : i32
    %dma_start3A_18 = tpu.memref_slice %arg6[%dma_start3A, %dma_start3A_17] : memref<4x128xi32, #tpu.memory_space<vmem>> -> memref<1x128xi32, #tpu.memory_space<vmem>>
    %dma_start3A_19 = tpu.memref_squeeze %dma_start3A_18 : memref<1x128xi32, #tpu.memory_space<vmem>> -> memref<128xi32, #tpu.memory_space<vmem>>
    %dma_start3A_20 = arith.constant 0 : i32
    %dma_start3A_21 = tpu.memref_slice %arg3[%add3A_10, %dma_start3A_20] : memref<2560x128xi32, #tpu.memory_space<hbm>> -> memref<1x128xi32, #tpu.memory_space<hbm>>
    %dma_start3A_22 = tpu.memref_squeeze %dma_start3A_21 : memref<1x128xi32, #tpu.memory_space<hbm>> -> memref<128xi32, #tpu.memory_space<hbm>>
    tpu.enqueue_dma source(%dma_start3A_22 : memref<128xi32, #tpu.memory_space<hbm>>) target(%dma_start3A_19 : memref<128xi32, #tpu.memory_space<vmem>>) target_semaphore(%arg14 : memref<!tpu.dma_semaphore, #tpu.memory_space<semaphore_mem>>)
    %add3A_23 = arith.constant 0 : i32
    %add3A_24 = arith.addi %select_n3A_8, %add3A_23 : i32
    %dma_start3A_25 = arith.constant 0 : i32
    %dma_start3A_26 = arith.constant 0 : i32
    %dma_start3A_27 = tpu.memref_slice %arg7[%dma_start3A_25, %dma_start3A_26] : memref<4x128xi32, #tpu.memory_space<vmem>> -> memref<1x128xi32, #tpu.memory_space<vmem>>
    %dma_start3A_28 = tpu.memref_squeeze %dma_start3A_27 : memref<1x128xi32, #tpu.memory_space<vmem>> -> memref<128xi32, #tpu.memory_space<vmem>>
    %dma_start3A_29 = arith.constant 0 : i32
    %dma_start3A_30 = tpu.memref_slice %arg4[%add3A_24, %dma_start3A_29] : memref<2560x128xi32, #tpu.memory_space<hbm>> -> memref<1x128xi32, #tpu.memory_space<hbm>>
    %dma_start3A_31 = tpu.memref_squeeze %dma_start3A_30 : memref<1x128xi32, #tpu.memory_space<hbm>> -> memref<128xi32, #tpu.memory_space<hbm>>
    %dma_start3A_32 = arith.constant 0 : i32
    %dma_start3A_33 = tpu.memref_slice %arg7[%dma_start3A_25, %dma_start3A_32] : memref<4x128xi32, #tpu.memory_space<vmem>> -> memref<1x128xi32, #tpu.memory_space<vmem>>
    %dma_start3A_34 = tpu.memref_squeeze %dma_start3A_33 : memref<1x128xi32, #tpu.memory_space<vmem>> -> memref<128xi32, #tpu.memory_space<vmem>>
    %dma_start3A_35 = arith.constant 0 : i32
    %dma_start3A_36 = tpu.memref_slice %arg4[%add3A_24, %dma_start3A_35] : memref<2560x128xi32, #tpu.memory_space<hbm>> -> memref<1x128xi32, #tpu.memory_space<hbm>>
    %dma_start3A_37 = tpu.memref_squeeze %dma_start3A_36 : memref<1x128xi32, #tpu.memory_space<hbm>> -> memref<128xi32, #tpu.memory_space<hbm>>
    tpu.enqueue_dma source(%dma_start3A_37 : memref<128xi32, #tpu.memory_space<hbm>>) target(%dma_start3A_34 : memref<128xi32, #tpu.memory_space<vmem>>) target_semaphore(%arg14 : memref<!tpu.dma_semaphore, #tpu.memory_space<semaphore_mem>>)
    %add3A_38 = arith.constant 1 : i32
    %add3A_39 = arith.addi %select_n3A_8, %add3A_38 : i32
    %dma_start3A_40 = arith.constant 1 : i32
    %dma_start3A_41 = arith.constant 0 : i32
    %dma_start3A_42 = tpu.memref_slice %arg6[%dma_start3A_40, %dma_start3A_41] : memref<4x128xi32, #tpu.memory_space<vmem>> -> memref<1x128xi32, #tpu.memory_space<vmem>>
    %dma_start3A_43 = tpu.memref_squeeze %dma_start3A_42 : memref<1x128xi32, #tpu.memory_space<vmem>> -> memref<128xi32, #tpu.memory_space<vmem>>
    %dma_start3A_44 = arith.constant 0 : i32
    %dma_start3A_45 = tpu.memref_slice %arg3[%add3A_39, %dma_start3A_44] : memref<2560x128xi32, #tpu.memory_space<hbm>> -> memref<1x128xi32, #tpu.memory_space<hbm>>
    %dma_start3A_46 = tpu.memref_squeeze %dma_start3A_45 : memref<1x128xi32, #tpu.memory_space<hbm>> -> memref<128xi32, #tpu.memory_space<hbm>>
    %dma_start3A_47 = arith.constant 0 : i32
    %dma_start3A_48 = tpu.memref_slice %arg6[%dma_start3A_40, %dma_start3A_47] : memref<4x128xi32, #tpu.memory_space<vmem>> -> memref<1x128xi32, #tpu.memory_space<vmem>>
    %dma_start3A_49 = tpu.memref_squeeze %dma_start3A_48 : memref<1x128xi32, #tpu.memory_space<vmem>> -> memref<128xi32, #tpu.memory_space<vmem>>
    %dma_start3A_50 = arith.constant 0 : i32
    %dma_start3A_51 = tpu.memref_slice %arg3[%add3A_39, %dma_start3A_50] : memref<2560x128xi32, #tpu.memory_space<hbm>> -> memref<1x128xi32, #tpu.memory_space<hbm>>
    %dma_start3A_52 = tpu.memref_squeeze %dma_start3A_51 : memref<1x128xi32, #tpu.memory_space<hbm>> -> memref<128xi32, #tpu.memory_space<hbm>>
    tpu.enqueue_dma source(%dma_start3A_52 : memref<128xi32, #tpu.memory_space<hbm>>) target(%dma_start3A_49 : memref<128xi32, #tpu.memory_space<vmem>>) target_semaphore(%arg15 : memref<!tpu.dma_semaphore, #tpu.memory_space<semaphore_mem>>)
    %add3A_53 = arith.constant 1 : i32
    %add3A_54 = arith.addi %select_n3A_8, %add3A_53 : i32
    %dma_start3A_55 = arith.constant 1 : i32
    %dma_start3A_56 = arith.constant 0 : i32
    %dma_start3A_57 = tpu.memref_slice %arg7[%dma_start3A_55, %dma_start3A_56] : memref<4x128xi32, #tpu.memory_space<vmem>> -> memref<1x128xi32, #tpu.memory_space<vmem>>
    %dma_start3A_58 = tpu.memref_squeeze %dma_start3A_57 : memref<1x128xi32, #tpu.memory_space<vmem>> -> memref<128xi32, #tpu.memory_space<vmem>>
    %dma_start3A_59 = arith.constant 0 : i32
    %dma_start3A_60 = tpu.memref_slice %arg4[%add3A_54, %dma_start3A_59] : memref<2560x128xi32, #tpu.memory_space<hbm>> -> memref<1x128xi32, #tpu.memory_space<hbm>>
    %dma_start3A_61 = tpu.memref_squeeze %dma_start3A_60 : memref<1x128xi32, #tpu.memory_space<hbm>> -> memref<128xi32, #tpu.memory_space<hbm>>
    %dma_start3A_62 = arith.constant 0 : i32
    %dma_start3A_63 = tpu.memref_slice %arg7[%dma_start3A_55, %dma_start3A_62] : memref<4x128xi32, #tpu.memory_space<vmem>> -> memref<1x128xi32, #tpu.memory_space<vmem>>
    %dma_start3A_64 = tpu.memref_squeeze %dma_start3A_63 : memref<1x128xi32, #tpu.memory_space<vmem>> -> memref<128xi32, #tpu.memory_space<vmem>>
    %dma_start3A_65 = arith.constant 0 : i32
    %dma_start3A_66 = tpu.memref_slice %arg4[%add3A_54, %dma_start3A_65] : memref<2560x128xi32, #tpu.memory_space<hbm>> -> memref<1x128xi32, #tpu.memory_space<hbm>>
    %dma_start3A_67 = tpu.memref_squeeze %dma_start3A_66 : memref<1x128xi32, #tpu.memory_space<hbm>> -> memref<128xi32, #tpu.memory_space<hbm>>
    tpu.enqueue_dma source(%dma_start3A_67 : memref<128xi32, #tpu.memory_space<hbm>>) target(%dma_start3A_64 : memref<128xi32, #tpu.memory_space<vmem>>) target_semaphore(%arg15 : memref<!tpu.dma_semaphore, #tpu.memory_space<semaphore_mem>>)
    %add3A_68 = arith.constant 2 : i32
    %add3A_69 = arith.addi %select_n3A_8, %add3A_68 : i32
    %dma_start3A_70 = arith.constant 2 : i32
    %dma_start3A_71 = arith.constant 0 : i32
    %dma_start3A_72 = tpu.memref_slice %arg6[%dma_start3A_70, %dma_start3A_71] : memref<4x128xi32, #tpu.memory_space<vmem>> -> memref<1x128xi32, #tpu.memory_space<vmem>>
    %dma_start3A_73 = tpu.memref_squeeze %dma_start3A_72 : memref<1x128xi32, #tpu.memory_space<vmem>> -> memref<128xi32, #tpu.memory_space<vmem>>
    %dma_start3A_74 = arith.constant 0 : i32
    %dma_start3A_75 = tpu.memref_slice %arg3[%add3A_69, %dma_start3A_74] : memref<2560x128xi32, #tpu.memory_space<hbm>> -> memref<1x128xi32, #tpu.memory_space<hbm>>
    %dma_start3A_76 = tpu.memref_squeeze %dma_start3A_75 : memref<1x128xi32, #tpu.memory_space<hbm>> -> memref<128xi32, #tpu.memory_space<hbm>>
    %dma_start3A_77 = arith.constant 0 : i32
    %dma_start3A_78 = tpu.memref_slice %arg6[%dma_start3A_70, %dma_start3A_77] : memref<4x128xi32, #tpu.memory_space<vmem>> -> memref<1x128xi32, #tpu.memory_space<vmem>>
    %dma_start3A_79 = tpu.memref_squeeze %dma_start3A_78 : memref<1x128xi32, #tpu.memory_space<vmem>> -> memref<128xi32, #tpu.memory_space<vmem>>
    %dma_start3A_80 = arith.constant 0 : i32
    %dma_start3A_81 = tpu.memref_slice %arg3[%add3A_69, %dma_start3A_80] : memref<2560x128xi32, #tpu.memory_space<hbm>> -> memref<1x128xi32, #tpu.memory_space<hbm>>
    %dma_start3A_82 = tpu.memref_squeeze %dma_start3A_81 : memref<1x128xi32, #tpu.memory_space<hbm>> -> memref<128xi32, #tpu.memory_space<hbm>>
    tpu.enqueue_dma source(%dma_start3A_82 : memref<128xi32, #tpu.memory_space<hbm>>) target(%dma_start3A_79 : memref<128xi32, #tpu.memory_space<vmem>>) target_semaphore(%arg16 : memref<!tpu.dma_semaphore, #tpu.memory_space<semaphore_mem>>)
    %add3A_83 = arith.constant 2 : i32
    %add3A_84 = arith.addi %select_n3A_8, %add3A_83 : i32
    %dma_start3A_85 = arith.constant 2 : i32
    %dma_start3A_86 = arith.constant 0 : i32
    %dma_start3A_87 = tpu.memref_slice %arg7[%dma_start3A_85, %dma_start3A_86] : memref<4x128xi32, #tpu.memory_space<vmem>> -> memref<1x128xi32, #tpu.memory_space<vmem>>
    %dma_start3A_88 = tpu.memref_squeeze %dma_start3A_87 : memref<1x128xi32, #tpu.memory_space<vmem>> -> memref<128xi32, #tpu.memory_space<vmem>>
    %dma_start3A_89 = arith.constant 0 : i32
    %dma_start3A_90 = tpu.memref_slice %arg4[%add3A_84, %dma_start3A_89] : memref<2560x128xi32, #tpu.memory_space<hbm>> -> memref<1x128xi32, #tpu.memory_space<hbm>>
    %dma_start3A_91 = tpu.memref_squeeze %dma_start3A_90 : memref<1x128xi32, #tpu.memory_space<hbm>> -> memref<128xi32, #tpu.memory_space<hbm>>
    %dma_start3A_92 = arith.constant 0 : i32
    %dma_start3A_93 = tpu.memref_slice %arg7[%dma_start3A_85, %dma_start3A_92] : memref<4x128xi32, #tpu.memory_space<vmem>> -> memref<1x128xi32, #tpu.memory_space<vmem>>
    %dma_start3A_94 = tpu.memref_squeeze %dma_start3A_93 : memref<1x128xi32, #tpu.memory_space<vmem>> -> memref<128xi32, #tpu.memory_space<vmem>>
    %dma_start3A_95 = arith.constant 0 : i32
    %dma_start3A_96 = tpu.memref_slice %arg4[%add3A_84, %dma_start3A_95] : memref<2560x128xi32, #tpu.memory_space<hbm>> -> memref<1x128xi32, #tpu.memory_space<hbm>>
    %dma_start3A_97 = tpu.memref_squeeze %dma_start3A_96 : memref<1x128xi32, #tpu.memory_space<hbm>> -> memref<128xi32, #tpu.memory_space<hbm>>
    tpu.enqueue_dma source(%dma_start3A_97 : memref<128xi32, #tpu.memory_space<hbm>>) target(%dma_start3A_94 : memref<128xi32, #tpu.memory_space<vmem>>) target_semaphore(%arg16 : memref<!tpu.dma_semaphore, #tpu.memory_space<semaphore_mem>>)
    %add3A_98 = arith.constant 3 : i32
    %add3A_99 = arith.addi %select_n3A_8, %add3A_98 : i32
    %dma_start3A_100 = arith.constant 3 : i32
    %dma_start3A_101 = arith.constant 0 : i32
    %dma_start3A_102 = tpu.memref_slice %arg6[%dma_start3A_100, %dma_start3A_101] : memref<4x128xi32, #tpu.memory_space<vmem>> -> memref<1x128xi32, #tpu.memory_space<vmem>>
    %dma_start3A_103 = tpu.memref_squeeze %dma_start3A_102 : memref<1x128xi32, #tpu.memory_space<vmem>> -> memref<128xi32, #tpu.memory_space<vmem>>
    %dma_start3A_104 = arith.constant 0 : i32
    %dma_start3A_105 = tpu.memref_slice %arg3[%add3A_99, %dma_start3A_104] : memref<2560x128xi32, #tpu.memory_space<hbm>> -> memref<1x128xi32, #tpu.memory_space<hbm>>
    %dma_start3A_106 = tpu.memref_squeeze %dma_start3A_105 : memref<1x128xi32, #tpu.memory_space<hbm>> -> memref<128xi32, #tpu.memory_space<hbm>>
    %dma_start3A_107 = arith.constant 0 : i32
    %dma_start3A_108 = tpu.memref_slice %arg6[%dma_start3A_100, %dma_start3A_107] : memref<4x128xi32, #tpu.memory_space<vmem>> -> memref<1x128xi32, #tpu.memory_space<vmem>>
    %dma_start3A_109 = tpu.memref_squeeze %dma_start3A_108 : memref<1x128xi32, #tpu.memory_space<vmem>> -> memref<128xi32, #tpu.memory_space<vmem>>
    %dma_start3A_110 = arith.constant 0 : i32
    %dma_start3A_111 = tpu.memref_slice %arg3[%add3A_99, %dma_start3A_110] : memref<2560x128xi32, #tpu.memory_space<hbm>> -> memref<1x128xi32, #tpu.memory_space<hbm>>
    %dma_start3A_112 = tpu.memref_squeeze %dma_start3A_111 : memref<1x128xi32, #tpu.memory_space<hbm>> -> memref<128xi32, #tpu.memory_space<hbm>>
    tpu.enqueue_dma source(%dma_start3A_112 : memref<128xi32, #tpu.memory_space<hbm>>) target(%dma_start3A_109 : memref<128xi32, #tpu.memory_space<vmem>>) target_semaphore(%arg17 : memref<!tpu.dma_semaphore, #tpu.memory_space<semaphore_mem>>)
    %add3A_113 = arith.constant 3 : i32
    %add3A_114 = arith.addi %select_n3A_8, %add3A_113 : i32
    %dma_start3A_115 = arith.constant 3 : i32
    %dma_start3A_116 = arith.constant 0 : i32
    %dma_start3A_117 = tpu.memref_slice %arg7[%dma_start3A_115, %dma_start3A_116] : memref<4x128xi32, #tpu.memory_space<vmem>> -> memref<1x128xi32, #tpu.memory_space<vmem>>
    %dma_start3A_118 = tpu.memref_squeeze %dma_start3A_117 : memref<1x128xi32, #tpu.memory_space<vmem>> -> memref<128xi32, #tpu.memory_space<vmem>>
    %dma_start3A_119 = arith.constant 0 : i32
    %dma_start3A_120 = tpu.memref_slice %arg4[%add3A_114, %dma_start3A_119] : memref<2560x128xi32, #tpu.memory_space<hbm>> -> memref<1x128xi32, #tpu.memory_space<hbm>>
    %dma_start3A_121 = tpu.memref_squeeze %dma_start3A_120 : memref<1x128xi32, #tpu.memory_space<hbm>> -> memref<128xi32, #tpu.memory_space<hbm>>
    %dma_start3A_122 = arith.constant 0 : i32
    %dma_start3A_123 = tpu.memref_slice %arg7[%dma_start3A_115, %dma_start3A_122] : memref<4x128xi32, #tpu.memory_space<vmem>> -> memref<1x128xi32, #tpu.memory_space<vmem>>
    %dma_start3A_124 = tpu.memref_squeeze %dma_start3A_123 : memref<1x128xi32, #tpu.memory_space<vmem>> -> memref<128xi32, #tpu.memory_space<vmem>>
    %dma_start3A_125 = arith.constant 0 : i32
    %dma_start3A_126 = tpu.memref_slice %arg4[%add3A_114, %dma_start3A_125] : memref<2560x128xi32, #tpu.memory_space<hbm>> -> memref<1x128xi32, #tpu.memory_space<hbm>>
    %dma_start3A_127 = tpu.memref_squeeze %dma_start3A_126 : memref<1x128xi32, #tpu.memory_space<hbm>> -> memref<128xi32, #tpu.memory_space<hbm>>
    tpu.enqueue_dma source(%dma_start3A_127 : memref<128xi32, #tpu.memory_space<hbm>>) target(%dma_start3A_124 : memref<128xi32, #tpu.memory_space<vmem>>) target_semaphore(%arg17 : memref<!tpu.dma_semaphore, #tpu.memory_space<semaphore_mem>>)
    %broadcast_in_dim3A = arith.constant 0.000000e+00 : f32
    %broadcast_in_dim3A_128 = vector.broadcast %broadcast_in_dim3A : f32 to vector<16xf32>
    %swap3A = arith.constant 0 : i32
    %swap3A_129 = arith.index_cast %swap3A : i32 to index
    %swap3A_130 = arith.constant 0 : index
    %swap3A_131 = tpu.vector_load %arg10[%swap3A_129, %swap3A_130] {strides = array<i32>} : memref<16x128xf32, #tpu.memory_space<vmem>>, vector<1x16xf32>,
    %swap3A_132 = vector.shape_cast %swap3A_131 : vector<1x16xf32> to vector<16xf32>
    %swap3A_133 = vector.shape_cast %broadcast_in_dim3A_128 : vector<16xf32> to vector<1x16xf32>
    tpu.vector_store %arg10[%swap3A_129, %swap3A_130], %swap3A_133 {strides = array<i32>} : memref<16x128xf32, #tpu.memory_space<vmem>>, vector<1x16xf32>,
    %swap3A_134 = arith.constant 0 : i32
    %swap3A_135 = arith.index_cast %swap3A_134 : i32 to index
    %swap3A_136 = arith.constant 16 : index
    %swap3A_137 = tpu.vector_load %arg10[%swap3A_135, %swap3A_136] {strides = array<i32>} : memref<16x128xf32, #tpu.memory_space<vmem>>, vector<1x16xf32>,
    %swap3A_138 = vector.shape_cast %swap3A_137 : vector<1x16xf32> to vector<16xf32>
    %swap3A_139 = vector.shape_cast %broadcast_in_dim3A_128 : vector<16xf32> to vector<1x16xf32>
    tpu.vector_store %arg10[%swap3A_135, %swap3A_136], %swap3A_139 {strides = array<i32>} : memref<16x128xf32, #tpu.memory_space<vmem>>, vector<1x16xf32>,
    %swap3A_140 = arith.constant 0 : i32
    %swap3A_141 = arith.index_cast %swap3A_140 : i32 to index
    %swap3A_142 = arith.constant 32 : index
    %swap3A_143 = tpu.vector_load %arg10[%swap3A_141, %swap3A_142] {strides = array<i32>} : memref<16x128xf32, #tpu.memory_space<vmem>>, vector<1x16xf32>,
    %swap3A_144 = vector.shape_cast %swap3A_143 : vector<1x16xf32> to vector<16xf32>
    %swap3A_145 = vector.shape_cast %broadcast_in_dim3A_128 : vector<16xf32> to vector<1x16xf32>
    tpu.vector_store %arg10[%swap3A_141, %swap3A_142], %swap3A_145 {strides = array<i32>} : memref<16x128xf32, #tpu.memory_space<vmem>>, vector<1x16xf32>,
    %swap3A_146 = arith.constant 0 : i32
    %swap3A_147 = arith.index_cast %swap3A_146 : i32 to index
    %swap3A_148 = arith.constant 48 : index
    %swap3A_149 = tpu.vector_load %arg10[%swap3A_147, %swap3A_148] {strides = array<i32>} : memref<16x128xf32, #tpu.memory_space<vmem>>, vector<1x16xf32>,
    %swap3A_150 = vector.shape_cast %swap3A_149 : vector<1x16xf32> to vector<16xf32>
    %swap3A_151 = vector.shape_cast %broadcast_in_dim3A_128 : vector<16xf32> to vector<1x16xf32>
    tpu.vector_store %arg10[%swap3A_147, %swap3A_148], %swap3A_151 {strides = array<i32>} : memref<16x128xf32, #tpu.memory_space<vmem>>, vector<1x16xf32>,
    %swap3A_152 = arith.constant 0 : i32
    %swap3A_153 = arith.index_cast %swap3A_152 : i32 to index
    %swap3A_154 = arith.constant 64 : index
    %swap3A_155 = tpu.vector_load %arg10[%swap3A_153, %swap3A_154] {strides = array<i32>} : memref<16x128xf32, #tpu.memory_space<vmem>>, vector<1x16xf32>,
    %swap3A_156 = vector.shape_cast %swap3A_155 : vector<1x16xf32> to vector<16xf32>
    %swap3A_157 = vector.shape_cast %broadcast_in_dim3A_128 : vector<16xf32> to vector<1x16xf32>
    tpu.vector_store %arg10[%swap3A_153, %swap3A_154], %swap3A_157 {strides = array<i32>} : memref<16x128xf32, #tpu.memory_space<vmem>>, vector<1x16xf32>,
    %swap3A_158 = arith.constant 0 : i32
    %swap3A_159 = arith.index_cast %swap3A_158 : i32 to index
    %swap3A_160 = arith.constant 80 : index
    %swap3A_161 = tpu.vector_load %arg10[%swap3A_159, %swap3A_160] {strides = array<i32>} : memref<16x128xf32, #tpu.memory_space<vmem>>, vector<1x16xf32>,
    %swap3A_162 = vector.shape_cast %swap3A_161 : vector<1x16xf32> to vector<16xf32>
    %swap3A_163 = vector.shape_cast %broadcast_in_dim3A_128 : vector<16xf32> to vector<1x16xf32>
    tpu.vector_store %arg10[%swap3A_159, %swap3A_160], %swap3A_163 {strides = array<i32>} : memref<16x128xf32, #tpu.memory_space<vmem>>, vector<1x16xf32>,
    %swap3A_164 = arith.constant 0 : i32
    %swap3A_165 = arith.index_cast %swap3A_164 : i32 to index
    %swap3A_166 = arith.constant 96 : index
    %swap3A_167 = tpu.vector_load %arg10[%swap3A_165, %swap3A_166] {strides = array<i32>} : memref<16x128xf32, #tpu.memory_space<vmem>>, vector<1x16xf32>,
    %swap3A_168 = vector.shape_cast %swap3A_167 : vector<1x16xf32> to vector<16xf32>
    %swap3A_169 = vector.shape_cast %broadcast_in_dim3A_128 : vector<16xf32> to vector<1x16xf32>
    tpu.vector_store %arg10[%swap3A_165, %swap3A_166], %swap3A_169 {strides = array<i32>} : memref<16x128xf32, #tpu.memory_space<vmem>>, vector<1x16xf32>,
    %swap3A_170 = arith.constant 0 : i32
    %swap3A_171 = arith.index_cast %swap3A_170 : i32 to index
    %swap3A_172 = arith.constant 112 : index
    %swap3A_173 = tpu.vector_load %arg10[%swap3A_171, %swap3A_172] {strides = array<i32>} : memref<16x128xf32, #tpu.memory_space<vmem>>, vector<1x16xf32>,
    %swap3A_174 = vector.shape_cast %swap3A_173 : vector<1x16xf32> to vector<16xf32>
    %swap3A_175 = vector.shape_cast %broadcast_in_dim3A_128 : vector<16xf32> to vector<1x16xf32>
    tpu.vector_store %arg10[%swap3A_171, %swap3A_172], %swap3A_175 {strides = array<i32>} : memref<16x128xf32, #tpu.memory_space<vmem>>, vector<1x16xf32>,
    %swap3A_176 = arith.constant 1 : i32
    %swap3A_177 = arith.index_cast %swap3A_176 : i32 to index
    %swap3A_178 = arith.constant 0 : index
    %swap3A_179 = tpu.vector_load %arg10[%swap3A_177, %swap3A_178] {strides = array<i32>} : memref<16x128xf32, #tpu.memory_space<vmem>>, vector<1x16xf32>,
    %swap3A_180 = vector.shape_cast %swap3A_179 : vector<1x16xf32> to vector<16xf32>
    %swap3A_181 = vector.shape_cast %broadcast_in_dim3A_128 : vector<16xf32> to vector<1x16xf32>
    tpu.vector_store %arg10[%swap3A_177, %swap3A_178], %swap3A_181 {strides = array<i32>} : memref<16x128xf32, #tpu.memory_space<vmem>>, vector<1x16xf32>,
    %swap3A_182 = arith.constant 1 : i32
    %swap3A_183 = arith.index_cast %swap3A_182 : i32 to index
    %swap3A_184 = arith.constant 16 : index
    %swap3A_185 = tpu.vector_load %arg10[%swap3A_183, %swap3A_184] {strides = array<i32>} : memref<16x128xf32, #tpu.memory_space<vmem>>, vector<1x16xf32>,
    %swap3A_186 = vector.shape_cast %swap3A_185 : vector<1x16xf32> to vector<16xf32>
    %swap3A_187 = vector.shape_cast %broadcast_in_dim3A_128 : vector<16xf32> to vector<1x16xf32>
    tpu.vector_store %arg10[%swap3A_183, %swap3A_184], %swap3A_187 {strides = array<i32>} : memref<16x128xf32, #tpu.memory_space<vmem>>, vector<1x16xf32>,
    %swap3A_188 = arith.constant 1 : i32
    %swap3A_189 = arith.index_cast %swap3A_188 : i32 to index
    %swap3A_190 = arith.constant 32 : index
    %swap3A_191 = tpu.vector_load %arg10[%swap3A_189, %swap3A_190] {strides = array<i32>} : memref<16x128xf32, #tpu.memory_space<vmem>>, vector<1x16xf32>,
    %swap3A_192 = vector.shape_cast %swap3A_191 : vector<1x16xf32> to vector<16xf32>
    %swap3A_193 = vector.shape_cast %broadcast_in_dim3A_128 : vector<16xf32> to vector<1x16xf32>
    tpu.vector_store %arg10[%swap3A_189, %swap3A_190], %swap3A_193 {strides = array<i32>} : memref<16x128xf32, #tpu.memory_space<vmem>>, vector<1x16xf32>,
    %swap3A_194 = arith.constant 1 : i32
    %swap3A_195 = arith.index_cast %swap3A_194 : i32 to index
    %swap3A_196 = arith.constant 48 : index
    %swap3A_197 = tpu.vector_load %arg10[%swap3A_195, %swap3A_196] {strides = array<i32>} : memref<16x128xf32, #tpu.memory_space<vmem>>, vector<1x16xf32>,
    %swap3A_198 = vector.shape_cast %swap3A_197 : vector<1x16xf32> to vector<16xf32>
    %swap3A_199 = vector.shape_cast %broadcast_in_dim3A_128 : vector<16xf32> to vector<1x16xf32>
    tpu.vector_store %arg10[%swap3A_195, %swap3A_196], %swap3A_199 {strides = array<i32>} : memref<16x128xf32, #tpu.memory_space<vmem>>, vector<1x16xf32>,
    %swap3A_200 = arith.constant 1 : i32
    %swap3A_201 = arith.index_cast %swap3A_200 : i32 to index
    %swap3A_202 = arith.constant 64 : index
    %swap3A_203 = tpu.vector_load %arg10[%swap3A_201, %swap3A_202] {strides = array<i32>} : memref<16x128xf32, #tpu.memory_space<vmem>>, vector<1x16xf32>,
    %swap3A_204 = vector.shape_cast %swap3A_203 : vector<1x16xf32> to vector<16xf32>
    %swap3A_205 = vector.shape_cast %broadcast_in_dim3A_128 : vector<16xf32> to vector<1x16xf32>
    tpu.vector_store %arg10[%swap3A_201, %swap3A_202], %swap3A_205 {strides = array<i32>} : memref<16x128xf32, #tpu.memory_space<vmem>>, vector<1x16xf32>,
    %swap3A_206 = arith.constant 1 : i32
    %swap3A_207 = arith.index_cast %swap3A_206 : i32 to index
    %swap3A_208 = arith.constant 80 : index
    %swap3A_209 = tpu.vector_load %arg10[%swap3A_207, %swap3A_208] {strides = array<i32>} : memref<16x128xf32, #tpu.memory_space<vmem>>, vector<1x16xf32>,
    %swap3A_210 = vector.shape_cast %swap3A_209 : vector<1x16xf32> to vector<16xf32>
    %swap3A_211 = vector.shape_cast %broadcast_in_dim3A_128 : vector<16xf32> to vector<1x16xf32>
    tpu.vector_store %arg10[%swap3A_207, %swap3A_208], %swap3A_211 {strides = array<i32>} : memref<16x128xf32, #tpu.memory_space<vmem>>, vector<1x16xf32>,
    %swap3A_212 = arith.constant 1 : i32
    %swap3A_213 = arith.index_cast %swap3A_212 : i32 to index
    %swap3A_214 = arith.constant 96 : index
    %swap3A_215 = tpu.vector_load %arg10[%swap3A_213, %swap3A_214] {strides = array<i32>} : memref<16x128xf32, #tpu.memory_space<vmem>>, vector<1x16xf32>,
    %swap3A_216 = vector.shape_cast %swap3A_215 : vector<1x16xf32> to vector<16xf32>
    %swap3A_217 = vector.shape_cast %broadcast_in_dim3A_128 : vector<16xf32> to vector<1x16xf32>
    tpu.vector_store %arg10[%swap3A_213, %swap3A_214], %swap3A_217 {strides = array<i32>} : memref<16x128xf32, #tpu.memory_space<vmem>>, vector<1x16xf32>,
    %swap3A_218 = arith.constant 1 : i32
    %swap3A_219 = arith.index_cast %swap3A_218 : i32 to index
    %swap3A_220 = arith.constant 112 : index
    %swap3A_221 = tpu.vector_load %arg10[%swap3A_219, %swap3A_220] {strides = array<i32>} : memref<16x128xf32, #tpu.memory_space<vmem>>, vector<1x16xf32>,
    %swap3A_222 = vector.shape_cast %swap3A_221 : vector<1x16xf32> to vector<16xf32>
    %swap3A_223 = vector.shape_cast %broadcast_in_dim3A_128 : vector<16xf32> to vector<1x16xf32>
    tpu.vector_store %arg10[%swap3A_219, %swap3A_220], %swap3A_223 {strides = array<i32>} : memref<16x128xf32, #tpu.memory_space<vmem>>, vector<1x16xf32>,
    %swap3A_224 = arith.constant 2 : i32
    %swap3A_225 = arith.index_cast %swap3A_224 : i32 to index
    %swap3A_226 = arith.constant 0 : index
    %swap3A_227 = tpu.vector_load %arg10[%swap3A_225, %swap3A_226] {strides = array<i32>} : memref<16x128xf32, #tpu.memory_space<vmem>>, vector<1x16xf32>,
    %swap3A_228 = vector.shape_cast %swap3A_227 : vector<1x16xf32> to vector<16xf32>
    %swap3A_229 = vector.shape_cast %broadcast_in_dim3A_128 : vector<16xf32> to vector<1x16xf32>
    tpu.vector_store %arg10[%swap3A_225, %swap3A_226], %swap3A_229 {strides = array<i32>} : memref<16x128xf32, #tpu.memory_space<vmem>>, vector<1x16xf32>,
    %swap3A_230 = arith.constant 2 : i32
    %swap3A_231 = arith.index_cast %swap3A_230 : i32 to index
    %swap3A_232 = arith.constant 16 : index
    %swap3A_233 = tpu.vector_load %arg10[%swap3A_231, %swap3A_232] {strides = array<i32>} : memref<16x128xf32, #tpu.memory_space<vmem>>, vector<1x16xf32>,
    %swap3A_234 = vector.shape_cast %swap3A_233 : vector<1x16xf32> to vector<16xf32>
    %swap3A_235 = vector.shape_cast %broadcast_in_dim3A_128 : vector<16xf32> to vector<1x16xf32>
    tpu.vector_store %arg10[%swap3A_231, %swap3A_232], %swap3A_235 {strides = array<i32>} : memref<16x128xf32, #tpu.memory_space<vmem>>, vector<1x16xf32>,
    %swap3A_236 = arith.constant 2 : i32
    %swap3A_237 = arith.index_cast %swap3A_236 : i32 to index
    %swap3A_238 = arith.constant 32 : index
    %swap3A_239 = tpu.vector_load %arg10[%swap3A_237, %swap3A_238] {strides = array<i32>} : memref<16x128xf32, #tpu.memory_space<vmem>>, vector<1x16xf32>,
    %swap3A_240 = vector.shape_cast %swap3A_239 : vector<1x16xf32> to vector<16xf32>
    %swap3A_241 = vector.shape_cast %broadcast_in_dim3A_128 : vector<16xf32> to vector<1x16xf32>
    tpu.vector_store %arg10[%swap3A_237, %swap3A_238], %swap3A_241 {strides = array<i32>} : memref<16x128xf32, #tpu.memory_space<vmem>>, vector<1x16xf32>,
    %swap3A_242 = arith.constant 2 : i32
    %swap3A_243 = arith.index_cast %swap3A_242 : i32 to index
    %swap3A_244 = arith.constant 48 : index
    %swap3A_245 = tpu.vector_load %arg10[%swap3A_243, %swap3A_244] {strides = array<i32>} : memref<16x128xf32, #tpu.memory_space<vmem>>, vector<1x16xf32>,
    %swap3A_246 = vector.shape_cast %swap3A_245 : vector<1x16xf32> to vector<16xf32>
    %swap3A_247 = vector.shape_cast %broadcast_in_dim3A_128 : vector<16xf32> to vector<1x16xf32>
    tpu.vector_store %arg10[%swap3A_243, %swap3A_244], %swap3A_247 {strides = array<i32>} : memref<16x128xf32, #tpu.memory_space<vmem>>, vector<1x16xf32>,
    %swap3A_248 = arith.constant 2 : i32
    %swap3A_249 = arith.index_cast %swap3A_248 : i32 to index
    %swap3A_250 = arith.constant 64 : index
    %swap3A_251 = tpu.vector_load %arg10[%swap3A_249, %swap3A_250] {strides = array<i32>} : memref<16x128xf32, #tpu.memory_space<vmem>>, vector<1x16xf32>,
    %swap3A_252 = vector.shape_cast %swap3A_251 : vector<1x16xf32> to vector<16xf32>
    %swap3A_253 = vector.shape_cast %broadcast_in_dim3A_128 : vector<16xf32> to vector<1x16xf32>
    tpu.vector_store %arg10[%swap3A_249, %swap3A_250], %swap3A_253 {strides = array<i32>} : memref<16x128xf32, #tpu.memory_space<vmem>>, vector<1x16xf32>,
    %swap3A_254 = arith.constant 2 : i32
    %swap3A_255 = arith.index_cast %swap3A_254 : i32 to index
    %swap3A_256 = arith.constant 80 : index
    %swap3A_257 = tpu.vector_load %arg10[%swap3A_255, %swap3A_256] {strides = array<i32>} : memref<16x128xf32, #tpu.memory_space<vmem>>, vector<1x16xf32>,
    %swap3A_258 = vector.shape_cast %swap3A_257 : vector<1x16xf32> to vector<16xf32>
    %swap3A_259 = vector.shape_cast %broadcast_in_dim3A_128 : vector<16xf32> to vector<1x16xf32>
    tpu.vector_store %arg10[%swap3A_255, %swap3A_256], %swap3A_259 {strides = array<i32>} : memref<16x128xf32, #tpu.memory_space<vmem>>, vector<1x16xf32>,
    %swap3A_260 = arith.constant 2 : i32
    %swap3A_261 = arith.index_cast %swap3A_260 : i32 to index
    %swap3A_262 = arith.constant 96 : index
    %swap3A_263 = tpu.vector_load %arg10[%swap3A_261, %swap3A_262] {strides = array<i32>} : memref<16x128xf32, #tpu.memory_space<vmem>>, vector<1x16xf32>,
    %swap3A_264 = vector.shape_cast %swap3A_263 : vector<1x16xf32> to vector<16xf32>
    %swap3A_265 = vector.shape_cast %broadcast_in_dim3A_128 : vector<16xf32> to vector<1x16xf32>
    tpu.vector_store %arg10[%swap3A_261, %swap3A_262], %swap3A_265 {strides = array<i32>} : memref<16x128xf32, #tpu.memory_space<vmem>>, vector<1x16xf32>,
    %swap3A_266 = arith.constant 2 : i32
    %swap3A_267 = arith.index_cast %swap3A_266 : i32 to index
    %swap3A_268 = arith.constant 112 : index
    %swap3A_269 = tpu.vector_load %arg10[%swap3A_267, %swap3A_268] {strides = array<i32>} : memref<16x128xf32, #tpu.memory_space<vmem>>, vector<1x16xf32>,
    %swap3A_270 = vector.shape_cast %swap3A_269 : vector<1x16xf32> to vector<16xf32>
    %swap3A_271 = vector.shape_cast %broadcast_in_dim3A_128 : vector<16xf32> to vector<1x16xf32>
    tpu.vector_store %arg10[%swap3A_267, %swap3A_268], %swap3A_271 {strides = array<i32>} : memref<16x128xf32, #tpu.memory_space<vmem>>, vector<1x16xf32>,
    %swap3A_272 = arith.constant 3 : i32
    %swap3A_273 = arith.index_cast %swap3A_272 : i32 to index
    %swap3A_274 = arith.constant 0 : index
    %swap3A_275 = tpu.vector_load %arg10[%swap3A_273, %swap3A_274] {strides = array<i32>} : memref<16x128xf32, #tpu.memory_space<vmem>>, vector<1x16xf32>,
    %swap3A_276 = vector.shape_cast %swap3A_275 : vector<1x16xf32> to vector<16xf32>
    %swap3A_277 = vector.shape_cast %broadcast_in_dim3A_128 : vector<16xf32> to vector<1x16xf32>
    tpu.vector_store %arg10[%swap3A_273, %swap3A_274], %swap3A_277 {strides = array<i32>} : memref<16x128xf32, #tpu.memory_space<vmem>>, vector<1x16xf32>,
    %swap3A_278 = arith.constant 3 : i32
    %swap3A_279 = arith.index_cast %swap3A_278 : i32 to index
    %swap3A_280 = arith.constant 16 : index
    %swap3A_281 = tpu.vector_load %arg10[%swap3A_279, %swap3A_280] {strides = array<i32>} : memref<16x128xf32, #tpu.memory_space<vmem>>, vector<1x16xf32>,
    %swap3A_282 = vector.shape_cast %swap3A_281 : vector<1x16xf32> to vector<16xf32>
    %swap3A_283 = vector.shape_cast %broadcast_in_dim3A_128 : vector<16xf32> to vector<1x16xf32>
    tpu.vector_store %arg10[%swap3A_279, %swap3A_280], %swap3A_283 {strides = array<i32>} : memref<16x128xf32, #tpu.memory_space<vmem>>, vector<1x16xf32>,
    %swap3A_284 = arith.constant 3 : i32
    %swap3A_285 = arith.index_cast %swap3A_284 : i32 to index
    %swap3A_286 = arith.constant 32 : index
    %swap3A_287 = tpu.vector_load %arg10[%swap3A_285, %swap3A_286] {strides = array<i32>} : memref<16x128xf32, #tpu.memory_space<vmem>>, vector<1x16xf32>,
    %swap3A_288 = vector.shape_cast %swap3A_287 : vector<1x16xf32> to vector<16xf32>
    %swap3A_289 = vector.shape_cast %broadcast_in_dim3A_128 : vector<16xf32> to vector<1x16xf32>
    tpu.vector_store %arg10[%swap3A_285, %swap3A_286], %swap3A_289 {strides = array<i32>} : memref<16x128xf32, #tpu.memory_space<vmem>>, vector<1x16xf32>,
    %swap3A_290 = arith.constant 3 : i32
    %swap3A_291 = arith.index_cast %swap3A_290 : i32 to index
    %swap3A_292 = arith.constant 48 : index
    %swap3A_293 = tpu.vector_load %arg10[%swap3A_291, %swap3A_292] {strides = array<i32>} : memref<16x128xf32, #tpu.memory_space<vmem>>, vector<1x16xf32>,
    %swap3A_294 = vector.shape_cast %swap3A_293 : vector<1x16xf32> to vector<16xf32>
    %swap3A_295 = vector.shape_cast %broadcast_in_dim3A_128 : vector<16xf32> to vector<1x16xf32>
    tpu.vector_store %arg10[%swap3A_291, %swap3A_292], %swap3A_295 {strides = array<i32>} : memref<16x128xf32, #tpu.memory_space<vmem>>, vector<1x16xf32>,
    %swap3A_296 = arith.constant 3 : i32
    %swap3A_297 = arith.index_cast %swap3A_296 : i32 to index
    %swap3A_298 = arith.constant 64 : index
    %swap3A_299 = tpu.vector_load %arg10[%swap3A_297, %swap3A_298] {strides = array<i32>} : memref<16x128xf32, #tpu.memory_space<vmem>>, vector<1x16xf32>,
    %swap3A_300 = vector.shape_cast %swap3A_299 : vector<1x16xf32> to vector<16xf32>
    %swap3A_301 = vector.shape_cast %broadcast_in_dim3A_128 : vector<16xf32> to vector<1x16xf32>
    tpu.vector_store %arg10[%swap3A_297, %swap3A_298], %swap3A_301 {strides = array<i32>} : memref<16x128xf32, #tpu.memory_space<vmem>>, vector<1x16xf32>,
    %swap3A_302 = arith.constant 3 : i32
    %swap3A_303 = arith.index_cast %swap3A_302 : i32 to index
    %swap3A_304 = arith.constant 80 : index
    %swap3A_305 = tpu.vector_load %arg10[%swap3A_303, %swap3A_304] {strides = array<i32>} : memref<16x128xf32, #tpu.memory_space<vmem>>, vector<1x16xf32>,
    %swap3A_306 = vector.shape_cast %swap3A_305 : vector<1x16xf32> to vector<16xf32>
    %swap3A_307 = vector.shape_cast %broadcast_in_dim3A_128 : vector<16xf32> to vector<1x16xf32>
    tpu.vector_store %arg10[%swap3A_303, %swap3A_304], %swap3A_307 {strides = array<i32>} : memref<16x128xf32, #tpu.memory_space<vmem>>, vector<1x16xf32>,
    %swap3A_308 = arith.constant 3 : i32
    %swap3A_309 = arith.index_cast %swap3A_308 : i32 to index
    %swap3A_310 = arith.constant 96 : index
    %swap3A_311 = tpu.vector_load %arg10[%swap3A_309, %swap3A_310] {strides = array<i32>} : memref<16x128xf32, #tpu.memory_space<vmem>>, vector<1x16xf32>,
    %swap3A_312 = vector.shape_cast %swap3A_311 : vector<1x16xf32> to vector<16xf32>
    %swap3A_313 = vector.shape_cast %broadcast_in_dim3A_128 : vector<16xf32> to vector<1x16xf32>
    tpu.vector_store %arg10[%swap3A_309, %swap3A_310], %swap3A_313 {strides = array<i32>} : memref<16x128xf32, #tpu.memory_space<vmem>>, vector<1x16xf32>,
    %swap3A_314 = arith.constant 3 : i32
    %swap3A_315 = arith.index_cast %swap3A_314 : i32 to index
    %swap3A_316 = arith.constant 112 : index
    %swap3A_317 = tpu.vector_load %arg10[%swap3A_315, %swap3A_316] {strides = array<i32>} : memref<16x128xf32, #tpu.memory_space<vmem>>, vector<1x16xf32>,
    %swap3A_318 = vector.shape_cast %swap3A_317 : vector<1x16xf32> to vector<16xf32>
    %swap3A_319 = vector.shape_cast %broadcast_in_dim3A_128 : vector<16xf32> to vector<1x16xf32>
    tpu.vector_store %arg10[%swap3A_315, %swap3A_316], %swap3A_319 {strides = array<i32>} : memref<16x128xf32, #tpu.memory_space<vmem>>, vector<1x16xf32>,
    %swap3A_320 = arith.constant 4 : i32
    %swap3A_321 = arith.index_cast %swap3A_320 : i32 to index
    %swap3A_322 = arith.constant 0 : index
    %swap3A_323 = tpu.vector_load %arg10[%swap3A_321, %swap3A_322] {strides = array<i32>} : memref<16x128xf32, #tpu.memory_space<vmem>>, vector<1x16xf32>,
    %swap3A_324 = vector.shape_cast %swap3A_323 : vector<1x16xf32> to vector<16xf32>
    %swap3A_325 = vector.shape_cast %broadcast_in_dim3A_128 : vector<16xf32> to vector<1x16xf32>
    tpu.vector_store %arg10[%swap3A_321, %swap3A_322], %swap3A_325 {strides = array<i32>} : memref<16x128xf32, #tpu.memory_space<vmem>>, vector<1x16xf32>,
    %swap3A_326 = arith.constant 4 : i32
    %swap3A_327 = arith.index_cast %swap3A_326 : i32 to index
    %swap3A_328 = arith.constant 16 : index
    %swap3A_329 = tpu.vector_load %arg10[%swap3A_327, %swap3A_328] {strides = array<i32>} : memref<16x128xf32, #tpu.memory_space<vmem>>, vector<1x16xf32>,
    %swap3A_330 = vector.shape_cast %swap3A_329 : vector<1x16xf32> to vector<16xf32>
    %swap3A_331 = vector.shape_cast %broadcast_in_dim3A_128 : vector<16xf32> to vector<1x16xf32>
    tpu.vector_store %arg10[%swap3A_327, %swap3A_328], %swap3A_331 {strides = array<i32>} : memref<16x128xf32, #tpu.memory_space<vmem>>, vector<1x16xf32>,
    %swap3A_332 = arith.constant 4 : i32
    %swap3A_333 = arith.index_cast %swap3A_332 : i32 to index
    %swap3A_334 = arith.constant 32 : index
    %swap3A_335 = tpu.vector_load %arg10[%swap3A_333, %swap3A_334] {strides = array<i32>} : memref<16x128xf32, #tpu.memory_space<vmem>>, vector<1x16xf32>,
    %swap3A_336 = vector.shape_cast %swap3A_335 : vector<1x16xf32> to vector<16xf32>
    %swap3A_337 = vector.shape_cast %broadcast_in_dim3A_128 : vector<16xf32> to vector<1x16xf32>
    tpu.vector_store %arg10[%swap3A_333, %swap3A_334], %swap3A_337 {strides = array<i32>} : memref<16x128xf32, #tpu.memory_space<vmem>>, vector<1x16xf32>,
    %swap3A_338 = arith.constant 4 : i32
    %swap3A_339 = arith.index_cast %swap3A_338 : i32 to index
    %swap3A_340 = arith.constant 48 : index
    %swap3A_341 = tpu.vector_load %arg10[%swap3A_339, %swap3A_340] {strides = array<i32>} : memref<16x128xf32, #tpu.memory_space<vmem>>, vector<1x16xf32>,
    %swap3A_342 = vector.shape_cast %swap3A_341 : vector<1x16xf32> to vector<16xf32>
    %swap3A_343 = vector.shape_cast %broadcast_in_dim3A_128 : vector<16xf32> to vector<1x16xf32>
    tpu.vector_store %arg10[%swap3A_339, %swap3A_340], %swap3A_343 {strides = array<i32>} : memref<16x128xf32, #tpu.memory_space<vmem>>, vector<1x16xf32>,
    %swap3A_344 = arith.constant 4 : i32
    %swap3A_345 = arith.index_cast %swap3A_344 : i32 to index
    %swap3A_346 = arith.constant 64 : index
    %swap3A_347 = tpu.vector_load %arg10[%swap3A_345, %swap3A_346] {strides = array<i32>} : memref<16x128xf32, #tpu.memory_space<vmem>>, vector<1x16xf32>,
    %swap3A_348 = vector.shape_cast %swap3A_347 : vector<1x16xf32> to vector<16xf32>
    %swap3A_349 = vector.shape_cast %broadcast_in_dim3A_128 : vector<16xf32> to vector<1x16xf32>
    tpu.vector_store %arg10[%swap3A_345, %swap3A_346], %swap3A_349 {strides = array<i32>} : memref<16x128xf32, #tpu.memory_space<vmem>>, vector<1x16xf32>,
    %swap3A_350 = arith.constant 4 : i32
    %swap3A_351 = arith.index_cast %swap3A_350 : i32 to index
    %swap3A_352 = arith.constant 80 : index
    %swap3A_353 = tpu.vector_load %arg10[%swap3A_351, %swap3A_352] {strides = array<i32>} : memref<16x128xf32, #tpu.memory_space<vmem>>, vector<1x16xf32>,
    %swap3A_354 = vector.shape_cast %swap3A_353 : vector<1x16xf32> to vector<16xf32>
    %swap3A_355 = vector.shape_cast %broadcast_in_dim3A_128 : vector<16xf32> to vector<1x16xf32>
    tpu.vector_store %arg10[%swap3A_351, %swap3A_352], %swap3A_355 {strides = array<i32>} : memref<16x128xf32, #tpu.memory_space<vmem>>, vector<1x16xf32>,
    %swap3A_356 = arith.constant 4 : i32
    %swap3A_357 = arith.index_cast %swap3A_356 : i32 to index
    %swap3A_358 = arith.constant 96 : index
    %swap3A_359 = tpu.vector_load %arg10[%swap3A_357, %swap3A_358] {strides = array<i32>} : memref<16x128xf32, #tpu.memory_space<vmem>>, vector<1x16xf32>,
    %swap3A_360 = vector.shape_cast %swap3A_359 : vector<1x16xf32> to vector<16xf32>
    %swap3A_361 = vector.shape_cast %broadcast_in_dim3A_128 : vector<16xf32> to vector<1x16xf32>
    tpu.vector_store %arg10[%swap3A_357, %swap3A_358], %swap3A_361 {strides = array<i32>} : memref<16x128xf32, #tpu.memory_space<vmem>>, vector<1x16xf32>,
    %swap3A_362 = arith.constant 4 : i32
    %swap3A_363 = arith.index_cast %swap3A_362 : i32 to index
    %swap3A_364 = arith.constant 112 : index
    %swap3A_365 = tpu.vector_load %arg10[%swap3A_363, %swap3A_364] {strides = array<i32>} : memref<16x128xf32, #tpu.memory_space<vmem>>, vector<1x16xf32>,
    %swap3A_366 = vector.shape_cast %swap3A_365 : vector<1x16xf32> to vector<16xf32>
    %swap3A_367 = vector.shape_cast %broadcast_in_dim3A_128 : vector<16xf32> to vector<1x16xf32>
    tpu.vector_store %arg10[%swap3A_363, %swap3A_364], %swap3A_367 {strides = array<i32>} : memref<16x128xf32, #tpu.memory_space<vmem>>, vector<1x16xf32>,
    %swap3A_368 = arith.constant 5 : i32
    %swap3A_369 = arith.index_cast %swap3A_368 : i32 to index
    %swap3A_370 = arith.constant 0 : index
    %swap3A_371 = tpu.vector_load %arg10[%swap3A_369, %swap3A_370] {strides = array<i32>} : memref<16x128xf32, #tpu.memory_space<vmem>>, vector<1x16xf32>,
    %swap3A_372 = vector.shape_cast %swap3A_371 : vector<1x16xf32> to vector<16xf32>
    %swap3A_373 = vector.shape_cast %broadcast_in_dim3A_128 : vector<16xf32> to vector<1x16xf32>
    tpu.vector_store %arg10[%swap3A_369, %swap3A_370], %swap3A_373 {strides = array<i32>} : memref<16x128xf32, #tpu.memory_space<vmem>>, vector<1x16xf32>,
    %swap3A_374 = arith.constant 5 : i32
    %swap3A_375 = arith.index_cast %swap3A_374 : i32 to index
    %swap3A_376 = arith.constant 16 : index
    %swap3A_377 = tpu.vector_load %arg10[%swap3A_375, %swap3A_376] {strides = array<i32>} : memref<16x128xf32, #tpu.memory_space<vmem>>, vector<1x16xf32>,
    %swap3A_378 = vector.shape_cast %swap3A_377 : vector<1x16xf32> to vector<16xf32>
    %swap3A_379 = vector.shape_cast %broadcast_in_dim3A_128 : vector<16xf32> to vector<1x16xf32>
    tpu.vector_store %arg10[%swap3A_375, %swap3A_376], %swap3A_379 {strides = array<i32>} : memref<16x128xf32, #tpu.memory_space<vmem>>, vector<1x16xf32>,
    %swap3A_380 = arith.constant 5 : i32
    %swap3A_381 = arith.index_cast %swap3A_380 : i32 to index
    %swap3A_382 = arith.constant 32 : index
    %swap3A_383 = tpu.vector_load %arg10[%swap3A_381, %swap3A_382] {strides = array<i32>} : memref<16x128xf32, #tpu.memory_space<vmem>>, vector<1x16xf32>,
    %swap3A_384 = vector.shape_cast %swap3A_383 : vector<1x16xf32> to vector<16xf32>
    %swap3A_385 = vector.shape_cast %broadcast_in_dim3A_128 : vector<16xf32> to vector<1x16xf32>
    tpu.vector_store %arg10[%swap3A_381, %swap3A_382], %swap3A_385 {strides = array<i32>} : memref<16x128xf32, #tpu.memory_space<vmem>>, vector<1x16xf32>,
    %swap3A_386 = arith.constant 5 : i32
    %swap3A_387 = arith.index_cast %swap3A_386 : i32 to index
    %swap3A_388 = arith.constant 48 : index
    %swap3A_389 = tpu.vector_load %arg10[%swap3A_387, %swap3A_388] {strides = array<i32>} : memref<16x128xf32, #tpu.memory_space<vmem>>, vector<1x16xf32>,
    %swap3A_390 = vector.shape_cast %swap3A_389 : vector<1x16xf32> to vector<16xf32>
    %swap3A_391 = vector.shape_cast %broadcast_in_dim3A_128 : vector<16xf32> to vector<1x16xf32>
    tpu.vector_store %arg10[%swap3A_387, %swap3A_388], %swap3A_391 {strides = array<i32>} : memref<16x128xf32, #tpu.memory_space<vmem>>, vector<1x16xf32>,
    %swap3A_392 = arith.constant 5 : i32
    %swap3A_393 = arith.index_cast %swap3A_392 : i32 to index
    %swap3A_394 = arith.constant 64 : index
    %swap3A_395 = tpu.vector_load %arg10[%swap3A_393, %swap3A_394] {strides = array<i32>} : memref<16x128xf32, #tpu.memory_space<vmem>>, vector<1x16xf32>,
    %swap3A_396 = vector.shape_cast %swap3A_395 : vector<1x16xf32> to vector<16xf32>
    %swap3A_397 = vector.shape_cast %broadcast_in_dim3A_128 : vector<16xf32> to vector<1x16xf32>
    tpu.vector_store %arg10[%swap3A_393, %swap3A_394], %swap3A_397 {strides = array<i32>} : memref<16x128xf32, #tpu.memory_space<vmem>>, vector<1x16xf32>,
    %swap3A_398 = arith.constant 5 : i32
    %swap3A_399 = arith.index_cast %swap3A_398 : i32 to index
    %swap3A_400 = arith.constant 80 : index
    %swap3A_401 = tpu.vector_load %arg10[%swap3A_399, %swap3A_400] {strides = array<i32>} : memref<16x128xf32, #tpu.memory_space<vmem>>, vector<1x16xf32>,
    %swap3A_402 = vector.shape_cast %swap3A_401 : vector<1x16xf32> to vector<16xf32>
    %swap3A_403 = vector.shape_cast %broadcast_in_dim3A_128 : vector<16xf32> to vector<1x16xf32>
    tpu.vector_store %arg10[%swap3A_399, %swap3A_400], %swap3A_403 {strides = array<i32>} : memref<16x128xf32, #tpu.memory_space<vmem>>, vector<1x16xf32>,
    %swap3A_404 = arith.constant 5 : i32
    %swap3A_405 = arith.index_cast %swap3A_404 : i32 to index
    %swap3A_406 = arith.constant 96 : index
    %swap3A_407 = tpu.vector_load %arg10[%swap3A_405, %swap3A_406] {strides = array<i32>} : memref<16x128xf32, #tpu.memory_space<vmem>>, vector<1x16xf32>,
    %swap3A_408 = vector.shape_cast %swap3A_407 : vector<1x16xf32> to vector<16xf32>
    %swap3A_409 = vector.shape_cast %broadcast_in_dim3A_128 : vector<16xf32> to vector<1x16xf32>
    tpu.vector_store %arg10[%swap3A_405, %swap3A_406], %swap3A_409 {strides = array<i32>} : memref<16x128xf32, #tpu.memory_space<vmem>>, vector<1x16xf32>,
    %swap3A_410 = arith.constant 5 : i32
    %swap3A_411 = arith.index_cast %swap3A_410 : i32 to index
    %swap3A_412 = arith.constant 112 : index
    %swap3A_413 = tpu.vector_load %arg10[%swap3A_411, %swap3A_412] {strides = array<i32>} : memref<16x128xf32, #tpu.memory_space<vmem>>, vector<1x16xf32>,
    %swap3A_414 = vector.shape_cast %swap3A_413 : vector<1x16xf32> to vector<16xf32>
    %swap3A_415 = vector.shape_cast %broadcast_in_dim3A_128 : vector<16xf32> to vector<1x16xf32>
    tpu.vector_store %arg10[%swap3A_411, %swap3A_412], %swap3A_415 {strides = array<i32>} : memref<16x128xf32, #tpu.memory_space<vmem>>, vector<1x16xf32>,
    %swap3A_416 = arith.constant 6 : i32
    %swap3A_417 = arith.index_cast %swap3A_416 : i32 to index
    %swap3A_418 = arith.constant 0 : index
    %swap3A_419 = tpu.vector_load %arg10[%swap3A_417, %swap3A_418] {strides = array<i32>} : memref<16x128xf32, #tpu.memory_space<vmem>>, vector<1x16xf32>,
    %swap3A_420 = vector.shape_cast %swap3A_419 : vector<1x16xf32> to vector<16xf32>
    %swap3A_421 = vector.shape_cast %broadcast_in_dim3A_128 : vector<16xf32> to vector<1x16xf32>
    tpu.vector_store %arg10[%swap3A_417, %swap3A_418], %swap3A_421 {strides = array<i32>} : memref<16x128xf32, #tpu.memory_space<vmem>>, vector<1x16xf32>,
    %swap3A_422 = arith.constant 6 : i32
    %swap3A_423 = arith.index_cast %swap3A_422 : i32 to index
    %swap3A_424 = arith.constant 16 : index
    %swap3A_425 = tpu.vector_load %arg10[%swap3A_423, %swap3A_424] {strides = array<i32>} : memref<16x128xf32, #tpu.memory_space<vmem>>, vector<1x16xf32>,
    %swap3A_426 = vector.shape_cast %swap3A_425 : vector<1x16xf32> to vector<16xf32>
    %swap3A_427 = vector.shape_cast %broadcast_in_dim3A_128 : vector<16xf32> to vector<1x16xf32>
    tpu.vector_store %arg10[%swap3A_423, %swap3A_424], %swap3A_427 {strides = array<i32>} : memref<16x128xf32, #tpu.memory_space<vmem>>, vector<1x16xf32>,
    %swap3A_428 = arith.constant 6 : i32
    %swap3A_429 = arith.index_cast %swap3A_428 : i32 to index
    %swap3A_430 = arith.constant 32 : index
    %swap3A_431 = tpu.vector_load %arg10[%swap3A_429, %swap3A_430] {strides = array<i32>} : memref<16x128xf32, #tpu.memory_space<vmem>>, vector<1x16xf32>,
    %swap3A_432 = vector.shape_cast %swap3A_431 : vector<1x16xf32> to vector<16xf32>
    %swap3A_433 = vector.shape_cast %broadcast_in_dim3A_128 : vector<16xf32> to vector<1x16xf32>
    tpu.vector_store %arg10[%swap3A_429, %swap3A_430], %swap3A_433 {strides = array<i32>} : memref<16x128xf32, #tpu.memory_space<vmem>>, vector<1x16xf32>,
    %swap3A_434 = arith.constant 6 : i32
    %swap3A_435 = arith.index_cast %swap3A_434 : i32 to index
    %swap3A_436 = arith.constant 48 : index
    %swap3A_437 = tpu.vector_load %arg10[%swap3A_435, %swap3A_436] {strides = array<i32>} : memref<16x128xf32, #tpu.memory_space<vmem>>, vector<1x16xf32>,
    %swap3A_438 = vector.shape_cast %swap3A_437 : vector<1x16xf32> to vector<16xf32>
    %swap3A_439 = vector.shape_cast %broadcast_in_dim3A_128 : vector<16xf32> to vector<1x16xf32>
    tpu.vector_store %arg10[%swap3A_435, %swap3A_436], %swap3A_439 {strides = array<i32>} : memref<16x128xf32, #tpu.memory_space<vmem>>, vector<1x16xf32>,
    %swap3A_440 = arith.constant 6 : i32
    %swap3A_441 = arith.index_cast %swap3A_440 : i32 to index
    %swap3A_442 = arith.constant 64 : index
    %swap3A_443 = tpu.vector_load %arg10[%swap3A_441, %swap3A_442] {strides = array<i32>} : memref<16x128xf32, #tpu.memory_space<vmem>>, vector<1x16xf32>,
    %swap3A_444 = vector.shape_cast %swap3A_443 : vector<1x16xf32> to vector<16xf32>
    %swap3A_445 = vector.shape_cast %broadcast_in_dim3A_128 : vector<16xf32> to vector<1x16xf32>
    tpu.vector_store %arg10[%swap3A_441, %swap3A_442], %swap3A_445 {strides = array<i32>} : memref<16x128xf32, #tpu.memory_space<vmem>>, vector<1x16xf32>,
    %swap3A_446 = arith.constant 6 : i32
    %swap3A_447 = arith.index_cast %swap3A_446 : i32 to index
    %swap3A_448 = arith.constant 80 : index
    %swap3A_449 = tpu.vector_load %arg10[%swap3A_447, %swap3A_448] {strides = array<i32>} : memref<16x128xf32, #tpu.memory_space<vmem>>, vector<1x16xf32>,
    %swap3A_450 = vector.shape_cast %swap3A_449 : vector<1x16xf32> to vector<16xf32>
    %swap3A_451 = vector.shape_cast %broadcast_in_dim3A_128 : vector<16xf32> to vector<1x16xf32>
    tpu.vector_store %arg10[%swap3A_447, %swap3A_448], %swap3A_451 {strides = array<i32>} : memref<16x128xf32, #tpu.memory_space<vmem>>, vector<1x16xf32>,
    %swap3A_452 = arith.constant 6 : i32
    %swap3A_453 = arith.index_cast %swap3A_452 : i32 to index
    %swap3A_454 = arith.constant 96 : index
    %swap3A_455 = tpu.vector_load %arg10[%swap3A_453, %swap3A_454] {strides = array<i32>} : memref<16x128xf32, #tpu.memory_space<vmem>>, vector<1x16xf32>,
    %swap3A_456 = vector.shape_cast %swap3A_455 : vector<1x16xf32> to vector<16xf32>
    %swap3A_457 = vector.shape_cast %broadcast_in_dim3A_128 : vector<16xf32> to vector<1x16xf32>
    tpu.vector_store %arg10[%swap3A_453, %swap3A_454], %swap3A_457 {strides = array<i32>} : memref<16x128xf32, #tpu.memory_space<vmem>>, vector<1x16xf32>,
    %swap3A_458 = arith.constant 6 : i32
    %swap3A_459 = arith.index_cast %swap3A_458 : i32 to index
    %swap3A_460 = arith.constant 112 : index
    %swap3A_461 = tpu.vector_load %arg10[%swap3A_459, %swap3A_460] {strides = array<i32>} : memref<16x128xf32, #tpu.memory_space<vmem>>, vector<1x16xf32>,
    %swap3A_462 = vector.shape_cast %swap3A_461 : vector<1x16xf32> to vector<16xf32>
    %swap3A_463 = vector.shape_cast %broadcast_in_dim3A_128 : vector<16xf32> to vector<1x16xf32>
    tpu.vector_store %arg10[%swap3A_459, %swap3A_460], %swap3A_463 {strides = array<i32>} : memref<16x128xf32, #tpu.memory_space<vmem>>, vector<1x16xf32>,
    %swap3A_464 = arith.constant 7 : i32
    %swap3A_465 = arith.index_cast %swap3A_464 : i32 to index
    %swap3A_466 = arith.constant 0 : index
    %swap3A_467 = tpu.vector_load %arg10[%swap3A_465, %swap3A_466] {strides = array<i32>} : memref<16x128xf32, #tpu.memory_space<vmem>>, vector<1x16xf32>,
    %swap3A_468 = vector.shape_cast %swap3A_467 : vector<1x16xf32> to vector<16xf32>
    %swap3A_469 = vector.shape_cast %broadcast_in_dim3A_128 : vector<16xf32> to vector<1x16xf32>
    tpu.vector_store %arg10[%swap3A_465, %swap3A_466], %swap3A_469 {strides = array<i32>} : memref<16x128xf32, #tpu.memory_space<vmem>>, vector<1x16xf32>,
    %swap3A_470 = arith.constant 7 : i32
    %swap3A_471 = arith.index_cast %swap3A_470 : i32 to index
    %swap3A_472 = arith.constant 16 : index
    %swap3A_473 = tpu.vector_load %arg10[%swap3A_471, %swap3A_472] {strides = array<i32>} : memref<16x128xf32, #tpu.memory_space<vmem>>, vector<1x16xf32>,
    %swap3A_474 = vector.shape_cast %swap3A_473 : vector<1x16xf32> to vector<16xf32>
    %swap3A_475 = vector.shape_cast %broadcast_in_dim3A_128 : vector<16xf32> to vector<1x16xf32>
    tpu.vector_store %arg10[%swap3A_471, %swap3A_472], %swap3A_475 {strides = array<i32>} : memref<16x128xf32, #tpu.memory_space<vmem>>, vector<1x16xf32>,
    %swap3A_476 = arith.constant 7 : i32
    %swap3A_477 = arith.index_cast %swap3A_476 : i32 to index
    %swap3A_478 = arith.constant 32 : index
    %swap3A_479 = tpu.vector_load %arg10[%swap3A_477, %swap3A_478] {strides = array<i32>} : memref<16x128xf32, #tpu.memory_space<vmem>>, vector<1x16xf32>,
    %swap3A_480 = vector.shape_cast %swap3A_479 : vector<1x16xf32> to vector<16xf32>
    %swap3A_481 = vector.shape_cast %broadcast_in_dim3A_128 : vector<16xf32> to vector<1x16xf32>
    tpu.vector_store %arg10[%swap3A_477, %swap3A_478], %swap3A_481 {strides = array<i32>} : memref<16x128xf32, #tpu.memory_space<vmem>>, vector<1x16xf32>,
    %swap3A_482 = arith.constant 7 : i32
    %swap3A_483 = arith.index_cast %swap3A_482 : i32 to index
    %swap3A_484 = arith.constant 48 : index
    %swap3A_485 = tpu.vector_load %arg10[%swap3A_483, %swap3A_484] {strides = array<i32>} : memref<16x128xf32, #tpu.memory_space<vmem>>, vector<1x16xf32>,
    %swap3A_486 = vector.shape_cast %swap3A_485 : vector<1x16xf32> to vector<16xf32>
    %swap3A_487 = vector.shape_cast %broadcast_in_dim3A_128 : vector<16xf32> to vector<1x16xf32>
    tpu.vector_store %arg10[%swap3A_483, %swap3A_484], %swap3A_487 {strides = array<i32>} : memref<16x128xf32, #tpu.memory_space<vmem>>, vector<1x16xf32>,
    %swap3A_488 = arith.constant 7 : i32
    %swap3A_489 = arith.index_cast %swap3A_488 : i32 to index
    %swap3A_490 = arith.constant 64 : index
    %swap3A_491 = tpu.vector_load %arg10[%swap3A_489, %swap3A_490] {strides = array<i32>} : memref<16x128xf32, #tpu.memory_space<vmem>>, vector<1x16xf32>,
    %swap3A_492 = vector.shape_cast %swap3A_491 : vector<1x16xf32> to vector<16xf32>
    %swap3A_493 = vector.shape_cast %broadcast_in_dim3A_128 : vector<16xf32> to vector<1x16xf32>
    tpu.vector_store %arg10[%swap3A_489, %swap3A_490], %swap3A_493 {strides = array<i32>} : memref<16x128xf32, #tpu.memory_space<vmem>>, vector<1x16xf32>,
    %swap3A_494 = arith.constant 7 : i32
    %swap3A_495 = arith.index_cast %swap3A_494 : i32 to index
    %swap3A_496 = arith.constant 80 : index
    %swap3A_497 = tpu.vector_load %arg10[%swap3A_495, %swap3A_496] {strides = array<i32>} : memref<16x128xf32, #tpu.memory_space<vmem>>, vector<1x16xf32>,
    %swap3A_498 = vector.shape_cast %swap3A_497 : vector<1x16xf32> to vector<16xf32>
    %swap3A_499 = vector.shape_cast %broadcast_in_dim3A_128 : vector<16xf32> to vector<1x16xf32>
    tpu.vector_store %arg10[%swap3A_495, %swap3A_496], %swap3A_499 {strides = array<i32>} : memref<16x128xf32, #tpu.memory_space<vmem>>, vector<1x16xf32>,
    %swap3A_500 = arith.constant 7 : i32
    %swap3A_501 = arith.index_cast %swap3A_500 : i32 to index
    %swap3A_502 = arith.constant 96 : index
    %swap3A_503 = tpu.vector_load %arg10[%swap3A_501, %swap3A_502] {strides = array<i32>} : memref<16x128xf32, #tpu.memory_space<vmem>>, vector<1x16xf32>,
    %swap3A_504 = vector.shape_cast %swap3A_503 : vector<1x16xf32> to vector<16xf32>
    %swap3A_505 = vector.shape_cast %broadcast_in_dim3A_128 : vector<16xf32> to vector<1x16xf32>
    tpu.vector_store %arg10[%swap3A_501, %swap3A_502], %swap3A_505 {strides = array<i32>} : memref<16x128xf32, #tpu.memory_space<vmem>>, vector<1x16xf32>,
    %swap3A_506 = arith.constant 7 : i32
    %swap3A_507 = arith.index_cast %swap3A_506 : i32 to index
    %swap3A_508 = arith.constant 112 : index
    %swap3A_509 = tpu.vector_load %arg10[%swap3A_507, %swap3A_508] {strides = array<i32>} : memref<16x128xf32, #tpu.memory_space<vmem>>, vector<1x16xf32>,
    %swap3A_510 = vector.shape_cast %swap3A_509 : vector<1x16xf32> to vector<16xf32>
    %swap3A_511 = vector.shape_cast %broadcast_in_dim3A_128 : vector<16xf32> to vector<1x16xf32>
    tpu.vector_store %arg10[%swap3A_507, %swap3A_508], %swap3A_511 {strides = array<i32>} : memref<16x128xf32, #tpu.memory_space<vmem>>, vector<1x16xf32>,
    %swap3A_512 = arith.constant 8 : i32
    %swap3A_513 = arith.index_cast %swap3A_512 : i32 to index
    %swap3A_514 = arith.constant 0 : index
    %swap3A_515 = tpu.vector_load %arg10[%swap3A_513, %swap3A_514] {strides = array<i32>} : memref<16x128xf32, #tpu.memory_space<vmem>>, vector<1x16xf32>,
    %swap3A_516 = vector.shape_cast %swap3A_515 : vector<1x16xf32> to vector<16xf32>
    %swap3A_517 = vector.shape_cast %broadcast_in_dim3A_128 : vector<16xf32> to vector<1x16xf32>
    tpu.vector_store %arg10[%swap3A_513, %swap3A_514], %swap3A_517 {strides = array<i32>} : memref<16x128xf32, #tpu.memory_space<vmem>>, vector<1x16xf32>,
    %swap3A_518 = arith.constant 8 : i32
    %swap3A_519 = arith.index_cast %swap3A_518 : i32 to index
    %swap3A_520 = arith.constant 16 : index
    %swap3A_521 = tpu.vector_load %arg10[%swap3A_519, %swap3A_520] {strides = array<i32>} : memref<16x128xf32, #tpu.memory_space<vmem>>, vector<1x16xf32>,
    %swap3A_522 = vector.shape_cast %swap3A_521 : vector<1x16xf32> to vector<16xf32>
    %swap3A_523 = vector.shape_cast %broadcast_in_dim3A_128 : vector<16xf32> to vector<1x16xf32>
    tpu.vector_store %arg10[%swap3A_519, %swap3A_520], %swap3A_523 {strides = array<i32>} : memref<16x128xf32, #tpu.memory_space<vmem>>, vector<1x16xf32>,
    %swap3A_524 = arith.constant 8 : i32
    %swap3A_525 = arith.index_cast %swap3A_524 : i32 to index
    %swap3A_526 = arith.constant 32 : index
    %swap3A_527 = tpu.vector_load %arg10[%swap3A_525, %swap3A_526] {strides = array<i32>} : memref<16x128xf32, #tpu.memory_space<vmem>>, vector<1x16xf32>,
    %swap3A_528 = vector.shape_cast %swap3A_527 : vector<1x16xf32> to vector<16xf32>
    %swap3A_529 = vector.shape_cast %broadcast_in_dim3A_128 : vector<16xf32> to vector<1x16xf32>
    tpu.vector_store %arg10[%swap3A_525, %swap3A_526], %swap3A_529 {strides = array<i32>} : memref<16x128xf32, #tpu.memory_space<vmem>>, vector<1x16xf32>,
    %swap3A_530 = arith.constant 8 : i32
    %swap3A_531 = arith.index_cast %swap3A_530 : i32 to index
    %swap3A_532 = arith.constant 48 : index
    %swap3A_533 = tpu.vector_load %arg10[%swap3A_531, %swap3A_532] {strides = array<i32>} : memref<16x128xf32, #tpu.memory_space<vmem>>, vector<1x16xf32>,
    %swap3A_534 = vector.shape_cast %swap3A_533 : vector<1x16xf32> to vector<16xf32>
    %swap3A_535 = vector.shape_cast %broadcast_in_dim3A_128 : vector<16xf32> to vector<1x16xf32>
    tpu.vector_store %arg10[%swap3A_531, %swap3A_532], %swap3A_535 {strides = array<i32>} : memref<16x128xf32, #tpu.memory_space<vmem>>, vector<1x16xf32>,
    %swap3A_536 = arith.constant 8 : i32
    %swap3A_537 = arith.index_cast %swap3A_536 : i32 to index
    %swap3A_538 = arith.constant 64 : index
    %swap3A_539 = tpu.vector_load %arg10[%swap3A_537, %swap3A_538] {strides = array<i32>} : memref<16x128xf32, #tpu.memory_space<vmem>>, vector<1x16xf32>,
    %swap3A_540 = vector.shape_cast %swap3A_539 : vector<1x16xf32> to vector<16xf32>
    %swap3A_541 = vector.shape_cast %broadcast_in_dim3A_128 : vector<16xf32> to vector<1x16xf32>
    tpu.vector_store %arg10[%swap3A_537, %swap3A_538], %swap3A_541 {strides = array<i32>} : memref<16x128xf32, #tpu.memory_space<vmem>>, vector<1x16xf32>,
    %swap3A_542 = arith.constant 8 : i32
    %swap3A_543 = arith.index_cast %swap3A_542 : i32 to index
    %swap3A_544 = arith.constant 80 : index
    %swap3A_545 = tpu.vector_load %arg10[%swap3A_543, %swap3A_544] {strides = array<i32>} : memref<16x128xf32, #tpu.memory_space<vmem>>, vector<1x16xf32>,
    %swap3A_546 = vector.shape_cast %swap3A_545 : vector<1x16xf32> to vector<16xf32>
    %swap3A_547 = vector.shape_cast %broadcast_in_dim3A_128 : vector<16xf32> to vector<1x16xf32>
    tpu.vector_store %arg10[%swap3A_543, %swap3A_544], %swap3A_547 {strides = array<i32>} : memref<16x128xf32, #tpu.memory_space<vmem>>, vector<1x16xf32>,
    %swap3A_548 = arith.constant 8 : i32
    %swap3A_549 = arith.index_cast %swap3A_548 : i32 to index
    %swap3A_550 = arith.constant 96 : index
    %swap3A_551 = tpu.vector_load %arg10[%swap3A_549, %swap3A_550] {strides = array<i32>} : memref<16x128xf32, #tpu.memory_space<vmem>>, vector<1x16xf32>,
    %swap3A_552 = vector.shape_cast %swap3A_551 : vector<1x16xf32> to vector<16xf32>
    %swap3A_553 = vector.shape_cast %broadcast_in_dim3A_128 : vector<16xf32> to vector<1x16xf32>
    tpu.vector_store %arg10[%swap3A_549, %swap3A_550], %swap3A_553 {strides = array<i32>} : memref<16x128xf32, #tpu.memory_space<vmem>>, vector<1x16xf32>,
    %swap3A_554 = arith.constant 8 : i32
    %swap3A_555 = arith.index_cast %swap3A_554 : i32 to index
    %swap3A_556 = arith.constant 112 : index
    %swap3A_557 = tpu.vector_load %arg10[%swap3A_555, %swap3A_556] {strides = array<i32>} : memref<16x128xf32, #tpu.memory_space<vmem>>, vector<1x16xf32>,
    %swap3A_558 = vector.shape_cast %swap3A_557 : vector<1x16xf32> to vector<16xf32>
    %swap3A_559 = vector.shape_cast %broadcast_in_dim3A_128 : vector<16xf32> to vector<1x16xf32>
    tpu.vector_store %arg10[%swap3A_555, %swap3A_556], %swap3A_559 {strides = array<i32>} : memref<16x128xf32, #tpu.memory_space<vmem>>, vector<1x16xf32>,
    %swap3A_560 = arith.constant 9 : i32
    %swap3A_561 = arith.index_cast %swap3A_560 : i32 to index
    %swap3A_562 = arith.constant 0 : index
    %swap3A_563 = tpu.vector_load %arg10[%swap3A_561, %swap3A_562] {strides = array<i32>} : memref<16x128xf32, #tpu.memory_space<vmem>>, vector<1x16xf32>,
    %swap3A_564 = vector.shape_cast %swap3A_563 : vector<1x16xf32> to vector<16xf32>
    %swap3A_565 = vector.shape_cast %broadcast_in_dim3A_128 : vector<16xf32> to vector<1x16xf32>
    tpu.vector_store %arg10[%swap3A_561, %swap3A_562], %swap3A_565 {strides = array<i32>} : memref<16x128xf32, #tpu.memory_space<vmem>>, vector<1x16xf32>,
    %swap3A_566 = arith.constant 9 : i32
    %swap3A_567 = arith.index_cast %swap3A_566 : i32 to index
    %swap3A_568 = arith.constant 16 : index
    %swap3A_569 = tpu.vector_load %arg10[%swap3A_567, %swap3A_568] {strides = array<i32>} : memref<16x128xf32, #tpu.memory_space<vmem>>, vector<1x16xf32>,
    %swap3A_570 = vector.shape_cast %swap3A_569 : vector<1x16xf32> to vector<16xf32>
    %swap3A_571 = vector.shape_cast %broadcast_in_dim3A_128 : vector<16xf32> to vector<1x16xf32>
    tpu.vector_store %arg10[%swap3A_567, %swap3A_568], %swap3A_571 {strides = array<i32>} : memref<16x128xf32, #tpu.memory_space<vmem>>, vector<1x16xf32>,
    %swap3A_572 = arith.constant 9 : i32
    %swap3A_573 = arith.index_cast %swap3A_572 : i32 to index
    %swap3A_574 = arith.constant 32 : index
    %swap3A_575 = tpu.vector_load %arg10[%swap3A_573, %swap3A_574] {strides = array<i32>} : memref<16x128xf32, #tpu.memory_space<vmem>>, vector<1x16xf32>,
    %swap3A_576 = vector.shape_cast %swap3A_575 : vector<1x16xf32> to vector<16xf32>
    %swap3A_577 = vector.shape_cast %broadcast_in_dim3A_128 : vector<16xf32> to vector<1x16xf32>
    tpu.vector_store %arg10[%swap3A_573, %swap3A_574], %swap3A_577 {strides = array<i32>} : memref<16x128xf32, #tpu.memory_space<vmem>>, vector<1x16xf32>,
    %swap3A_578 = arith.constant 9 : i32
    %swap3A_579 = arith.index_cast %swap3A_578 : i32 to index
    %swap3A_580 = arith.constant 48 : index
    %swap3A_581 = tpu.vector_load %arg10[%swap3A_579, %swap3A_580] {strides = array<i32>} : memref<16x128xf32, #tpu.memory_space<vmem>>, vector<1x16xf32>,
    %swap3A_582 = vector.shape_cast %swap3A_581 : vector<1x16xf32> to vector<16xf32>
    %swap3A_583 = vector.shape_cast %broadcast_in_dim3A_128 : vector<16xf32> to vector<1x16xf32>
    tpu.vector_store %arg10[%swap3A_579, %swap3A_580], %swap3A_583 {strides = array<i32>} : memref<16x128xf32, #tpu.memory_space<vmem>>, vector<1x16xf32>,
    %swap3A_584 = arith.constant 9 : i32
    %swap3A_585 = arith.index_cast %swap3A_584 : i32 to index
    %swap3A_586 = arith.constant 64 : index
    %swap3A_587 = tpu.vector_load %arg10[%swap3A_585, %swap3A_586] {strides = array<i32>} : memref<16x128xf32, #tpu.memory_space<vmem>>, vector<1x16xf32>,
    %swap3A_588 = vector.shape_cast %swap3A_587 : vector<1x16xf32> to vector<16xf32>
    %swap3A_589 = vector.shape_cast %broadcast_in_dim3A_128 : vector<16xf32> to vector<1x16xf32>
    tpu.vector_store %arg10[%swap3A_585, %swap3A_586], %swap3A_589 {strides = array<i32>} : memref<16x128xf32, #tpu.memory_space<vmem>>, vector<1x16xf32>,
    %swap3A_590 = arith.constant 9 : i32
    %swap3A_591 = arith.index_cast %swap3A_590 : i32 to index
    %swap3A_592 = arith.constant 80 : index
    %swap3A_593 = tpu.vector_load %arg10[%swap3A_591, %swap3A_592] {strides = array<i32>} : memref<16x128xf32, #tpu.memory_space<vmem>>, vector<1x16xf32>,
    %swap3A_594 = vector.shape_cast %swap3A_593 : vector<1x16xf32> to vector<16xf32>
    %swap3A_595 = vector.shape_cast %broadcast_in_dim3A_128 : vector<16xf32> to vector<1x16xf32>
    tpu.vector_store %arg10[%swap3A_591, %swap3A_592], %swap3A_595 {strides = array<i32>} : memref<16x128xf32, #tpu.memory_space<vmem>>, vector<1x16xf32>,
    %swap3A_596 = arith.constant 9 : i32
    %swap3A_597 = arith.index_cast %swap3A_596 : i32 to index
    %swap3A_598 = arith.constant 96 : index
    %swap3A_599 = tpu.vector_load %arg10[%swap3A_597, %swap3A_598] {strides = array<i32>} : memref<16x128xf32, #tpu.memory_space<vmem>>, vector<1x16xf32>,
    %swap3A_600 = vector.shape_cast %swap3A_599 : vector<1x16xf32> to vector<16xf32>
    %swap3A_601 = vector.shape_cast %broadcast_in_dim3A_128 : vector<16xf32> to vector<1x16xf32>
    tpu.vector_store %arg10[%swap3A_597, %swap3A_598], %swap3A_601 {strides = array<i32>} : memref<16x128xf32, #tpu.memory_space<vmem>>, vector<1x16xf32>,
    %swap3A_602 = arith.constant 9 : i32
    %swap3A_603 = arith.index_cast %swap3A_602 : i32 to index
    %swap3A_604 = arith.constant 112 : index
    %swap3A_605 = tpu.vector_load %arg10[%swap3A_603, %swap3A_604] {strides = array<i32>} : memref<16x128xf32, #tpu.memory_space<vmem>>, vector<1x16xf32>,
    %swap3A_606 = vector.shape_cast %swap3A_605 : vector<1x16xf32> to vector<16xf32>
    %swap3A_607 = vector.shape_cast %broadcast_in_dim3A_128 : vector<16xf32> to vector<1x16xf32>
    tpu.vector_store %arg10[%swap3A_603, %swap3A_604], %swap3A_607 {strides = array<i32>} : memref<16x128xf32, #tpu.memory_space<vmem>>, vector<1x16xf32>,
    %swap3A_608 = arith.constant 10 : i32
    %swap3A_609 = arith.index_cast %swap3A_608 : i32 to index
    %swap3A_610 = arith.constant 0 : index
    %swap3A_611 = tpu.vector_load %arg10[%swap3A_609, %swap3A_610] {strides = array<i32>} : memref<16x128xf32, #tpu.memory_space<vmem>>, vector<1x16xf32>,
    %swap3A_612 = vector.shape_cast %swap3A_611 : vector<1x16xf32> to vector<16xf32>
    %swap3A_613 = vector.shape_cast %broadcast_in_dim3A_128 : vector<16xf32> to vector<1x16xf32>
    tpu.vector_store %arg10[%swap3A_609, %swap3A_610], %swap3A_613 {strides = array<i32>} : memref<16x128xf32, #tpu.memory_space<vmem>>, vector<1x16xf32>,
    %swap3A_614 = arith.constant 10 : i32
    %swap3A_615 = arith.index_cast %swap3A_614 : i32 to index
    %swap3A_616 = arith.constant 16 : index
    %swap3A_617 = tpu.vector_load %arg10[%swap3A_615, %swap3A_616] {strides = array<i32>} : memref<16x128xf32, #tpu.memory_space<vmem>>, vector<1x16xf32>,
    %swap3A_618 = vector.shape_cast %swap3A_617 : vector<1x16xf32> to vector<16xf32>
    %swap3A_619 = vector.shape_cast %broadcast_in_dim3A_128 : vector<16xf32> to vector<1x16xf32>
    tpu.vector_store %arg10[%swap3A_615, %swap3A_616], %swap3A_619 {strides = array<i32>} : memref<16x128xf32, #tpu.memory_space<vmem>>, vector<1x16xf32>,
    %swap3A_620 = arith.constant 10 : i32
    %swap3A_621 = arith.index_cast %swap3A_620 : i32 to index
    %swap3A_622 = arith.constant 32 : index
    %swap3A_623 = tpu.vector_load %arg10[%swap3A_621, %swap3A_622] {strides = array<i32>} : memref<16x128xf32, #tpu.memory_space<vmem>>, vector<1x16xf32>,
    %swap3A_624 = vector.shape_cast %swap3A_623 : vector<1x16xf32> to vector<16xf32>
    %swap3A_625 = vector.shape_cast %broadcast_in_dim3A_128 : vector<16xf32> to vector<1x16xf32>
    tpu.vector_store %arg10[%swap3A_621, %swap3A_622], %swap3A_625 {strides = array<i32>} : memref<16x128xf32, #tpu.memory_space<vmem>>, vector<1x16xf32>,
    %swap3A_626 = arith.constant 10 : i32
    %swap3A_627 = arith.index_cast %swap3A_626 : i32 to index
    %swap3A_628 = arith.constant 48 : index
    %swap3A_629 = tpu.vector_load %arg10[%swap3A_627, %swap3A_628] {strides = array<i32>} : memref<16x128xf32, #tpu.memory_space<vmem>>, vector<1x16xf32>,
    %swap3A_630 = vector.shape_cast %swap3A_629 : vector<1x16xf32> to vector<16xf32>
    %swap3A_631 = vector.shape_cast %broadcast_in_dim3A_128 : vector<16xf32> to vector<1x16xf32>
    tpu.vector_store %arg10[%swap3A_627, %swap3A_628], %swap3A_631 {strides = array<i32>} : memref<16x128xf32, #tpu.memory_space<vmem>>, vector<1x16xf32>,
    %swap3A_632 = arith.constant 10 : i32
    %swap3A_633 = arith.index_cast %swap3A_632 : i32 to index
    %swap3A_634 = arith.constant 64 : index
    %swap3A_635 = tpu.vector_load %arg10[%swap3A_633, %swap3A_634] {strides = array<i32>} : memref<16x128xf32, #tpu.memory_space<vmem>>, vector<1x16xf32>,
    %swap3A_636 = vector.shape_cast %swap3A_635 : vector<1x16xf32> to vector<16xf32>
    %swap3A_637 = vector.shape_cast %broadcast_in_dim3A_128 : vector<16xf32> to vector<1x16xf32>
    tpu.vector_store %arg10[%swap3A_633, %swap3A_634], %swap3A_637 {strides = array<i32>} : memref<16x128xf32, #tpu.memory_space<vmem>>, vector<1x16xf32>,
    %swap3A_638 = arith.constant 10 : i32
    %swap3A_639 = arith.index_cast %swap3A_638 : i32 to index
    %swap3A_640 = arith.constant 80 : index
    %swap3A_641 = tpu.vector_load %arg10[%swap3A_639, %swap3A_640] {strides = array<i32>} : memref<16x128xf32, #tpu.memory_space<vmem>>, vector<1x16xf32>,
    %swap3A_642 = vector.shape_cast %swap3A_641 : vector<1x16xf32> to vector<16xf32>
    %swap3A_643 = vector.shape_cast %broadcast_in_dim3A_128 : vector<16xf32> to vector<1x16xf32>
    tpu.vector_store %arg10[%swap3A_639, %swap3A_640], %swap3A_643 {strides = array<i32>} : memref<16x128xf32, #tpu.memory_space<vmem>>, vector<1x16xf32>,
    %swap3A_644 = arith.constant 10 : i32
    %swap3A_645 = arith.index_cast %swap3A_644 : i32 to index
    %swap3A_646 = arith.constant 96 : index
    %swap3A_647 = tpu.vector_load %arg10[%swap3A_645, %swap3A_646] {strides = array<i32>} : memref<16x128xf32, #tpu.memory_space<vmem>>, vector<1x16xf32>,
    %swap3A_648 = vector.shape_cast %swap3A_647 : vector<1x16xf32> to vector<16xf32>
    %swap3A_649 = vector.shape_cast %broadcast_in_dim3A_128 : vector<16xf32> to vector<1x16xf32>
    tpu.vector_store %arg10[%swap3A_645, %swap3A_646], %swap3A_649 {strides = array<i32>} : memref<16x128xf32, #tpu.memory_space<vmem>>, vector<1x16xf32>,
    %swap3A_650 = arith.constant 10 : i32
    %swap3A_651 = arith.index_cast %swap3A_650 : i32 to index
    %swap3A_652 = arith.constant 112 : index
    %swap3A_653 = tpu.vector_load %arg10[%swap3A_651, %swap3A_652] {strides = array<i32>} : memref<16x128xf32, #tpu.memory_space<vmem>>, vector<1x16xf32>,
    %swap3A_654 = vector.shape_cast %swap3A_653 : vector<1x16xf32> to vector<16xf32>
    %swap3A_655 = vector.shape_cast %broadcast_in_dim3A_128 : vector<16xf32> to vector<1x16xf32>
    tpu.vector_store %arg10[%swap3A_651, %swap3A_652], %swap3A_655 {strides = array<i32>} : memref<16x128xf32, #tpu.memory_space<vmem>>, vector<1x16xf32>,
    %swap3A_656 = arith.constant 11 : i32
    %swap3A_657 = arith.index_cast %swap3A_656 : i32 to index
    %swap3A_658 = arith.constant 0 : index
    %swap3A_659 = tpu.vector_load %arg10[%swap3A_657, %swap3A_658] {strides = array<i32>} : memref<16x128xf32, #tpu.memory_space<vmem>>, vector<1x16xf32>,
    %swap3A_660 = vector.shape_cast %swap3A_659 : vector<1x16xf32> to vector<16xf32>
    %swap3A_661 = vector.shape_cast %broadcast_in_dim3A_128 : vector<16xf32> to vector<1x16xf32>
    tpu.vector_store %arg10[%swap3A_657, %swap3A_658], %swap3A_661 {strides = array<i32>} : memref<16x128xf32, #tpu.memory_space<vmem>>, vector<1x16xf32>,
    %swap3A_662 = arith.constant 11 : i32
    %swap3A_663 = arith.index_cast %swap3A_662 : i32 to index
    %swap3A_664 = arith.constant 16 : index
    %swap3A_665 = tpu.vector_load %arg10[%swap3A_663, %swap3A_664] {strides = array<i32>} : memref<16x128xf32, #tpu.memory_space<vmem>>, vector<1x16xf32>,
    %swap3A_666 = vector.shape_cast %swap3A_665 : vector<1x16xf32> to vector<16xf32>
    %swap3A_667 = vector.shape_cast %broadcast_in_dim3A_128 : vector<16xf32> to vector<1x16xf32>
    tpu.vector_store %arg10[%swap3A_663, %swap3A_664], %swap3A_667 {strides = array<i32>} : memref<16x128xf32, #tpu.memory_space<vmem>>, vector<1x16xf32>,
    %swap3A_668 = arith.constant 11 : i32
    %swap3A_669 = arith.index_cast %swap3A_668 : i32 to index
    %swap3A_670 = arith.constant 32 : index
    %swap3A_671 = tpu.vector_load %arg10[%swap3A_669, %swap3A_670] {strides = array<i32>} : memref<16x128xf32, #tpu.memory_space<vmem>>, vector<1x16xf32>,
    %swap3A_672 = vector.shape_cast %swap3A_671 : vector<1x16xf32> to vector<16xf32>
    %swap3A_673 = vector.shape_cast %broadcast_in_dim3A_128 : vector<16xf32> to vector<1x16xf32>
    tpu.vector_store %arg10[%swap3A_669, %swap3A_670], %swap3A_673 {strides = array<i32>} : memref<16x128xf32, #tpu.memory_space<vmem>>, vector<1x16xf32>,
    %swap3A_674 = arith.constant 11 : i32
    %swap3A_675 = arith.index_cast %swap3A_674 : i32 to index
    %swap3A_676 = arith.constant 48 : index
    %swap3A_677 = tpu.vector_load %arg10[%swap3A_675, %swap3A_676] {strides = array<i32>} : memref<16x128xf32, #tpu.memory_space<vmem>>, vector<1x16xf32>,
    %swap3A_678 = vector.shape_cast %swap3A_677 : vector<1x16xf32> to vector<16xf32>
    %swap3A_679 = vector.shape_cast %broadcast_in_dim3A_128 : vector<16xf32> to vector<1x16xf32>
    tpu.vector_store %arg10[%swap3A_675, %swap3A_676], %swap3A_679 {strides = array<i32>} : memref<16x128xf32, #tpu.memory_space<vmem>>, vector<1x16xf32>,
    %swap3A_680 = arith.constant 11 : i32
    %swap3A_681 = arith.index_cast %swap3A_680 : i32 to index
    %swap3A_682 = arith.constant 64 : index
    %swap3A_683 = tpu.vector_load %arg10[%swap3A_681, %swap3A_682] {strides = array<i32>} : memref<16x128xf32, #tpu.memory_space<vmem>>, vector<1x16xf32>,
    %swap3A_684 = vector.shape_cast %swap3A_683 : vector<1x16xf32> to vector<16xf32>
    %swap3A_685 = vector.shape_cast %broadcast_in_dim3A_128 : vector<16xf32> to vector<1x16xf32>
    tpu.vector_store %arg10[%swap3A_681, %swap3A_682], %swap3A_685 {strides = array<i32>} : memref<16x128xf32, #tpu.memory_space<vmem>>, vector<1x16xf32>,
    %swap3A_686 = arith.constant 11 : i32
    %swap3A_687 = arith.index_cast %swap3A_686 : i32 to index
    %swap3A_688 = arith.constant 80 : index
    %swap3A_689 = tpu.vector_load %arg10[%swap3A_687, %swap3A_688] {strides = array<i32>} : memref<16x128xf32, #tpu.memory_space<vmem>>, vector<1x16xf32>,
    %swap3A_690 = vector.shape_cast %swap3A_689 : vector<1x16xf32> to vector<16xf32>
    %swap3A_691 = vector.shape_cast %broadcast_in_dim3A_128 : vector<16xf32> to vector<1x16xf32>
    tpu.vector_store %arg10[%swap3A_687, %swap3A_688], %swap3A_691 {strides = array<i32>} : memref<16x128xf32, #tpu.memory_space<vmem>>, vector<1x16xf32>,
    %swap3A_692 = arith.constant 11 : i32
    %swap3A_693 = arith.index_cast %swap3A_692 : i32 to index
    %swap3A_694 = arith.constant 96 : index
    %swap3A_695 = tpu.vector_load %arg10[%swap3A_693, %swap3A_694] {strides = array<i32>} : memref<16x128xf32, #tpu.memory_space<vmem>>, vector<1x16xf32>,
    %swap3A_696 = vector.shape_cast %swap3A_695 : vector<1x16xf32> to vector<16xf32>
    %swap3A_697 = vector.shape_cast %broadcast_in_dim3A_128 : vector<16xf32> to vector<1x16xf32>
    tpu.vector_store %arg10[%swap3A_693, %swap3A_694], %swap3A_697 {strides = array<i32>} : memref<16x128xf32, #tpu.memory_space<vmem>>, vector<1x16xf32>,
    %swap3A_698 = arith.constant 11 : i32
    %swap3A_699 = arith.index_cast %swap3A_698 : i32 to index
    %swap3A_700 = arith.constant 112 : index
    %swap3A_701 = tpu.vector_load %arg10[%swap3A_699, %swap3A_700] {strides = array<i32>} : memref<16x128xf32, #tpu.memory_space<vmem>>, vector<1x16xf32>,
    %swap3A_702 = vector.shape_cast %swap3A_701 : vector<1x16xf32> to vector<16xf32>
    %swap3A_703 = vector.shape_cast %broadcast_in_dim3A_128 : vector<16xf32> to vector<1x16xf32>
    tpu.vector_store %arg10[%swap3A_699, %swap3A_700], %swap3A_703 {strides = array<i32>} : memref<16x128xf32, #tpu.memory_space<vmem>>, vector<1x16xf32>,
    %swap3A_704 = arith.constant 12 : i32
    %swap3A_705 = arith.index_cast %swap3A_704 : i32 to index
    %swap3A_706 = arith.constant 0 : index
    %swap3A_707 = tpu.vector_load %arg10[%swap3A_705, %swap3A_706] {strides = array<i32>} : memref<16x128xf32, #tpu.memory_space<vmem>>, vector<1x16xf32>,
    %swap3A_708 = vector.shape_cast %swap3A_707 : vector<1x16xf32> to vector<16xf32>
    %swap3A_709 = vector.shape_cast %broadcast_in_dim3A_128 : vector<16xf32> to vector<1x16xf32>
    tpu.vector_store %arg10[%swap3A_705, %swap3A_706], %swap3A_709 {strides = array<i32>} : memref<16x128xf32, #tpu.memory_space<vmem>>, vector<1x16xf32>,
    %swap3A_710 = arith.constant 12 : i32
    %swap3A_711 = arith.index_cast %swap3A_710 : i32 to index
    %swap3A_712 = arith.constant 16 : index
    %swap3A_713 = tpu.vector_load %arg10[%swap3A_711, %swap3A_712] {strides = array<i32>} : memref<16x128xf32, #tpu.memory_space<vmem>>, vector<1x16xf32>,
    %swap3A_714 = vector.shape_cast %swap3A_713 : vector<1x16xf32> to vector<16xf32>
    %swap3A_715 = vector.shape_cast %broadcast_in_dim3A_128 : vector<16xf32> to vector<1x16xf32>
    tpu.vector_store %arg10[%swap3A_711, %swap3A_712], %swap3A_715 {strides = array<i32>} : memref<16x128xf32, #tpu.memory_space<vmem>>, vector<1x16xf32>,
    %swap3A_716 = arith.constant 12 : i32
    %swap3A_717 = arith.index_cast %swap3A_716 : i32 to index
    %swap3A_718 = arith.constant 32 : index
    %swap3A_719 = tpu.vector_load %arg10[%swap3A_717, %swap3A_718] {strides = array<i32>} : memref<16x128xf32, #tpu.memory_space<vmem>>, vector<1x16xf32>,
    %swap3A_720 = vector.shape_cast %swap3A_719 : vector<1x16xf32> to vector<16xf32>
    %swap3A_721 = vector.shape_cast %broadcast_in_dim3A_128 : vector<16xf32> to vector<1x16xf32>
    tpu.vector_store %arg10[%swap3A_717, %swap3A_718], %swap3A_721 {strides = array<i32>} : memref<16x128xf32, #tpu.memory_space<vmem>>, vector<1x16xf32>,
    %swap3A_722 = arith.constant 12 : i32
    %swap3A_723 = arith.index_cast %swap3A_722 : i32 to index
    %swap3A_724 = arith.constant 48 : index
    %swap3A_725 = tpu.vector_load %arg10[%swap3A_723, %swap3A_724] {strides = array<i32>} : memref<16x128xf32, #tpu.memory_space<vmem>>, vector<1x16xf32>,
    %swap3A_726 = vector.shape_cast %swap3A_725 : vector<1x16xf32> to vector<16xf32>
    %swap3A_727 = vector.shape_cast %broadcast_in_dim3A_128 : vector<16xf32> to vector<1x16xf32>
    tpu.vector_store %arg10[%swap3A_723, %swap3A_724], %swap3A_727 {strides = array<i32>} : memref<16x128xf32, #tpu.memory_space<vmem>>, vector<1x16xf32>,
    %swap3A_728 = arith.constant 12 : i32
    %swap3A_729 = arith.index_cast %swap3A_728 : i32 to index
    %swap3A_730 = arith.constant 64 : index
    %swap3A_731 = tpu.vector_load %arg10[%swap3A_729, %swap3A_730] {strides = array<i32>} : memref<16x128xf32, #tpu.memory_space<vmem>>, vector<1x16xf32>,
    %swap3A_732 = vector.shape_cast %swap3A_731 : vector<1x16xf32> to vector<16xf32>
    %swap3A_733 = vector.shape_cast %broadcast_in_dim3A_128 : vector<16xf32> to vector<1x16xf32>
    tpu.vector_store %arg10[%swap3A_729, %swap3A_730], %swap3A_733 {strides = array<i32>} : memref<16x128xf32, #tpu.memory_space<vmem>>, vector<1x16xf32>,
    %swap3A_734 = arith.constant 12 : i32
    %swap3A_735 = arith.index_cast %swap3A_734 : i32 to index
    %swap3A_736 = arith.constant 80 : index
    %swap3A_737 = tpu.vector_load %arg10[%swap3A_735, %swap3A_736] {strides = array<i32>} : memref<16x128xf32, #tpu.memory_space<vmem>>, vector<1x16xf32>,
    %swap3A_738 = vector.shape_cast %swap3A_737 : vector<1x16xf32> to vector<16xf32>
    %swap3A_739 = vector.shape_cast %broadcast_in_dim3A_128 : vector<16xf32> to vector<1x16xf32>
    tpu.vector_store %arg10[%swap3A_735, %swap3A_736], %swap3A_739 {strides = array<i32>} : memref<16x128xf32, #tpu.memory_space<vmem>>, vector<1x16xf32>,
    %swap3A_740 = arith.constant 12 : i32
    %swap3A_741 = arith.index_cast %swap3A_740 : i32 to index
    %swap3A_742 = arith.constant 96 : index
    %swap3A_743 = tpu.vector_load %arg10[%swap3A_741, %swap3A_742] {strides = array<i32>} : memref<16x128xf32, #tpu.memory_space<vmem>>, vector<1x16xf32>,
    %swap3A_744 = vector.shape_cast %swap3A_743 : vector<1x16xf32> to vector<16xf32>
    %swap3A_745 = vector.shape_cast %broadcast_in_dim3A_128 : vector<16xf32> to vector<1x16xf32>
    tpu.vector_store %arg10[%swap3A_741, %swap3A_742], %swap3A_745 {strides = array<i32>} : memref<16x128xf32, #tpu.memory_space<vmem>>, vector<1x16xf32>,
    %swap3A_746 = arith.constant 12 : i32
    %swap3A_747 = arith.index_cast %swap3A_746 : i32 to index
    %swap3A_748 = arith.constant 112 : index
    %swap3A_749 = tpu.vector_load %arg10[%swap3A_747, %swap3A_748] {strides = array<i32>} : memref<16x128xf32, #tpu.memory_space<vmem>>, vector<1x16xf32>,
    %swap3A_750 = vector.shape_cast %swap3A_749 : vector<1x16xf32> to vector<16xf32>
    %swap3A_751 = vector.shape_cast %broadcast_in_dim3A_128 : vector<16xf32> to vector<1x16xf32>
    tpu.vector_store %arg10[%swap3A_747, %swap3A_748], %swap3A_751 {strides = array<i32>} : memref<16x128xf32, #tpu.memory_space<vmem>>, vector<1x16xf32>,
    %swap3A_752 = arith.constant 13 : i32
    %swap3A_753 = arith.index_cast %swap3A_752 : i32 to index
    %swap3A_754 = arith.constant 0 : index
    %swap3A_755 = tpu.vector_load %arg10[%swap3A_753, %swap3A_754] {strides = array<i32>} : memref<16x128xf32, #tpu.memory_space<vmem>>, vector<1x16xf32>,
    %swap3A_756 = vector.shape_cast %swap3A_755 : vector<1x16xf32> to vector<16xf32>
    %swap3A_757 = vector.shape_cast %broadcast_in_dim3A_128 : vector<16xf32> to vector<1x16xf32>
    tpu.vector_store %arg10[%swap3A_753, %swap3A_754], %swap3A_757 {strides = array<i32>} : memref<16x128xf32, #tpu.memory_space<vmem>>, vector<1x16xf32>,
    %swap3A_758 = arith.constant 13 : i32
    %swap3A_759 = arith.index_cast %swap3A_758 : i32 to index
    %swap3A_760 = arith.constant 16 : index
    %swap3A_761 = tpu.vector_load %arg10[%swap3A_759, %swap3A_760] {strides = array<i32>} : memref<16x128xf32, #tpu.memory_space<vmem>>, vector<1x16xf32>,
    %swap3A_762 = vector.shape_cast %swap3A_761 : vector<1x16xf32> to vector<16xf32>
    %swap3A_763 = vector.shape_cast %broadcast_in_dim3A_128 : vector<16xf32> to vector<1x16xf32>
    tpu.vector_store %arg10[%swap3A_759, %swap3A_760], %swap3A_763 {strides = array<i32>} : memref<16x128xf32, #tpu.memory_space<vmem>>, vector<1x16xf32>,
    %swap3A_764 = arith.constant 13 : i32
    %swap3A_765 = arith.index_cast %swap3A_764 : i32 to index
    %swap3A_766 = arith.constant 32 : index
    %swap3A_767 = tpu.vector_load %arg10[%swap3A_765, %swap3A_766] {strides = array<i32>} : memref<16x128xf32, #tpu.memory_space<vmem>>, vector<1x16xf32>,
    %swap3A_768 = vector.shape_cast %swap3A_767 : vector<1x16xf32> to vector<16xf32>
    %swap3A_769 = vector.shape_cast %broadcast_in_dim3A_128 : vector<16xf32> to vector<1x16xf32>
    tpu.vector_store %arg10[%swap3A_765, %swap3A_766], %swap3A_769 {strides = array<i32>} : memref<16x128xf32, #tpu.memory_space<vmem>>, vector<1x16xf32>,
    %swap3A_770 = arith.constant 13 : i32
    %swap3A_771 = arith.index_cast %swap3A_770 : i32 to index
    %swap3A_772 = arith.constant 48 : index
    %swap3A_773 = tpu.vector_load %arg10[%swap3A_771, %swap3A_772] {strides = array<i32>} : memref<16x128xf32, #tpu.memory_space<vmem>>, vector<1x16xf32>,
    %swap3A_774 = vector.shape_cast %swap3A_773 : vector<1x16xf32> to vector<16xf32>
    %swap3A_775 = vector.shape_cast %broadcast_in_dim3A_128 : vector<16xf32> to vector<1x16xf32>
    tpu.vector_store %arg10[%swap3A_771, %swap3A_772], %swap3A_775 {strides = array<i32>} : memref<16x128xf32, #tpu.memory_space<vmem>>, vector<1x16xf32>,
    %swap3A_776 = arith.constant 13 : i32
    %swap3A_777 = arith.index_cast %swap3A_776 : i32 to index
    %swap3A_778 = arith.constant 64 : index
    %swap3A_779 = tpu.vector_load %arg10[%swap3A_777, %swap3A_778] {strides = array<i32>} : memref<16x128xf32, #tpu.memory_space<vmem>>, vector<1x16xf32>,
    %swap3A_780 = vector.shape_cast %swap3A_779 : vector<1x16xf32> to vector<16xf32>
    %swap3A_781 = vector.shape_cast %broadcast_in_dim3A_128 : vector<16xf32> to vector<1x16xf32>
    tpu.vector_store %arg10[%swap3A_777, %swap3A_778], %swap3A_781 {strides = array<i32>} : memref<16x128xf32, #tpu.memory_space<vmem>>, vector<1x16xf32>,
    %swap3A_782 = arith.constant 13 : i32
    %swap3A_783 = arith.index_cast %swap3A_782 : i32 to index
    %swap3A_784 = arith.constant 80 : index
    %swap3A_785 = tpu.vector_load %arg10[%swap3A_783, %swap3A_784] {strides = array<i32>} : memref<16x128xf32, #tpu.memory_space<vmem>>, vector<1x16xf32>,
    %swap3A_786 = vector.shape_cast %swap3A_785 : vector<1x16xf32> to vector<16xf32>
    %swap3A_787 = vector.shape_cast %broadcast_in_dim3A_128 : vector<16xf32> to vector<1x16xf32>
    tpu.vector_store %arg10[%swap3A_783, %swap3A_784], %swap3A_787 {strides = array<i32>} : memref<16x128xf32, #tpu.memory_space<vmem>>, vector<1x16xf32>,
    %swap3A_788 = arith.constant 13 : i32
    %swap3A_789 = arith.index_cast %swap3A_788 : i32 to index
    %swap3A_790 = arith.constant 96 : index
    %swap3A_791 = tpu.vector_load %arg10[%swap3A_789, %swap3A_790] {strides = array<i32>} : memref<16x128xf32, #tpu.memory_space<vmem>>, vector<1x16xf32>,
    %swap3A_792 = vector.shape_cast %swap3A_791 : vector<1x16xf32> to vector<16xf32>
    %swap3A_793 = vector.shape_cast %broadcast_in_dim3A_128 : vector<16xf32> to vector<1x16xf32>
    tpu.vector_store %arg10[%swap3A_789, %swap3A_790], %swap3A_793 {strides = array<i32>} : memref<16x128xf32, #tpu.memory_space<vmem>>, vector<1x16xf32>,
    %swap3A_794 = arith.constant 13 : i32
    %swap3A_795 = arith.index_cast %swap3A_794 : i32 to index
    %swap3A_796 = arith.constant 112 : index
    %swap3A_797 = tpu.vector_load %arg10[%swap3A_795, %swap3A_796] {strides = array<i32>} : memref<16x128xf32, #tpu.memory_space<vmem>>, vector<1x16xf32>,
    %swap3A_798 = vector.shape_cast %swap3A_797 : vector<1x16xf32> to vector<16xf32>
    %swap3A_799 = vector.shape_cast %broadcast_in_dim3A_128 : vector<16xf32> to vector<1x16xf32>
    tpu.vector_store %arg10[%swap3A_795, %swap3A_796], %swap3A_799 {strides = array<i32>} : memref<16x128xf32, #tpu.memory_space<vmem>>, vector<1x16xf32>,
    %swap3A_800 = arith.constant 14 : i32
    %swap3A_801 = arith.index_cast %swap3A_800 : i32 to index
    %swap3A_802 = arith.constant 0 : index
    %swap3A_803 = tpu.vector_load %arg10[%swap3A_801, %swap3A_802] {strides = array<i32>} : memref<16x128xf32, #tpu.memory_space<vmem>>, vector<1x16xf32>,
    %swap3A_804 = vector.shape_cast %swap3A_803 : vector<1x16xf32> to vector<16xf32>
    %swap3A_805 = vector.shape_cast %broadcast_in_dim3A_128 : vector<16xf32> to vector<1x16xf32>
    tpu.vector_store %arg10[%swap3A_801, %swap3A_802], %swap3A_805 {strides = array<i32>} : memref<16x128xf32, #tpu.memory_space<vmem>>, vector<1x16xf32>,
    %swap3A_806 = arith.constant 14 : i32
    %swap3A_807 = arith.index_cast %swap3A_806 : i32 to index
    %swap3A_808 = arith.constant 16 : index
    %swap3A_809 = tpu.vector_load %arg10[%swap3A_807, %swap3A_808] {strides = array<i32>} : memref<16x128xf32, #tpu.memory_space<vmem>>, vector<1x16xf32>,
    %swap3A_810 = vector.shape_cast %swap3A_809 : vector<1x16xf32> to vector<16xf32>
    %swap3A_811 = vector.shape_cast %broadcast_in_dim3A_128 : vector<16xf32> to vector<1x16xf32>
    tpu.vector_store %arg10[%swap3A_807, %swap3A_808], %swap3A_811 {strides = array<i32>} : memref<16x128xf32, #tpu.memory_space<vmem>>, vector<1x16xf32>,
    %swap3A_812 = arith.constant 14 : i32
    %swap3A_813 = arith.index_cast %swap3A_812 : i32 to index
    %swap3A_814 = arith.constant 32 : index
    %swap3A_815 = tpu.vector_load %arg10[%swap3A_813, %swap3A_814] {strides = array<i32>} : memref<16x128xf32, #tpu.memory_space<vmem>>, vector<1x16xf32>,
    %swap3A_816 = vector.shape_cast %swap3A_815 : vector<1x16xf32> to vector<16xf32>
    %swap3A_817 = vector.shape_cast %broadcast_in_dim3A_128 : vector<16xf32> to vector<1x16xf32>
    tpu.vector_store %arg10[%swap3A_813, %swap3A_814], %swap3A_817 {strides = array<i32>} : memref<16x128xf32, #tpu.memory_space<vmem>>, vector<1x16xf32>,
    %swap3A_818 = arith.constant 14 : i32
    %swap3A_819 = arith.index_cast %swap3A_818 : i32 to index
    %swap3A_820 = arith.constant 48 : index
    %swap3A_821 = tpu.vector_load %arg10[%swap3A_819, %swap3A_820] {strides = array<i32>} : memref<16x128xf32, #tpu.memory_space<vmem>>, vector<1x16xf32>,
    %swap3A_822 = vector.shape_cast %swap3A_821 : vector<1x16xf32> to vector<16xf32>
    %swap3A_823 = vector.shape_cast %broadcast_in_dim3A_128 : vector<16xf32> to vector<1x16xf32>
    tpu.vector_store %arg10[%swap3A_819, %swap3A_820], %swap3A_823 {strides = array<i32>} : memref<16x128xf32, #tpu.memory_space<vmem>>, vector<1x16xf32>,
    %swap3A_824 = arith.constant 14 : i32
    %swap3A_825 = arith.index_cast %swap3A_824 : i32 to index
    %swap3A_826 = arith.constant 64 : index
    %swap3A_827 = tpu.vector_load %arg10[%swap3A_825, %swap3A_826] {strides = array<i32>} : memref<16x128xf32, #tpu.memory_space<vmem>>, vector<1x16xf32>,
    %swap3A_828 = vector.shape_cast %swap3A_827 : vector<1x16xf32> to vector<16xf32>
    %swap3A_829 = vector.shape_cast %broadcast_in_dim3A_128 : vector<16xf32> to vector<1x16xf32>
    tpu.vector_store %arg10[%swap3A_825, %swap3A_826], %swap3A_829 {strides = array<i32>} : memref<16x128xf32, #tpu.memory_space<vmem>>, vector<1x16xf32>,
    %swap3A_830 = arith.constant 14 : i32
    %swap3A_831 = arith.index_cast %swap3A_830 : i32 to index
    %swap3A_832 = arith.constant 80 : index
    %swap3A_833 = tpu.vector_load %arg10[%swap3A_831, %swap3A_832] {strides = array<i32>} : memref<16x128xf32, #tpu.memory_space<vmem>>, vector<1x16xf32>,
    %swap3A_834 = vector.shape_cast %swap3A_833 : vector<1x16xf32> to vector<16xf32>
    %swap3A_835 = vector.shape_cast %broadcast_in_dim3A_128 : vector<16xf32> to vector<1x16xf32>
    tpu.vector_store %arg10[%swap3A_831, %swap3A_832], %swap3A_835 {strides = array<i32>} : memref<16x128xf32, #tpu.memory_space<vmem>>, vector<1x16xf32>,
    %swap3A_836 = arith.constant 14 : i32
    %swap3A_837 = arith.index_cast %swap3A_836 : i32 to index
    %swap3A_838 = arith.constant 96 : index
    %swap3A_839 = tpu.vector_load %arg10[%swap3A_837, %swap3A_838] {strides = array<i32>} : memref<16x128xf32, #tpu.memory_space<vmem>>, vector<1x16xf32>,
    %swap3A_840 = vector.shape_cast %swap3A_839 : vector<1x16xf32> to vector<16xf32>
    %swap3A_841 = vector.shape_cast %broadcast_in_dim3A_128 : vector<16xf32> to vector<1x16xf32>
    tpu.vector_store %arg10[%swap3A_837, %swap3A_838], %swap3A_841 {strides = array<i32>} : memref<16x128xf32, #tpu.memory_space<vmem>>, vector<1x16xf32>,
    %swap3A_842 = arith.constant 14 : i32
    %swap3A_843 = arith.index_cast %swap3A_842 : i32 to index
    %swap3A_844 = arith.constant 112 : index
    %swap3A_845 = tpu.vector_load %arg10[%swap3A_843, %swap3A_844] {strides = array<i32>} : memref<16x128xf32, #tpu.memory_space<vmem>>, vector<1x16xf32>,
    %swap3A_846 = vector.shape_cast %swap3A_845 : vector<1x16xf32> to vector<16xf32>
    %swap3A_847 = vector.shape_cast %broadcast_in_dim3A_128 : vector<16xf32> to vector<1x16xf32>
    tpu.vector_store %arg10[%swap3A_843, %swap3A_844], %swap3A_847 {strides = array<i32>} : memref<16x128xf32, #tpu.memory_space<vmem>>, vector<1x16xf32>,
    %swap3A_848 = arith.constant 15 : i32
    %swap3A_849 = arith.index_cast %swap3A_848 : i32 to index
    %swap3A_850 = arith.constant 0 : index
    %swap3A_851 = tpu.vector_load %arg10[%swap3A_849, %swap3A_850] {strides = array<i32>} : memref<16x128xf32, #tpu.memory_space<vmem>>, vector<1x16xf32>,
    %swap3A_852 = vector.shape_cast %swap3A_851 : vector<1x16xf32> to vector<16xf32>
    %swap3A_853 = vector.shape_cast %broadcast_in_dim3A_128 : vector<16xf32> to vector<1x16xf32>
    tpu.vector_store %arg10[%swap3A_849, %swap3A_850], %swap3A_853 {strides = array<i32>} : memref<16x128xf32, #tpu.memory_space<vmem>>, vector<1x16xf32>,
    %swap3A_854 = arith.constant 15 : i32
    %swap3A_855 = arith.index_cast %swap3A_854 : i32 to index
    %swap3A_856 = arith.constant 16 : index
    %swap3A_857 = tpu.vector_load %arg10[%swap3A_855, %swap3A_856] {strides = array<i32>} : memref<16x128xf32, #tpu.memory_space<vmem>>, vector<1x16xf32>,
    %swap3A_858 = vector.shape_cast %swap3A_857 : vector<1x16xf32> to vector<16xf32>
    %swap3A_859 = vector.shape_cast %broadcast_in_dim3A_128 : vector<16xf32> to vector<1x16xf32>
    tpu.vector_store %arg10[%swap3A_855, %swap3A_856], %swap3A_859 {strides = array<i32>} : memref<16x128xf32, #tpu.memory_space<vmem>>, vector<1x16xf32>,
    %swap3A_860 = arith.constant 15 : i32
    %swap3A_861 = arith.index_cast %swap3A_860 : i32 to index
    %swap3A_862 = arith.constant 32 : index
    %swap3A_863 = tpu.vector_load %arg10[%swap3A_861, %swap3A_862] {strides = array<i32>} : memref<16x128xf32, #tpu.memory_space<vmem>>, vector<1x16xf32>,
    %swap3A_864 = vector.shape_cast %swap3A_863 : vector<1x16xf32> to vector<16xf32>
    %swap3A_865 = vector.shape_cast %broadcast_in_dim3A_128 : vector<16xf32> to vector<1x16xf32>
    tpu.vector_store %arg10[%swap3A_861, %swap3A_862], %swap3A_865 {strides = array<i32>} : memref<16x128xf32, #tpu.memory_space<vmem>>, vector<1x16xf32>,
    %swap3A_866 = arith.constant 15 : i32
    %swap3A_867 = arith.index_cast %swap3A_866 : i32 to index
    %swap3A_868 = arith.constant 48 : index
    %swap3A_869 = tpu.vector_load %arg10[%swap3A_867, %swap3A_868] {strides = array<i32>} : memref<16x128xf32, #tpu.memory_space<vmem>>, vector<1x16xf32>,
    %swap3A_870 = vector.shape_cast %swap3A_869 : vector<1x16xf32> to vector<16xf32>
    %swap3A_871 = vector.shape_cast %broadcast_in_dim3A_128 : vector<16xf32> to vector<1x16xf32>
    tpu.vector_store %arg10[%swap3A_867, %swap3A_868], %swap3A_871 {strides = array<i32>} : memref<16x128xf32, #tpu.memory_space<vmem>>, vector<1x16xf32>,
    %swap3A_872 = arith.constant 15 : i32
    %swap3A_873 = arith.index_cast %swap3A_872 : i32 to index
    %swap3A_874 = arith.constant 64 : index
    %swap3A_875 = tpu.vector_load %arg10[%swap3A_873, %swap3A_874] {strides = array<i32>} : memref<16x128xf32, #tpu.memory_space<vmem>>, vector<1x16xf32>,
    %swap3A_876 = vector.shape_cast %swap3A_875 : vector<1x16xf32> to vector<16xf32>
    %swap3A_877 = vector.shape_cast %broadcast_in_dim3A_128 : vector<16xf32> to vector<1x16xf32>
    tpu.vector_store %arg10[%swap3A_873, %swap3A_874], %swap3A_877 {strides = array<i32>} : memref<16x128xf32, #tpu.memory_space<vmem>>, vector<1x16xf32>,
    %swap3A_878 = arith.constant 15 : i32
    %swap3A_879 = arith.index_cast %swap3A_878 : i32 to index
    %swap3A_880 = arith.constant 80 : index
    %swap3A_881 = tpu.vector_load %arg10[%swap3A_879, %swap3A_880] {strides = array<i32>} : memref<16x128xf32, #tpu.memory_space<vmem>>, vector<1x16xf32>,
    %swap3A_882 = vector.shape_cast %swap3A_881 : vector<1x16xf32> to vector<16xf32>
    %swap3A_883 = vector.shape_cast %broadcast_in_dim3A_128 : vector<16xf32> to vector<1x16xf32>
    tpu.vector_store %arg10[%swap3A_879, %swap3A_880], %swap3A_883 {strides = array<i32>} : memref<16x128xf32, #tpu.memory_space<vmem>>, vector<1x16xf32>,
    %swap3A_884 = arith.constant 15 : i32
    %swap3A_885 = arith.index_cast %swap3A_884 : i32 to index
    %swap3A_886 = arith.constant 96 : index
    %swap3A_887 = tpu.vector_load %arg10[%swap3A_885, %swap3A_886] {strides = array<i32>} : memref<16x128xf32, #tpu.memory_space<vmem>>, vector<1x16xf32>,
    %swap3A_888 = vector.shape_cast %swap3A_887 : vector<1x16xf32> to vector<16xf32>
    %swap3A_889 = vector.shape_cast %broadcast_in_dim3A_128 : vector<16xf32> to vector<1x16xf32>
    tpu.vector_store %arg10[%swap3A_885, %swap3A_886], %swap3A_889 {strides = array<i32>} : memref<16x128xf32, #tpu.memory_space<vmem>>, vector<1x16xf32>,
    %swap3A_890 = arith.constant 15 : i32
    %swap3A_891 = arith.index_cast %swap3A_890 : i32 to index
    %swap3A_892 = arith.constant 112 : index
    %swap3A_893 = tpu.vector_load %arg10[%swap3A_891, %swap3A_892] {strides = array<i32>} : memref<16x128xf32, #tpu.memory_space<vmem>>, vector<1x16xf32>,
    %swap3A_894 = vector.shape_cast %swap3A_893 : vector<1x16xf32> to vector<16xf32>
    %swap3A_895 = vector.shape_cast %broadcast_in_dim3A_128 : vector<16xf32> to vector<1x16xf32>
    tpu.vector_store %arg10[%swap3A_891, %swap3A_892], %swap3A_895 {strides = array<i32>} : memref<16x128xf32, #tpu.memory_space<vmem>>, vector<1x16xf32>,
    %mul3A_896 = arith.constant 640 : i32
    %mul3A_897 = arith.muli %arg1, %mul3A_896 : i32
    %add3A_898 = arith.constant 0 : i32
    %add3A_899 = arith.addi %mul3A_897, %add3A_898 : i32
    %dma_start3A_900 = arith.constant 0 : i32
    %dma_start3A_901 = tpu.memref_slice %arg11[%add3A_899, %dma_start3A_900] : memref<10240x128xf32, #tpu.memory_space<vmem_shared>> -> memref<16x128xf32, #tpu.memory_space<vmem_shared>>
    %dma_start3A_902 = arith.constant 0 : i32
    %dma_start3A_903 = tpu.memref_slice %arg11[%add3A_899, %dma_start3A_902] : memref<10240x128xf32, #tpu.memory_space<vmem_shared>> -> memref<16x128xf32, #tpu.memory_space<vmem_shared>>
    tpu.enqueue_dma source(%arg10 : memref<16x128xf32, #tpu.memory_space<vmem>>) target(%dma_start3A_903 : memref<16x128xf32, #tpu.memory_space<vmem_shared>>) target_semaphore(%arg12 : memref<!tpu.dma_semaphore, #tpu.memory_space<semaphore_mem>>)
    %mul3A_904 = arith.constant 640 : i32
    %mul3A_905 = arith.muli %arg1, %mul3A_904 : i32
    %add3A_906 = arith.constant 16 : i32
    %add3A_907 = arith.addi %mul3A_905, %add3A_906 : i32
    %dma_start3A_908 = arith.constant 0 : i32
    %dma_start3A_909 = tpu.memref_slice %arg11[%add3A_907, %dma_start3A_908] : memref<10240x128xf32, #tpu.memory_space<vmem_shared>> -> memref<16x128xf32, #tpu.memory_space<vmem_shared>>
    %dma_start3A_910 = arith.constant 0 : i32
    %dma_start3A_911 = tpu.memref_slice %arg11[%add3A_907, %dma_start3A_910] : memref<10240x128xf32, #tpu.memory_space<vmem_shared>> -> memref<16x128xf32, #tpu.memory_space<vmem_shared>>
    tpu.enqueue_dma source(%arg10 : memref<16x128xf32, #tpu.memory_space<vmem>>) target(%dma_start3A_911 : memref<16x128xf32, #tpu.memory_space<vmem_shared>>) target_semaphore(%arg12 : memref<!tpu.dma_semaphore, #tpu.memory_space<semaphore_mem>>)
    %mul3A_912 = arith.constant 640 : i32
    %mul3A_913 = arith.muli %arg1, %mul3A_912 : i32
    %add3A_914 = arith.constant 32 : i32
    %add3A_915 = arith.addi %mul3A_913, %add3A_914 : i32
    %dma_start3A_916 = arith.constant 0 : i32
    %dma_start3A_917 = tpu.memref_slice %arg11[%add3A_915, %dma_start3A_916] : memref<10240x128xf32, #tpu.memory_space<vmem_shared>> -> memref<16x128xf32, #tpu.memory_space<vmem_shared>>
    %dma_start3A_918 = arith.constant 0 : i32
    %dma_start3A_919 = tpu.memref_slice %arg11[%add3A_915, %dma_start3A_918] : memref<10240x128xf32, #tpu.memory_space<vmem_shared>> -> memref<16x128xf32, #tpu.memory_space<vmem_shared>>
    tpu.enqueue_dma source(%arg10 : memref<16x128xf32, #tpu.memory_space<vmem>>) target(%dma_start3A_919 : memref<16x128xf32, #tpu.memory_space<vmem_shared>>) target_semaphore(%arg12 : memref<!tpu.dma_semaphore, #tpu.memory_space<semaphore_mem>>)
    %mul3A_920 = arith.constant 640 : i32
    %mul3A_921 = arith.muli %arg1, %mul3A_920 : i32
    %add3A_922 = arith.constant 48 : i32
    %add3A_923 = arith.addi %mul3A_921, %add3A_922 : i32
    %dma_start3A_924 = arith.constant 0 : i32
    %dma_start3A_925 = tpu.memref_slice %arg11[%add3A_923, %dma_start3A_924] : memref<10240x128xf32, #tpu.memory_space<vmem_shared>> -> memref<16x128xf32, #tpu.memory_space<vmem_shared>>
    %dma_start3A_926 = arith.constant 0 : i32
    %dma_start3A_927 = tpu.memref_slice %arg11[%add3A_923, %dma_start3A_926] : memref<10240x128xf32, #tpu.memory_space<vmem_shared>> -> memref<16x128xf32, #tpu.memory_space<vmem_shared>>
    tpu.enqueue_dma source(%arg10 : memref<16x128xf32, #tpu.memory_space<vmem>>) target(%dma_start3A_927 : memref<16x128xf32, #tpu.memory_space<vmem_shared>>) target_semaphore(%arg12 : memref<!tpu.dma_semaphore, #tpu.memory_space<semaphore_mem>>)
    %mul3A_928 = arith.constant 640 : i32
    %mul3A_929 = arith.muli %arg1, %mul3A_928 : i32
    %add3A_930 = arith.constant 64 : i32
    %add3A_931 = arith.addi %mul3A_929, %add3A_930 : i32
    %dma_start3A_932 = arith.constant 0 : i32
    %dma_start3A_933 = tpu.memref_slice %arg11[%add3A_931, %dma_start3A_932] : memref<10240x128xf32, #tpu.memory_space<vmem_shared>> -> memref<16x128xf32, #tpu.memory_space<vmem_shared>>
    %dma_start3A_934 = arith.constant 0 : i32
    %dma_start3A_935 = tpu.memref_slice %arg11[%add3A_931, %dma_start3A_934] : memref<10240x128xf32, #tpu.memory_space<vmem_shared>> -> memref<16x128xf32, #tpu.memory_space<vmem_shared>>
    tpu.enqueue_dma source(%arg10 : memref<16x128xf32, #tpu.memory_space<vmem>>) target(%dma_start3A_935 : memref<16x128xf32, #tpu.memory_space<vmem_shared>>) target_semaphore(%arg12 : memref<!tpu.dma_semaphore, #tpu.memory_space<semaphore_mem>>)
    %mul3A_936 = arith.constant 640 : i32
    %mul3A_937 = arith.muli %arg1, %mul3A_936 : i32
    %add3A_938 = arith.constant 80 : i32
    %add3A_939 = arith.addi %mul3A_937, %add3A_938 : i32
    %dma_start3A_940 = arith.constant 0 : i32
    %dma_start3A_941 = tpu.memref_slice %arg11[%add3A_939, %dma_start3A_940] : memref<10240x128xf32, #tpu.memory_space<vmem_shared>> -> memref<16x128xf32, #tpu.memory_space<vmem_shared>>
    %dma_start3A_942 = arith.constant 0 : i32
    %dma_start3A_943 = tpu.memref_slice %arg11[%add3A_939, %dma_start3A_942] : memref<10240x128xf32, #tpu.memory_space<vmem_shared>> -> memref<16x128xf32, #tpu.memory_space<vmem_shared>>
    tpu.enqueue_dma source(%arg10 : memref<16x128xf32, #tpu.memory_space<vmem>>) target(%dma_start3A_943 : memref<16x128xf32, #tpu.memory_space<vmem_shared>>) target_semaphore(%arg12 : memref<!tpu.dma_semaphore, #tpu.memory_space<semaphore_mem>>)
    %mul3A_944 = arith.constant 640 : i32
    %mul3A_945 = arith.muli %arg1, %mul3A_944 : i32
    %add3A_946 = arith.constant 96 : i32
    %add3A_947 = arith.addi %mul3A_945, %add3A_946 : i32
    %dma_start3A_948 = arith.constant 0 : i32
    %dma_start3A_949 = tpu.memref_slice %arg11[%add3A_947, %dma_start3A_948] : memref<10240x128xf32, #tpu.memory_space<vmem_shared>> -> memref<16x128xf32, #tpu.memory_space<vmem_shared>>
    %dma_start3A_950 = arith.constant 0 : i32
    %dma_start3A_951 = tpu.memref_slice %arg11[%add3A_947, %dma_start3A_950] : memref<10240x128xf32, #tpu.memory_space<vmem_shared>> -> memref<16x128xf32, #tpu.memory_space<vmem_shared>>
    tpu.enqueue_dma source(%arg10 : memref<16x128xf32, #tpu.memory_space<vmem>>) target(%dma_start3A_951 : memref<16x128xf32, #tpu.memory_space<vmem_shared>>) target_semaphore(%arg12 : memref<!tpu.dma_semaphore, #tpu.memory_space<semaphore_mem>>)
    %mul3A_952 = arith.constant 640 : i32
    %mul3A_953 = arith.muli %arg1, %mul3A_952 : i32
    %add3A_954 = arith.constant 112 : i32
    %add3A_955 = arith.addi %mul3A_953, %add3A_954 : i32
    %dma_start3A_956 = arith.constant 0 : i32
    %dma_start3A_957 = tpu.memref_slice %arg11[%add3A_955, %dma_start3A_956] : memref<10240x128xf32, #tpu.memory_space<vmem_shared>> -> memref<16x128xf32, #tpu.memory_space<vmem_shared>>
    %dma_start3A_958 = arith.constant 0 : i32
    %dma_start3A_959 = tpu.memref_slice %arg11[%add3A_955, %dma_start3A_958] : memref<10240x128xf32, #tpu.memory_space<vmem_shared>> -> memref<16x128xf32, #tpu.memory_space<vmem_shared>>
    tpu.enqueue_dma source(%arg10 : memref<16x128xf32, #tpu.memory_space<vmem>>) target(%dma_start3A_959 : memref<16x128xf32, #tpu.memory_space<vmem_shared>>) target_semaphore(%arg12 : memref<!tpu.dma_semaphore, #tpu.memory_space<semaphore_mem>>)
    %mul3A_960 = arith.constant 640 : i32
    %mul3A_961 = arith.muli %arg1, %mul3A_960 : i32
    %add3A_962 = arith.constant 128 : i32
    %add3A_963 = arith.addi %mul3A_961, %add3A_962 : i32
    %dma_start3A_964 = arith.constant 0 : i32
    %dma_start3A_965 = tpu.memref_slice %arg11[%add3A_963, %dma_start3A_964] : memref<10240x128xf32, #tpu.memory_space<vmem_shared>> -> memref<16x128xf32, #tpu.memory_space<vmem_shared>>
    %dma_start3A_966 = arith.constant 0 : i32
    %dma_start3A_967 = tpu.memref_slice %arg11[%add3A_963, %dma_start3A_966] : memref<10240x128xf32, #tpu.memory_space<vmem_shared>> -> memref<16x128xf32, #tpu.memory_space<vmem_shared>>
    tpu.enqueue_dma source(%arg10 : memref<16x128xf32, #tpu.memory_space<vmem>>) target(%dma_start3A_967 : memref<16x128xf32, #tpu.memory_space<vmem_shared>>) target_semaphore(%arg12 : memref<!tpu.dma_semaphore, #tpu.memory_space<semaphore_mem>>)
    %mul3A_968 = arith.constant 640 : i32
    %mul3A_969 = arith.muli %arg1, %mul3A_968 : i32
    %add3A_970 = arith.constant 144 : i32
    %add3A_971 = arith.addi %mul3A_969, %add3A_970 : i32
    %dma_start3A_972 = arith.constant 0 : i32
    %dma_start3A_973 = tpu.memref_slice %arg11[%add3A_971, %dma_start3A_972] : memref<10240x128xf32, #tpu.memory_space<vmem_shared>> -> memref<16x128xf32, #tpu.memory_space<vmem_shared>>
    %dma_start3A_974 = arith.constant 0 : i32
    %dma_start3A_975 = tpu.memref_slice %arg11[%add3A_971, %dma_start3A_974] : memref<10240x128xf32, #tpu.memory_space<vmem_shared>> -> memref<16x128xf32, #tpu.memory_space<vmem_shared>>
    tpu.enqueue_dma source(%arg10 : memref<16x128xf32, #tpu.memory_space<vmem>>) target(%dma_start3A_975 : memref<16x128xf32, #tpu.memory_space<vmem_shared>>) target_semaphore(%arg12 : memref<!tpu.dma_semaphore, #tpu.memory_space<semaphore_mem>>)
    %mul3A_976 = arith.constant 640 : i32
    %mul3A_977 = arith.muli %arg1, %mul3A_976 : i32
    %add3A_978 = arith.constant 160 : i32
    %add3A_979 = arith.addi %mul3A_977, %add3A_978 : i32
    %dma_start3A_980 = arith.constant 0 : i32
    %dma_start3A_981 = tpu.memref_slice %arg11[%add3A_979, %dma_start3A_980] : memref<10240x128xf32, #tpu.memory_space<vmem_shared>> -> memref<16x128xf32, #tpu.memory_space<vmem_shared>>
    %dma_start3A_982 = arith.constant 0 : i32
    %dma_start3A_983 = tpu.memref_slice %arg11[%add3A_979, %dma_start3A_982] : memref<10240x128xf32, #tpu.memory_space<vmem_shared>> -> memref<16x128xf32, #tpu.memory_space<vmem_shared>>
    tpu.enqueue_dma source(%arg10 : memref<16x128xf32, #tpu.memory_space<vmem>>) target(%dma_start3A_983 : memref<16x128xf32, #tpu.memory_space<vmem_shared>>) target_semaphore(%arg12 : memref<!tpu.dma_semaphore, #tpu.memory_space<semaphore_mem>>)
    %mul3A_984 = arith.constant 640 : i32
    %mul3A_985 = arith.muli %arg1, %mul3A_984 : i32
    %add3A_986 = arith.constant 176 : i32
    %add3A_987 = arith.addi %mul3A_985, %add3A_986 : i32
    %dma_start3A_988 = arith.constant 0 : i32
    %dma_start3A_989 = tpu.memref_slice %arg11[%add3A_987, %dma_start3A_988] : memref<10240x128xf32, #tpu.memory_space<vmem_shared>> -> memref<16x128xf32, #tpu.memory_space<vmem_shared>>
    %dma_start3A_990 = arith.constant 0 : i32
    %dma_start3A_991 = tpu.memref_slice %arg11[%add3A_987, %dma_start3A_990] : memref<10240x128xf32, #tpu.memory_space<vmem_shared>> -> memref<16x128xf32, #tpu.memory_space<vmem_shared>>
    tpu.enqueue_dma source(%arg10 : memref<16x128xf32, #tpu.memory_space<vmem>>) target(%dma_start3A_991 : memref<16x128xf32, #tpu.memory_space<vmem_shared>>) target_semaphore(%arg12 : memref<!tpu.dma_semaphore, #tpu.memory_space<semaphore_mem>>)
    %mul3A_992 = arith.constant 640 : i32
    %mul3A_993 = arith.muli %arg1, %mul3A_992 : i32
    %add3A_994 = arith.constant 192 : i32
    %add3A_995 = arith.addi %mul3A_993, %add3A_994 : i32
    %dma_start3A_996 = arith.constant 0 : i32
    %dma_start3A_997 = tpu.memref_slice %arg11[%add3A_995, %dma_start3A_996] : memref<10240x128xf32, #tpu.memory_space<vmem_shared>> -> memref<16x128xf32, #tpu.memory_space<vmem_shared>>
    %dma_start3A_998 = arith.constant 0 : i32
    %dma_start3A_999 = tpu.memref_slice %arg11[%add3A_995, %dma_start3A_998] : memref<10240x128xf32, #tpu.memory_space<vmem_shared>> -> memref<16x128xf32, #tpu.memory_space<vmem_shared>>
    tpu.enqueue_dma source(%arg10 : memref<16x128xf32, #tpu.memory_space<vmem>>) target(%dma_start3A_999 : memref<16x128xf32, #tpu.memory_space<vmem_shared>>) target_semaphore(%arg12 : memref<!tpu.dma_semaphore, #tpu.memory_space<semaphore_mem>>)
    %mul3A_1000 = arith.constant 640 : i32
    %mul3A_1001 = arith.muli %arg1, %mul3A_1000 : i32
    %add3A_1002 = arith.constant 208 : i32
    %add3A_1003 = arith.addi %mul3A_1001, %add3A_1002 : i32
    %dma_start3A_1004 = arith.constant 0 : i32
    %dma_start3A_1005 = tpu.memref_slice %arg11[%add3A_1003, %dma_start3A_1004] : memref<10240x128xf32, #tpu.memory_space<vmem_shared>> -> memref<16x128xf32, #tpu.memory_space<vmem_shared>>
    %dma_start3A_1006 = arith.constant 0 : i32
    %dma_start3A_1007 = tpu.memref_slice %arg11[%add3A_1003, %dma_start3A_1006] : memref<10240x128xf32, #tpu.memory_space<vmem_shared>> -> memref<16x128xf32, #tpu.memory_space<vmem_shared>>
    tpu.enqueue_dma source(%arg10 : memref<16x128xf32, #tpu.memory_space<vmem>>) target(%dma_start3A_1007 : memref<16x128xf32, #tpu.memory_space<vmem_shared>>) target_semaphore(%arg12 : memref<!tpu.dma_semaphore, #tpu.memory_space<semaphore_mem>>)
    %mul3A_1008 = arith.constant 640 : i32
    %mul3A_1009 = arith.muli %arg1, %mul3A_1008 : i32
    %add3A_1010 = arith.constant 224 : i32
    %add3A_1011 = arith.addi %mul3A_1009, %add3A_1010 : i32
    %dma_start3A_1012 = arith.constant 0 : i32
    %dma_start3A_1013 = tpu.memref_slice %arg11[%add3A_1011, %dma_start3A_1012] : memref<10240x128xf32, #tpu.memory_space<vmem_shared>> -> memref<16x128xf32, #tpu.memory_space<vmem_shared>>
    %dma_start3A_1014 = arith.constant 0 : i32
    %dma_start3A_1015 = tpu.memref_slice %arg11[%add3A_1011, %dma_start3A_1014] : memref<10240x128xf32, #tpu.memory_space<vmem_shared>> -> memref<16x128xf32, #tpu.memory_space<vmem_shared>>
    tpu.enqueue_dma source(%arg10 : memref<16x128xf32, #tpu.memory_space<vmem>>) target(%dma_start3A_1015 : memref<16x128xf32, #tpu.memory_space<vmem_shared>>) target_semaphore(%arg12 : memref<!tpu.dma_semaphore, #tpu.memory_space<semaphore_mem>>)
    %mul3A_1016 = arith.constant 640 : i32
    %mul3A_1017 = arith.muli %arg1, %mul3A_1016 : i32
    %add3A_1018 = arith.constant 240 : i32
    %add3A_1019 = arith.addi %mul3A_1017, %add3A_1018 : i32
    %dma_start3A_1020 = arith.constant 0 : i32
    %dma_start3A_1021 = tpu.memref_slice %arg11[%add3A_1019, %dma_start3A_1020] : memref<10240x128xf32, #tpu.memory_space<vmem_shared>> -> memref<16x128xf32, #tpu.memory_space<vmem_shared>>
    %dma_start3A_1022 = arith.constant 0 : i32
    %dma_start3A_1023 = tpu.memref_slice %arg11[%add3A_1019, %dma_start3A_1022] : memref<10240x128xf32, #tpu.memory_space<vmem_shared>> -> memref<16x128xf32, #tpu.memory_space<vmem_shared>>
    tpu.enqueue_dma source(%arg10 : memref<16x128xf32, #tpu.memory_space<vmem>>) target(%dma_start3A_1023 : memref<16x128xf32, #tpu.memory_space<vmem_shared>>) target_semaphore(%arg12 : memref<!tpu.dma_semaphore, #tpu.memory_space<semaphore_mem>>)
    %mul3A_1024 = arith.constant 640 : i32
    %mul3A_1025 = arith.muli %arg1, %mul3A_1024 : i32
    %add3A_1026 = arith.constant 256 : i32
    %add3A_1027 = arith.addi %mul3A_1025, %add3A_1026 : i32
    %dma_start3A_1028 = arith.constant 0 : i32
    %dma_start3A_1029 = tpu.memref_slice %arg11[%add3A_1027, %dma_start3A_1028] : memref<10240x128xf32, #tpu.memory_space<vmem_shared>> -> memref<16x128xf32, #tpu.memory_space<vmem_shared>>
    %dma_start3A_1030 = arith.constant 0 : i32
    %dma_start3A_1031 = tpu.memref_slice %arg11[%add3A_1027, %dma_start3A_1030] : memref<10240x128xf32, #tpu.memory_space<vmem_shared>> -> memref<16x128xf32, #tpu.memory_space<vmem_shared>>
    tpu.enqueue_dma source(%arg10 : memref<16x128xf32, #tpu.memory_space<vmem>>) target(%dma_start3A_1031 : memref<16x128xf32, #tpu.memory_space<vmem_shared>>) target_semaphore(%arg12 : memref<!tpu.dma_semaphore, #tpu.memory_space<semaphore_mem>>)
    %mul3A_1032 = arith.constant 640 : i32
    %mul3A_1033 = arith.muli %arg1, %mul3A_1032 : i32
    %add3A_1034 = arith.constant 272 : i32
    %add3A_1035 = arith.addi %mul3A_1033, %add3A_1034 : i32
    %dma_start3A_1036 = arith.constant 0 : i32
    %dma_start3A_1037 = tpu.memref_slice %arg11[%add3A_1035, %dma_start3A_1036] : memref<10240x128xf32, #tpu.memory_space<vmem_shared>> -> memref<16x128xf32, #tpu.memory_space<vmem_shared>>
    %dma_start3A_1038 = arith.constant 0 : i32
    %dma_start3A_1039 = tpu.memref_slice %arg11[%add3A_1035, %dma_start3A_1038] : memref<10240x128xf32, #tpu.memory_space<vmem_shared>> -> memref<16x128xf32, #tpu.memory_space<vmem_shared>>
    tpu.enqueue_dma source(%arg10 : memref<16x128xf32, #tpu.memory_space<vmem>>) target(%dma_start3A_1039 : memref<16x128xf32, #tpu.memory_space<vmem_shared>>) target_semaphore(%arg12 : memref<!tpu.dma_semaphore, #tpu.memory_space<semaphore_mem>>)
    %mul3A_1040 = arith.constant 640 : i32
    %mul3A_1041 = arith.muli %arg1, %mul3A_1040 : i32
    %add3A_1042 = arith.constant 288 : i32
    %add3A_1043 = arith.addi %mul3A_1041, %add3A_1042 : i32
    %dma_start3A_1044 = arith.constant 0 : i32
    %dma_start3A_1045 = tpu.memref_slice %arg11[%add3A_1043, %dma_start3A_1044] : memref<10240x128xf32, #tpu.memory_space<vmem_shared>> -> memref<16x128xf32, #tpu.memory_space<vmem_shared>>
    %dma_start3A_1046 = arith.constant 0 : i32
    %dma_start3A_1047 = tpu.memref_slice %arg11[%add3A_1043, %dma_start3A_1046] : memref<10240x128xf32, #tpu.memory_space<vmem_shared>> -> memref<16x128xf32, #tpu.memory_space<vmem_shared>>
    tpu.enqueue_dma source(%arg10 : memref<16x128xf32, #tpu.memory_space<vmem>>) target(%dma_start3A_1047 : memref<16x128xf32, #tpu.memory_space<vmem_shared>>) target_semaphore(%arg12 : memref<!tpu.dma_semaphore, #tpu.memory_space<semaphore_mem>>)
    %mul3A_1048 = arith.constant 640 : i32
    %mul3A_1049 = arith.muli %arg1, %mul3A_1048 : i32
    %add3A_1050 = arith.constant 304 : i32
    %add3A_1051 = arith.addi %mul3A_1049, %add3A_1050 : i32
    %dma_start3A_1052 = arith.constant 0 : i32
    %dma_start3A_1053 = tpu.memref_slice %arg11[%add3A_1051, %dma_start3A_1052] : memref<10240x128xf32, #tpu.memory_space<vmem_shared>> -> memref<16x128xf32, #tpu.memory_space<vmem_shared>>
    %dma_start3A_1054 = arith.constant 0 : i32
    %dma_start3A_1055 = tpu.memref_slice %arg11[%add3A_1051, %dma_start3A_1054] : memref<10240x128xf32, #tpu.memory_space<vmem_shared>> -> memref<16x128xf32, #tpu.memory_space<vmem_shared>>
    tpu.enqueue_dma source(%arg10 : memref<16x128xf32, #tpu.memory_space<vmem>>) target(%dma_start3A_1055 : memref<16x128xf32, #tpu.memory_space<vmem_shared>>) target_semaphore(%arg12 : memref<!tpu.dma_semaphore, #tpu.memory_space<semaphore_mem>>)
    %mul3A_1056 = arith.constant 640 : i32
    %mul3A_1057 = arith.muli %arg1, %mul3A_1056 : i32
    %add3A_1058 = arith.constant 320 : i32
    %add3A_1059 = arith.addi %mul3A_1057, %add3A_1058 : i32
    %dma_start3A_1060 = arith.constant 0 : i32
    %dma_start3A_1061 = tpu.memref_slice %arg11[%add3A_1059, %dma_start3A_1060] : memref<10240x128xf32, #tpu.memory_space<vmem_shared>> -> memref<16x128xf32, #tpu.memory_space<vmem_shared>>
    %dma_start3A_1062 = arith.constant 0 : i32
    %dma_start3A_1063 = tpu.memref_slice %arg11[%add3A_1059, %dma_start3A_1062] : memref<10240x128xf32, #tpu.memory_space<vmem_shared>> -> memref<16x128xf32, #tpu.memory_space<vmem_shared>>
    tpu.enqueue_dma source(%arg10 : memref<16x128xf32, #tpu.memory_space<vmem>>) target(%dma_start3A_1063 : memref<16x128xf32, #tpu.memory_space<vmem_shared>>) target_semaphore(%arg12 : memref<!tpu.dma_semaphore, #tpu.memory_space<semaphore_mem>>)
    %mul3A_1064 = arith.constant 640 : i32
    %mul3A_1065 = arith.muli %arg1, %mul3A_1064 : i32
    %add3A_1066 = arith.constant 336 : i32
    %add3A_1067 = arith.addi %mul3A_1065, %add3A_1066 : i32
    %dma_start3A_1068 = arith.constant 0 : i32
    %dma_start3A_1069 = tpu.memref_slice %arg11[%add3A_1067, %dma_start3A_1068] : memref<10240x128xf32, #tpu.memory_space<vmem_shared>> -> memref<16x128xf32, #tpu.memory_space<vmem_shared>>
    %dma_start3A_1070 = arith.constant 0 : i32
    %dma_start3A_1071 = tpu.memref_slice %arg11[%add3A_1067, %dma_start3A_1070] : memref<10240x128xf32, #tpu.memory_space<vmem_shared>> -> memref<16x128xf32, #tpu.memory_space<vmem_shared>>
    tpu.enqueue_dma source(%arg10 : memref<16x128xf32, #tpu.memory_space<vmem>>) target(%dma_start3A_1071 : memref<16x128xf32, #tpu.memory_space<vmem_shared>>) target_semaphore(%arg12 : memref<!tpu.dma_semaphore, #tpu.memory_space<semaphore_mem>>)
    %mul3A_1072 = arith.constant 640 : i32
    %mul3A_1073 = arith.muli %arg1, %mul3A_1072 : i32
    %add3A_1074 = arith.constant 352 : i32
    %add3A_1075 = arith.addi %mul3A_1073, %add3A_1074 : i32
    %dma_start3A_1076 = arith.constant 0 : i32
    %dma_start3A_1077 = tpu.memref_slice %arg11[%add3A_1075, %dma_start3A_1076] : memref<10240x128xf32, #tpu.memory_space<vmem_shared>> -> memref<16x128xf32, #tpu.memory_space<vmem_shared>>
    %dma_start3A_1078 = arith.constant 0 : i32
    %dma_start3A_1079 = tpu.memref_slice %arg11[%add3A_1075, %dma_start3A_1078] : memref<10240x128xf32, #tpu.memory_space<vmem_shared>> -> memref<16x128xf32, #tpu.memory_space<vmem_shared>>
    tpu.enqueue_dma source(%arg10 : memref<16x128xf32, #tpu.memory_space<vmem>>) target(%dma_start3A_1079 : memref<16x128xf32, #tpu.memory_space<vmem_shared>>) target_semaphore(%arg12 : memref<!tpu.dma_semaphore, #tpu.memory_space<semaphore_mem>>)
    %mul3A_1080 = arith.constant 640 : i32
    %mul3A_1081 = arith.muli %arg1, %mul3A_1080 : i32
    %add3A_1082 = arith.constant 368 : i32
    %add3A_1083 = arith.addi %mul3A_1081, %add3A_1082 : i32
    %dma_start3A_1084 = arith.constant 0 : i32
    %dma_start3A_1085 = tpu.memref_slice %arg11[%add3A_1083, %dma_start3A_1084] : memref<10240x128xf32, #tpu.memory_space<vmem_shared>> -> memref<16x128xf32, #tpu.memory_space<vmem_shared>>
    %dma_start3A_1086 = arith.constant 0 : i32
    %dma_start3A_1087 = tpu.memref_slice %arg11[%add3A_1083, %dma_start3A_1086] : memref<10240x128xf32, #tpu.memory_space<vmem_shared>> -> memref<16x128xf32, #tpu.memory_space<vmem_shared>>
    tpu.enqueue_dma source(%arg10 : memref<16x128xf32, #tpu.memory_space<vmem>>) target(%dma_start3A_1087 : memref<16x128xf32, #tpu.memory_space<vmem_shared>>) target_semaphore(%arg12 : memref<!tpu.dma_semaphore, #tpu.memory_space<semaphore_mem>>)
    %mul3A_1088 = arith.constant 640 : i32
    %mul3A_1089 = arith.muli %arg1, %mul3A_1088 : i32
    %add3A_1090 = arith.constant 384 : i32
    %add3A_1091 = arith.addi %mul3A_1089, %add3A_1090 : i32
    %dma_start3A_1092 = arith.constant 0 : i32
    %dma_start3A_1093 = tpu.memref_slice %arg11[%add3A_1091, %dma_start3A_1092] : memref<10240x128xf32, #tpu.memory_space<vmem_shared>> -> memref<16x128xf32, #tpu.memory_space<vmem_shared>>
    %dma_start3A_1094 = arith.constant 0 : i32
    %dma_start3A_1095 = tpu.memref_slice %arg11[%add3A_1091, %dma_start3A_1094] : memref<10240x128xf32, #tpu.memory_space<vmem_shared>> -> memref<16x128xf32, #tpu.memory_space<vmem_shared>>
    tpu.enqueue_dma source(%arg10 : memref<16x128xf32, #tpu.memory_space<vmem>>) target(%dma_start3A_1095 : memref<16x128xf32, #tpu.memory_space<vmem_shared>>) target_semaphore(%arg12 : memref<!tpu.dma_semaphore, #tpu.memory_space<semaphore_mem>>)
    %mul3A_1096 = arith.constant 640 : i32
    %mul3A_1097 = arith.muli %arg1, %mul3A_1096 : i32
    %add3A_1098 = arith.constant 400 : i32
    %add3A_1099 = arith.addi %mul3A_1097, %add3A_1098 : i32
    %dma_start3A_1100 = arith.constant 0 : i32
    %dma_start3A_1101 = tpu.memref_slice %arg11[%add3A_1099, %dma_start3A_1100] : memref<10240x128xf32, #tpu.memory_space<vmem_shared>> -> memref<16x128xf32, #tpu.memory_space<vmem_shared>>
    %dma_start3A_1102 = arith.constant 0 : i32
    %dma_start3A_1103 = tpu.memref_slice %arg11[%add3A_1099, %dma_start3A_1102] : memref<10240x128xf32, #tpu.memory_space<vmem_shared>> -> memref<16x128xf32, #tpu.memory_space<vmem_shared>>
    tpu.enqueue_dma source(%arg10 : memref<16x128xf32, #tpu.memory_space<vmem>>) target(%dma_start3A_1103 : memref<16x128xf32, #tpu.memory_space<vmem_shared>>) target_semaphore(%arg12 : memref<!tpu.dma_semaphore, #tpu.memory_space<semaphore_mem>>)
    %mul3A_1104 = arith.constant 640 : i32
    %mul3A_1105 = arith.muli %arg1, %mul3A_1104 : i32
    %add3A_1106 = arith.constant 416 : i32
    %add3A_1107 = arith.addi %mul3A_1105, %add3A_1106 : i32
    %dma_start3A_1108 = arith.constant 0 : i32
    %dma_start3A_1109 = tpu.memref_slice %arg11[%add3A_1107, %dma_start3A_1108] : memref<10240x128xf32, #tpu.memory_space<vmem_shared>> -> memref<16x128xf32, #tpu.memory_space<vmem_shared>>
    %dma_start3A_1110 = arith.constant 0 : i32
    %dma_start3A_1111 = tpu.memref_slice %arg11[%add3A_1107, %dma_start3A_1110] : memref<10240x128xf32, #tpu.memory_space<vmem_shared>> -> memref<16x128xf32, #tpu.memory_space<vmem_shared>>
    tpu.enqueue_dma source(%arg10 : memref<16x128xf32, #tpu.memory_space<vmem>>) target(%dma_start3A_1111 : memref<16x128xf32, #tpu.memory_space<vmem_shared>>) target_semaphore(%arg12 : memref<!tpu.dma_semaphore, #tpu.memory_space<semaphore_mem>>)
    %mul3A_1112 = arith.constant 640 : i32
    %mul3A_1113 = arith.muli %arg1, %mul3A_1112 : i32
    %add3A_1114 = arith.constant 432 : i32
    %add3A_1115 = arith.addi %mul3A_1113, %add3A_1114 : i32
    %dma_start3A_1116 = arith.constant 0 : i32
    %dma_start3A_1117 = tpu.memref_slice %arg11[%add3A_1115, %dma_start3A_1116] : memref<10240x128xf32, #tpu.memory_space<vmem_shared>> -> memref<16x128xf32, #tpu.memory_space<vmem_shared>>
    %dma_start3A_1118 = arith.constant 0 : i32
    %dma_start3A_1119 = tpu.memref_slice %arg11[%add3A_1115, %dma_start3A_1118] : memref<10240x128xf32, #tpu.memory_space<vmem_shared>> -> memref<16x128xf32, #tpu.memory_space<vmem_shared>>
    tpu.enqueue_dma source(%arg10 : memref<16x128xf32, #tpu.memory_space<vmem>>) target(%dma_start3A_1119 : memref<16x128xf32, #tpu.memory_space<vmem_shared>>) target_semaphore(%arg12 : memref<!tpu.dma_semaphore, #tpu.memory_space<semaphore_mem>>)
    %mul3A_1120 = arith.constant 640 : i32
    %mul3A_1121 = arith.muli %arg1, %mul3A_1120 : i32
    %add3A_1122 = arith.constant 448 : i32
    %add3A_1123 = arith.addi %mul3A_1121, %add3A_1122 : i32
    %dma_start3A_1124 = arith.constant 0 : i32
    %dma_start3A_1125 = tpu.memref_slice %arg11[%add3A_1123, %dma_start3A_1124] : memref<10240x128xf32, #tpu.memory_space<vmem_shared>> -> memref<16x128xf32, #tpu.memory_space<vmem_shared>>
    %dma_start3A_1126 = arith.constant 0 : i32
    %dma_start3A_1127 = tpu.memref_slice %arg11[%add3A_1123, %dma_start3A_1126] : memref<10240x128xf32, #tpu.memory_space<vmem_shared>> -> memref<16x128xf32, #tpu.memory_space<vmem_shared>>
    tpu.enqueue_dma source(%arg10 : memref<16x128xf32, #tpu.memory_space<vmem>>) target(%dma_start3A_1127 : memref<16x128xf32, #tpu.memory_space<vmem_shared>>) target_semaphore(%arg12 : memref<!tpu.dma_semaphore, #tpu.memory_space<semaphore_mem>>)
    %mul3A_1128 = arith.constant 640 : i32
    %mul3A_1129 = arith.muli %arg1, %mul3A_1128 : i32
    %add3A_1130 = arith.constant 464 : i32
    %add3A_1131 = arith.addi %mul3A_1129, %add3A_1130 : i32
    %dma_start3A_1132 = arith.constant 0 : i32
    %dma_start3A_1133 = tpu.memref_slice %arg11[%add3A_1131, %dma_start3A_1132] : memref<10240x128xf32, #tpu.memory_space<vmem_shared>> -> memref<16x128xf32, #tpu.memory_space<vmem_shared>>
    %dma_start3A_1134 = arith.constant 0 : i32
    %dma_start3A_1135 = tpu.memref_slice %arg11[%add3A_1131, %dma_start3A_1134] : memref<10240x128xf32, #tpu.memory_space<vmem_shared>> -> memref<16x128xf32, #tpu.memory_space<vmem_shared>>
    tpu.enqueue_dma source(%arg10 : memref<16x128xf32, #tpu.memory_space<vmem>>) target(%dma_start3A_1135 : memref<16x128xf32, #tpu.memory_space<vmem_shared>>) target_semaphore(%arg12 : memref<!tpu.dma_semaphore, #tpu.memory_space<semaphore_mem>>)
    %mul3A_1136 = arith.constant 640 : i32
    %mul3A_1137 = arith.muli %arg1, %mul3A_1136 : i32
    %add3A_1138 = arith.constant 480 : i32
    %add3A_1139 = arith.addi %mul3A_1137, %add3A_1138 : i32
    %dma_start3A_1140 = arith.constant 0 : i32
    %dma_start3A_1141 = tpu.memref_slice %arg11[%add3A_1139, %dma_start3A_1140] : memref<10240x128xf32, #tpu.memory_space<vmem_shared>> -> memref<16x128xf32, #tpu.memory_space<vmem_shared>>
    %dma_start3A_1142 = arith.constant 0 : i32
    %dma_start3A_1143 = tpu.memref_slice %arg11[%add3A_1139, %dma_start3A_1142] : memref<10240x128xf32, #tpu.memory_space<vmem_shared>> -> memref<16x128xf32, #tpu.memory_space<vmem_shared>>
    tpu.enqueue_dma source(%arg10 : memref<16x128xf32, #tpu.memory_space<vmem>>) target(%dma_start3A_1143 : memref<16x128xf32, #tpu.memory_space<vmem_shared>>) target_semaphore(%arg12 : memref<!tpu.dma_semaphore, #tpu.memory_space<semaphore_mem>>)
    %mul3A_1144 = arith.constant 640 : i32
    %mul3A_1145 = arith.muli %arg1, %mul3A_1144 : i32
    %add3A_1146 = arith.constant 496 : i32
    %add3A_1147 = arith.addi %mul3A_1145, %add3A_1146 : i32
    %dma_start3A_1148 = arith.constant 0 : i32
    %dma_start3A_1149 = tpu.memref_slice %arg11[%add3A_1147, %dma_start3A_1148] : memref<10240x128xf32, #tpu.memory_space<vmem_shared>> -> memref<16x128xf32, #tpu.memory_space<vmem_shared>>
    %dma_start3A_1150 = arith.constant 0 : i32
    %dma_start3A_1151 = tpu.memref_slice %arg11[%add3A_1147, %dma_start3A_1150] : memref<10240x128xf32, #tpu.memory_space<vmem_shared>> -> memref<16x128xf32, #tpu.memory_space<vmem_shared>>
    tpu.enqueue_dma source(%arg10 : memref<16x128xf32, #tpu.memory_space<vmem>>) target(%dma_start3A_1151 : memref<16x128xf32, #tpu.memory_space<vmem_shared>>) target_semaphore(%arg12 : memref<!tpu.dma_semaphore, #tpu.memory_space<semaphore_mem>>)
    %mul3A_1152 = arith.constant 640 : i32
    %mul3A_1153 = arith.muli %arg1, %mul3A_1152 : i32
    %add3A_1154 = arith.constant 512 : i32
    %add3A_1155 = arith.addi %mul3A_1153, %add3A_1154 : i32
    %dma_start3A_1156 = arith.constant 0 : i32
    %dma_start3A_1157 = tpu.memref_slice %arg11[%add3A_1155, %dma_start3A_1156] : memref<10240x128xf32, #tpu.memory_space<vmem_shared>> -> memref<16x128xf32, #tpu.memory_space<vmem_shared>>
    %dma_start3A_1158 = arith.constant 0 : i32
    %dma_start3A_1159 = tpu.memref_slice %arg11[%add3A_1155, %dma_start3A_1158] : memref<10240x128xf32, #tpu.memory_space<vmem_shared>> -> memref<16x128xf32, #tpu.memory_space<vmem_shared>>
    tpu.enqueue_dma source(%arg10 : memref<16x128xf32, #tpu.memory_space<vmem>>) target(%dma_start3A_1159 : memref<16x128xf32, #tpu.memory_space<vmem_shared>>) target_semaphore(%arg12 : memref<!tpu.dma_semaphore, #tpu.memory_space<semaphore_mem>>)
    %mul3A_1160 = arith.constant 640 : i32
    %mul3A_1161 = arith.muli %arg1, %mul3A_1160 : i32
    %add3A_1162 = arith.constant 528 : i32
    %add3A_1163 = arith.addi %mul3A_1161, %add3A_1162 : i32
    %dma_start3A_1164 = arith.constant 0 : i32
    %dma_start3A_1165 = tpu.memref_slice %arg11[%add3A_1163, %dma_start3A_1164] : memref<10240x128xf32, #tpu.memory_space<vmem_shared>> -> memref<16x128xf32, #tpu.memory_space<vmem_shared>>
    %dma_start3A_1166 = arith.constant 0 : i32
    %dma_start3A_1167 = tpu.memref_slice %arg11[%add3A_1163, %dma_start3A_1166] : memref<10240x128xf32, #tpu.memory_space<vmem_shared>> -> memref<16x128xf32, #tpu.memory_space<vmem_shared>>
    tpu.enqueue_dma source(%arg10 : memref<16x128xf32, #tpu.memory_space<vmem>>) target(%dma_start3A_1167 : memref<16x128xf32, #tpu.memory_space<vmem_shared>>) target_semaphore(%arg12 : memref<!tpu.dma_semaphore, #tpu.memory_space<semaphore_mem>>)
    %mul3A_1168 = arith.constant 640 : i32
    %mul3A_1169 = arith.muli %arg1, %mul3A_1168 : i32
    %add3A_1170 = arith.constant 544 : i32
    %add3A_1171 = arith.addi %mul3A_1169, %add3A_1170 : i32
    %dma_start3A_1172 = arith.constant 0 : i32
    %dma_start3A_1173 = tpu.memref_slice %arg11[%add3A_1171, %dma_start3A_1172] : memref<10240x128xf32, #tpu.memory_space<vmem_shared>> -> memref<16x128xf32, #tpu.memory_space<vmem_shared>>
    %dma_start3A_1174 = arith.constant 0 : i32
    %dma_start3A_1175 = tpu.memref_slice %arg11[%add3A_1171, %dma_start3A_1174] : memref<10240x128xf32, #tpu.memory_space<vmem_shared>> -> memref<16x128xf32, #tpu.memory_space<vmem_shared>>
    tpu.enqueue_dma source(%arg10 : memref<16x128xf32, #tpu.memory_space<vmem>>) target(%dma_start3A_1175 : memref<16x128xf32, #tpu.memory_space<vmem_shared>>) target_semaphore(%arg12 : memref<!tpu.dma_semaphore, #tpu.memory_space<semaphore_mem>>)
    %mul3A_1176 = arith.constant 640 : i32
    %mul3A_1177 = arith.muli %arg1, %mul3A_1176 : i32
    %add3A_1178 = arith.constant 560 : i32
    %add3A_1179 = arith.addi %mul3A_1177, %add3A_1178 : i32
    %dma_start3A_1180 = arith.constant 0 : i32
    %dma_start3A_1181 = tpu.memref_slice %arg11[%add3A_1179, %dma_start3A_1180] : memref<10240x128xf32, #tpu.memory_space<vmem_shared>> -> memref<16x128xf32, #tpu.memory_space<vmem_shared>>
    %dma_start3A_1182 = arith.constant 0 : i32
    %dma_start3A_1183 = tpu.memref_slice %arg11[%add3A_1179, %dma_start3A_1182] : memref<10240x128xf32, #tpu.memory_space<vmem_shared>> -> memref<16x128xf32, #tpu.memory_space<vmem_shared>>
    tpu.enqueue_dma source(%arg10 : memref<16x128xf32, #tpu.memory_space<vmem>>) target(%dma_start3A_1183 : memref<16x128xf32, #tpu.memory_space<vmem_shared>>) target_semaphore(%arg12 : memref<!tpu.dma_semaphore, #tpu.memory_space<semaphore_mem>>)
    %mul3A_1184 = arith.constant 640 : i32
    %mul3A_1185 = arith.muli %arg1, %mul3A_1184 : i32
    %add3A_1186 = arith.constant 576 : i32
    %add3A_1187 = arith.addi %mul3A_1185, %add3A_1186 : i32
    %dma_start3A_1188 = arith.constant 0 : i32
    %dma_start3A_1189 = tpu.memref_slice %arg11[%add3A_1187, %dma_start3A_1188] : memref<10240x128xf32, #tpu.memory_space<vmem_shared>> -> memref<16x128xf32, #tpu.memory_space<vmem_shared>>
    %dma_start3A_1190 = arith.constant 0 : i32
    %dma_start3A_1191 = tpu.memref_slice %arg11[%add3A_1187, %dma_start3A_1190] : memref<10240x128xf32, #tpu.memory_space<vmem_shared>> -> memref<16x128xf32, #tpu.memory_space<vmem_shared>>
    tpu.enqueue_dma source(%arg10 : memref<16x128xf32, #tpu.memory_space<vmem>>) target(%dma_start3A_1191 : memref<16x128xf32, #tpu.memory_space<vmem_shared>>) target_semaphore(%arg12 : memref<!tpu.dma_semaphore, #tpu.memory_space<semaphore_mem>>)
    %mul3A_1192 = arith.constant 640 : i32
    %mul3A_1193 = arith.muli %arg1, %mul3A_1192 : i32
    %add3A_1194 = arith.constant 592 : i32
    %add3A_1195 = arith.addi %mul3A_1193, %add3A_1194 : i32
    %dma_start3A_1196 = arith.constant 0 : i32
    %dma_start3A_1197 = tpu.memref_slice %arg11[%add3A_1195, %dma_start3A_1196] : memref<10240x128xf32, #tpu.memory_space<vmem_shared>> -> memref<16x128xf32, #tpu.memory_space<vmem_shared>>
    %dma_start3A_1198 = arith.constant 0 : i32
    %dma_start3A_1199 = tpu.memref_slice %arg11[%add3A_1195, %dma_start3A_1198] : memref<10240x128xf32, #tpu.memory_space<vmem_shared>> -> memref<16x128xf32, #tpu.memory_space<vmem_shared>>
    tpu.enqueue_dma source(%arg10 : memref<16x128xf32, #tpu.memory_space<vmem>>) target(%dma_start3A_1199 : memref<16x128xf32, #tpu.memory_space<vmem_shared>>) target_semaphore(%arg12 : memref<!tpu.dma_semaphore, #tpu.memory_space<semaphore_mem>>)
    %mul3A_1200 = arith.constant 640 : i32
    %mul3A_1201 = arith.muli %arg1, %mul3A_1200 : i32
    %add3A_1202 = arith.constant 608 : i32
    %add3A_1203 = arith.addi %mul3A_1201, %add3A_1202 : i32
    %dma_start3A_1204 = arith.constant 0 : i32
    %dma_start3A_1205 = tpu.memref_slice %arg11[%add3A_1203, %dma_start3A_1204] : memref<10240x128xf32, #tpu.memory_space<vmem_shared>> -> memref<16x128xf32, #tpu.memory_space<vmem_shared>>
    %dma_start3A_1206 = arith.constant 0 : i32
    %dma_start3A_1207 = tpu.memref_slice %arg11[%add3A_1203, %dma_start3A_1206] : memref<10240x128xf32, #tpu.memory_space<vmem_shared>> -> memref<16x128xf32, #tpu.memory_space<vmem_shared>>
    tpu.enqueue_dma source(%arg10 : memref<16x128xf32, #tpu.memory_space<vmem>>) target(%dma_start3A_1207 : memref<16x128xf32, #tpu.memory_space<vmem_shared>>) target_semaphore(%arg12 : memref<!tpu.dma_semaphore, #tpu.memory_space<semaphore_mem>>)
    %mul3A_1208 = arith.constant 640 : i32
    %mul3A_1209 = arith.muli %arg1, %mul3A_1208 : i32
    %add3A_1210 = arith.constant 624 : i32
    %add3A_1211 = arith.addi %mul3A_1209, %add3A_1210 : i32
    %dma_start3A_1212 = arith.constant 0 : i32
    %dma_start3A_1213 = tpu.memref_slice %arg11[%add3A_1211, %dma_start3A_1212] : memref<10240x128xf32, #tpu.memory_space<vmem_shared>> -> memref<16x128xf32, #tpu.memory_space<vmem_shared>>
    %dma_start3A_1214 = arith.constant 0 : i32
    %dma_start3A_1215 = tpu.memref_slice %arg11[%add3A_1211, %dma_start3A_1214] : memref<10240x128xf32, #tpu.memory_space<vmem_shared>> -> memref<16x128xf32, #tpu.memory_space<vmem_shared>>
    tpu.enqueue_dma source(%arg10 : memref<16x128xf32, #tpu.memory_space<vmem>>) target(%dma_start3A_1215 : memref<16x128xf32, #tpu.memory_space<vmem_shared>>) target_semaphore(%arg12 : memref<!tpu.dma_semaphore, #tpu.memory_space<semaphore_mem>>)
    %mul3A_1216 = arith.constant 640 : i32
    %mul3A_1217 = arith.muli %arg1, %mul3A_1216 : i32
    %add3A_1218 = arith.constant 0 : i32
    %add3A_1219 = arith.addi %mul3A_1217, %add3A_1218 : i32
    %dma_wait3A = arith.constant 0 : i32
    %dma_wait3A_1220 = tpu.memref_slice %arg11[%add3A_1219, %dma_wait3A] : memref<10240x128xf32, #tpu.memory_space<vmem_shared>> -> memref<16x128xf32, #tpu.memory_space<vmem_shared>>
    %dma_wait3A_1221 = arith.constant 0 : i32
    %dma_wait3A_1222 = tpu.memref_slice %arg11[%add3A_1219, %dma_wait3A_1221] : memref<10240x128xf32, #tpu.memory_space<vmem_shared>> -> memref<16x128xf32, #tpu.memory_space<vmem_shared>>
    tpu.wait_dma2 semaphore(%arg12 : memref<!tpu.dma_semaphore, #tpu.memory_space<semaphore_mem>>) src(%arg10 : memref<16x128xf32, #tpu.memory_space<vmem>>) dst(%dma_wait3A_1222 : memref<16x128xf32, #tpu.memory_space<vmem_shared>>)
    %mul3A_1223 = arith.constant 640 : i32
    %mul3A_1224 = arith.muli %arg1, %mul3A_1223 : i32
    %add3A_1225 = arith.constant 16 : i32
    %add3A_1226 = arith.addi %mul3A_1224, %add3A_1225 : i32
    %dma_wait3A_1227 = arith.constant 0 : i32
    %dma_wait3A_1228 = tpu.memref_slice %arg11[%add3A_1226, %dma_wait3A_1227] : memref<10240x128xf32, #tpu.memory_space<vmem_shared>> -> memref<16x128xf32, #tpu.memory_space<vmem_shared>>
    %dma_wait3A_1229 = arith.constant 0 : i32
    %dma_wait3A_1230 = tpu.memref_slice %arg11[%add3A_1226, %dma_wait3A_1229] : memref<10240x128xf32, #tpu.memory_space<vmem_shared>> -> memref<16x128xf32, #tpu.memory_space<vmem_shared>>
    tpu.wait_dma2 semaphore(%arg12 : memref<!tpu.dma_semaphore, #tpu.memory_space<semaphore_mem>>) src(%arg10 : memref<16x128xf32, #tpu.memory_space<vmem>>) dst(%dma_wait3A_1230 : memref<16x128xf32, #tpu.memory_space<vmem_shared>>)
    %mul3A_1231 = arith.constant 640 : i32
    %mul3A_1232 = arith.muli %arg1, %mul3A_1231 : i32
    %add3A_1233 = arith.constant 32 : i32
    %add3A_1234 = arith.addi %mul3A_1232, %add3A_1233 : i32
    %dma_wait3A_1235 = arith.constant 0 : i32
    %dma_wait3A_1236 = tpu.memref_slice %arg11[%add3A_1234, %dma_wait3A_1235] : memref<10240x128xf32, #tpu.memory_space<vmem_shared>> -> memref<16x128xf32, #tpu.memory_space<vmem_shared>>
    %dma_wait3A_1237 = arith.constant 0 : i32
    %dma_wait3A_1238 = tpu.memref_slice %arg11[%add3A_1234, %dma_wait3A_1237] : memref<10240x128xf32, #tpu.memory_space<vmem_shared>> -> memref<16x128xf32, #tpu.memory_space<vmem_shared>>
    tpu.wait_dma2 semaphore(%arg12 : memref<!tpu.dma_semaphore, #tpu.memory_space<semaphore_mem>>) src(%arg10 : memref<16x128xf32, #tpu.memory_space<vmem>>) dst(%dma_wait3A_1238 : memref<16x128xf32, #tpu.memory_space<vmem_shared>>)
    %mul3A_1239 = arith.constant 640 : i32
    %mul3A_1240 = arith.muli %arg1, %mul3A_1239 : i32
    %add3A_1241 = arith.constant 48 : i32
    %add3A_1242 = arith.addi %mul3A_1240, %add3A_1241 : i32
    %dma_wait3A_1243 = arith.constant 0 : i32
    %dma_wait3A_1244 = tpu.memref_slice %arg11[%add3A_1242, %dma_wait3A_1243] : memref<10240x128xf32, #tpu.memory_space<vmem_shared>> -> memref<16x128xf32, #tpu.memory_space<vmem_shared>>
    %dma_wait3A_1245 = arith.constant 0 : i32
    %dma_wait3A_1246 = tpu.memref_slice %arg11[%add3A_1242, %dma_wait3A_1245] : memref<10240x128xf32, #tpu.memory_space<vmem_shared>> -> memref<16x128xf32, #tpu.memory_space<vmem_shared>>
    tpu.wait_dma2 semaphore(%arg12 : memref<!tpu.dma_semaphore, #tpu.memory_space<semaphore_mem>>) src(%arg10 : memref<16x128xf32, #tpu.memory_space<vmem>>) dst(%dma_wait3A_1246 : memref<16x128xf32, #tpu.memory_space<vmem_shared>>)
    %mul3A_1247 = arith.constant 640 : i32
    %mul3A_1248 = arith.muli %arg1, %mul3A_1247 : i32
    %add3A_1249 = arith.constant 64 : i32
    %add3A_1250 = arith.addi %mul3A_1248, %add3A_1249 : i32
    %dma_wait3A_1251 = arith.constant 0 : i32
    %dma_wait3A_1252 = tpu.memref_slice %arg11[%add3A_1250, %dma_wait3A_1251] : memref<10240x128xf32, #tpu.memory_space<vmem_shared>> -> memref<16x128xf32, #tpu.memory_space<vmem_shared>>
    %dma_wait3A_1253 = arith.constant 0 : i32
    %dma_wait3A_1254 = tpu.memref_slice %arg11[%add3A_1250, %dma_wait3A_1253] : memref<10240x128xf32, #tpu.memory_space<vmem_shared>> -> memref<16x128xf32, #tpu.memory_space<vmem_shared>>
    tpu.wait_dma2 semaphore(%arg12 : memref<!tpu.dma_semaphore, #tpu.memory_space<semaphore_mem>>) src(%arg10 : memref<16x128xf32, #tpu.memory_space<vmem>>) dst(%dma_wait3A_1254 : memref<16x128xf32, #tpu.memory_space<vmem_shared>>)
    %mul3A_1255 = arith.constant 640 : i32
    %mul3A_1256 = arith.muli %arg1, %mul3A_1255 : i32
    %add3A_1257 = arith.constant 80 : i32
    %add3A_1258 = arith.addi %mul3A_1256, %add3A_1257 : i32
    %dma_wait3A_1259 = arith.constant 0 : i32
    %dma_wait3A_1260 = tpu.memref_slice %arg11[%add3A_1258, %dma_wait3A_1259] : memref<10240x128xf32, #tpu.memory_space<vmem_shared>> -> memref<16x128xf32, #tpu.memory_space<vmem_shared>>
    %dma_wait3A_1261 = arith.constant 0 : i32
    %dma_wait3A_1262 = tpu.memref_slice %arg11[%add3A_1258, %dma_wait3A_1261] : memref<10240x128xf32, #tpu.memory_space<vmem_shared>> -> memref<16x128xf32, #tpu.memory_space<vmem_shared>>
    tpu.wait_dma2 semaphore(%arg12 : memref<!tpu.dma_semaphore, #tpu.memory_space<semaphore_mem>>) src(%arg10 : memref<16x128xf32, #tpu.memory_space<vmem>>) dst(%dma_wait3A_1262 : memref<16x128xf32, #tpu.memory_space<vmem_shared>>)
    %mul3A_1263 = arith.constant 640 : i32
    %mul3A_1264 = arith.muli %arg1, %mul3A_1263 : i32
    %add3A_1265 = arith.constant 96 : i32
    %add3A_1266 = arith.addi %mul3A_1264, %add3A_1265 : i32
    %dma_wait3A_1267 = arith.constant 0 : i32
    %dma_wait3A_1268 = tpu.memref_slice %arg11[%add3A_1266, %dma_wait3A_1267] : memref<10240x128xf32, #tpu.memory_space<vmem_shared>> -> memref<16x128xf32, #tpu.memory_space<vmem_shared>>
    %dma_wait3A_1269 = arith.constant 0 : i32
    %dma_wait3A_1270 = tpu.memref_slice %arg11[%add3A_1266, %dma_wait3A_1269] : memref<10240x128xf32, #tpu.memory_space<vmem_shared>> -> memref<16x128xf32, #tpu.memory_space<vmem_shared>>
    tpu.wait_dma2 semaphore(%arg12 : memref<!tpu.dma_semaphore, #tpu.memory_space<semaphore_mem>>) src(%arg10 : memref<16x128xf32, #tpu.memory_space<vmem>>) dst(%dma_wait3A_1270 : memref<16x128xf32, #tpu.memory_space<vmem_shared>>)
    %mul3A_1271 = arith.constant 640 : i32
    %mul3A_1272 = arith.muli %arg1, %mul3A_1271 : i32
    %add3A_1273 = arith.constant 112 : i32
    %add3A_1274 = arith.addi %mul3A_1272, %add3A_1273 : i32
    %dma_wait3A_1275 = arith.constant 0 : i32
    %dma_wait3A_1276 = tpu.memref_slice %arg11[%add3A_1274, %dma_wait3A_1275] : memref<10240x128xf32, #tpu.memory_space<vmem_shared>> -> memref<16x128xf32, #tpu.memory_space<vmem_shared>>
    %dma_wait3A_1277 = arith.constant 0 : i32
    %dma_wait3A_1278 = tpu.memref_slice %arg11[%add3A_1274, %dma_wait3A_1277] : memref<10240x128xf32, #tpu.memory_space<vmem_shared>> -> memref<16x128xf32, #tpu.memory_space<vmem_shared>>
    tpu.wait_dma2 semaphore(%arg12 : memref<!tpu.dma_semaphore, #tpu.memory_space<semaphore_mem>>) src(%arg10 : memref<16x128xf32, #tpu.memory_space<vmem>>) dst(%dma_wait3A_1278 : memref<16x128xf32, #tpu.memory_space<vmem_shared>>)
    %mul3A_1279 = arith.constant 640 : i32
    %mul3A_1280 = arith.muli %arg1, %mul3A_1279 : i32
    %add3A_1281 = arith.constant 128 : i32
    %add3A_1282 = arith.addi %mul3A_1280, %add3A_1281 : i32
    %dma_wait3A_1283 = arith.constant 0 : i32
    %dma_wait3A_1284 = tpu.memref_slice %arg11[%add3A_1282, %dma_wait3A_1283] : memref<10240x128xf32, #tpu.memory_space<vmem_shared>> -> memref<16x128xf32, #tpu.memory_space<vmem_shared>>
    %dma_wait3A_1285 = arith.constant 0 : i32
    %dma_wait3A_1286 = tpu.memref_slice %arg11[%add3A_1282, %dma_wait3A_1285] : memref<10240x128xf32, #tpu.memory_space<vmem_shared>> -> memref<16x128xf32, #tpu.memory_space<vmem_shared>>
    tpu.wait_dma2 semaphore(%arg12 : memref<!tpu.dma_semaphore, #tpu.memory_space<semaphore_mem>>) src(%arg10 : memref<16x128xf32, #tpu.memory_space<vmem>>) dst(%dma_wait3A_1286 : memref<16x128xf32, #tpu.memory_space<vmem_shared>>)
    %mul3A_1287 = arith.constant 640 : i32
    %mul3A_1288 = arith.muli %arg1, %mul3A_1287 : i32
    %add3A_1289 = arith.constant 144 : i32
    %add3A_1290 = arith.addi %mul3A_1288, %add3A_1289 : i32
    %dma_wait3A_1291 = arith.constant 0 : i32
    %dma_wait3A_1292 = tpu.memref_slice %arg11[%add3A_1290, %dma_wait3A_1291] : memref<10240x128xf32, #tpu.memory_space<vmem_shared>> -> memref<16x128xf32, #tpu.memory_space<vmem_shared>>
    %dma_wait3A_1293 = arith.constant 0 : i32
    %dma_wait3A_1294 = tpu.memref_slice %arg11[%add3A_1290, %dma_wait3A_1293] : memref<10240x128xf32, #tpu.memory_space<vmem_shared>> -> memref<16x128xf32, #tpu.memory_space<vmem_shared>>
    tpu.wait_dma2 semaphore(%arg12 : memref<!tpu.dma_semaphore, #tpu.memory_space<semaphore_mem>>) src(%arg10 : memref<16x128xf32, #tpu.memory_space<vmem>>) dst(%dma_wait3A_1294 : memref<16x128xf32, #tpu.memory_space<vmem_shared>>)
    %mul3A_1295 = arith.constant 640 : i32
    %mul3A_1296 = arith.muli %arg1, %mul3A_1295 : i32
    %add3A_1297 = arith.constant 160 : i32
    %add3A_1298 = arith.addi %mul3A_1296, %add3A_1297 : i32
    %dma_wait3A_1299 = arith.constant 0 : i32
    %dma_wait3A_1300 = tpu.memref_slice %arg11[%add3A_1298, %dma_wait3A_1299] : memref<10240x128xf32, #tpu.memory_space<vmem_shared>> -> memref<16x128xf32, #tpu.memory_space<vmem_shared>>
    %dma_wait3A_1301 = arith.constant 0 : i32
    %dma_wait3A_1302 = tpu.memref_slice %arg11[%add3A_1298, %dma_wait3A_1301] : memref<10240x128xf32, #tpu.memory_space<vmem_shared>> -> memref<16x128xf32, #tpu.memory_space<vmem_shared>>
    tpu.wait_dma2 semaphore(%arg12 : memref<!tpu.dma_semaphore, #tpu.memory_space<semaphore_mem>>) src(%arg10 : memref<16x128xf32, #tpu.memory_space<vmem>>) dst(%dma_wait3A_1302 : memref<16x128xf32, #tpu.memory_space<vmem_shared>>)
    %mul3A_1303 = arith.constant 640 : i32
    %mul3A_1304 = arith.muli %arg1, %mul3A_1303 : i32
    %add3A_1305 = arith.constant 176 : i32
    %add3A_1306 = arith.addi %mul3A_1304, %add3A_1305 : i32
    %dma_wait3A_1307 = arith.constant 0 : i32
    %dma_wait3A_1308 = tpu.memref_slice %arg11[%add3A_1306, %dma_wait3A_1307] : memref<10240x128xf32, #tpu.memory_space<vmem_shared>> -> memref<16x128xf32, #tpu.memory_space<vmem_shared>>
    %dma_wait3A_1309 = arith.constant 0 : i32
    %dma_wait3A_1310 = tpu.memref_slice %arg11[%add3A_1306, %dma_wait3A_1309] : memref<10240x128xf32, #tpu.memory_space<vmem_shared>> -> memref<16x128xf32, #tpu.memory_space<vmem_shared>>
    tpu.wait_dma2 semaphore(%arg12 : memref<!tpu.dma_semaphore, #tpu.memory_space<semaphore_mem>>) src(%arg10 : memref<16x128xf32, #tpu.memory_space<vmem>>) dst(%dma_wait3A_1310 : memref<16x128xf32, #tpu.memory_space<vmem_shared>>)
    %mul3A_1311 = arith.constant 640 : i32
    %mul3A_1312 = arith.muli %arg1, %mul3A_1311 : i32
    %add3A_1313 = arith.constant 192 : i32
    %add3A_1314 = arith.addi %mul3A_1312, %add3A_1313 : i32
    %dma_wait3A_1315 = arith.constant 0 : i32
    %dma_wait3A_1316 = tpu.memref_slice %arg11[%add3A_1314, %dma_wait3A_1315] : memref<10240x128xf32, #tpu.memory_space<vmem_shared>> -> memref<16x128xf32, #tpu.memory_space<vmem_shared>>
    %dma_wait3A_1317 = arith.constant 0 : i32
    %dma_wait3A_1318 = tpu.memref_slice %arg11[%add3A_1314, %dma_wait3A_1317] : memref<10240x128xf32, #tpu.memory_space<vmem_shared>> -> memref<16x128xf32, #tpu.memory_space<vmem_shared>>
    tpu.wait_dma2 semaphore(%arg12 : memref<!tpu.dma_semaphore, #tpu.memory_space<semaphore_mem>>) src(%arg10 : memref<16x128xf32, #tpu.memory_space<vmem>>) dst(%dma_wait3A_1318 : memref<16x128xf32, #tpu.memory_space<vmem_shared>>)
    %mul3A_1319 = arith.constant 640 : i32
    %mul3A_1320 = arith.muli %arg1, %mul3A_1319 : i32
    %add3A_1321 = arith.constant 208 : i32
    %add3A_1322 = arith.addi %mul3A_1320, %add3A_1321 : i32
    %dma_wait3A_1323 = arith.constant 0 : i32
    %dma_wait3A_1324 = tpu.memref_slice %arg11[%add3A_1322, %dma_wait3A_1323] : memref<10240x128xf32, #tpu.memory_space<vmem_shared>> -> memref<16x128xf32, #tpu.memory_space<vmem_shared>>
    %dma_wait3A_1325 = arith.constant 0 : i32
    %dma_wait3A_1326 = tpu.memref_slice %arg11[%add3A_1322, %dma_wait3A_1325] : memref<10240x128xf32, #tpu.memory_space<vmem_shared>> -> memref<16x128xf32, #tpu.memory_space<vmem_shared>>
    tpu.wait_dma2 semaphore(%arg12 : memref<!tpu.dma_semaphore, #tpu.memory_space<semaphore_mem>>) src(%arg10 : memref<16x128xf32, #tpu.memory_space<vmem>>) dst(%dma_wait3A_1326 : memref<16x128xf32, #tpu.memory_space<vmem_shared>>)
    %mul3A_1327 = arith.constant 640 : i32
    %mul3A_1328 = arith.muli %arg1, %mul3A_1327 : i32
    %add3A_1329 = arith.constant 224 : i32
    %add3A_1330 = arith.addi %mul3A_1328, %add3A_1329 : i32
    %dma_wait3A_1331 = arith.constant 0 : i32
    %dma_wait3A_1332 = tpu.memref_slice %arg11[%add3A_1330, %dma_wait3A_1331] : memref<10240x128xf32, #tpu.memory_space<vmem_shared>> -> memref<16x128xf32, #tpu.memory_space<vmem_shared>>
    %dma_wait3A_1333 = arith.constant 0 : i32
    %dma_wait3A_1334 = tpu.memref_slice %arg11[%add3A_1330, %dma_wait3A_1333] : memref<10240x128xf32, #tpu.memory_space<vmem_shared>> -> memref<16x128xf32, #tpu.memory_space<vmem_shared>>
    tpu.wait_dma2 semaphore(%arg12 : memref<!tpu.dma_semaphore, #tpu.memory_space<semaphore_mem>>) src(%arg10 : memref<16x128xf32, #tpu.memory_space<vmem>>) dst(%dma_wait3A_1334 : memref<16x128xf32, #tpu.memory_space<vmem_shared>>)
    %mul3A_1335 = arith.constant 640 : i32
    %mul3A_1336 = arith.muli %arg1, %mul3A_1335 : i32
    %add3A_1337 = arith.constant 240 : i32
    %add3A_1338 = arith.addi %mul3A_1336, %add3A_1337 : i32
    %dma_wait3A_1339 = arith.constant 0 : i32
    %dma_wait3A_1340 = tpu.memref_slice %arg11[%add3A_1338, %dma_wait3A_1339] : memref<10240x128xf32, #tpu.memory_space<vmem_shared>> -> memref<16x128xf32, #tpu.memory_space<vmem_shared>>
    %dma_wait3A_1341 = arith.constant 0 : i32
    %dma_wait3A_1342 = tpu.memref_slice %arg11[%add3A_1338, %dma_wait3A_1341] : memref<10240x128xf32, #tpu.memory_space<vmem_shared>> -> memref<16x128xf32, #tpu.memory_space<vmem_shared>>
    tpu.wait_dma2 semaphore(%arg12 : memref<!tpu.dma_semaphore, #tpu.memory_space<semaphore_mem>>) src(%arg10 : memref<16x128xf32, #tpu.memory_space<vmem>>) dst(%dma_wait3A_1342 : memref<16x128xf32, #tpu.memory_space<vmem_shared>>)
    %mul3A_1343 = arith.constant 640 : i32
    %mul3A_1344 = arith.muli %arg1, %mul3A_1343 : i32
    %add3A_1345 = arith.constant 256 : i32
    %add3A_1346 = arith.addi %mul3A_1344, %add3A_1345 : i32
    %dma_wait3A_1347 = arith.constant 0 : i32
    %dma_wait3A_1348 = tpu.memref_slice %arg11[%add3A_1346, %dma_wait3A_1347] : memref<10240x128xf32, #tpu.memory_space<vmem_shared>> -> memref<16x128xf32, #tpu.memory_space<vmem_shared>>
    %dma_wait3A_1349 = arith.constant 0 : i32
    %dma_wait3A_1350 = tpu.memref_slice %arg11[%add3A_1346, %dma_wait3A_1349] : memref<10240x128xf32, #tpu.memory_space<vmem_shared>> -> memref<16x128xf32, #tpu.memory_space<vmem_shared>>
    tpu.wait_dma2 semaphore(%arg12 : memref<!tpu.dma_semaphore, #tpu.memory_space<semaphore_mem>>) src(%arg10 : memref<16x128xf32, #tpu.memory_space<vmem>>) dst(%dma_wait3A_1350 : memref<16x128xf32, #tpu.memory_space<vmem_shared>>)
    %mul3A_1351 = arith.constant 640 : i32
    %mul3A_1352 = arith.muli %arg1, %mul3A_1351 : i32
    %add3A_1353 = arith.constant 272 : i32
    %add3A_1354 = arith.addi %mul3A_1352, %add3A_1353 : i32
    %dma_wait3A_1355 = arith.constant 0 : i32
    %dma_wait3A_1356 = tpu.memref_slice %arg11[%add3A_1354, %dma_wait3A_1355] : memref<10240x128xf32, #tpu.memory_space<vmem_shared>> -> memref<16x128xf32, #tpu.memory_space<vmem_shared>>
    %dma_wait3A_1357 = arith.constant 0 : i32
    %dma_wait3A_1358 = tpu.memref_slice %arg11[%add3A_1354, %dma_wait3A_1357] : memref<10240x128xf32, #tpu.memory_space<vmem_shared>> -> memref<16x128xf32, #tpu.memory_space<vmem_shared>>
    tpu.wait_dma2 semaphore(%arg12 : memref<!tpu.dma_semaphore, #tpu.memory_space<semaphore_mem>>) src(%arg10 : memref<16x128xf32, #tpu.memory_space<vmem>>) dst(%dma_wait3A_1358 : memref<16x128xf32, #tpu.memory_space<vmem_shared>>)
    %mul3A_1359 = arith.constant 640 : i32
    %mul3A_1360 = arith.muli %arg1, %mul3A_1359 : i32
    %add3A_1361 = arith.constant 288 : i32
    %add3A_1362 = arith.addi %mul3A_1360, %add3A_1361 : i32
    %dma_wait3A_1363 = arith.constant 0 : i32
    %dma_wait3A_1364 = tpu.memref_slice %arg11[%add3A_1362, %dma_wait3A_1363] : memref<10240x128xf32, #tpu.memory_space<vmem_shared>> -> memref<16x128xf32, #tpu.memory_space<vmem_shared>>
    %dma_wait3A_1365 = arith.constant 0 : i32
    %dma_wait3A_1366 = tpu.memref_slice %arg11[%add3A_1362, %dma_wait3A_1365] : memref<10240x128xf32, #tpu.memory_space<vmem_shared>> -> memref<16x128xf32, #tpu.memory_space<vmem_shared>>
    tpu.wait_dma2 semaphore(%arg12 : memref<!tpu.dma_semaphore, #tpu.memory_space<semaphore_mem>>) src(%arg10 : memref<16x128xf32, #tpu.memory_space<vmem>>) dst(%dma_wait3A_1366 : memref<16x128xf32, #tpu.memory_space<vmem_shared>>)
    %mul3A_1367 = arith.constant 640 : i32
    %mul3A_1368 = arith.muli %arg1, %mul3A_1367 : i32
    %add3A_1369 = arith.constant 304 : i32
    %add3A_1370 = arith.addi %mul3A_1368, %add3A_1369 : i32
    %dma_wait3A_1371 = arith.constant 0 : i32
    %dma_wait3A_1372 = tpu.memref_slice %arg11[%add3A_1370, %dma_wait3A_1371] : memref<10240x128xf32, #tpu.memory_space<vmem_shared>> -> memref<16x128xf32, #tpu.memory_space<vmem_shared>>
    %dma_wait3A_1373 = arith.constant 0 : i32
    %dma_wait3A_1374 = tpu.memref_slice %arg11[%add3A_1370, %dma_wait3A_1373] : memref<10240x128xf32, #tpu.memory_space<vmem_shared>> -> memref<16x128xf32, #tpu.memory_space<vmem_shared>>
    tpu.wait_dma2 semaphore(%arg12 : memref<!tpu.dma_semaphore, #tpu.memory_space<semaphore_mem>>) src(%arg10 : memref<16x128xf32, #tpu.memory_space<vmem>>) dst(%dma_wait3A_1374 : memref<16x128xf32, #tpu.memory_space<vmem_shared>>)
    %mul3A_1375 = arith.constant 640 : i32
    %mul3A_1376 = arith.muli %arg1, %mul3A_1375 : i32
    %add3A_1377 = arith.constant 320 : i32
    %add3A_1378 = arith.addi %mul3A_1376, %add3A_1377 : i32
    %dma_wait3A_1379 = arith.constant 0 : i32
    %dma_wait3A_1380 = tpu.memref_slice %arg11[%add3A_1378, %dma_wait3A_1379] : memref<10240x128xf32, #tpu.memory_space<vmem_shared>> -> memref<16x128xf32, #tpu.memory_space<vmem_shared>>
    %dma_wait3A_1381 = arith.constant 0 : i32
    %dma_wait3A_1382 = tpu.memref_slice %arg11[%add3A_1378, %dma_wait3A_1381] : memref<10240x128xf32, #tpu.memory_space<vmem_shared>> -> memref<16x128xf32, #tpu.memory_space<vmem_shared>>
    tpu.wait_dma2 semaphore(%arg12 : memref<!tpu.dma_semaphore, #tpu.memory_space<semaphore_mem>>) src(%arg10 : memref<16x128xf32, #tpu.memory_space<vmem>>) dst(%dma_wait3A_1382 : memref<16x128xf32, #tpu.memory_space<vmem_shared>>)
    %mul3A_1383 = arith.constant 640 : i32
    %mul3A_1384 = arith.muli %arg1, %mul3A_1383 : i32
    %add3A_1385 = arith.constant 336 : i32
    %add3A_1386 = arith.addi %mul3A_1384, %add3A_1385 : i32
    %dma_wait3A_1387 = arith.constant 0 : i32
    %dma_wait3A_1388 = tpu.memref_slice %arg11[%add3A_1386, %dma_wait3A_1387] : memref<10240x128xf32, #tpu.memory_space<vmem_shared>> -> memref<16x128xf32, #tpu.memory_space<vmem_shared>>
    %dma_wait3A_1389 = arith.constant 0 : i32
    %dma_wait3A_1390 = tpu.memref_slice %arg11[%add3A_1386, %dma_wait3A_1389] : memref<10240x128xf32, #tpu.memory_space<vmem_shared>> -> memref<16x128xf32, #tpu.memory_space<vmem_shared>>
    tpu.wait_dma2 semaphore(%arg12 : memref<!tpu.dma_semaphore, #tpu.memory_space<semaphore_mem>>) src(%arg10 : memref<16x128xf32, #tpu.memory_space<vmem>>) dst(%dma_wait3A_1390 : memref<16x128xf32, #tpu.memory_space<vmem_shared>>)
    %mul3A_1391 = arith.constant 640 : i32
    %mul3A_1392 = arith.muli %arg1, %mul3A_1391 : i32
    %add3A_1393 = arith.constant 352 : i32
    %add3A_1394 = arith.addi %mul3A_1392, %add3A_1393 : i32
    %dma_wait3A_1395 = arith.constant 0 : i32
    %dma_wait3A_1396 = tpu.memref_slice %arg11[%add3A_1394, %dma_wait3A_1395] : memref<10240x128xf32, #tpu.memory_space<vmem_shared>> -> memref<16x128xf32, #tpu.memory_space<vmem_shared>>
    %dma_wait3A_1397 = arith.constant 0 : i32
    %dma_wait3A_1398 = tpu.memref_slice %arg11[%add3A_1394, %dma_wait3A_1397] : memref<10240x128xf32, #tpu.memory_space<vmem_shared>> -> memref<16x128xf32, #tpu.memory_space<vmem_shared>>
    tpu.wait_dma2 semaphore(%arg12 : memref<!tpu.dma_semaphore, #tpu.memory_space<semaphore_mem>>) src(%arg10 : memref<16x128xf32, #tpu.memory_space<vmem>>) dst(%dma_wait3A_1398 : memref<16x128xf32, #tpu.memory_space<vmem_shared>>)
    %mul3A_1399 = arith.constant 640 : i32
    %mul3A_1400 = arith.muli %arg1, %mul3A_1399 : i32
    %add3A_1401 = arith.constant 368 : i32
    %add3A_1402 = arith.addi %mul3A_1400, %add3A_1401 : i32
    %dma_wait3A_1403 = arith.constant 0 : i32
    %dma_wait3A_1404 = tpu.memref_slice %arg11[%add3A_1402, %dma_wait3A_1403] : memref<10240x128xf32, #tpu.memory_space<vmem_shared>> -> memref<16x128xf32, #tpu.memory_space<vmem_shared>>
    %dma_wait3A_1405 = arith.constant 0 : i32
    %dma_wait3A_1406 = tpu.memref_slice %arg11[%add3A_1402, %dma_wait3A_1405] : memref<10240x128xf32, #tpu.memory_space<vmem_shared>> -> memref<16x128xf32, #tpu.memory_space<vmem_shared>>
    tpu.wait_dma2 semaphore(%arg12 : memref<!tpu.dma_semaphore, #tpu.memory_space<semaphore_mem>>) src(%arg10 : memref<16x128xf32, #tpu.memory_space<vmem>>) dst(%dma_wait3A_1406 : memref<16x128xf32, #tpu.memory_space<vmem_shared>>)
    %mul3A_1407 = arith.constant 640 : i32
    %mul3A_1408 = arith.muli %arg1, %mul3A_1407 : i32
    %add3A_1409 = arith.constant 384 : i32
    %add3A_1410 = arith.addi %mul3A_1408, %add3A_1409 : i32
    %dma_wait3A_1411 = arith.constant 0 : i32
    %dma_wait3A_1412 = tpu.memref_slice %arg11[%add3A_1410, %dma_wait3A_1411] : memref<10240x128xf32, #tpu.memory_space<vmem_shared>> -> memref<16x128xf32, #tpu.memory_space<vmem_shared>>
    %dma_wait3A_1413 = arith.constant 0 : i32
    %dma_wait3A_1414 = tpu.memref_slice %arg11[%add3A_1410, %dma_wait3A_1413] : memref<10240x128xf32, #tpu.memory_space<vmem_shared>> -> memref<16x128xf32, #tpu.memory_space<vmem_shared>>
    tpu.wait_dma2 semaphore(%arg12 : memref<!tpu.dma_semaphore, #tpu.memory_space<semaphore_mem>>) src(%arg10 : memref<16x128xf32, #tpu.memory_space<vmem>>) dst(%dma_wait3A_1414 : memref<16x128xf32, #tpu.memory_space<vmem_shared>>)
    %mul3A_1415 = arith.constant 640 : i32
    %mul3A_1416 = arith.muli %arg1, %mul3A_1415 : i32
    %add3A_1417 = arith.constant 400 : i32
    %add3A_1418 = arith.addi %mul3A_1416, %add3A_1417 : i32
    %dma_wait3A_1419 = arith.constant 0 : i32
    %dma_wait3A_1420 = tpu.memref_slice %arg11[%add3A_1418, %dma_wait3A_1419] : memref<10240x128xf32, #tpu.memory_space<vmem_shared>> -> memref<16x128xf32, #tpu.memory_space<vmem_shared>>
    %dma_wait3A_1421 = arith.constant 0 : i32
    %dma_wait3A_1422 = tpu.memref_slice %arg11[%add3A_1418, %dma_wait3A_1421] : memref<10240x128xf32, #tpu.memory_space<vmem_shared>> -> memref<16x128xf32, #tpu.memory_space<vmem_shared>>
    tpu.wait_dma2 semaphore(%arg12 : memref<!tpu.dma_semaphore, #tpu.memory_space<semaphore_mem>>) src(%arg10 : memref<16x128xf32, #tpu.memory_space<vmem>>) dst(%dma_wait3A_1422 : memref<16x128xf32, #tpu.memory_space<vmem_shared>>)
    %mul3A_1423 = arith.constant 640 : i32
    %mul3A_1424 = arith.muli %arg1, %mul3A_1423 : i32
    %add3A_1425 = arith.constant 416 : i32
    %add3A_1426 = arith.addi %mul3A_1424, %add3A_1425 : i32
    %dma_wait3A_1427 = arith.constant 0 : i32
    %dma_wait3A_1428 = tpu.memref_slice %arg11[%add3A_1426, %dma_wait3A_1427] : memref<10240x128xf32, #tpu.memory_space<vmem_shared>> -> memref<16x128xf32, #tpu.memory_space<vmem_shared>>
    %dma_wait3A_1429 = arith.constant 0 : i32
    %dma_wait3A_1430 = tpu.memref_slice %arg11[%add3A_1426, %dma_wait3A_1429] : memref<10240x128xf32, #tpu.memory_space<vmem_shared>> -> memref<16x128xf32, #tpu.memory_space<vmem_shared>>
    tpu.wait_dma2 semaphore(%arg12 : memref<!tpu.dma_semaphore, #tpu.memory_space<semaphore_mem>>) src(%arg10 : memref<16x128xf32, #tpu.memory_space<vmem>>) dst(%dma_wait3A_1430 : memref<16x128xf32, #tpu.memory_space<vmem_shared>>)
    %mul3A_1431 = arith.constant 640 : i32
    %mul3A_1432 = arith.muli %arg1, %mul3A_1431 : i32
    %add3A_1433 = arith.constant 432 : i32
    %add3A_1434 = arith.addi %mul3A_1432, %add3A_1433 : i32
    %dma_wait3A_1435 = arith.constant 0 : i32
    %dma_wait3A_1436 = tpu.memref_slice %arg11[%add3A_1434, %dma_wait3A_1435] : memref<10240x128xf32, #tpu.memory_space<vmem_shared>> -> memref<16x128xf32, #tpu.memory_space<vmem_shared>>
    %dma_wait3A_1437 = arith.constant 0 : i32
    %dma_wait3A_1438 = tpu.memref_slice %arg11[%add3A_1434, %dma_wait3A_1437] : memref<10240x128xf32, #tpu.memory_space<vmem_shared>> -> memref<16x128xf32, #tpu.memory_space<vmem_shared>>
    tpu.wait_dma2 semaphore(%arg12 : memref<!tpu.dma_semaphore, #tpu.memory_space<semaphore_mem>>) src(%arg10 : memref<16x128xf32, #tpu.memory_space<vmem>>) dst(%dma_wait3A_1438 : memref<16x128xf32, #tpu.memory_space<vmem_shared>>)
    %mul3A_1439 = arith.constant 640 : i32
    %mul3A_1440 = arith.muli %arg1, %mul3A_1439 : i32
    %add3A_1441 = arith.constant 448 : i32
    %add3A_1442 = arith.addi %mul3A_1440, %add3A_1441 : i32
    %dma_wait3A_1443 = arith.constant 0 : i32
    %dma_wait3A_1444 = tpu.memref_slice %arg11[%add3A_1442, %dma_wait3A_1443] : memref<10240x128xf32, #tpu.memory_space<vmem_shared>> -> memref<16x128xf32, #tpu.memory_space<vmem_shared>>
    %dma_wait3A_1445 = arith.constant 0 : i32
    %dma_wait3A_1446 = tpu.memref_slice %arg11[%add3A_1442, %dma_wait3A_1445] : memref<10240x128xf32, #tpu.memory_space<vmem_shared>> -> memref<16x128xf32, #tpu.memory_space<vmem_shared>>
    tpu.wait_dma2 semaphore(%arg12 : memref<!tpu.dma_semaphore, #tpu.memory_space<semaphore_mem>>) src(%arg10 : memref<16x128xf32, #tpu.memory_space<vmem>>) dst(%dma_wait3A_1446 : memref<16x128xf32, #tpu.memory_space<vmem_shared>>)
    %mul3A_1447 = arith.constant 640 : i32
    %mul3A_1448 = arith.muli %arg1, %mul3A_1447 : i32
    %add3A_1449 = arith.constant 464 : i32
    %add3A_1450 = arith.addi %mul3A_1448, %add3A_1449 : i32
    %dma_wait3A_1451 = arith.constant 0 : i32
    %dma_wait3A_1452 = tpu.memref_slice %arg11[%add3A_1450, %dma_wait3A_1451] : memref<10240x128xf32, #tpu.memory_space<vmem_shared>> -> memref<16x128xf32, #tpu.memory_space<vmem_shared>>
    %dma_wait3A_1453 = arith.constant 0 : i32
    %dma_wait3A_1454 = tpu.memref_slice %arg11[%add3A_1450, %dma_wait3A_1453] : memref<10240x128xf32, #tpu.memory_space<vmem_shared>> -> memref<16x128xf32, #tpu.memory_space<vmem_shared>>
    tpu.wait_dma2 semaphore(%arg12 : memref<!tpu.dma_semaphore, #tpu.memory_space<semaphore_mem>>) src(%arg10 : memref<16x128xf32, #tpu.memory_space<vmem>>) dst(%dma_wait3A_1454 : memref<16x128xf32, #tpu.memory_space<vmem_shared>>)
    %mul3A_1455 = arith.constant 640 : i32
    %mul3A_1456 = arith.muli %arg1, %mul3A_1455 : i32
    %add3A_1457 = arith.constant 480 : i32
    %add3A_1458 = arith.addi %mul3A_1456, %add3A_1457 : i32
    %dma_wait3A_1459 = arith.constant 0 : i32
    %dma_wait3A_1460 = tpu.memref_slice %arg11[%add3A_1458, %dma_wait3A_1459] : memref<10240x128xf32, #tpu.memory_space<vmem_shared>> -> memref<16x128xf32, #tpu.memory_space<vmem_shared>>
    %dma_wait3A_1461 = arith.constant 0 : i32
    %dma_wait3A_1462 = tpu.memref_slice %arg11[%add3A_1458, %dma_wait3A_1461] : memref<10240x128xf32, #tpu.memory_space<vmem_shared>> -> memref<16x128xf32, #tpu.memory_space<vmem_shared>>
    tpu.wait_dma2 semaphore(%arg12 : memref<!tpu.dma_semaphore, #tpu.memory_space<semaphore_mem>>) src(%arg10 : memref<16x128xf32, #tpu.memory_space<vmem>>) dst(%dma_wait3A_1462 : memref<16x128xf32, #tpu.memory_space<vmem_shared>>)
    %mul3A_1463 = arith.constant 640 : i32
    %mul3A_1464 = arith.muli %arg1, %mul3A_1463 : i32
    %add3A_1465 = arith.constant 496 : i32
    %add3A_1466 = arith.addi %mul3A_1464, %add3A_1465 : i32
    %dma_wait3A_1467 = arith.constant 0 : i32
    %dma_wait3A_1468 = tpu.memref_slice %arg11[%add3A_1466, %dma_wait3A_1467] : memref<10240x128xf32, #tpu.memory_space<vmem_shared>> -> memref<16x128xf32, #tpu.memory_space<vmem_shared>>
    %dma_wait3A_1469 = arith.constant 0 : i32
    %dma_wait3A_1470 = tpu.memref_slice %arg11[%add3A_1466, %dma_wait3A_1469] : memref<10240x128xf32, #tpu.memory_space<vmem_shared>> -> memref<16x128xf32, #tpu.memory_space<vmem_shared>>
    tpu.wait_dma2 semaphore(%arg12 : memref<!tpu.dma_semaphore, #tpu.memory_space<semaphore_mem>>) src(%arg10 : memref<16x128xf32, #tpu.memory_space<vmem>>) dst(%dma_wait3A_1470 : memref<16x128xf32, #tpu.memory_space<vmem_shared>>)
    %mul3A_1471 = arith.constant 640 : i32
    %mul3A_1472 = arith.muli %arg1, %mul3A_1471 : i32
    %add3A_1473 = arith.constant 512 : i32
    %add3A_1474 = arith.addi %mul3A_1472, %add3A_1473 : i32
    %dma_wait3A_1475 = arith.constant 0 : i32
    %dma_wait3A_1476 = tpu.memref_slice %arg11[%add3A_1474, %dma_wait3A_1475] : memref<10240x128xf32, #tpu.memory_space<vmem_shared>> -> memref<16x128xf32, #tpu.memory_space<vmem_shared>>
    %dma_wait3A_1477 = arith.constant 0 : i32
    %dma_wait3A_1478 = tpu.memref_slice %arg11[%add3A_1474, %dma_wait3A_1477] : memref<10240x128xf32, #tpu.memory_space<vmem_shared>> -> memref<16x128xf32, #tpu.memory_space<vmem_shared>>
    tpu.wait_dma2 semaphore(%arg12 : memref<!tpu.dma_semaphore, #tpu.memory_space<semaphore_mem>>) src(%arg10 : memref<16x128xf32, #tpu.memory_space<vmem>>) dst(%dma_wait3A_1478 : memref<16x128xf32, #tpu.memory_space<vmem_shared>>)
    %mul3A_1479 = arith.constant 640 : i32
    %mul3A_1480 = arith.muli %arg1, %mul3A_1479 : i32
    %add3A_1481 = arith.constant 528 : i32
    %add3A_1482 = arith.addi %mul3A_1480, %add3A_1481 : i32
    %dma_wait3A_1483 = arith.constant 0 : i32
    %dma_wait3A_1484 = tpu.memref_slice %arg11[%add3A_1482, %dma_wait3A_1483] : memref<10240x128xf32, #tpu.memory_space<vmem_shared>> -> memref<16x128xf32, #tpu.memory_space<vmem_shared>>
    %dma_wait3A_1485 = arith.constant 0 : i32
    %dma_wait3A_1486 = tpu.memref_slice %arg11[%add3A_1482, %dma_wait3A_1485] : memref<10240x128xf32, #tpu.memory_space<vmem_shared>> -> memref<16x128xf32, #tpu.memory_space<vmem_shared>>
    tpu.wait_dma2 semaphore(%arg12 : memref<!tpu.dma_semaphore, #tpu.memory_space<semaphore_mem>>) src(%arg10 : memref<16x128xf32, #tpu.memory_space<vmem>>) dst(%dma_wait3A_1486 : memref<16x128xf32, #tpu.memory_space<vmem_shared>>)
    %mul3A_1487 = arith.constant 640 : i32
    %mul3A_1488 = arith.muli %arg1, %mul3A_1487 : i32
    %add3A_1489 = arith.constant 544 : i32
    %add3A_1490 = arith.addi %mul3A_1488, %add3A_1489 : i32
    %dma_wait3A_1491 = arith.constant 0 : i32
    %dma_wait3A_1492 = tpu.memref_slice %arg11[%add3A_1490, %dma_wait3A_1491] : memref<10240x128xf32, #tpu.memory_space<vmem_shared>> -> memref<16x128xf32, #tpu.memory_space<vmem_shared>>
    %dma_wait3A_1493 = arith.constant 0 : i32
    %dma_wait3A_1494 = tpu.memref_slice %arg11[%add3A_1490, %dma_wait3A_1493] : memref<10240x128xf32, #tpu.memory_space<vmem_shared>> -> memref<16x128xf32, #tpu.memory_space<vmem_shared>>
    tpu.wait_dma2 semaphore(%arg12 : memref<!tpu.dma_semaphore, #tpu.memory_space<semaphore_mem>>) src(%arg10 : memref<16x128xf32, #tpu.memory_space<vmem>>) dst(%dma_wait3A_1494 : memref<16x128xf32, #tpu.memory_space<vmem_shared>>)
    %mul3A_1495 = arith.constant 640 : i32
    %mul3A_1496 = arith.muli %arg1, %mul3A_1495 : i32
    %add3A_1497 = arith.constant 560 : i32
    %add3A_1498 = arith.addi %mul3A_1496, %add3A_1497 : i32
    %dma_wait3A_1499 = arith.constant 0 : i32
    %dma_wait3A_1500 = tpu.memref_slice %arg11[%add3A_1498, %dma_wait3A_1499] : memref<10240x128xf32, #tpu.memory_space<vmem_shared>> -> memref<16x128xf32, #tpu.memory_space<vmem_shared>>
    %dma_wait3A_1501 = arith.constant 0 : i32
    %dma_wait3A_1502 = tpu.memref_slice %arg11[%add3A_1498, %dma_wait3A_1501] : memref<10240x128xf32, #tpu.memory_space<vmem_shared>> -> memref<16x128xf32, #tpu.memory_space<vmem_shared>>
    tpu.wait_dma2 semaphore(%arg12 : memref<!tpu.dma_semaphore, #tpu.memory_space<semaphore_mem>>) src(%arg10 : memref<16x128xf32, #tpu.memory_space<vmem>>) dst(%dma_wait3A_1502 : memref<16x128xf32, #tpu.memory_space<vmem_shared>>)
    %mul3A_1503 = arith.constant 640 : i32
    %mul3A_1504 = arith.muli %arg1, %mul3A_1503 : i32
    %add3A_1505 = arith.constant 576 : i32
    %add3A_1506 = arith.addi %mul3A_1504, %add3A_1505 : i32
    %dma_wait3A_1507 = arith.constant 0 : i32
    %dma_wait3A_1508 = tpu.memref_slice %arg11[%add3A_1506, %dma_wait3A_1507] : memref<10240x128xf32, #tpu.memory_space<vmem_shared>> -> memref<16x128xf32, #tpu.memory_space<vmem_shared>>
    %dma_wait3A_1509 = arith.constant 0 : i32
    %dma_wait3A_1510 = tpu.memref_slice %arg11[%add3A_1506, %dma_wait3A_1509] : memref<10240x128xf32, #tpu.memory_space<vmem_shared>> -> memref<16x128xf32, #tpu.memory_space<vmem_shared>>
    tpu.wait_dma2 semaphore(%arg12 : memref<!tpu.dma_semaphore, #tpu.memory_space<semaphore_mem>>) src(%arg10 : memref<16x128xf32, #tpu.memory_space<vmem>>) dst(%dma_wait3A_1510 : memref<16x128xf32, #tpu.memory_space<vmem_shared>>)
    %mul3A_1511 = arith.constant 640 : i32
    %mul3A_1512 = arith.muli %arg1, %mul3A_1511 : i32
    %add3A_1513 = arith.constant 592 : i32
    %add3A_1514 = arith.addi %mul3A_1512, %add3A_1513 : i32
    %dma_wait3A_1515 = arith.constant 0 : i32
    %dma_wait3A_1516 = tpu.memref_slice %arg11[%add3A_1514, %dma_wait3A_1515] : memref<10240x128xf32, #tpu.memory_space<vmem_shared>> -> memref<16x128xf32, #tpu.memory_space<vmem_shared>>
    %dma_wait3A_1517 = arith.constant 0 : i32
    %dma_wait3A_1518 = tpu.memref_slice %arg11[%add3A_1514, %dma_wait3A_1517] : memref<10240x128xf32, #tpu.memory_space<vmem_shared>> -> memref<16x128xf32, #tpu.memory_space<vmem_shared>>
    tpu.wait_dma2 semaphore(%arg12 : memref<!tpu.dma_semaphore, #tpu.memory_space<semaphore_mem>>) src(%arg10 : memref<16x128xf32, #tpu.memory_space<vmem>>) dst(%dma_wait3A_1518 : memref<16x128xf32, #tpu.memory_space<vmem_shared>>)
    %mul3A_1519 = arith.constant 640 : i32
    %mul3A_1520 = arith.muli %arg1, %mul3A_1519 : i32
    %add3A_1521 = arith.constant 608 : i32
    %add3A_1522 = arith.addi %mul3A_1520, %add3A_1521 : i32
    %dma_wait3A_1523 = arith.constant 0 : i32
    %dma_wait3A_1524 = tpu.memref_slice %arg11[%add3A_1522, %dma_wait3A_1523] : memref<10240x128xf32, #tpu.memory_space<vmem_shared>> -> memref<16x128xf32, #tpu.memory_space<vmem_shared>>
    %dma_wait3A_1525 = arith.constant 0 : i32
    %dma_wait3A_1526 = tpu.memref_slice %arg11[%add3A_1522, %dma_wait3A_1525] : memref<10240x128xf32, #tpu.memory_space<vmem_shared>> -> memref<16x128xf32, #tpu.memory_space<vmem_shared>>
    tpu.wait_dma2 semaphore(%arg12 : memref<!tpu.dma_semaphore, #tpu.memory_space<semaphore_mem>>) src(%arg10 : memref<16x128xf32, #tpu.memory_space<vmem>>) dst(%dma_wait3A_1526 : memref<16x128xf32, #tpu.memory_space<vmem_shared>>)
    %mul3A_1527 = arith.constant 640 : i32
    %mul3A_1528 = arith.muli %arg1, %mul3A_1527 : i32
    %add3A_1529 = arith.constant 624 : i32
    %add3A_1530 = arith.addi %mul3A_1528, %add3A_1529 : i32
    %dma_wait3A_1531 = arith.constant 0 : i32
    %dma_wait3A_1532 = tpu.memref_slice %arg11[%add3A_1530, %dma_wait3A_1531] : memref<10240x128xf32, #tpu.memory_space<vmem_shared>> -> memref<16x128xf32, #tpu.memory_space<vmem_shared>>
    %dma_wait3A_1533 = arith.constant 0 : i32
    %dma_wait3A_1534 = tpu.memref_slice %arg11[%add3A_1530, %dma_wait3A_1533] : memref<10240x128xf32, #tpu.memory_space<vmem_shared>> -> memref<16x128xf32, #tpu.memory_space<vmem_shared>>
    tpu.wait_dma2 semaphore(%arg12 : memref<!tpu.dma_semaphore, #tpu.memory_space<semaphore_mem>>) src(%arg10 : memref<16x128xf32, #tpu.memory_space<vmem>>) dst(%dma_wait3A_1534 : memref<16x128xf32, #tpu.memory_space<vmem_shared>>)
    %barrier3A = arith.constant 0 : index
    tpu.barrier barrier_id(%barrier3A)
    %add3A_1535 = arith.constant 0 : i32
    %add3A_1536 = arith.addi %select_n3A_8, %add3A_1535 : i32
    %dma_wait3A_1537 = arith.constant 0 : i32
    %dma_wait3A_1538 = arith.constant 0 : i32
    %dma_wait3A_1539 = tpu.memref_slice %arg6[%dma_wait3A_1537, %dma_wait3A_1538] : memref<4x128xi32, #tpu.memory_space<vmem>> -> memref<1x128xi32, #tpu.memory_space<vmem>>
    %dma_wait3A_1540 = tpu.memref_squeeze %dma_wait3A_1539 : memref<1x128xi32, #tpu.memory_space<vmem>> -> memref<128xi32, #tpu.memory_space<vmem>>
    %dma_wait3A_1541 = arith.constant 0 : i32
    %dma_wait3A_1542 = tpu.memref_slice %arg3[%add3A_1536, %dma_wait3A_1541] : memref<2560x128xi32, #tpu.memory_space<hbm>> -> memref<1x128xi32, #tpu.memory_space<hbm>>
    %dma_wait3A_1543 = tpu.memref_squeeze %dma_wait3A_1542 : memref<1x128xi32, #tpu.memory_space<hbm>> -> memref<128xi32, #tpu.memory_space<hbm>>
    %dma_wait3A_1544 = arith.constant 0 : i32
    %dma_wait3A_1545 = tpu.memref_slice %arg6[%dma_wait3A_1537, %dma_wait3A_1544] : memref<4x128xi32, #tpu.memory_space<vmem>> -> memref<1x128xi32, #tpu.memory_space<vmem>>
    %dma_wait3A_1546 = tpu.memref_squeeze %dma_wait3A_1545 : memref<1x128xi32, #tpu.memory_space<vmem>> -> memref<128xi32, #tpu.memory_space<vmem>>
    %dma_wait3A_1547 = arith.constant 0 : i32
    %dma_wait3A_1548 = tpu.memref_slice %arg3[%add3A_1536, %dma_wait3A_1547] : memref<2560x128xi32, #tpu.memory_space<hbm>> -> memref<1x128xi32, #tpu.memory_space<hbm>>
    %dma_wait3A_1549 = tpu.memref_squeeze %dma_wait3A_1548 : memref<1x128xi32, #tpu.memory_space<hbm>> -> memref<128xi32, #tpu.memory_space<hbm>>
    tpu.wait_dma2 semaphore(%arg14 : memref<!tpu.dma_semaphore, #tpu.memory_space<semaphore_mem>>) src(%dma_wait3A_1549 : memref<128xi32, #tpu.memory_space<hbm>>) dst(%dma_wait3A_1546 : memref<128xi32, #tpu.memory_space<vmem>>)
    %add3A_1550 = arith.constant 0 : i32
    %add3A_1551 = arith.addi %select_n3A_8, %add3A_1550 : i32
    %dma_wait3A_1552 = arith.constant 0 : i32
    %dma_wait3A_1553 = arith.constant 0 : i32
    %dma_wait3A_1554 = tpu.memref_slice %arg7[%dma_wait3A_1552, %dma_wait3A_1553] : memref<4x128xi32, #tpu.memory_space<vmem>> -> memref<1x128xi32, #tpu.memory_space<vmem>>
    %dma_wait3A_1555 = tpu.memref_squeeze %dma_wait3A_1554 : memref<1x128xi32, #tpu.memory_space<vmem>> -> memref<128xi32, #tpu.memory_space<vmem>>
    %dma_wait3A_1556 = arith.constant 0 : i32
    %dma_wait3A_1557 = tpu.memref_slice %arg4[%add3A_1551, %dma_wait3A_1556] : memref<2560x128xi32, #tpu.memory_space<hbm>> -> memref<1x128xi32, #tpu.memory_space<hbm>>
    %dma_wait3A_1558 = tpu.memref_squeeze %dma_wait3A_1557 : memref<1x128xi32, #tpu.memory_space<hbm>> -> memref<128xi32, #tpu.memory_space<hbm>>
    %dma_wait3A_1559 = arith.constant 0 : i32
    %dma_wait3A_1560 = tpu.memref_slice %arg7[%dma_wait3A_1552, %dma_wait3A_1559] : memref<4x128xi32, #tpu.memory_space<vmem>> -> memref<1x128xi32, #tpu.memory_space<vmem>>
    %dma_wait3A_1561 = tpu.memref_squeeze %dma_wait3A_1560 : memref<1x128xi32, #tpu.memory_space<vmem>> -> memref<128xi32, #tpu.memory_space<vmem>>
    %dma_wait3A_1562 = arith.constant 0 : i32
    %dma_wait3A_1563 = tpu.memref_slice %arg4[%add3A_1551, %dma_wait3A_1562] : memref<2560x128xi32, #tpu.memory_space<hbm>> -> memref<1x128xi32, #tpu.memory_space<hbm>>
    %dma_wait3A_1564 = tpu.memref_squeeze %dma_wait3A_1563 : memref<1x128xi32, #tpu.memory_space<hbm>> -> memref<128xi32, #tpu.memory_space<hbm>>
    tpu.wait_dma2 semaphore(%arg14 : memref<!tpu.dma_semaphore, #tpu.memory_space<semaphore_mem>>) src(%dma_wait3A_1564 : memref<128xi32, #tpu.memory_space<hbm>>) dst(%dma_wait3A_1561 : memref<128xi32, #tpu.memory_space<vmem>>)
    %dma_start3A_1565 = arith.constant 0 : i32
    %dma_start3A_1566 = arith.constant 0 : i32
    %dma_start3A_1567 = tpu.memref_slice %arg6[%dma_start3A_1565, %dma_start3A_1566] : memref<4x128xi32, #tpu.memory_space<vmem>> -> memref<1x128xi32, #tpu.memory_space<vmem>>
    %dma_start3A_1568 = tpu.memref_squeeze %dma_start3A_1567 : memref<1x128xi32, #tpu.memory_space<vmem>> -> memref<128xi32, #tpu.memory_space<vmem>>
    %dma_start3A_1569 = arith.constant 0 : i32
    %dma_start3A_1570 = arith.constant 0 : i32
    %dma_start3A_1571 = tpu.memref_slice %arg2[%dma_start3A_1569, %dma_start3A_1570] : memref<10000x128xf32, #tpu.memory_space<hbm>> -> memref<10000x128xf32, #tpu.memory_space<hbm>>
    tpu.enqueue_indirect_dma source(%dma_start3A_1571 : memref<10000x128xf32, #tpu.memory_space<hbm>>) target(%arg8 : memref<128x128xf32, #tpu.memory_space<vmem>>) offsets(%dma_start3A_1568 : memref<128xi32, #tpu.memory_space<vmem>>) semaphore(%arg12 : memref<!tpu.dma_semaphore, #tpu.memory_space<semaphore_mem>>)
    %add3A_1572 = arith.constant 1 : i32
    %add3A_1573 = arith.addi %select_n3A_8, %add3A_1572 : i32
    %dma_wait3A_1574 = arith.constant 1 : i32
    %dma_wait3A_1575 = arith.constant 0 : i32
    %dma_wait3A_1576 = tpu.memref_slice %arg6[%dma_wait3A_1574, %dma_wait3A_1575] : memref<4x128xi32, #tpu.memory_space<vmem>> -> memref<1x128xi32, #tpu.memory_space<vmem>>
    %dma_wait3A_1577 = tpu.memref_squeeze %dma_wait3A_1576 : memref<1x128xi32, #tpu.memory_space<vmem>> -> memref<128xi32, #tpu.memory_space<vmem>>
    %dma_wait3A_1578 = arith.constant 0 : i32
    %dma_wait3A_1579 = tpu.memref_slice %arg3[%add3A_1573, %dma_wait3A_1578] : memref<2560x128xi32, #tpu.memory_space<hbm>> -> memref<1x128xi32, #tpu.memory_space<hbm>>
    %dma_wait3A_1580 = tpu.memref_squeeze %dma_wait3A_1579 : memref<1x128xi32, #tpu.memory_space<hbm>> -> memref<128xi32, #tpu.memory_space<hbm>>
    %dma_wait3A_1581 = arith.constant 0 : i32
    %dma_wait3A_1582 = tpu.memref_slice %arg6[%dma_wait3A_1574, %dma_wait3A_1581] : memref<4x128xi32, #tpu.memory_space<vmem>> -> memref<1x128xi32, #tpu.memory_space<vmem>>
    %dma_wait3A_1583 = tpu.memref_squeeze %dma_wait3A_1582 : memref<1x128xi32, #tpu.memory_space<vmem>> -> memref<128xi32, #tpu.memory_space<vmem>>
    %dma_wait3A_1584 = arith.constant 0 : i32
    %dma_wait3A_1585 = tpu.memref_slice %arg3[%add3A_1573, %dma_wait3A_1584] : memref<2560x128xi32, #tpu.memory_space<hbm>> -> memref<1x128xi32, #tpu.memory_space<hbm>>
    %dma_wait3A_1586 = tpu.memref_squeeze %dma_wait3A_1585 : memref<1x128xi32, #tpu.memory_space<hbm>> -> memref<128xi32, #tpu.memory_space<hbm>>
    tpu.wait_dma2 semaphore(%arg15 : memref<!tpu.dma_semaphore, #tpu.memory_space<semaphore_mem>>) src(%dma_wait3A_1586 : memref<128xi32, #tpu.memory_space<hbm>>) dst(%dma_wait3A_1583 : memref<128xi32, #tpu.memory_space<vmem>>)
    %add3A_1587 = arith.constant 1 : i32
    %add3A_1588 = arith.addi %select_n3A_8, %add3A_1587 : i32
    %dma_wait3A_1589 = arith.constant 1 : i32
    %dma_wait3A_1590 = arith.constant 0 : i32
    %dma_wait3A_1591 = tpu.memref_slice %arg7[%dma_wait3A_1589, %dma_wait3A_1590] : memref<4x128xi32, #tpu.memory_space<vmem>> -> memref<1x128xi32, #tpu.memory_space<vmem>>
    %dma_wait3A_1592 = tpu.memref_squeeze %dma_wait3A_1591 : memref<1x128xi32, #tpu.memory_space<vmem>> -> memref<128xi32, #tpu.memory_space<vmem>>
    %dma_wait3A_1593 = arith.constant 0 : i32
    %dma_wait3A_1594 = tpu.memref_slice %arg4[%add3A_1588, %dma_wait3A_1593] : memref<2560x128xi32, #tpu.memory_space<hbm>> -> memref<1x128xi32, #tpu.memory_space<hbm>>
    %dma_wait3A_1595 = tpu.memref_squeeze %dma_wait3A_1594 : memref<1x128xi32, #tpu.memory_space<hbm>> -> memref<128xi32, #tpu.memory_space<hbm>>
    %dma_wait3A_1596 = arith.constant 0 : i32
    %dma_wait3A_1597 = tpu.memref_slice %arg7[%dma_wait3A_1589, %dma_wait3A_1596] : memref<4x128xi32, #tpu.memory_space<vmem>> -> memref<1x128xi32, #tpu.memory_space<vmem>>
    %dma_wait3A_1598 = tpu.memref_squeeze %dma_wait3A_1597 : memref<1x128xi32, #tpu.memory_space<vmem>> -> memref<128xi32, #tpu.memory_space<vmem>>
    %dma_wait3A_1599 = arith.constant 0 : i32
    %dma_wait3A_1600 = tpu.memref_slice %arg4[%add3A_1588, %dma_wait3A_1599] : memref<2560x128xi32, #tpu.memory_space<hbm>> -> memref<1x128xi32, #tpu.memory_space<hbm>>
    %dma_wait3A_1601 = tpu.memref_squeeze %dma_wait3A_1600 : memref<1x128xi32, #tpu.memory_space<hbm>> -> memref<128xi32, #tpu.memory_space<hbm>>
    tpu.wait_dma2 semaphore(%arg15 : memref<!tpu.dma_semaphore, #tpu.memory_space<semaphore_mem>>) src(%dma_wait3A_1601 : memref<128xi32, #tpu.memory_space<hbm>>) dst(%dma_wait3A_1598 : memref<128xi32, #tpu.memory_space<vmem>>)
    %dma_start3A_1602 = arith.constant 1 : i32
    %dma_start3A_1603 = arith.constant 0 : i32
    %dma_start3A_1604 = tpu.memref_slice %arg6[%dma_start3A_1602, %dma_start3A_1603] : memref<4x128xi32, #tpu.memory_space<vmem>> -> memref<1x128xi32, #tpu.memory_space<vmem>>
    %dma_start3A_1605 = tpu.memref_squeeze %dma_start3A_1604 : memref<1x128xi32, #tpu.memory_space<vmem>> -> memref<128xi32, #tpu.memory_space<vmem>>
    %dma_start3A_1606 = arith.constant 0 : i32
    %dma_start3A_1607 = arith.constant 0 : i32
    %dma_start3A_1608 = tpu.memref_slice %arg2[%dma_start3A_1606, %dma_start3A_1607] : memref<10000x128xf32, #tpu.memory_space<hbm>> -> memref<10000x128xf32, #tpu.memory_space<hbm>>
    tpu.enqueue_indirect_dma source(%dma_start3A_1608 : memref<10000x128xf32, #tpu.memory_space<hbm>>) target(%arg9 : memref<128x128xf32, #tpu.memory_space<vmem>>) offsets(%dma_start3A_1605 : memref<128xi32, #tpu.memory_space<vmem>>) semaphore(%arg13 : memref<!tpu.dma_semaphore, #tpu.memory_space<semaphore_mem>>)
    %jit3A_1609 = arith.constant 4 : i32
    %div3A = arith.divsi %select_n3A, %jit3A_1609 : i32
    %sign3A = arith.constant 0 : i32
    %sign3A_1610 = arith.cmpi sgt, %select_n3A, %sign3A : i32
    %sign3A_1611 = arith.extui %sign3A_1610 : i1 to i32
    %sign3A_1612 = arith.constant 0 : i32
    %sign3A_1613 = arith.cmpi slt, %select_n3A, %sign3A_1612 : i32
    %sign3A_1614 = arith.extui %sign3A_1613 : i1 to i32
    %sign3A_1615 = arith.subi %sign3A_1611, %sign3A_1614 : i32
    %sign3A_1616 = arith.constant 0 : i32
    %sign3A_1617 = arith.cmpi sgt, %jit3A_1609, %sign3A_1616 : i32
    %sign3A_1618 = arith.extui %sign3A_1617 : i1 to i32
    %sign3A_1619 = arith.constant 0 : i32
    %sign3A_1620 = arith.cmpi slt, %jit3A_1609, %sign3A_1619 : i32
    %sign3A_1621 = arith.extui %sign3A_1620 : i1 to i32
    %sign3A_1622 = arith.subi %sign3A_1618, %sign3A_1621 : i32
    %ne3A = arith.cmpi ne, %sign3A_1615, %sign3A_1622 : i32
    %rem3A = arith.remsi %select_n3A, %jit3A_1609 : i32
    %ne3A_1623 = arith.constant 0 : i32
    %ne3A_1624 = arith.cmpi ne, %rem3A, %ne3A_1623 : i32
    %and3A = arith.andi %ne3A, %ne3A_1624 : i1
    %sub3A = arith.constant 1 : i32
    %sub3A_1625 = arith.subi %div3A, %sub3A : i32
    %select_n3A_1626 = arith.select %and3A, %sub3A_1625, %div3A : i32
    %while3A = arith.constant 0 : i32
    %while3A_1627 = arith.constant 0 : i32
    %while3A_1628 = arith.subi %select_n3A_1626, %while3A_1627 : i32
    %while3A_1629 = arith.addi %while3A_1627, %while3A_1628 : i32
    %while3A_1630 = arith.constant 1 : i32
    %while3A_1631 = arith.divsi %while3A_1628, %while3A_1630 : i32
    %while3A_1632 = arith.muli %while3A_1631, %while3A_1630 : i32
    %while3A_1633 = arith.addi %while3A_1627, %while3A_1632 : i32
    %while3A_1634 = arith.constant 1 : i32
    scf.for %while3A_1715 = %while3A_1627 to %while3A_1633 step %while3A_1634  : i32 {
      %mul3A_1716 = arith.constant 4 : i32
      %mul3A_1717 = arith.muli %mul3A_1716, %while3A_1715 : i32
      %dma_wait3A_1718 = arith.constant 0 : i32
      %dma_wait3A_1719 = arith.constant 0 : i32
      %dma_wait3A_1720 = tpu.memref_slice %arg6[%dma_wait3A_1718, %dma_wait3A_1719] : memref<4x128xi32, #tpu.memory_space<vmem>> -> memref<1x128xi32, #tpu.memory_space<vmem>>
      %dma_wait3A_1721 = tpu.memref_squeeze %dma_wait3A_1720 : memref<1x128xi32, #tpu.memory_space<vmem>> -> memref<128xi32, #tpu.memory_space<vmem>>
      %dma_wait3A_1722 = arith.constant 0 : i32
      %dma_wait3A_1723 = arith.constant 0 : i32
      %dma_wait3A_1724 = tpu.memref_slice %arg2[%dma_wait3A_1722, %dma_wait3A_1723] : memref<10000x128xf32, #tpu.memory_space<hbm>> -> memref<10000x128xf32, #tpu.memory_space<hbm>>
      tpu.wait_indirect_dma semaphore(%arg12 : memref<!tpu.dma_semaphore, #tpu.memory_space<semaphore_mem>>) src(%dma_wait3A_1724 : memref<10000x128xf32, #tpu.memory_space<hbm>>) dst(%arg8 : memref<128x128xf32, #tpu.memory_space<vmem>>)
      %run_scoped3A = arith.constant 0 : i32
      "tpu.region"() ({
        %run_scoped3A_2031 = tpu.sem_alloc : memref<!tpu.dma_semaphore, #tpu.memory_space<semaphore_mem>>
        %dma_start3A_2032 = arith.constant 0 : i32
        %dma_start3A_2033 = tpu.memref_slice %arg7[%run_scoped3A, %dma_start3A_2032] : memref<4x128xi32, #tpu.memory_space<vmem>> -> memref<1x128xi32, #tpu.memory_space<vmem>>
        %dma_start3A_2034 = tpu.memref_squeeze %dma_start3A_2033 : memref<1x128xi32, #tpu.memory_space<vmem>> -> memref<128xi32, #tpu.memory_space<vmem>>
        %dma_start3A_2035 = arith.constant 0 : i32
        %dma_start3A_2036 = arith.constant 0 : i32
        %dma_start3A_2037 = tpu.memref_slice %arg11[%dma_start3A_2035, %dma_start3A_2036] : memref<10240x128xf32, #tpu.memory_space<vmem_shared>> -> memref<10240x128xf32, #tpu.memory_space<vmem_shared>>
        tpu.enqueue_indirect_dma source(%arg8 : memref<128x128xf32, #tpu.memory_space<vmem>>) target(%dma_start3A_2037 : memref<10240x128xf32, #tpu.memory_space<vmem_shared>>) offsets(%dma_start3A_2034 : memref<128xi32, #tpu.memory_space<vmem>>) semaphore(%run_scoped3A_2031 : memref<!tpu.dma_semaphore, #tpu.memory_space<semaphore_mem>>) {add = true}
        %dma_wait3A_2038 = arith.constant 0 : i32
        %dma_wait3A_2039 = tpu.memref_slice %arg7[%run_scoped3A, %dma_wait3A_2038] : memref<4x128xi32, #tpu.memory_space<vmem>> -> memref<1x128xi32, #tpu.memory_space<vmem>>
        %dma_wait3A_2040 = tpu.memref_squeeze %dma_wait3A_2039 : memref<1x128xi32, #tpu.memory_space<vmem>> -> memref<128xi32, #tpu.memory_space<vmem>>
        %dma_wait3A_2041 = arith.constant 0 : i32
        %dma_wait3A_2042 = arith.constant 0 : i32
        %dma_wait3A_2043 = tpu.memref_slice %arg11[%dma_wait3A_2041, %dma_wait3A_2042] : memref<10240x128xf32, #tpu.memory_space<vmem_shared>> -> memref<10240x128xf32, #tpu.memory_space<vmem_shared>>
        tpu.wait_indirect_dma semaphore(%run_scoped3A_2031 : memref<!tpu.dma_semaphore, #tpu.memory_space<semaphore_mem>>) src(%arg8 : memref<128x128xf32, #tpu.memory_space<vmem>>) dst(%dma_wait3A_2043 : memref<10240x128xf32, #tpu.memory_space<vmem_shared>>)
        tpu.yield
      }) : () -> ()
      %add3A_1725 = arith.constant 4 : i32
      %add3A_1726 = arith.addi %mul3A_1717, %add3A_1725 : i32
      %rem3A_1727 = arith.remsi %add3A_1726, %select_n3A : i32
      %add3A_1728 = arith.addi %select_n3A_8, %rem3A_1727 : i32
      %dma_start3A_1729 = arith.constant 0 : i32
      %dma_start3A_1730 = arith.constant 0 : i32
      %dma_start3A_1731 = tpu.memref_slice %arg6[%dma_start3A_1729, %dma_start3A_1730] : memref<4x128xi32, #tpu.memory_space<vmem>> -> memref<1x128xi32, #tpu.memory_space<vmem>>
      %dma_start3A_1732 = tpu.memref_squeeze %dma_start3A_1731 : memref<1x128xi32, #tpu.memory_space<vmem>> -> memref<128xi32, #tpu.memory_space<vmem>>
      %dma_start3A_1733 = arith.constant 0 : i32
      %dma_start3A_1734 = tpu.memref_slice %arg3[%add3A_1728, %dma_start3A_1733] : memref<2560x128xi32, #tpu.memory_space<hbm>> -> memref<1x128xi32, #tpu.memory_space<hbm>>
      %dma_start3A_1735 = tpu.memref_squeeze %dma_start3A_1734 : memref<1x128xi32, #tpu.memory_space<hbm>> -> memref<128xi32, #tpu.memory_space<hbm>>
      %dma_start3A_1736 = arith.constant 0 : i32
      %dma_start3A_1737 = tpu.memref_slice %arg6[%dma_start3A_1729, %dma_start3A_1736] : memref<4x128xi32, #tpu.memory_space<vmem>> -> memref<1x128xi32, #tpu.memory_space<vmem>>
      %dma_start3A_1738 = tpu.memref_squeeze %dma_start3A_1737 : memref<1x128xi32, #tpu.memory_space<vmem>> -> memref<128xi32, #tpu.memory_space<vmem>>
      %dma_start3A_1739 = arith.constant 0 : i32
      %dma_start3A_1740 = tpu.memref_slice %arg3[%add3A_1728, %dma_start3A_1739] : memref<2560x128xi32, #tpu.memory_space<hbm>> -> memref<1x128xi32, #tpu.memory_space<hbm>>
      %dma_start3A_1741 = tpu.memref_squeeze %dma_start3A_1740 : memref<1x128xi32, #tpu.memory_space<hbm>> -> memref<128xi32, #tpu.memory_space<hbm>>
      tpu.enqueue_dma source(%dma_start3A_1741 : memref<128xi32, #tpu.memory_space<hbm>>) target(%dma_start3A_1738 : memref<128xi32, #tpu.memory_space<vmem>>) target_semaphore(%arg14 : memref<!tpu.dma_semaphore, #tpu.memory_space<semaphore_mem>>)
      %add3A_1742 = arith.addi %select_n3A_8, %rem3A_1727 : i32
      %dma_start3A_1743 = arith.constant 0 : i32
      %dma_start3A_1744 = arith.constant 0 : i32
      %dma_start3A_1745 = tpu.memref_slice %arg7[%dma_start3A_1743, %dma_start3A_1744] : memref<4x128xi32, #tpu.memory_space<vmem>> -> memref<1x128xi32, #tpu.memory_space<vmem>>
      %dma_start3A_1746 = tpu.memref_squeeze %dma_start3A_1745 : memref<1x128xi32, #tpu.memory_space<vmem>> -> memref<128xi32, #tpu.memory_space<vmem>>
      %dma_start3A_1747 = arith.constant 0 : i32
      %dma_start3A_1748 = tpu.memref_slice %arg4[%add3A_1742, %dma_start3A_1747] : memref<2560x128xi32, #tpu.memory_space<hbm>> -> memref<1x128xi32, #tpu.memory_space<hbm>>
      %dma_start3A_1749 = tpu.memref_squeeze %dma_start3A_1748 : memref<1x128xi32, #tpu.memory_space<hbm>> -> memref<128xi32, #tpu.memory_space<hbm>>
      %dma_start3A_1750 = arith.constant 0 : i32
      %dma_start3A_1751 = tpu.memref_slice %arg7[%dma_start3A_1743, %dma_start3A_1750] : memref<4x128xi32, #tpu.memory_space<vmem>> -> memref<1x128xi32, #tpu.memory_space<vmem>>
      %dma_start3A_1752 = tpu.memref_squeeze %dma_start3A_1751 : memref<1x128xi32, #tpu.memory_space<vmem>> -> memref<128xi32, #tpu.memory_space<vmem>>
      %dma_start3A_1753 = arith.constant 0 : i32
      %dma_start3A_1754 = tpu.memref_slice %arg4[%add3A_1742, %dma_start3A_1753] : memref<2560x128xi32, #tpu.memory_space<hbm>> -> memref<1x128xi32, #tpu.memory_space<hbm>>
      %dma_start3A_1755 = tpu.memref_squeeze %dma_start3A_1754 : memref<1x128xi32, #tpu.memory_space<hbm>> -> memref<128xi32, #tpu.memory_space<hbm>>
      tpu.enqueue_dma source(%dma_start3A_1755 : memref<128xi32, #tpu.memory_space<hbm>>) target(%dma_start3A_1752 : memref<128xi32, #tpu.memory_space<vmem>>) target_semaphore(%arg14 : memref<!tpu.dma_semaphore, #tpu.memory_space<semaphore_mem>>)
      %add3A_1756 = arith.constant 2 : i32
      %add3A_1757 = arith.addi %mul3A_1717, %add3A_1756 : i32
      %rem3A_1758 = arith.remsi %add3A_1757, %select_n3A : i32
      %add3A_1759 = arith.addi %select_n3A_8, %rem3A_1758 : i32
      %dma_wait3A_1760 = arith.constant 2 : i32
      %dma_wait3A_1761 = arith.constant 0 : i32
      %dma_wait3A_1762 = tpu.memref_slice %arg6[%dma_wait3A_1760, %dma_wait3A_1761] : memref<4x128xi32, #tpu.memory_space<vmem>> -> memref<1x128xi32, #tpu.memory_space<vmem>>
      %dma_wait3A_1763 = tpu.memref_squeeze %dma_wait3A_1762 : memref<1x128xi32, #tpu.memory_space<vmem>> -> memref<128xi32, #tpu.memory_space<vmem>>
      %dma_wait3A_1764 = arith.constant 0 : i32
      %dma_wait3A_1765 = tpu.memref_slice %arg3[%add3A_1759, %dma_wait3A_1764] : memref<2560x128xi32, #tpu.memory_space<hbm>> -> memref<1x128xi32, #tpu.memory_space<hbm>>
      %dma_wait3A_1766 = tpu.memref_squeeze %dma_wait3A_1765 : memref<1x128xi32, #tpu.memory_space<hbm>> -> memref<128xi32, #tpu.memory_space<hbm>>
      %dma_wait3A_1767 = arith.constant 0 : i32
      %dma_wait3A_1768 = tpu.memref_slice %arg6[%dma_wait3A_1760, %dma_wait3A_1767] : memref<4x128xi32, #tpu.memory_space<vmem>> -> memref<1x128xi32, #tpu.memory_space<vmem>>
      %dma_wait3A_1769 = tpu.memref_squeeze %dma_wait3A_1768 : memref<1x128xi32, #tpu.memory_space<vmem>> -> memref<128xi32, #tpu.memory_space<vmem>>
      %dma_wait3A_1770 = arith.constant 0 : i32
      %dma_wait3A_1771 = tpu.memref_slice %arg3[%add3A_1759, %dma_wait3A_1770] : memref<2560x128xi32, #tpu.memory_space<hbm>> -> memref<1x128xi32, #tpu.memory_space<hbm>>
      %dma_wait3A_1772 = tpu.memref_squeeze %dma_wait3A_1771 : memref<1x128xi32, #tpu.memory_space<hbm>> -> memref<128xi32, #tpu.memory_space<hbm>>
      tpu.wait_dma2 semaphore(%arg16 : memref<!tpu.dma_semaphore, #tpu.memory_space<semaphore_mem>>) src(%dma_wait3A_1772 : memref<128xi32, #tpu.memory_space<hbm>>) dst(%dma_wait3A_1769 : memref<128xi32, #tpu.memory_space<vmem>>)
      %add3A_1773 = arith.addi %select_n3A_8, %rem3A_1758 : i32
      %dma_wait3A_1774 = arith.constant 2 : i32
      %dma_wait3A_1775 = arith.constant 0 : i32
      %dma_wait3A_1776 = tpu.memref_slice %arg7[%dma_wait3A_1774, %dma_wait3A_1775] : memref<4x128xi32, #tpu.memory_space<vmem>> -> memref<1x128xi32, #tpu.memory_space<vmem>>
      %dma_wait3A_1777 = tpu.memref_squeeze %dma_wait3A_1776 : memref<1x128xi32, #tpu.memory_space<vmem>> -> memref<128xi32, #tpu.memory_space<vmem>>
      %dma_wait3A_1778 = arith.constant 0 : i32
      %dma_wait3A_1779 = tpu.memref_slice %arg4[%add3A_1773, %dma_wait3A_1778] : memref<2560x128xi32, #tpu.memory_space<hbm>> -> memref<1x128xi32, #tpu.memory_space<hbm>>
      %dma_wait3A_1780 = tpu.memref_squeeze %dma_wait3A_1779 : memref<1x128xi32, #tpu.memory_space<hbm>> -> memref<128xi32, #tpu.memory_space<hbm>>
      %dma_wait3A_1781 = arith.constant 0 : i32
      %dma_wait3A_1782 = tpu.memref_slice %arg7[%dma_wait3A_1774, %dma_wait3A_1781] : memref<4x128xi32, #tpu.memory_space<vmem>> -> memref<1x128xi32, #tpu.memory_space<vmem>>
      %dma_wait3A_1783 = tpu.memref_squeeze %dma_wait3A_1782 : memref<1x128xi32, #tpu.memory_space<vmem>> -> memref<128xi32, #tpu.memory_space<vmem>>
      %dma_wait3A_1784 = arith.constant 0 : i32
      %dma_wait3A_1785 = tpu.memref_slice %arg4[%add3A_1773, %dma_wait3A_1784] : memref<2560x128xi32, #tpu.memory_space<hbm>> -> memref<1x128xi32, #tpu.memory_space<hbm>>
      %dma_wait3A_1786 = tpu.memref_squeeze %dma_wait3A_1785 : memref<1x128xi32, #tpu.memory_space<hbm>> -> memref<128xi32, #tpu.memory_space<hbm>>
      tpu.wait_dma2 semaphore(%arg16 : memref<!tpu.dma_semaphore, #tpu.memory_space<semaphore_mem>>) src(%dma_wait3A_1786 : memref<128xi32, #tpu.memory_space<hbm>>) dst(%dma_wait3A_1783 : memref<128xi32, #tpu.memory_space<vmem>>)
      %dma_start3A_1787 = arith.constant 2 : i32
      %dma_start3A_1788 = arith.constant 0 : i32
      %dma_start3A_1789 = tpu.memref_slice %arg6[%dma_start3A_1787, %dma_start3A_1788] : memref<4x128xi32, #tpu.memory_space<vmem>> -> memref<1x128xi32, #tpu.memory_space<vmem>>
      %dma_start3A_1790 = tpu.memref_squeeze %dma_start3A_1789 : memref<1x128xi32, #tpu.memory_space<vmem>> -> memref<128xi32, #tpu.memory_space<vmem>>
      %dma_start3A_1791 = arith.constant 0 : i32
      %dma_start3A_1792 = arith.constant 0 : i32
      %dma_start3A_1793 = tpu.memref_slice %arg2[%dma_start3A_1791, %dma_start3A_1792] : memref<10000x128xf32, #tpu.memory_space<hbm>> -> memref<10000x128xf32, #tpu.memory_space<hbm>>
      tpu.enqueue_indirect_dma source(%dma_start3A_1793 : memref<10000x128xf32, #tpu.memory_space<hbm>>) target(%arg8 : memref<128x128xf32, #tpu.memory_space<vmem>>) offsets(%dma_start3A_1790 : memref<128xi32, #tpu.memory_space<vmem>>) semaphore(%arg12 : memref<!tpu.dma_semaphore, #tpu.memory_space<semaphore_mem>>)
      %add3A_1794 = arith.constant 1 : i32
      %add3A_1795 = arith.addi %mul3A_1717, %add3A_1794 : i32
      %dma_wait3A_1796 = arith.constant 1 : i32
      %dma_wait3A_1797 = arith.constant 0 : i32
      %dma_wait3A_1798 = tpu.memref_slice %arg6[%dma_wait3A_1796, %dma_wait3A_1797] : memref<4x128xi32, #tpu.memory_space<vmem>> -> memref<1x128xi32, #tpu.memory_space<vmem>>
      %dma_wait3A_1799 = tpu.memref_squeeze %dma_wait3A_1798 : memref<1x128xi32, #tpu.memory_space<vmem>> -> memref<128xi32, #tpu.memory_space<vmem>>
      %dma_wait3A_1800 = arith.constant 0 : i32
      %dma_wait3A_1801 = arith.constant 0 : i32
      %dma_wait3A_1802 = tpu.memref_slice %arg2[%dma_wait3A_1800, %dma_wait3A_1801] : memref<10000x128xf32, #tpu.memory_space<hbm>> -> memref<10000x128xf32, #tpu.memory_space<hbm>>
      tpu.wait_indirect_dma semaphore(%arg13 : memref<!tpu.dma_semaphore, #tpu.memory_space<semaphore_mem>>) src(%dma_wait3A_1802 : memref<10000x128xf32, #tpu.memory_space<hbm>>) dst(%arg9 : memref<128x128xf32, #tpu.memory_space<vmem>>)
      %run_scoped3A_1803 = arith.constant 1 : i32
      "tpu.region"() ({
        %run_scoped3A_2031 = tpu.sem_alloc : memref<!tpu.dma_semaphore, #tpu.memory_space<semaphore_mem>>
        %dma_start3A_2032 = arith.constant 0 : i32
        %dma_start3A_2033 = tpu.memref_slice %arg7[%run_scoped3A_1803, %dma_start3A_2032] : memref<4x128xi32, #tpu.memory_space<vmem>> -> memref<1x128xi32, #tpu.memory_space<vmem>>
        %dma_start3A_2034 = tpu.memref_squeeze %dma_start3A_2033 : memref<1x128xi32, #tpu.memory_space<vmem>> -> memref<128xi32, #tpu.memory_space<vmem>>
        %dma_start3A_2035 = arith.constant 0 : i32
        %dma_start3A_2036 = arith.constant 0 : i32
        %dma_start3A_2037 = tpu.memref_slice %arg11[%dma_start3A_2035, %dma_start3A_2036] : memref<10240x128xf32, #tpu.memory_space<vmem_shared>> -> memref<10240x128xf32, #tpu.memory_space<vmem_shared>>
        tpu.enqueue_indirect_dma source(%arg9 : memref<128x128xf32, #tpu.memory_space<vmem>>) target(%dma_start3A_2037 : memref<10240x128xf32, #tpu.memory_space<vmem_shared>>) offsets(%dma_start3A_2034 : memref<128xi32, #tpu.memory_space<vmem>>) semaphore(%run_scoped3A_2031 : memref<!tpu.dma_semaphore, #tpu.memory_space<semaphore_mem>>) {add = true}
        %dma_wait3A_2038 = arith.constant 0 : i32
        %dma_wait3A_2039 = tpu.memref_slice %arg7[%run_scoped3A_1803, %dma_wait3A_2038] : memref<4x128xi32, #tpu.memory_space<vmem>> -> memref<1x128xi32, #tpu.memory_space<vmem>>
        %dma_wait3A_2040 = tpu.memref_squeeze %dma_wait3A_2039 : memref<1x128xi32, #tpu.memory_space<vmem>> -> memref<128xi32, #tpu.memory_space<vmem>>
        %dma_wait3A_2041 = arith.constant 0 : i32
        %dma_wait3A_2042 = arith.constant 0 : i32
        %dma_wait3A_2043 = tpu.memref_slice %arg11[%dma_wait3A_2041, %dma_wait3A_2042] : memref<10240x128xf32, #tpu.memory_space<vmem_shared>> -> memref<10240x128xf32, #tpu.memory_space<vmem_shared>>
        tpu.wait_indirect_dma semaphore(%run_scoped3A_2031 : memref<!tpu.dma_semaphore, #tpu.memory_space<semaphore_mem>>) src(%arg9 : memref<128x128xf32, #tpu.memory_space<vmem>>) dst(%dma_wait3A_2043 : memref<10240x128xf32, #tpu.memory_space<vmem_shared>>)
        tpu.yield
      }) : () -> ()
      %add3A_1804 = arith.constant 4 : i32
      %add3A_1805 = arith.addi %add3A_1795, %add3A_1804 : i32
      %rem3A_1806 = arith.remsi %add3A_1805, %select_n3A : i32
      %add3A_1807 = arith.addi %select_n3A_8, %rem3A_1806 : i32
      %dma_start3A_1808 = arith.constant 1 : i32
      %dma_start3A_1809 = arith.constant 0 : i32
      %dma_start3A_1810 = tpu.memref_slice %arg6[%dma_start3A_1808, %dma_start3A_1809] : memref<4x128xi32, #tpu.memory_space<vmem>> -> memref<1x128xi32, #tpu.memory_space<vmem>>
      %dma_start3A_1811 = tpu.memref_squeeze %dma_start3A_1810 : memref<1x128xi32, #tpu.memory_space<vmem>> -> memref<128xi32, #tpu.memory_space<vmem>>
      %dma_start3A_1812 = arith.constant 0 : i32
      %dma_start3A_1813 = tpu.memref_slice %arg3[%add3A_1807, %dma_start3A_1812] : memref<2560x128xi32, #tpu.memory_space<hbm>> -> memref<1x128xi32, #tpu.memory_space<hbm>>
      %dma_start3A_1814 = tpu.memref_squeeze %dma_start3A_1813 : memref<1x128xi32, #tpu.memory_space<hbm>> -> memref<128xi32, #tpu.memory_space<hbm>>
      %dma_start3A_1815 = arith.constant 0 : i32
      %dma_start3A_1816 = tpu.memref_slice %arg6[%dma_start3A_1808, %dma_start3A_1815] : memref<4x128xi32, #tpu.memory_space<vmem>> -> memref<1x128xi32, #tpu.memory_space<vmem>>
      %dma_start3A_1817 = tpu.memref_squeeze %dma_start3A_1816 : memref<1x128xi32, #tpu.memory_space<vmem>> -> memref<128xi32, #tpu.memory_space<vmem>>
      %dma_start3A_1818 = arith.constant 0 : i32
      %dma_start3A_1819 = tpu.memref_slice %arg3[%add3A_1807, %dma_start3A_1818] : memref<2560x128xi32, #tpu.memory_space<hbm>> -> memref<1x128xi32, #tpu.memory_space<hbm>>
      %dma_start3A_1820 = tpu.memref_squeeze %dma_start3A_1819 : memref<1x128xi32, #tpu.memory_space<hbm>> -> memref<128xi32, #tpu.memory_space<hbm>>
      tpu.enqueue_dma source(%dma_start3A_1820 : memref<128xi32, #tpu.memory_space<hbm>>) target(%dma_start3A_1817 : memref<128xi32, #tpu.memory_space<vmem>>) target_semaphore(%arg15 : memref<!tpu.dma_semaphore, #tpu.memory_space<semaphore_mem>>)
      %add3A_1821 = arith.addi %select_n3A_8, %rem3A_1806 : i32
      %dma_start3A_1822 = arith.constant 1 : i32
      %dma_start3A_1823 = arith.constant 0 : i32
      %dma_start3A_1824 = tpu.memref_slice %arg7[%dma_start3A_1822, %dma_start3A_1823] : memref<4x128xi32, #tpu.memory_space<vmem>> -> memref<1x128xi32, #tpu.memory_space<vmem>>
      %dma_start3A_1825 = tpu.memref_squeeze %dma_start3A_1824 : memref<1x128xi32, #tpu.memory_space<vmem>> -> memref<128xi32, #tpu.memory_space<vmem>>
      %dma_start3A_1826 = arith.constant 0 : i32
      %dma_start3A_1827 = tpu.memref_slice %arg4[%add3A_1821, %dma_start3A_1826] : memref<2560x128xi32, #tpu.memory_space<hbm>> -> memref<1x128xi32, #tpu.memory_space<hbm>>
      %dma_start3A_1828 = tpu.memref_squeeze %dma_start3A_1827 : memref<1x128xi32, #tpu.memory_space<hbm>> -> memref<128xi32, #tpu.memory_space<hbm>>
      %dma_start3A_1829 = arith.constant 0 : i32
      %dma_start3A_1830 = tpu.memref_slice %arg7[%dma_start3A_1822, %dma_start3A_1829] : memref<4x128xi32, #tpu.memory_space<vmem>> -> memref<1x128xi32, #tpu.memory_space<vmem>>
      %dma_start3A_1831 = tpu.memref_squeeze %dma_start3A_1830 : memref<1x128xi32, #tpu.memory_space<vmem>> -> memref<128xi32, #tpu.memory_space<vmem>>
      %dma_start3A_1832 = arith.constant 0 : i32
      %dma_start3A_1833 = tpu.memref_slice %arg4[%add3A_1821, %dma_start3A_1832] : memref<2560x128xi32, #tpu.memory_space<hbm>> -> memref<1x128xi32, #tpu.memory_space<hbm>>
      %dma_start3A_1834 = tpu.memref_squeeze %dma_start3A_1833 : memref<1x128xi32, #tpu.memory_space<hbm>> -> memref<128xi32, #tpu.memory_space<hbm>>
      tpu.enqueue_dma source(%dma_start3A_1834 : memref<128xi32, #tpu.memory_space<hbm>>) target(%dma_start3A_1831 : memref<128xi32, #tpu.memory_space<vmem>>) target_semaphore(%arg15 : memref<!tpu.dma_semaphore, #tpu.memory_space<semaphore_mem>>)
      %add3A_1835 = arith.constant 2 : i32
      %add3A_1836 = arith.addi %add3A_1795, %add3A_1835 : i32
      %rem3A_1837 = arith.remsi %add3A_1836, %select_n3A : i32
      %add3A_1838 = arith.addi %select_n3A_8, %rem3A_1837 : i32
      %dma_wait3A_1839 = arith.constant 3 : i32
      %dma_wait3A_1840 = arith.constant 0 : i32
      %dma_wait3A_1841 = tpu.memref_slice %arg6[%dma_wait3A_1839, %dma_wait3A_1840] : memref<4x128xi32, #tpu.memory_space<vmem>> -> memref<1x128xi32, #tpu.memory_space<vmem>>
      %dma_wait3A_1842 = tpu.memref_squeeze %dma_wait3A_1841 : memref<1x128xi32, #tpu.memory_space<vmem>> -> memref<128xi32, #tpu.memory_space<vmem>>
      %dma_wait3A_1843 = arith.constant 0 : i32
      %dma_wait3A_1844 = tpu.memref_slice %arg3[%add3A_1838, %dma_wait3A_1843] : memref<2560x128xi32, #tpu.memory_space<hbm>> -> memref<1x128xi32, #tpu.memory_space<hbm>>
      %dma_wait3A_1845 = tpu.memref_squeeze %dma_wait3A_1844 : memref<1x128xi32, #tpu.memory_space<hbm>> -> memref<128xi32, #tpu.memory_space<hbm>>
      %dma_wait3A_1846 = arith.constant 0 : i32
      %dma_wait3A_1847 = tpu.memref_slice %arg6[%dma_wait3A_1839, %dma_wait3A_1846] : memref<4x128xi32, #tpu.memory_space<vmem>> -> memref<1x128xi32, #tpu.memory_space<vmem>>
      %dma_wait3A_1848 = tpu.memref_squeeze %dma_wait3A_1847 : memref<1x128xi32, #tpu.memory_space<vmem>> -> memref<128xi32, #tpu.memory_space<vmem>>
      %dma_wait3A_1849 = arith.constant 0 : i32
      %dma_wait3A_1850 = tpu.memref_slice %arg3[%add3A_1838, %dma_wait3A_1849] : memref<2560x128xi32, #tpu.memory_space<hbm>> -> memref<1x128xi32, #tpu.memory_space<hbm>>
      %dma_wait3A_1851 = tpu.memref_squeeze %dma_wait3A_1850 : memref<1x128xi32, #tpu.memory_space<hbm>> -> memref<128xi32, #tpu.memory_space<hbm>>
      tpu.wait_dma2 semaphore(%arg17 : memref<!tpu.dma_semaphore, #tpu.memory_space<semaphore_mem>>) src(%dma_wait3A_1851 : memref<128xi32, #tpu.memory_space<hbm>>) dst(%dma_wait3A_1848 : memref<128xi32, #tpu.memory_space<vmem>>)
      %add3A_1852 = arith.addi %select_n3A_8, %rem3A_1837 : i32
      %dma_wait3A_1853 = arith.constant 3 : i32
      %dma_wait3A_1854 = arith.constant 0 : i32
      %dma_wait3A_1855 = tpu.memref_slice %arg7[%dma_wait3A_1853, %dma_wait3A_1854] : memref<4x128xi32, #tpu.memory_space<vmem>> -> memref<1x128xi32, #tpu.memory_space<vmem>>
      %dma_wait3A_1856 = tpu.memref_squeeze %dma_wait3A_1855 : memref<1x128xi32, #tpu.memory_space<vmem>> -> memref<128xi32, #tpu.memory_space<vmem>>
      %dma_wait3A_1857 = arith.constant 0 : i32
      %dma_wait3A_1858 = tpu.memref_slice %arg4[%add3A_1852, %dma_wait3A_1857] : memref<2560x128xi32, #tpu.memory_space<hbm>> -> memref<1x128xi32, #tpu.memory_space<hbm>>
      %dma_wait3A_1859 = tpu.memref_squeeze %dma_wait3A_1858 : memref<1x128xi32, #tpu.memory_space<hbm>> -> memref<128xi32, #tpu.memory_space<hbm>>
      %dma_wait3A_1860 = arith.constant 0 : i32
      %dma_wait3A_1861 = tpu.memref_slice %arg7[%dma_wait3A_1853, %dma_wait3A_1860] : memref<4x128xi32, #tpu.memory_space<vmem>> -> memref<1x128xi32, #tpu.memory_space<vmem>>
      %dma_wait3A_1862 = tpu.memref_squeeze %dma_wait3A_1861 : memref<1x128xi32, #tpu.memory_space<vmem>> -> memref<128xi32, #tpu.memory_space<vmem>>
      %dma_wait3A_1863 = arith.constant 0 : i32
      %dma_wait3A_1864 = tpu.memref_slice %arg4[%add3A_1852, %dma_wait3A_1863] : memref<2560x128xi32, #tpu.memory_space<hbm>> -> memref<1x128xi32, #tpu.memory_space<hbm>>
      %dma_wait3A_1865 = tpu.memref_squeeze %dma_wait3A_1864 : memref<1x128xi32, #tpu.memory_space<hbm>> -> memref<128xi32, #tpu.memory_space<hbm>>
      tpu.wait_dma2 semaphore(%arg17 : memref<!tpu.dma_semaphore, #tpu.memory_space<semaphore_mem>>) src(%dma_wait3A_1865 : memref<128xi32, #tpu.memory_space<hbm>>) dst(%dma_wait3A_1862 : memref<128xi32, #tpu.memory_space<vmem>>)
      %dma_start3A_1866 = arith.constant 3 : i32
      %dma_start3A_1867 = arith.constant 0 : i32
      %dma_start3A_1868 = tpu.memref_slice %arg6[%dma_start3A_1866, %dma_start3A_1867] : memref<4x128xi32, #tpu.memory_space<vmem>> -> memref<1x128xi32, #tpu.memory_space<vmem>>
      %dma_start3A_1869 = tpu.memref_squeeze %dma_start3A_1868 : memref<1x128xi32, #tpu.memory_space<vmem>> -> memref<128xi32, #tpu.memory_space<vmem>>
      %dma_start3A_1870 = arith.constant 0 : i32
      %dma_start3A_1871 = arith.constant 0 : i32
      %dma_start3A_1872 = tpu.memref_slice %arg2[%dma_start3A_1870, %dma_start3A_1871] : memref<10000x128xf32, #tpu.memory_space<hbm>> -> memref<10000x128xf32, #tpu.memory_space<hbm>>
      tpu.enqueue_indirect_dma source(%dma_start3A_1872 : memref<10000x128xf32, #tpu.memory_space<hbm>>) target(%arg9 : memref<128x128xf32, #tpu.memory_space<vmem>>) offsets(%dma_start3A_1869 : memref<128xi32, #tpu.memory_space<vmem>>) semaphore(%arg13 : memref<!tpu.dma_semaphore, #tpu.memory_space<semaphore_mem>>)
      %add3A_1873 = arith.constant 2 : i32
      %add3A_1874 = arith.addi %mul3A_1717, %add3A_1873 : i32
      %dma_wait3A_1875 = arith.constant 2 : i32
      %dma_wait3A_1876 = arith.constant 0 : i32
      %dma_wait3A_1877 = tpu.memref_slice %arg6[%dma_wait3A_1875, %dma_wait3A_1876] : memref<4x128xi32, #tpu.memory_space<vmem>> -> memref<1x128xi32, #tpu.memory_space<vmem>>
      %dma_wait3A_1878 = tpu.memref_squeeze %dma_wait3A_1877 : memref<1x128xi32, #tpu.memory_space<vmem>> -> memref<128xi32, #tpu.memory_space<vmem>>
      %dma_wait3A_1879 = arith.constant 0 : i32
      %dma_wait3A_1880 = arith.constant 0 : i32
      %dma_wait3A_1881 = tpu.memref_slice %arg2[%dma_wait3A_1879, %dma_wait3A_1880] : memref<10000x128xf32, #tpu.memory_space<hbm>> -> memref<10000x128xf32, #tpu.memory_space<hbm>>
      tpu.wait_indirect_dma semaphore(%arg12 : memref<!tpu.dma_semaphore, #tpu.memory_space<semaphore_mem>>) src(%dma_wait3A_1881 : memref<10000x128xf32, #tpu.memory_space<hbm>>) dst(%arg8 : memref<128x128xf32, #tpu.memory_space<vmem>>)
      %run_scoped3A_1882 = arith.constant 2 : i32
      "tpu.region"() ({
        %run_scoped3A_2031 = tpu.sem_alloc : memref<!tpu.dma_semaphore, #tpu.memory_space<semaphore_mem>>
        %dma_start3A_2032 = arith.constant 0 : i32
        %dma_start3A_2033 = tpu.memref_slice %arg7[%run_scoped3A_1882, %dma_start3A_2032] : memref<4x128xi32, #tpu.memory_space<vmem>> -> memref<1x128xi32, #tpu.memory_space<vmem>>
        %dma_start3A_2034 = tpu.memref_squeeze %dma_start3A_2033 : memref<1x128xi32, #tpu.memory_space<vmem>> -> memref<128xi32, #tpu.memory_space<vmem>>
        %dma_start3A_2035 = arith.constant 0 : i32
        %dma_start3A_2036 = arith.constant 0 : i32
        %dma_start3A_2037 = tpu.memref_slice %arg11[%dma_start3A_2035, %dma_start3A_2036] : memref<10240x128xf32, #tpu.memory_space<vmem_shared>> -> memref<10240x128xf32, #tpu.memory_space<vmem_shared>>
        tpu.enqueue_indirect_dma source(%arg8 : memref<128x128xf32, #tpu.memory_space<vmem>>) target(%dma_start3A_2037 : memref<10240x128xf32, #tpu.memory_space<vmem_shared>>) offsets(%dma_start3A_2034 : memref<128xi32, #tpu.memory_space<vmem>>) semaphore(%run_scoped3A_2031 : memref<!tpu.dma_semaphore, #tpu.memory_space<semaphore_mem>>) {add = true}
        %dma_wait3A_2038 = arith.constant 0 : i32
        %dma_wait3A_2039 = tpu.memref_slice %arg7[%run_scoped3A_1882, %dma_wait3A_2038] : memref<4x128xi32, #tpu.memory_space<vmem>> -> memref<1x128xi32, #tpu.memory_space<vmem>>
        %dma_wait3A_2040 = tpu.memref_squeeze %dma_wait3A_2039 : memref<1x128xi32, #tpu.memory_space<vmem>> -> memref<128xi32, #tpu.memory_space<vmem>>
        %dma_wait3A_2041 = arith.constant 0 : i32
        %dma_wait3A_2042 = arith.constant 0 : i32
        %dma_wait3A_2043 = tpu.memref_slice %arg11[%dma_wait3A_2041, %dma_wait3A_2042] : memref<10240x128xf32, #tpu.memory_space<vmem_shared>> -> memref<10240x128xf32, #tpu.memory_space<vmem_shared>>
        tpu.wait_indirect_dma semaphore(%run_scoped3A_2031 : memref<!tpu.dma_semaphore, #tpu.memory_space<semaphore_mem>>) src(%arg8 : memref<128x128xf32, #tpu.memory_space<vmem>>) dst(%dma_wait3A_2043 : memref<10240x128xf32, #tpu.memory_space<vmem_shared>>)
        tpu.yield
      }) : () -> ()
      %add3A_1883 = arith.constant 4 : i32
      %add3A_1884 = arith.addi %add3A_1874, %add3A_1883 : i32
      %rem3A_1885 = arith.remsi %add3A_1884, %select_n3A : i32
      %add3A_1886 = arith.addi %select_n3A_8, %rem3A_1885 : i32
      %dma_start3A_1887 = arith.constant 2 : i32
      %dma_start3A_1888 = arith.constant 0 : i32
      %dma_start3A_1889 = tpu.memref_slice %arg6[%dma_start3A_1887, %dma_start3A_1888] : memref<4x128xi32, #tpu.memory_space<vmem>> -> memref<1x128xi32, #tpu.memory_space<vmem>>
      %dma_start3A_1890 = tpu.memref_squeeze %dma_start3A_1889 : memref<1x128xi32, #tpu.memory_space<vmem>> -> memref<128xi32, #tpu.memory_space<vmem>>
      %dma_start3A_1891 = arith.constant 0 : i32
      %dma_start3A_1892 = tpu.memref_slice %arg3[%add3A_1886, %dma_start3A_1891] : memref<2560x128xi32, #tpu.memory_space<hbm>> -> memref<1x128xi32, #tpu.memory_space<hbm>>
      %dma_start3A_1893 = tpu.memref_squeeze %dma_start3A_1892 : memref<1x128xi32, #tpu.memory_space<hbm>> -> memref<128xi32, #tpu.memory_space<hbm>>
      %dma_start3A_1894 = arith.constant 0 : i32
      %dma_start3A_1895 = tpu.memref_slice %arg6[%dma_start3A_1887, %dma_start3A_1894] : memref<4x128xi32, #tpu.memory_space<vmem>> -> memref<1x128xi32, #tpu.memory_space<vmem>>
      %dma_start3A_1896 = tpu.memref_squeeze %dma_start3A_1895 : memref<1x128xi32, #tpu.memory_space<vmem>> -> memref<128xi32, #tpu.memory_space<vmem>>
      %dma_start3A_1897 = arith.constant 0 : i32
      %dma_start3A_1898 = tpu.memref_slice %arg3[%add3A_1886, %dma_start3A_1897] : memref<2560x128xi32, #tpu.memory_space<hbm>> -> memref<1x128xi32, #tpu.memory_space<hbm>>
      %dma_start3A_1899 = tpu.memref_squeeze %dma_start3A_1898 : memref<1x128xi32, #tpu.memory_space<hbm>> -> memref<128xi32, #tpu.memory_space<hbm>>
      tpu.enqueue_dma source(%dma_start3A_1899 : memref<128xi32, #tpu.memory_space<hbm>>) target(%dma_start3A_1896 : memref<128xi32, #tpu.memory_space<vmem>>) target_semaphore(%arg16 : memref<!tpu.dma_semaphore, #tpu.memory_space<semaphore_mem>>)
      %add3A_1900 = arith.addi %select_n3A_8, %rem3A_1885 : i32
      %dma_start3A_1901 = arith.constant 2 : i32
      %dma_start3A_1902 = arith.constant 0 : i32
      %dma_start3A_1903 = tpu.memref_slice %arg7[%dma_start3A_1901, %dma_start3A_1902] : memref<4x128xi32, #tpu.memory_space<vmem>> -> memref<1x128xi32, #tpu.memory_space<vmem>>
      %dma_start3A_1904 = tpu.memref_squeeze %dma_start3A_1903 : memref<1x128xi32, #tpu.memory_space<vmem>> -> memref<128xi32, #tpu.memory_space<vmem>>
      %dma_start3A_1905 = arith.constant 0 : i32
      %dma_start3A_1906 = tpu.memref_slice %arg4[%add3A_1900, %dma_start3A_1905] : memref<2560x128xi32, #tpu.memory_space<hbm>> -> memref<1x128xi32, #tpu.memory_space<hbm>>
      %dma_start3A_1907 = tpu.memref_squeeze %dma_start3A_1906 : memref<1x128xi32, #tpu.memory_space<hbm>> -> memref<128xi32, #tpu.memory_space<hbm>>
      %dma_start3A_1908 = arith.constant 0 : i32
      %dma_start3A_1909 = tpu.memref_slice %arg7[%dma_start3A_1901, %dma_start3A_1908] : memref<4x128xi32, #tpu.memory_space<vmem>> -> memref<1x128xi32, #tpu.memory_space<vmem>>
      %dma_start3A_1910 = tpu.memref_squeeze %dma_start3A_1909 : memref<1x128xi32, #tpu.memory_space<vmem>> -> memref<128xi32, #tpu.memory_space<vmem>>
      %dma_start3A_1911 = arith.constant 0 : i32
      %dma_start3A_1912 = tpu.memref_slice %arg4[%add3A_1900, %dma_start3A_1911] : memref<2560x128xi32, #tpu.memory_space<hbm>> -> memref<1x128xi32, #tpu.memory_space<hbm>>
      %dma_start3A_1913 = tpu.memref_squeeze %dma_start3A_1912 : memref<1x128xi32, #tpu.memory_space<hbm>> -> memref<128xi32, #tpu.memory_space<hbm>>
      tpu.enqueue_dma source(%dma_start3A_1913 : memref<128xi32, #tpu.memory_space<hbm>>) target(%dma_start3A_1910 : memref<128xi32, #tpu.memory_space<vmem>>) target_semaphore(%arg16 : memref<!tpu.dma_semaphore, #tpu.memory_space<semaphore_mem>>)
      %add3A_1914 = arith.constant 2 : i32
      %add3A_1915 = arith.addi %add3A_1874, %add3A_1914 : i32
      %rem3A_1916 = arith.remsi %add3A_1915, %select_n3A : i32
      %add3A_1917 = arith.addi %select_n3A_8, %rem3A_1916 : i32
      %dma_wait3A_1918 = arith.constant 0 : i32
      %dma_wait3A_1919 = arith.constant 0 : i32
      %dma_wait3A_1920 = tpu.memref_slice %arg6[%dma_wait3A_1918, %dma_wait3A_1919] : memref<4x128xi32, #tpu.memory_space<vmem>> -> memref<1x128xi32, #tpu.memory_space<vmem>>
      %dma_wait3A_1921 = tpu.memref_squeeze %dma_wait3A_1920 : memref<1x128xi32, #tpu.memory_space<vmem>> -> memref<128xi32, #tpu.memory_space<vmem>>
      %dma_wait3A_1922 = arith.constant 0 : i32
      %dma_wait3A_1923 = tpu.memref_slice %arg3[%add3A_1917, %dma_wait3A_1922] : memref<2560x128xi32, #tpu.memory_space<hbm>> -> memref<1x128xi32, #tpu.memory_space<hbm>>
      %dma_wait3A_1924 = tpu.memref_squeeze %dma_wait3A_1923 : memref<1x128xi32, #tpu.memory_space<hbm>> -> memref<128xi32, #tpu.memory_space<hbm>>
      %dma_wait3A_1925 = arith.constant 0 : i32
      %dma_wait3A_1926 = tpu.memref_slice %arg6[%dma_wait3A_1918, %dma_wait3A_1925] : memref<4x128xi32, #tpu.memory_space<vmem>> -> memref<1x128xi32, #tpu.memory_space<vmem>>
      %dma_wait3A_1927 = tpu.memref_squeeze %dma_wait3A_1926 : memref<1x128xi32, #tpu.memory_space<vmem>> -> memref<128xi32, #tpu.memory_space<vmem>>
      %dma_wait3A_1928 = arith.constant 0 : i32
      %dma_wait3A_1929 = tpu.memref_slice %arg3[%add3A_1917, %dma_wait3A_1928] : memref<2560x128xi32, #tpu.memory_space<hbm>> -> memref<1x128xi32, #tpu.memory_space<hbm>>
      %dma_wait3A_1930 = tpu.memref_squeeze %dma_wait3A_1929 : memref<1x128xi32, #tpu.memory_space<hbm>> -> memref<128xi32, #tpu.memory_space<hbm>>
      tpu.wait_dma2 semaphore(%arg14 : memref<!tpu.dma_semaphore, #tpu.memory_space<semaphore_mem>>) src(%dma_wait3A_1930 : memref<128xi32, #tpu.memory_space<hbm>>) dst(%dma_wait3A_1927 : memref<128xi32, #tpu.memory_space<vmem>>)
      %add3A_1931 = arith.addi %select_n3A_8, %rem3A_1916 : i32
      %dma_wait3A_1932 = arith.constant 0 : i32
      %dma_wait3A_1933 = arith.constant 0 : i32
      %dma_wait3A_1934 = tpu.memref_slice %arg7[%dma_wait3A_1932, %dma_wait3A_1933] : memref<4x128xi32, #tpu.memory_space<vmem>> -> memref<1x128xi32, #tpu.memory_space<vmem>>
      %dma_wait3A_1935 = tpu.memref_squeeze %dma_wait3A_1934 : memref<1x128xi32, #tpu.memory_space<vmem>> -> memref<128xi32, #tpu.memory_space<vmem>>
      %dma_wait3A_1936 = arith.constant 0 : i32
      %dma_wait3A_1937 = tpu.memref_slice %arg4[%add3A_1931, %dma_wait3A_1936] : memref<2560x128xi32, #tpu.memory_space<hbm>> -> memref<1x128xi32, #tpu.memory_space<hbm>>
      %dma_wait3A_1938 = tpu.memref_squeeze %dma_wait3A_1937 : memref<1x128xi32, #tpu.memory_space<hbm>> -> memref<128xi32, #tpu.memory_space<hbm>>
      %dma_wait3A_1939 = arith.constant 0 : i32
      %dma_wait3A_1940 = tpu.memref_slice %arg7[%dma_wait3A_1932, %dma_wait3A_1939] : memref<4x128xi32, #tpu.memory_space<vmem>> -> memref<1x128xi32, #tpu.memory_space<vmem>>
      %dma_wait3A_1941 = tpu.memref_squeeze %dma_wait3A_1940 : memref<1x128xi32, #tpu.memory_space<vmem>> -> memref<128xi32, #tpu.memory_space<vmem>>
      %dma_wait3A_1942 = arith.constant 0 : i32
      %dma_wait3A_1943 = tpu.memref_slice %arg4[%add3A_1931, %dma_wait3A_1942] : memref<2560x128xi32, #tpu.memory_space<hbm>> -> memref<1x128xi32, #tpu.memory_space<hbm>>
      %dma_wait3A_1944 = tpu.memref_squeeze %dma_wait3A_1943 : memref<1x128xi32, #tpu.memory_space<hbm>> -> memref<128xi32, #tpu.memory_space<hbm>>
      tpu.wait_dma2 semaphore(%arg14 : memref<!tpu.dma_semaphore, #tpu.memory_space<semaphore_mem>>) src(%dma_wait3A_1944 : memref<128xi32, #tpu.memory_space<hbm>>) dst(%dma_wait3A_1941 : memref<128xi32, #tpu.memory_space<vmem>>)
      %dma_start3A_1945 = arith.constant 0 : i32
      %dma_start3A_1946 = arith.constant 0 : i32
      %dma_start3A_1947 = tpu.memref_slice %arg6[%dma_start3A_1945, %dma_start3A_1946] : memref<4x128xi32, #tpu.memory_space<vmem>> -> memref<1x128xi32, #tpu.memory_space<vmem>>
      %dma_start3A_1948 = tpu.memref_squeeze %dma_start3A_1947 : memref<1x128xi32, #tpu.memory_space<vmem>> -> memref<128xi32, #tpu.memory_space<vmem>>
      %dma_start3A_1949 = arith.constant 0 : i32
      %dma_start3A_1950 = arith.constant 0 : i32
      %dma_start3A_1951 = tpu.memref_slice %arg2[%dma_start3A_1949, %dma_start3A_1950] : memref<10000x128xf32, #tpu.memory_space<hbm>> -> memref<10000x128xf32, #tpu.memory_space<hbm>>
      tpu.enqueue_indirect_dma source(%dma_start3A_1951 : memref<10000x128xf32, #tpu.memory_space<hbm>>) target(%arg8 : memref<128x128xf32, #tpu.memory_space<vmem>>) offsets(%dma_start3A_1948 : memref<128xi32, #tpu.memory_space<vmem>>) semaphore(%arg12 : memref<!tpu.dma_semaphore, #tpu.memory_space<semaphore_mem>>)
      %add3A_1952 = arith.constant 3 : i32
      %add3A_1953 = arith.addi %mul3A_1717, %add3A_1952 : i32
      %dma_wait3A_1954 = arith.constant 3 : i32
      %dma_wait3A_1955 = arith.constant 0 : i32
      %dma_wait3A_1956 = tpu.memref_slice %arg6[%dma_wait3A_1954, %dma_wait3A_1955] : memref<4x128xi32, #tpu.memory_space<vmem>> -> memref<1x128xi32, #tpu.memory_space<vmem>>
      %dma_wait3A_1957 = tpu.memref_squeeze %dma_wait3A_1956 : memref<1x128xi32, #tpu.memory_space<vmem>> -> memref<128xi32, #tpu.memory_space<vmem>>
      %dma_wait3A_1958 = arith.constant 0 : i32
      %dma_wait3A_1959 = arith.constant 0 : i32
      %dma_wait3A_1960 = tpu.memref_slice %arg2[%dma_wait3A_1958, %dma_wait3A_1959] : memref<10000x128xf32, #tpu.memory_space<hbm>> -> memref<10000x128xf32, #tpu.memory_space<hbm>>
      tpu.wait_indirect_dma semaphore(%arg13 : memref<!tpu.dma_semaphore, #tpu.memory_space<semaphore_mem>>) src(%dma_wait3A_1960 : memref<10000x128xf32, #tpu.memory_space<hbm>>) dst(%arg9 : memref<128x128xf32, #tpu.memory_space<vmem>>)
      %run_scoped3A_1961 = arith.constant 3 : i32
      "tpu.region"() ({
        %run_scoped3A_2031 = tpu.sem_alloc : memref<!tpu.dma_semaphore, #tpu.memory_space<semaphore_mem>>
        %dma_start3A_2032 = arith.constant 0 : i32
        %dma_start3A_2033 = tpu.memref_slice %arg7[%run_scoped3A_1961, %dma_start3A_2032] : memref<4x128xi32, #tpu.memory_space<vmem>> -> memref<1x128xi32, #tpu.memory_space<vmem>>
        %dma_start3A_2034 = tpu.memref_squeeze %dma_start3A_2033 : memref<1x128xi32, #tpu.memory_space<vmem>> -> memref<128xi32, #tpu.memory_space<vmem>>
        %dma_start3A_2035 = arith.constant 0 : i32
        %dma_start3A_2036 = arith.constant 0 : i32
        %dma_start3A_2037 = tpu.memref_slice %arg11[%dma_start3A_2035, %dma_start3A_2036] : memref<10240x128xf32, #tpu.memory_space<vmem_shared>> -> memref<10240x128xf32, #tpu.memory_space<vmem_shared>>
        tpu.enqueue_indirect_dma source(%arg9 : memref<128x128xf32, #tpu.memory_space<vmem>>) target(%dma_start3A_2037 : memref<10240x128xf32, #tpu.memory_space<vmem_shared>>) offsets(%dma_start3A_2034 : memref<128xi32, #tpu.memory_space<vmem>>) semaphore(%run_scoped3A_2031 : memref<!tpu.dma_semaphore, #tpu.memory_space<semaphore_mem>>) {add = true}
        %dma_wait3A_2038 = arith.constant 0 : i32
        %dma_wait3A_2039 = tpu.memref_slice %arg7[%run_scoped3A_1961, %dma_wait3A_2038] : memref<4x128xi32, #tpu.memory_space<vmem>> -> memref<1x128xi32, #tpu.memory_space<vmem>>
        %dma_wait3A_2040 = tpu.memref_squeeze %dma_wait3A_2039 : memref<1x128xi32, #tpu.memory_space<vmem>> -> memref<128xi32, #tpu.memory_space<vmem>>
        %dma_wait3A_2041 = arith.constant 0 : i32
        %dma_wait3A_2042 = arith.constant 0 : i32
        %dma_wait3A_2043 = tpu.memref_slice %arg11[%dma_wait3A_2041, %dma_wait3A_2042] : memref<10240x128xf32, #tpu.memory_space<vmem_shared>> -> memref<10240x128xf32, #tpu.memory_space<vmem_shared>>
        tpu.wait_indirect_dma semaphore(%run_scoped3A_2031 : memref<!tpu.dma_semaphore, #tpu.memory_space<semaphore_mem>>) src(%arg9 : memref<128x128xf32, #tpu.memory_space<vmem>>) dst(%dma_wait3A_2043 : memref<10240x128xf32, #tpu.memory_space<vmem_shared>>)
        tpu.yield
      }) : () -> ()
      %add3A_1962 = arith.constant 4 : i32
      %add3A_1963 = arith.addi %add3A_1953, %add3A_1962 : i32
      %rem3A_1964 = arith.remsi %add3A_1963, %select_n3A : i32
      %add3A_1965 = arith.addi %select_n3A_8, %rem3A_1964 : i32
      %dma_start3A_1966 = arith.constant 3 : i32
      %dma_start3A_1967 = arith.constant 0 : i32
      %dma_start3A_1968 = tpu.memref_slice %arg6[%dma_start3A_1966, %dma_start3A_1967] : memref<4x128xi32, #tpu.memory_space<vmem>> -> memref<1x128xi32, #tpu.memory_space<vmem>>
      %dma_start3A_1969 = tpu.memref_squeeze %dma_start3A_1968 : memref<1x128xi32, #tpu.memory_space<vmem>> -> memref<128xi32, #tpu.memory_space<vmem>>
      %dma_start3A_1970 = arith.constant 0 : i32
      %dma_start3A_1971 = tpu.memref_slice %arg3[%add3A_1965, %dma_start3A_1970] : memref<2560x128xi32, #tpu.memory_space<hbm>> -> memref<1x128xi32, #tpu.memory_space<hbm>>
      %dma_start3A_1972 = tpu.memref_squeeze %dma_start3A_1971 : memref<1x128xi32, #tpu.memory_space<hbm>> -> memref<128xi32, #tpu.memory_space<hbm>>
      %dma_start3A_1973 = arith.constant 0 : i32
      %dma_start3A_1974 = tpu.memref_slice %arg6[%dma_start3A_1966, %dma_start3A_1973] : memref<4x128xi32, #tpu.memory_space<vmem>> -> memref<1x128xi32, #tpu.memory_space<vmem>>
      %dma_start3A_1975 = tpu.memref_squeeze %dma_start3A_1974 : memref<1x128xi32, #tpu.memory_space<vmem>> -> memref<128xi32, #tpu.memory_space<vmem>>
      %dma_start3A_1976 = arith.constant 0 : i32
      %dma_start3A_1977 = tpu.memref_slice %arg3[%add3A_1965, %dma_start3A_1976] : memref<2560x128xi32, #tpu.memory_space<hbm>> -> memref<1x128xi32, #tpu.memory_space<hbm>>
      %dma_start3A_1978 = tpu.memref_squeeze %dma_start3A_1977 : memref<1x128xi32, #tpu.memory_space<hbm>> -> memref<128xi32, #tpu.memory_space<hbm>>
      tpu.enqueue_dma source(%dma_start3A_1978 : memref<128xi32, #tpu.memory_space<hbm>>) target(%dma_start3A_1975 : memref<128xi32, #tpu.memory_space<vmem>>) target_semaphore(%arg17 : memref<!tpu.dma_semaphore, #tpu.memory_space<semaphore_mem>>)
      %add3A_1979 = arith.addi %select_n3A_8, %rem3A_1964 : i32
      %dma_start3A_1980 = arith.constant 3 : i32
      %dma_start3A_1981 = arith.constant 0 : i32
      %dma_start3A_1982 = tpu.memref_slice %arg7[%dma_start3A_1980, %dma_start3A_1981] : memref<4x128xi32, #tpu.memory_space<vmem>> -> memref<1x128xi32, #tpu.memory_space<vmem>>
      %dma_start3A_1983 = tpu.memref_squeeze %dma_start3A_1982 : memref<1x128xi32, #tpu.memory_space<vmem>> -> memref<128xi32, #tpu.memory_space<vmem>>
      %dma_start3A_1984 = arith.constant 0 : i32
      %dma_start3A_1985 = tpu.memref_slice %arg4[%add3A_1979, %dma_start3A_1984] : memref<2560x128xi32, #tpu.memory_space<hbm>> -> memref<1x128xi32, #tpu.memory_space<hbm>>
      %dma_start3A_1986 = tpu.memref_squeeze %dma_start3A_1985 : memref<1x128xi32, #tpu.memory_space<hbm>> -> memref<128xi32, #tpu.memory_space<hbm>>
      %dma_start3A_1987 = arith.constant 0 : i32
      %dma_start3A_1988 = tpu.memref_slice %arg7[%dma_start3A_1980, %dma_start3A_1987] : memref<4x128xi32, #tpu.memory_space<vmem>> -> memref<1x128xi32, #tpu.memory_space<vmem>>
      %dma_start3A_1989 = tpu.memref_squeeze %dma_start3A_1988 : memref<1x128xi32, #tpu.memory_space<vmem>> -> memref<128xi32, #tpu.memory_space<vmem>>
      %dma_start3A_1990 = arith.constant 0 : i32
      %dma_start3A_1991 = tpu.memref_slice %arg4[%add3A_1979, %dma_start3A_1990] : memref<2560x128xi32, #tpu.memory_space<hbm>> -> memref<1x128xi32, #tpu.memory_space<hbm>>
      %dma_start3A_1992 = tpu.memref_squeeze %dma_start3A_1991 : memref<1x128xi32, #tpu.memory_space<hbm>> -> memref<128xi32, #tpu.memory_space<hbm>>
      tpu.enqueue_dma source(%dma_start3A_1992 : memref<128xi32, #tpu.memory_space<hbm>>) target(%dma_start3A_1989 : memref<128xi32, #tpu.memory_space<vmem>>) target_semaphore(%arg17 : memref<!tpu.dma_semaphore, #tpu.memory_space<semaphore_mem>>)
      %add3A_1993 = arith.constant 2 : i32
      %add3A_1994 = arith.addi %add3A_1953, %add3A_1993 : i32
      %rem3A_1995 = arith.remsi %add3A_1994, %select_n3A : i32
      %add3A_1996 = arith.addi %select_n3A_8, %rem3A_1995 : i32
      %dma_wait3A_1997 = arith.constant 1 : i32
      %dma_wait3A_1998 = arith.constant 0 : i32
      %dma_wait3A_1999 = tpu.memref_slice %arg6[%dma_wait3A_1997, %dma_wait3A_1998] : memref<4x128xi32, #tpu.memory_space<vmem>> -> memref<1x128xi32, #tpu.memory_space<vmem>>
      %dma_wait3A_2000 = tpu.memref_squeeze %dma_wait3A_1999 : memref<1x128xi32, #tpu.memory_space<vmem>> -> memref<128xi32, #tpu.memory_space<vmem>>
      %dma_wait3A_2001 = arith.constant 0 : i32
      %dma_wait3A_2002 = tpu.memref_slice %arg3[%add3A_1996, %dma_wait3A_2001] : memref<2560x128xi32, #tpu.memory_space<hbm>> -> memref<1x128xi32, #tpu.memory_space<hbm>>
      %dma_wait3A_2003 = tpu.memref_squeeze %dma_wait3A_2002 : memref<1x128xi32, #tpu.memory_space<hbm>> -> memref<128xi32, #tpu.memory_space<hbm>>
      %dma_wait3A_2004 = arith.constant 0 : i32
      %dma_wait3A_2005 = tpu.memref_slice %arg6[%dma_wait3A_1997, %dma_wait3A_2004] : memref<4x128xi32, #tpu.memory_space<vmem>> -> memref<1x128xi32, #tpu.memory_space<vmem>>
      %dma_wait3A_2006 = tpu.memref_squeeze %dma_wait3A_2005 : memref<1x128xi32, #tpu.memory_space<vmem>> -> memref<128xi32, #tpu.memory_space<vmem>>
      %dma_wait3A_2007 = arith.constant 0 : i32
      %dma_wait3A_2008 = tpu.memref_slice %arg3[%add3A_1996, %dma_wait3A_2007] : memref<2560x128xi32, #tpu.memory_space<hbm>> -> memref<1x128xi32, #tpu.memory_space<hbm>>
      %dma_wait3A_2009 = tpu.memref_squeeze %dma_wait3A_2008 : memref<1x128xi32, #tpu.memory_space<hbm>> -> memref<128xi32, #tpu.memory_space<hbm>>
      tpu.wait_dma2 semaphore(%arg15 : memref<!tpu.dma_semaphore, #tpu.memory_space<semaphore_mem>>) src(%dma_wait3A_2009 : memref<128xi32, #tpu.memory_space<hbm>>) dst(%dma_wait3A_2006 : memref<128xi32, #tpu.memory_space<vmem>>)
      %add3A_2010 = arith.addi %select_n3A_8, %rem3A_1995 : i32
      %dma_wait3A_2011 = arith.constant 1 : i32
      %dma_wait3A_2012 = arith.constant 0 : i32
      %dma_wait3A_2013 = tpu.memref_slice %arg7[%dma_wait3A_2011, %dma_wait3A_2012] : memref<4x128xi32, #tpu.memory_space<vmem>> -> memref<1x128xi32, #tpu.memory_space<vmem>>
      %dma_wait3A_2014 = tpu.memref_squeeze %dma_wait3A_2013 : memref<1x128xi32, #tpu.memory_space<vmem>> -> memref<128xi32, #tpu.memory_space<vmem>>
      %dma_wait3A_2015 = arith.constant 0 : i32
      %dma_wait3A_2016 = tpu.memref_slice %arg4[%add3A_2010, %dma_wait3A_2015] : memref<2560x128xi32, #tpu.memory_space<hbm>> -> memref<1x128xi32, #tpu.memory_space<hbm>>
      %dma_wait3A_2017 = tpu.memref_squeeze %dma_wait3A_2016 : memref<1x128xi32, #tpu.memory_space<hbm>> -> memref<128xi32, #tpu.memory_space<hbm>>
      %dma_wait3A_2018 = arith.constant 0 : i32
      %dma_wait3A_2019 = tpu.memref_slice %arg7[%dma_wait3A_2011, %dma_wait3A_2018] : memref<4x128xi32, #tpu.memory_space<vmem>> -> memref<1x128xi32, #tpu.memory_space<vmem>>
      %dma_wait3A_2020 = tpu.memref_squeeze %dma_wait3A_2019 : memref<1x128xi32, #tpu.memory_space<vmem>> -> memref<128xi32, #tpu.memory_space<vmem>>
      %dma_wait3A_2021 = arith.constant 0 : i32
      %dma_wait3A_2022 = tpu.memref_slice %arg4[%add3A_2010, %dma_wait3A_2021] : memref<2560x128xi32, #tpu.memory_space<hbm>> -> memref<1x128xi32, #tpu.memory_space<hbm>>
      %dma_wait3A_2023 = tpu.memref_squeeze %dma_wait3A_2022 : memref<1x128xi32, #tpu.memory_space<hbm>> -> memref<128xi32, #tpu.memory_space<hbm>>
      tpu.wait_dma2 semaphore(%arg15 : memref<!tpu.dma_semaphore, #tpu.memory_space<semaphore_mem>>) src(%dma_wait3A_2023 : memref<128xi32, #tpu.memory_space<hbm>>) dst(%dma_wait3A_2020 : memref<128xi32, #tpu.memory_space<vmem>>)
      %dma_start3A_2024 = arith.constant 1 : i32
      %dma_start3A_2025 = arith.constant 0 : i32
      %dma_start3A_2026 = tpu.memref_slice %arg6[%dma_start3A_2024, %dma_start3A_2025] : memref<4x128xi32, #tpu.memory_space<vmem>> -> memref<1x128xi32, #tpu.memory_space<vmem>>
      %dma_start3A_2027 = tpu.memref_squeeze %dma_start3A_2026 : memref<1x128xi32, #tpu.memory_space<vmem>> -> memref<128xi32, #tpu.memory_space<vmem>>
      %dma_start3A_2028 = arith.constant 0 : i32
      %dma_start3A_2029 = arith.constant 0 : i32
      %dma_start3A_2030 = tpu.memref_slice %arg2[%dma_start3A_2028, %dma_start3A_2029] : memref<10000x128xf32, #tpu.memory_space<hbm>> -> memref<10000x128xf32, #tpu.memory_space<hbm>>
      tpu.enqueue_indirect_dma source(%dma_start3A_2030 : memref<10000x128xf32, #tpu.memory_space<hbm>>) target(%arg9 : memref<128x128xf32, #tpu.memory_space<vmem>>) offsets(%dma_start3A_2027 : memref<128xi32, #tpu.memory_space<vmem>>) semaphore(%arg13 : memref<!tpu.dma_semaphore, #tpu.memory_space<semaphore_mem>>)
    }
    %while3A_1635 = arith.constant 1 : i32
    scf.for %while3A_1715 = %while3A_1633 to %while3A_1629 step %while3A_1635  : i32 {
      %mul3A_1716 = arith.constant 4 : i32
      %mul3A_1717 = arith.muli %mul3A_1716, %while3A_1715 : i32
      %dma_wait3A_1718 = arith.constant 0 : i32
      %dma_wait3A_1719 = arith.constant 0 : i32
      %dma_wait3A_1720 = tpu.memref_slice %arg6[%dma_wait3A_1718, %dma_wait3A_1719] : memref<4x128xi32, #tpu.memory_space<vmem>> -> memref<1x128xi32, #tpu.memory_space<vmem>>
      %dma_wait3A_1721 = tpu.memref_squeeze %dma_wait3A_1720 : memref<1x128xi32, #tpu.memory_space<vmem>> -> memref<128xi32, #tpu.memory_space<vmem>>
      %dma_wait3A_1722 = arith.constant 0 : i32
      %dma_wait3A_1723 = arith.constant 0 : i32
      %dma_wait3A_1724 = tpu.memref_slice %arg2[%dma_wait3A_1722, %dma_wait3A_1723] : memref<10000x128xf32, #tpu.memory_space<hbm>> -> memref<10000x128xf32, #tpu.memory_space<hbm>>
      tpu.wait_indirect_dma semaphore(%arg12 : memref<!tpu.dma_semaphore, #tpu.memory_space<semaphore_mem>>) src(%dma_wait3A_1724 : memref<10000x128xf32, #tpu.memory_space<hbm>>) dst(%arg8 : memref<128x128xf32, #tpu.memory_space<vmem>>)
      %run_scoped3A = arith.constant 0 : i32
      "tpu.region"() ({
        %run_scoped3A_2031 = tpu.sem_alloc : memref<!tpu.dma_semaphore, #tpu.memory_space<semaphore_mem>>
        %dma_start3A_2032 = arith.constant 0 : i32
        %dma_start3A_2033 = tpu.memref_slice %arg7[%run_scoped3A, %dma_start3A_2032] : memref<4x128xi32, #tpu.memory_space<vmem>> -> memref<1x128xi32, #tpu.memory_space<vmem>>
        %dma_start3A_2034 = tpu.memref_squeeze %dma_start3A_2033 : memref<1x128xi32, #tpu.memory_space<vmem>> -> memref<128xi32, #tpu.memory_space<vmem>>
        %dma_start3A_2035 = arith.constant 0 : i32
        %dma_start3A_2036 = arith.constant 0 : i32
        %dma_start3A_2037 = tpu.memref_slice %arg11[%dma_start3A_2035, %dma_start3A_2036] : memref<10240x128xf32, #tpu.memory_space<vmem_shared>> -> memref<10240x128xf32, #tpu.memory_space<vmem_shared>>
        tpu.enqueue_indirect_dma source(%arg8 : memref<128x128xf32, #tpu.memory_space<vmem>>) target(%dma_start3A_2037 : memref<10240x128xf32, #tpu.memory_space<vmem_shared>>) offsets(%dma_start3A_2034 : memref<128xi32, #tpu.memory_space<vmem>>) semaphore(%run_scoped3A_2031 : memref<!tpu.dma_semaphore, #tpu.memory_space<semaphore_mem>>) {add = true}
        %dma_wait3A_2038 = arith.constant 0 : i32
        %dma_wait3A_2039 = tpu.memref_slice %arg7[%run_scoped3A, %dma_wait3A_2038] : memref<4x128xi32, #tpu.memory_space<vmem>> -> memref<1x128xi32, #tpu.memory_space<vmem>>
        %dma_wait3A_2040 = tpu.memref_squeeze %dma_wait3A_2039 : memref<1x128xi32, #tpu.memory_space<vmem>> -> memref<128xi32, #tpu.memory_space<vmem>>
        %dma_wait3A_2041 = arith.constant 0 : i32
        %dma_wait3A_2042 = arith.constant 0 : i32
        %dma_wait3A_2043 = tpu.memref_slice %arg11[%dma_wait3A_2041, %dma_wait3A_2042] : memref<10240x128xf32, #tpu.memory_space<vmem_shared>> -> memref<10240x128xf32, #tpu.memory_space<vmem_shared>>
        tpu.wait_indirect_dma semaphore(%run_scoped3A_2031 : memref<!tpu.dma_semaphore, #tpu.memory_space<semaphore_mem>>) src(%arg8 : memref<128x128xf32, #tpu.memory_space<vmem>>) dst(%dma_wait3A_2043 : memref<10240x128xf32, #tpu.memory_space<vmem_shared>>)
        tpu.yield
      }) : () -> ()
      %add3A_1725 = arith.constant 4 : i32
      %add3A_1726 = arith.addi %mul3A_1717, %add3A_1725 : i32
      %rem3A_1727 = arith.remsi %add3A_1726, %select_n3A : i32
      %add3A_1728 = arith.addi %select_n3A_8, %rem3A_1727 : i32
      %dma_start3A_1729 = arith.constant 0 : i32
      %dma_start3A_1730 = arith.constant 0 : i32
      %dma_start3A_1731 = tpu.memref_slice %arg6[%dma_start3A_1729, %dma_start3A_1730] : memref<4x128xi32, #tpu.memory_space<vmem>> -> memref<1x128xi32, #tpu.memory_space<vmem>>
      %dma_start3A_1732 = tpu.memref_squeeze %dma_start3A_1731 : memref<1x128xi32, #tpu.memory_space<vmem>> -> memref<128xi32, #tpu.memory_space<vmem>>
      %dma_start3A_1733 = arith.constant 0 : i32
      %dma_start3A_1734 = tpu.memref_slice %arg3[%add3A_1728, %dma_start3A_1733] : memref<2560x128xi32, #tpu.memory_space<hbm>> -> memref<1x128xi32, #tpu.memory_space<hbm>>
      %dma_start3A_1735 = tpu.memref_squeeze %dma_start3A_1734 : memref<1x128xi32, #tpu.memory_space<hbm>> -> memref<128xi32, #tpu.memory_space<hbm>>
      %dma_start3A_1736 = arith.constant 0 : i32
      %dma_start3A_1737 = tpu.memref_slice %arg6[%dma_start3A_1729, %dma_start3A_1736] : memref<4x128xi32, #tpu.memory_space<vmem>> -> memref<1x128xi32, #tpu.memory_space<vmem>>
      %dma_start3A_1738 = tpu.memref_squeeze %dma_start3A_1737 : memref<1x128xi32, #tpu.memory_space<vmem>> -> memref<128xi32, #tpu.memory_space<vmem>>
      %dma_start3A_1739 = arith.constant 0 : i32
      %dma_start3A_1740 = tpu.memref_slice %arg3[%add3A_1728, %dma_start3A_1739] : memref<2560x128xi32, #tpu.memory_space<hbm>> -> memref<1x128xi32, #tpu.memory_space<hbm>>
      %dma_start3A_1741 = tpu.memref_squeeze %dma_start3A_1740 : memref<1x128xi32, #tpu.memory_space<hbm>> -> memref<128xi32, #tpu.memory_space<hbm>>
      tpu.enqueue_dma source(%dma_start3A_1741 : memref<128xi32, #tpu.memory_space<hbm>>) target(%dma_start3A_1738 : memref<128xi32, #tpu.memory_space<vmem>>) target_semaphore(%arg14 : memref<!tpu.dma_semaphore, #tpu.memory_space<semaphore_mem>>)
      %add3A_1742 = arith.addi %select_n3A_8, %rem3A_1727 : i32
      %dma_start3A_1743 = arith.constant 0 : i32
      %dma_start3A_1744 = arith.constant 0 : i32
      %dma_start3A_1745 = tpu.memref_slice %arg7[%dma_start3A_1743, %dma_start3A_1744] : memref<4x128xi32, #tpu.memory_space<vmem>> -> memref<1x128xi32, #tpu.memory_space<vmem>>
      %dma_start3A_1746 = tpu.memref_squeeze %dma_start3A_1745 : memref<1x128xi32, #tpu.memory_space<vmem>> -> memref<128xi32, #tpu.memory_space<vmem>>
      %dma_start3A_1747 = arith.constant 0 : i32
      %dma_start3A_1748 = tpu.memref_slice %arg4[%add3A_1742, %dma_start3A_1747] : memref<2560x128xi32, #tpu.memory_space<hbm>> -> memref<1x128xi32, #tpu.memory_space<hbm>>
      %dma_start3A_1749 = tpu.memref_squeeze %dma_start3A_1748 : memref<1x128xi32, #tpu.memory_space<hbm>> -> memref<128xi32, #tpu.memory_space<hbm>>
      %dma_start3A_1750 = arith.constant 0 : i32
      %dma_start3A_1751 = tpu.memref_slice %arg7[%dma_start3A_1743, %dma_start3A_1750] : memref<4x128xi32, #tpu.memory_space<vmem>> -> memref<1x128xi32, #tpu.memory_space<vmem>>
      %dma_start3A_1752 = tpu.memref_squeeze %dma_start3A_1751 : memref<1x128xi32, #tpu.memory_space<vmem>> -> memref<128xi32, #tpu.memory_space<vmem>>
      %dma_start3A_1753 = arith.constant 0 : i32
      %dma_start3A_1754 = tpu.memref_slice %arg4[%add3A_1742, %dma_start3A_1753] : memref<2560x128xi32, #tpu.memory_space<hbm>> -> memref<1x128xi32, #tpu.memory_space<hbm>>
      %dma_start3A_1755 = tpu.memref_squeeze %dma_start3A_1754 : memref<1x128xi32, #tpu.memory_space<hbm>> -> memref<128xi32, #tpu.memory_space<hbm>>
      tpu.enqueue_dma source(%dma_start3A_1755 : memref<128xi32, #tpu.memory_space<hbm>>) target(%dma_start3A_1752 : memref<128xi32, #tpu.memory_space<vmem>>) target_semaphore(%arg14 : memref<!tpu.dma_semaphore, #tpu.memory_space<semaphore_mem>>)
      %add3A_1756 = arith.constant 2 : i32
      %add3A_1757 = arith.addi %mul3A_1717, %add3A_1756 : i32
      %rem3A_1758 = arith.remsi %add3A_1757, %select_n3A : i32
      %add3A_1759 = arith.addi %select_n3A_8, %rem3A_1758 : i32
      %dma_wait3A_1760 = arith.constant 2 : i32
      %dma_wait3A_1761 = arith.constant 0 : i32
      %dma_wait3A_1762 = tpu.memref_slice %arg6[%dma_wait3A_1760, %dma_wait3A_1761] : memref<4x128xi32, #tpu.memory_space<vmem>> -> memref<1x128xi32, #tpu.memory_space<vmem>>
      %dma_wait3A_1763 = tpu.memref_squeeze %dma_wait3A_1762 : memref<1x128xi32, #tpu.memory_space<vmem>> -> memref<128xi32, #tpu.memory_space<vmem>>
      %dma_wait3A_1764 = arith.constant 0 : i32
      %dma_wait3A_1765 = tpu.memref_slice %arg3[%add3A_1759, %dma_wait3A_1764] : memref<2560x128xi32, #tpu.memory_space<hbm>> -> memref<1x128xi32, #tpu.memory_space<hbm>>
      %dma_wait3A_1766 = tpu.memref_squeeze %dma_wait3A_1765 : memref<1x128xi32, #tpu.memory_space<hbm>> -> memref<128xi32, #tpu.memory_space<hbm>>
      %dma_wait3A_1767 = arith.constant 0 : i32
      %dma_wait3A_1768 = tpu.memref_slice %arg6[%dma_wait3A_1760, %dma_wait3A_1767] : memref<4x128xi32, #tpu.memory_space<vmem>> -> memref<1x128xi32, #tpu.memory_space<vmem>>
      %dma_wait3A_1769 = tpu.memref_squeeze %dma_wait3A_1768 : memref<1x128xi32, #tpu.memory_space<vmem>> -> memref<128xi32, #tpu.memory_space<vmem>>
      %dma_wait3A_1770 = arith.constant 0 : i32
      %dma_wait3A_1771 = tpu.memref_slice %arg3[%add3A_1759, %dma_wait3A_1770] : memref<2560x128xi32, #tpu.memory_space<hbm>> -> memref<1x128xi32, #tpu.memory_space<hbm>>
      %dma_wait3A_1772 = tpu.memref_squeeze %dma_wait3A_1771 : memref<1x128xi32, #tpu.memory_space<hbm>> -> memref<128xi32, #tpu.memory_space<hbm>>
      tpu.wait_dma2 semaphore(%arg16 : memref<!tpu.dma_semaphore, #tpu.memory_space<semaphore_mem>>) src(%dma_wait3A_1772 : memref<128xi32, #tpu.memory_space<hbm>>) dst(%dma_wait3A_1769 : memref<128xi32, #tpu.memory_space<vmem>>)
      %add3A_1773 = arith.addi %select_n3A_8, %rem3A_1758 : i32
      %dma_wait3A_1774 = arith.constant 2 : i32
      %dma_wait3A_1775 = arith.constant 0 : i32
      %dma_wait3A_1776 = tpu.memref_slice %arg7[%dma_wait3A_1774, %dma_wait3A_1775] : memref<4x128xi32, #tpu.memory_space<vmem>> -> memref<1x128xi32, #tpu.memory_space<vmem>>
      %dma_wait3A_1777 = tpu.memref_squeeze %dma_wait3A_1776 : memref<1x128xi32, #tpu.memory_space<vmem>> -> memref<128xi32, #tpu.memory_space<vmem>>
      %dma_wait3A_1778 = arith.constant 0 : i32
      %dma_wait3A_1779 = tpu.memref_slice %arg4[%add3A_1773, %dma_wait3A_1778] : memref<2560x128xi32, #tpu.memory_space<hbm>> -> memref<1x128xi32, #tpu.memory_space<hbm>>
      %dma_wait3A_1780 = tpu.memref_squeeze %dma_wait3A_1779 : memref<1x128xi32, #tpu.memory_space<hbm>> -> memref<128xi32, #tpu.memory_space<hbm>>
      %dma_wait3A_1781 = arith.constant 0 : i32
      %dma_wait3A_1782 = tpu.memref_slice %arg7[%dma_wait3A_1774, %dma_wait3A_1781] : memref<4x128xi32, #tpu.memory_space<vmem>> -> memref<1x128xi32, #tpu.memory_space<vmem>>
      %dma_wait3A_1783 = tpu.memref_squeeze %dma_wait3A_1782 : memref<1x128xi32, #tpu.memory_space<vmem>> -> memref<128xi32, #tpu.memory_space<vmem>>
      %dma_wait3A_1784 = arith.constant 0 : i32
      %dma_wait3A_1785 = tpu.memref_slice %arg4[%add3A_1773, %dma_wait3A_1784] : memref<2560x128xi32, #tpu.memory_space<hbm>> -> memref<1x128xi32, #tpu.memory_space<hbm>>
      %dma_wait3A_1786 = tpu.memref_squeeze %dma_wait3A_1785 : memref<1x128xi32, #tpu.memory_space<hbm>> -> memref<128xi32, #tpu.memory_space<hbm>>
      tpu.wait_dma2 semaphore(%arg16 : memref<!tpu.dma_semaphore, #tpu.memory_space<semaphore_mem>>) src(%dma_wait3A_1786 : memref<128xi32, #tpu.memory_space<hbm>>) dst(%dma_wait3A_1783 : memref<128xi32, #tpu.memory_space<vmem>>)
      %dma_start3A_1787 = arith.constant 2 : i32
      %dma_start3A_1788 = arith.constant 0 : i32
      %dma_start3A_1789 = tpu.memref_slice %arg6[%dma_start3A_1787, %dma_start3A_1788] : memref<4x128xi32, #tpu.memory_space<vmem>> -> memref<1x128xi32, #tpu.memory_space<vmem>>
      %dma_start3A_1790 = tpu.memref_squeeze %dma_start3A_1789 : memref<1x128xi32, #tpu.memory_space<vmem>> -> memref<128xi32, #tpu.memory_space<vmem>>
      %dma_start3A_1791 = arith.constant 0 : i32
      %dma_start3A_1792 = arith.constant 0 : i32
      %dma_start3A_1793 = tpu.memref_slice %arg2[%dma_start3A_1791, %dma_start3A_1792] : memref<10000x128xf32, #tpu.memory_space<hbm>> -> memref<10000x128xf32, #tpu.memory_space<hbm>>
      tpu.enqueue_indirect_dma source(%dma_start3A_1793 : memref<10000x128xf32, #tpu.memory_space<hbm>>) target(%arg8 : memref<128x128xf32, #tpu.memory_space<vmem>>) offsets(%dma_start3A_1790 : memref<128xi32, #tpu.memory_space<vmem>>) semaphore(%arg12 : memref<!tpu.dma_semaphore, #tpu.memory_space<semaphore_mem>>)
      %add3A_1794 = arith.constant 1 : i32
      %add3A_1795 = arith.addi %mul3A_1717, %add3A_1794 : i32
      %dma_wait3A_1796 = arith.constant 1 : i32
      %dma_wait3A_1797 = arith.constant 0 : i32
      %dma_wait3A_1798 = tpu.memref_slice %arg6[%dma_wait3A_1796, %dma_wait3A_1797] : memref<4x128xi32, #tpu.memory_space<vmem>> -> memref<1x128xi32, #tpu.memory_space<vmem>>
      %dma_wait3A_1799 = tpu.memref_squeeze %dma_wait3A_1798 : memref<1x128xi32, #tpu.memory_space<vmem>> -> memref<128xi32, #tpu.memory_space<vmem>>
      %dma_wait3A_1800 = arith.constant 0 : i32
      %dma_wait3A_1801 = arith.constant 0 : i32
      %dma_wait3A_1802 = tpu.memref_slice %arg2[%dma_wait3A_1800, %dma_wait3A_1801] : memref<10000x128xf32, #tpu.memory_space<hbm>> -> memref<10000x128xf32, #tpu.memory_space<hbm>>
      tpu.wait_indirect_dma semaphore(%arg13 : memref<!tpu.dma_semaphore, #tpu.memory_space<semaphore_mem>>) src(%dma_wait3A_1802 : memref<10000x128xf32, #tpu.memory_space<hbm>>) dst(%arg9 : memref<128x128xf32, #tpu.memory_space<vmem>>)
      %run_scoped3A_1803 = arith.constant 1 : i32
      "tpu.region"() ({
        %run_scoped3A_2031 = tpu.sem_alloc : memref<!tpu.dma_semaphore, #tpu.memory_space<semaphore_mem>>
        %dma_start3A_2032 = arith.constant 0 : i32
        %dma_start3A_2033 = tpu.memref_slice %arg7[%run_scoped3A_1803, %dma_start3A_2032] : memref<4x128xi32, #tpu.memory_space<vmem>> -> memref<1x128xi32, #tpu.memory_space<vmem>>
        %dma_start3A_2034 = tpu.memref_squeeze %dma_start3A_2033 : memref<1x128xi32, #tpu.memory_space<vmem>> -> memref<128xi32, #tpu.memory_space<vmem>>
        %dma_start3A_2035 = arith.constant 0 : i32
        %dma_start3A_2036 = arith.constant 0 : i32
        %dma_start3A_2037 = tpu.memref_slice %arg11[%dma_start3A_2035, %dma_start3A_2036] : memref<10240x128xf32, #tpu.memory_space<vmem_shared>> -> memref<10240x128xf32, #tpu.memory_space<vmem_shared>>
        tpu.enqueue_indirect_dma source(%arg9 : memref<128x128xf32, #tpu.memory_space<vmem>>) target(%dma_start3A_2037 : memref<10240x128xf32, #tpu.memory_space<vmem_shared>>) offsets(%dma_start3A_2034 : memref<128xi32, #tpu.memory_space<vmem>>) semaphore(%run_scoped3A_2031 : memref<!tpu.dma_semaphore, #tpu.memory_space<semaphore_mem>>) {add = true}
        %dma_wait3A_2038 = arith.constant 0 : i32
        %dma_wait3A_2039 = tpu.memref_slice %arg7[%run_scoped3A_1803, %dma_wait3A_2038] : memref<4x128xi32, #tpu.memory_space<vmem>> -> memref<1x128xi32, #tpu.memory_space<vmem>>
        %dma_wait3A_2040 = tpu.memref_squeeze %dma_wait3A_2039 : memref<1x128xi32, #tpu.memory_space<vmem>> -> memref<128xi32, #tpu.memory_space<vmem>>
        %dma_wait3A_2041 = arith.constant 0 : i32
        %dma_wait3A_2042 = arith.constant 0 : i32
        %dma_wait3A_2043 = tpu.memref_slice %arg11[%dma_wait3A_2041, %dma_wait3A_2042] : memref<10240x128xf32, #tpu.memory_space<vmem_shared>> -> memref<10240x128xf32, #tpu.memory_space<vmem_shared>>
        tpu.wait_indirect_dma semaphore(%run_scoped3A_2031 : memref<!tpu.dma_semaphore, #tpu.memory_space<semaphore_mem>>) src(%arg9 : memref<128x128xf32, #tpu.memory_space<vmem>>) dst(%dma_wait3A_2043 : memref<10240x128xf32, #tpu.memory_space<vmem_shared>>)
        tpu.yield
      }) : () -> ()
      %add3A_1804 = arith.constant 4 : i32
      %add3A_1805 = arith.addi %add3A_1795, %add3A_1804 : i32
      %rem3A_1806 = arith.remsi %add3A_1805, %select_n3A : i32
      %add3A_1807 = arith.addi %select_n3A_8, %rem3A_1806 : i32
      %dma_start3A_1808 = arith.constant 1 : i32
      %dma_start3A_1809 = arith.constant 0 : i32
      %dma_start3A_1810 = tpu.memref_slice %arg6[%dma_start3A_1808, %dma_start3A_1809] : memref<4x128xi32, #tpu.memory_space<vmem>> -> memref<1x128xi32, #tpu.memory_space<vmem>>
      %dma_start3A_1811 = tpu.memref_squeeze %dma_start3A_1810 : memref<1x128xi32, #tpu.memory_space<vmem>> -> memref<128xi32, #tpu.memory_space<vmem>>
      %dma_start3A_1812 = arith.constant 0 : i32
      %dma_start3A_1813 = tpu.memref_slice %arg3[%add3A_1807, %dma_start3A_1812] : memref<2560x128xi32, #tpu.memory_space<hbm>> -> memref<1x128xi32, #tpu.memory_space<hbm>>
      %dma_start3A_1814 = tpu.memref_squeeze %dma_start3A_1813 : memref<1x128xi32, #tpu.memory_space<hbm>> -> memref<128xi32, #tpu.memory_space<hbm>>
      %dma_start3A_1815 = arith.constant 0 : i32
      %dma_start3A_1816 = tpu.memref_slice %arg6[%dma_start3A_1808, %dma_start3A_1815] : memref<4x128xi32, #tpu.memory_space<vmem>> -> memref<1x128xi32, #tpu.memory_space<vmem>>
      %dma_start3A_1817 = tpu.memref_squeeze %dma_start3A_1816 : memref<1x128xi32, #tpu.memory_space<vmem>> -> memref<128xi32, #tpu.memory_space<vmem>>
      %dma_start3A_1818 = arith.constant 0 : i32
      %dma_start3A_1819 = tpu.memref_slice %arg3[%add3A_1807, %dma_start3A_1818] : memref<2560x128xi32, #tpu.memory_space<hbm>> -> memref<1x128xi32, #tpu.memory_space<hbm>>
      %dma_start3A_1820 = tpu.memref_squeeze %dma_start3A_1819 : memref<1x128xi32, #tpu.memory_space<hbm>> -> memref<128xi32, #tpu.memory_space<hbm>>
      tpu.enqueue_dma source(%dma_start3A_1820 : memref<128xi32, #tpu.memory_space<hbm>>) target(%dma_start3A_1817 : memref<128xi32, #tpu.memory_space<vmem>>) target_semaphore(%arg15 : memref<!tpu.dma_semaphore, #tpu.memory_space<semaphore_mem>>)
      %add3A_1821 = arith.addi %select_n3A_8, %rem3A_1806 : i32
      %dma_start3A_1822 = arith.constant 1 : i32
      %dma_start3A_1823 = arith.constant 0 : i32
      %dma_start3A_1824 = tpu.memref_slice %arg7[%dma_start3A_1822, %dma_start3A_1823] : memref<4x128xi32, #tpu.memory_space<vmem>> -> memref<1x128xi32, #tpu.memory_space<vmem>>
      %dma_start3A_1825 = tpu.memref_squeeze %dma_start3A_1824 : memref<1x128xi32, #tpu.memory_space<vmem>> -> memref<128xi32, #tpu.memory_space<vmem>>
      %dma_start3A_1826 = arith.constant 0 : i32
      %dma_start3A_1827 = tpu.memref_slice %arg4[%add3A_1821, %dma_start3A_1826] : memref<2560x128xi32, #tpu.memory_space<hbm>> -> memref<1x128xi32, #tpu.memory_space<hbm>>
      %dma_start3A_1828 = tpu.memref_squeeze %dma_start3A_1827 : memref<1x128xi32, #tpu.memory_space<hbm>> -> memref<128xi32, #tpu.memory_space<hbm>>
      %dma_start3A_1829 = arith.constant 0 : i32
      %dma_start3A_1830 = tpu.memref_slice %arg7[%dma_start3A_1822, %dma_start3A_1829] : memref<4x128xi32, #tpu.memory_space<vmem>> -> memref<1x128xi32, #tpu.memory_space<vmem>>
      %dma_start3A_1831 = tpu.memref_squeeze %dma_start3A_1830 : memref<1x128xi32, #tpu.memory_space<vmem>> -> memref<128xi32, #tpu.memory_space<vmem>>
      %dma_start3A_1832 = arith.constant 0 : i32
      %dma_start3A_1833 = tpu.memref_slice %arg4[%add3A_1821, %dma_start3A_1832] : memref<2560x128xi32, #tpu.memory_space<hbm>> -> memref<1x128xi32, #tpu.memory_space<hbm>>
      %dma_start3A_1834 = tpu.memref_squeeze %dma_start3A_1833 : memref<1x128xi32, #tpu.memory_space<hbm>> -> memref<128xi32, #tpu.memory_space<hbm>>
      tpu.enqueue_dma source(%dma_start3A_1834 : memref<128xi32, #tpu.memory_space<hbm>>) target(%dma_start3A_1831 : memref<128xi32, #tpu.memory_space<vmem>>) target_semaphore(%arg15 : memref<!tpu.dma_semaphore, #tpu.memory_space<semaphore_mem>>)
      %add3A_1835 = arith.constant 2 : i32
      %add3A_1836 = arith.addi %add3A_1795, %add3A_1835 : i32
      %rem3A_1837 = arith.remsi %add3A_1836, %select_n3A : i32
      %add3A_1838 = arith.addi %select_n3A_8, %rem3A_1837 : i32
      %dma_wait3A_1839 = arith.constant 3 : i32
      %dma_wait3A_1840 = arith.constant 0 : i32
      %dma_wait3A_1841 = tpu.memref_slice %arg6[%dma_wait3A_1839, %dma_wait3A_1840] : memref<4x128xi32, #tpu.memory_space<vmem>> -> memref<1x128xi32, #tpu.memory_space<vmem>>
      %dma_wait3A_1842 = tpu.memref_squeeze %dma_wait3A_1841 : memref<1x128xi32, #tpu.memory_space<vmem>> -> memref<128xi32, #tpu.memory_space<vmem>>
      %dma_wait3A_1843 = arith.constant 0 : i32
      %dma_wait3A_1844 = tpu.memref_slice %arg3[%add3A_1838, %dma_wait3A_1843] : memref<2560x128xi32, #tpu.memory_space<hbm>> -> memref<1x128xi32, #tpu.memory_space<hbm>>
      %dma_wait3A_1845 = tpu.memref_squeeze %dma_wait3A_1844 : memref<1x128xi32, #tpu.memory_space<hbm>> -> memref<128xi32, #tpu.memory_space<hbm>>
      %dma_wait3A_1846 = arith.constant 0 : i32
      %dma_wait3A_1847 = tpu.memref_slice %arg6[%dma_wait3A_1839, %dma_wait3A_1846] : memref<4x128xi32, #tpu.memory_space<vmem>> -> memref<1x128xi32, #tpu.memory_space<vmem>>
      %dma_wait3A_1848 = tpu.memref_squeeze %dma_wait3A_1847 : memref<1x128xi32, #tpu.memory_space<vmem>> -> memref<128xi32, #tpu.memory_space<vmem>>
      %dma_wait3A_1849 = arith.constant 0 : i32
      %dma_wait3A_1850 = tpu.memref_slice %arg3[%add3A_1838, %dma_wait3A_1849] : memref<2560x128xi32, #tpu.memory_space<hbm>> -> memref<1x128xi32, #tpu.memory_space<hbm>>
      %dma_wait3A_1851 = tpu.memref_squeeze %dma_wait3A_1850 : memref<1x128xi32, #tpu.memory_space<hbm>> -> memref<128xi32, #tpu.memory_space<hbm>>
      tpu.wait_dma2 semaphore(%arg17 : memref<!tpu.dma_semaphore, #tpu.memory_space<semaphore_mem>>) src(%dma_wait3A_1851 : memref<128xi32, #tpu.memory_space<hbm>>) dst(%dma_wait3A_1848 : memref<128xi32, #tpu.memory_space<vmem>>)
      %add3A_1852 = arith.addi %select_n3A_8, %rem3A_1837 : i32
      %dma_wait3A_1853 = arith.constant 3 : i32
      %dma_wait3A_1854 = arith.constant 0 : i32
      %dma_wait3A_1855 = tpu.memref_slice %arg7[%dma_wait3A_1853, %dma_wait3A_1854] : memref<4x128xi32, #tpu.memory_space<vmem>> -> memref<1x128xi32, #tpu.memory_space<vmem>>
      %dma_wait3A_1856 = tpu.memref_squeeze %dma_wait3A_1855 : memref<1x128xi32, #tpu.memory_space<vmem>> -> memref<128xi32, #tpu.memory_space<vmem>>
      %dma_wait3A_1857 = arith.constant 0 : i32
      %dma_wait3A_1858 = tpu.memref_slice %arg4[%add3A_1852, %dma_wait3A_1857] : memref<2560x128xi32, #tpu.memory_space<hbm>> -> memref<1x128xi32, #tpu.memory_space<hbm>>
      %dma_wait3A_1859 = tpu.memref_squeeze %dma_wait3A_1858 : memref<1x128xi32, #tpu.memory_space<hbm>> -> memref<128xi32, #tpu.memory_space<hbm>>
      %dma_wait3A_1860 = arith.constant 0 : i32
      %dma_wait3A_1861 = tpu.memref_slice %arg7[%dma_wait3A_1853, %dma_wait3A_1860] : memref<4x128xi32, #tpu.memory_space<vmem>> -> memref<1x128xi32, #tpu.memory_space<vmem>>
      %dma_wait3A_1862 = tpu.memref_squeeze %dma_wait3A_1861 : memref<1x128xi32, #tpu.memory_space<vmem>> -> memref<128xi32, #tpu.memory_space<vmem>>
      %dma_wait3A_1863 = arith.constant 0 : i32
      %dma_wait3A_1864 = tpu.memref_slice %arg4[%add3A_1852, %dma_wait3A_1863] : memref<2560x128xi32, #tpu.memory_space<hbm>> -> memref<1x128xi32, #tpu.memory_space<hbm>>
      %dma_wait3A_1865 = tpu.memref_squeeze %dma_wait3A_1864 : memref<1x128xi32, #tpu.memory_space<hbm>> -> memref<128xi32, #tpu.memory_space<hbm>>
      tpu.wait_dma2 semaphore(%arg17 : memref<!tpu.dma_semaphore, #tpu.memory_space<semaphore_mem>>) src(%dma_wait3A_1865 : memref<128xi32, #tpu.memory_space<hbm>>) dst(%dma_wait3A_1862 : memref<128xi32, #tpu.memory_space<vmem>>)
      %dma_start3A_1866 = arith.constant 3 : i32
      %dma_start3A_1867 = arith.constant 0 : i32
      %dma_start3A_1868 = tpu.memref_slice %arg6[%dma_start3A_1866, %dma_start3A_1867] : memref<4x128xi32, #tpu.memory_space<vmem>> -> memref<1x128xi32, #tpu.memory_space<vmem>>
      %dma_start3A_1869 = tpu.memref_squeeze %dma_start3A_1868 : memref<1x128xi32, #tpu.memory_space<vmem>> -> memref<128xi32, #tpu.memory_space<vmem>>
      %dma_start3A_1870 = arith.constant 0 : i32
      %dma_start3A_1871 = arith.constant 0 : i32
      %dma_start3A_1872 = tpu.memref_slice %arg2[%dma_start3A_1870, %dma_start3A_1871] : memref<10000x128xf32, #tpu.memory_space<hbm>> -> memref<10000x128xf32, #tpu.memory_space<hbm>>
      tpu.enqueue_indirect_dma source(%dma_start3A_1872 : memref<10000x128xf32, #tpu.memory_space<hbm>>) target(%arg9 : memref<128x128xf32, #tpu.memory_space<vmem>>) offsets(%dma_start3A_1869 : memref<128xi32, #tpu.memory_space<vmem>>) semaphore(%arg13 : memref<!tpu.dma_semaphore, #tpu.memory_space<semaphore_mem>>)
      %add3A_1873 = arith.constant 2 : i32
      %add3A_1874 = arith.addi %mul3A_1717, %add3A_1873 : i32
      %dma_wait3A_1875 = arith.constant 2 : i32
      %dma_wait3A_1876 = arith.constant 0 : i32
      %dma_wait3A_1877 = tpu.memref_slice %arg6[%dma_wait3A_1875, %dma_wait3A_1876] : memref<4x128xi32, #tpu.memory_space<vmem>> -> memref<1x128xi32, #tpu.memory_space<vmem>>
      %dma_wait3A_1878 = tpu.memref_squeeze %dma_wait3A_1877 : memref<1x128xi32, #tpu.memory_space<vmem>> -> memref<128xi32, #tpu.memory_space<vmem>>
      %dma_wait3A_1879 = arith.constant 0 : i32
      %dma_wait3A_1880 = arith.constant 0 : i32
      %dma_wait3A_1881 = tpu.memref_slice %arg2[%dma_wait3A_1879, %dma_wait3A_1880] : memref<10000x128xf32, #tpu.memory_space<hbm>> -> memref<10000x128xf32, #tpu.memory_space<hbm>>
      tpu.wait_indirect_dma semaphore(%arg12 : memref<!tpu.dma_semaphore, #tpu.memory_space<semaphore_mem>>) src(%dma_wait3A_1881 : memref<10000x128xf32, #tpu.memory_space<hbm>>) dst(%arg8 : memref<128x128xf32, #tpu.memory_space<vmem>>)
      %run_scoped3A_1882 = arith.constant 2 : i32
      "tpu.region"() ({
        %run_scoped3A_2031 = tpu.sem_alloc : memref<!tpu.dma_semaphore, #tpu.memory_space<semaphore_mem>>
        %dma_start3A_2032 = arith.constant 0 : i32
        %dma_start3A_2033 = tpu.memref_slice %arg7[%run_scoped3A_1882, %dma_start3A_2032] : memref<4x128xi32, #tpu.memory_space<vmem>> -> memref<1x128xi32, #tpu.memory_space<vmem>>
        %dma_start3A_2034 = tpu.memref_squeeze %dma_start3A_2033 : memref<1x128xi32, #tpu.memory_space<vmem>> -> memref<128xi32, #tpu.memory_space<vmem>>
        %dma_start3A_2035 = arith.constant 0 : i32
        %dma_start3A_2036 = arith.constant 0 : i32
        %dma_start3A_2037 = tpu.memref_slice %arg11[%dma_start3A_2035, %dma_start3A_2036] : memref<10240x128xf32, #tpu.memory_space<vmem_shared>> -> memref<10240x128xf32, #tpu.memory_space<vmem_shared>>
        tpu.enqueue_indirect_dma source(%arg8 : memref<128x128xf32, #tpu.memory_space<vmem>>) target(%dma_start3A_2037 : memref<10240x128xf32, #tpu.memory_space<vmem_shared>>) offsets(%dma_start3A_2034 : memref<128xi32, #tpu.memory_space<vmem>>) semaphore(%run_scoped3A_2031 : memref<!tpu.dma_semaphore, #tpu.memory_space<semaphore_mem>>) {add = true}
        %dma_wait3A_2038 = arith.constant 0 : i32
        %dma_wait3A_2039 = tpu.memref_slice %arg7[%run_scoped3A_1882, %dma_wait3A_2038] : memref<4x128xi32, #tpu.memory_space<vmem>> -> memref<1x128xi32, #tpu.memory_space<vmem>>
        %dma_wait3A_2040 = tpu.memref_squeeze %dma_wait3A_2039 : memref<1x128xi32, #tpu.memory_space<vmem>> -> memref<128xi32, #tpu.memory_space<vmem>>
        %dma_wait3A_2041 = arith.constant 0 : i32
        %dma_wait3A_2042 = arith.constant 0 : i32
        %dma_wait3A_2043 = tpu.memref_slice %arg11[%dma_wait3A_2041, %dma_wait3A_2042] : memref<10240x128xf32, #tpu.memory_space<vmem_shared>> -> memref<10240x128xf32, #tpu.memory_space<vmem_shared>>
        tpu.wait_indirect_dma semaphore(%run_scoped3A_2031 : memref<!tpu.dma_semaphore, #tpu.memory_space<semaphore_mem>>) src(%arg8 : memref<128x128xf32, #tpu.memory_space<vmem>>) dst(%dma_wait3A_2043 : memref<10240x128xf32, #tpu.memory_space<vmem_shared>>)
        tpu.yield
      }) : () -> ()
      %add3A_1883 = arith.constant 4 : i32
      %add3A_1884 = arith.addi %add3A_1874, %add3A_1883 : i32
      %rem3A_1885 = arith.remsi %add3A_1884, %select_n3A : i32
      %add3A_1886 = arith.addi %select_n3A_8, %rem3A_1885 : i32
      %dma_start3A_1887 = arith.constant 2 : i32
      %dma_start3A_1888 = arith.constant 0 : i32
      %dma_start3A_1889 = tpu.memref_slice %arg6[%dma_start3A_1887, %dma_start3A_1888] : memref<4x128xi32, #tpu.memory_space<vmem>> -> memref<1x128xi32, #tpu.memory_space<vmem>>
      %dma_start3A_1890 = tpu.memref_squeeze %dma_start3A_1889 : memref<1x128xi32, #tpu.memory_space<vmem>> -> memref<128xi32, #tpu.memory_space<vmem>>
      %dma_start3A_1891 = arith.constant 0 : i32
      %dma_start3A_1892 = tpu.memref_slice %arg3[%add3A_1886, %dma_start3A_1891] : memref<2560x128xi32, #tpu.memory_space<hbm>> -> memref<1x128xi32, #tpu.memory_space<hbm>>
      %dma_start3A_1893 = tpu.memref_squeeze %dma_start3A_1892 : memref<1x128xi32, #tpu.memory_space<hbm>> -> memref<128xi32, #tpu.memory_space<hbm>>
      %dma_start3A_1894 = arith.constant 0 : i32
      %dma_start3A_1895 = tpu.memref_slice %arg6[%dma_start3A_1887, %dma_start3A_1894] : memref<4x128xi32, #tpu.memory_space<vmem>> -> memref<1x128xi32, #tpu.memory_space<vmem>>
      %dma_start3A_1896 = tpu.memref_squeeze %dma_start3A_1895 : memref<1x128xi32, #tpu.memory_space<vmem>> -> memref<128xi32, #tpu.memory_space<vmem>>
      %dma_start3A_1897 = arith.constant 0 : i32
      %dma_start3A_1898 = tpu.memref_slice %arg3[%add3A_1886, %dma_start3A_1897] : memref<2560x128xi32, #tpu.memory_space<hbm>> -> memref<1x128xi32, #tpu.memory_space<hbm>>
      %dma_start3A_1899 = tpu.memref_squeeze %dma_start3A_1898 : memref<1x128xi32, #tpu.memory_space<hbm>> -> memref<128xi32, #tpu.memory_space<hbm>>
      tpu.enqueue_dma source(%dma_start3A_1899 : memref<128xi32, #tpu.memory_space<hbm>>) target(%dma_start3A_1896 : memref<128xi32, #tpu.memory_space<vmem>>) target_semaphore(%arg16 : memref<!tpu.dma_semaphore, #tpu.memory_space<semaphore_mem>>)
      %add3A_1900 = arith.addi %select_n3A_8, %rem3A_1885 : i32
      %dma_start3A_1901 = arith.constant 2 : i32
      %dma_start3A_1902 = arith.constant 0 : i32
      %dma_start3A_1903 = tpu.memref_slice %arg7[%dma_start3A_1901, %dma_start3A_1902] : memref<4x128xi32, #tpu.memory_space<vmem>> -> memref<1x128xi32, #tpu.memory_space<vmem>>
      %dma_start3A_1904 = tpu.memref_squeeze %dma_start3A_1903 : memref<1x128xi32, #tpu.memory_space<vmem>> -> memref<128xi32, #tpu.memory_space<vmem>>
      %dma_start3A_1905 = arith.constant 0 : i32
      %dma_start3A_1906 = tpu.memref_slice %arg4[%add3A_1900, %dma_start3A_1905] : memref<2560x128xi32, #tpu.memory_space<hbm>> -> memref<1x128xi32, #tpu.memory_space<hbm>>
      %dma_start3A_1907 = tpu.memref_squeeze %dma_start3A_1906 : memref<1x128xi32, #tpu.memory_space<hbm>> -> memref<128xi32, #tpu.memory_space<hbm>>
      %dma_start3A_1908 = arith.constant 0 : i32
      %dma_start3A_1909 = tpu.memref_slice %arg7[%dma_start3A_1901, %dma_start3A_1908] : memref<4x128xi32, #tpu.memory_space<vmem>> -> memref<1x128xi32, #tpu.memory_space<vmem>>
      %dma_start3A_1910 = tpu.memref_squeeze %dma_start3A_1909 : memref<1x128xi32, #tpu.memory_space<vmem>> -> memref<128xi32, #tpu.memory_space<vmem>>
      %dma_start3A_1911 = arith.constant 0 : i32
      %dma_start3A_1912 = tpu.memref_slice %arg4[%add3A_1900, %dma_start3A_1911] : memref<2560x128xi32, #tpu.memory_space<hbm>> -> memref<1x128xi32, #tpu.memory_space<hbm>>
      %dma_start3A_1913 = tpu.memref_squeeze %dma_start3A_1912 : memref<1x128xi32, #tpu.memory_space<hbm>> -> memref<128xi32, #tpu.memory_space<hbm>>
      tpu.enqueue_dma source(%dma_start3A_1913 : memref<128xi32, #tpu.memory_space<hbm>>) target(%dma_start3A_1910 : memref<128xi32, #tpu.memory_space<vmem>>) target_semaphore(%arg16 : memref<!tpu.dma_semaphore, #tpu.memory_space<semaphore_mem>>)
      %add3A_1914 = arith.constant 2 : i32
      %add3A_1915 = arith.addi %add3A_1874, %add3A_1914 : i32
      %rem3A_1916 = arith.remsi %add3A_1915, %select_n3A : i32
      %add3A_1917 = arith.addi %select_n3A_8, %rem3A_1916 : i32
      %dma_wait3A_1918 = arith.constant 0 : i32
      %dma_wait3A_1919 = arith.constant 0 : i32
      %dma_wait3A_1920 = tpu.memref_slice %arg6[%dma_wait3A_1918, %dma_wait3A_1919] : memref<4x128xi32, #tpu.memory_space<vmem>> -> memref<1x128xi32, #tpu.memory_space<vmem>>
      %dma_wait3A_1921 = tpu.memref_squeeze %dma_wait3A_1920 : memref<1x128xi32, #tpu.memory_space<vmem>> -> memref<128xi32, #tpu.memory_space<vmem>>
      %dma_wait3A_1922 = arith.constant 0 : i32
      %dma_wait3A_1923 = tpu.memref_slice %arg3[%add3A_1917, %dma_wait3A_1922] : memref<2560x128xi32, #tpu.memory_space<hbm>> -> memref<1x128xi32, #tpu.memory_space<hbm>>
      %dma_wait3A_1924 = tpu.memref_squeeze %dma_wait3A_1923 : memref<1x128xi32, #tpu.memory_space<hbm>> -> memref<128xi32, #tpu.memory_space<hbm>>
      %dma_wait3A_1925 = arith.constant 0 : i32
      %dma_wait3A_1926 = tpu.memref_slice %arg6[%dma_wait3A_1918, %dma_wait3A_1925] : memref<4x128xi32, #tpu.memory_space<vmem>> -> memref<1x128xi32, #tpu.memory_space<vmem>>
      %dma_wait3A_1927 = tpu.memref_squeeze %dma_wait3A_1926 : memref<1x128xi32, #tpu.memory_space<vmem>> -> memref<128xi32, #tpu.memory_space<vmem>>
      %dma_wait3A_1928 = arith.constant 0 : i32
      %dma_wait3A_1929 = tpu.memref_slice %arg3[%add3A_1917, %dma_wait3A_1928] : memref<2560x128xi32, #tpu.memory_space<hbm>> -> memref<1x128xi32, #tpu.memory_space<hbm>>
      %dma_wait3A_1930 = tpu.memref_squeeze %dma_wait3A_1929 : memref<1x128xi32, #tpu.memory_space<hbm>> -> memref<128xi32, #tpu.memory_space<hbm>>
      tpu.wait_dma2 semaphore(%arg14 : memref<!tpu.dma_semaphore, #tpu.memory_space<semaphore_mem>>) src(%dma_wait3A_1930 : memref<128xi32, #tpu.memory_space<hbm>>) dst(%dma_wait3A_1927 : memref<128xi32, #tpu.memory_space<vmem>>)
      %add3A_1931 = arith.addi %select_n3A_8, %rem3A_1916 : i32
      %dma_wait3A_1932 = arith.constant 0 : i32
      %dma_wait3A_1933 = arith.constant 0 : i32
      %dma_wait3A_1934 = tpu.memref_slice %arg7[%dma_wait3A_1932, %dma_wait3A_1933] : memref<4x128xi32, #tpu.memory_space<vmem>> -> memref<1x128xi32, #tpu.memory_space<vmem>>
      %dma_wait3A_1935 = tpu.memref_squeeze %dma_wait3A_1934 : memref<1x128xi32, #tpu.memory_space<vmem>> -> memref<128xi32, #tpu.memory_space<vmem>>
      %dma_wait3A_1936 = arith.constant 0 : i32
      %dma_wait3A_1937 = tpu.memref_slice %arg4[%add3A_1931, %dma_wait3A_1936] : memref<2560x128xi32, #tpu.memory_space<hbm>> -> memref<1x128xi32, #tpu.memory_space<hbm>>
      %dma_wait3A_1938 = tpu.memref_squeeze %dma_wait3A_1937 : memref<1x128xi32, #tpu.memory_space<hbm>> -> memref<128xi32, #tpu.memory_space<hbm>>
      %dma_wait3A_1939 = arith.constant 0 : i32
      %dma_wait3A_1940 = tpu.memref_slice %arg7[%dma_wait3A_1932, %dma_wait3A_1939] : memref<4x128xi32, #tpu.memory_space<vmem>> -> memref<1x128xi32, #tpu.memory_space<vmem>>
      %dma_wait3A_1941 = tpu.memref_squeeze %dma_wait3A_1940 : memref<1x128xi32, #tpu.memory_space<vmem>> -> memref<128xi32, #tpu.memory_space<vmem>>
      %dma_wait3A_1942 = arith.constant 0 : i32
      %dma_wait3A_1943 = tpu.memref_slice %arg4[%add3A_1931, %dma_wait3A_1942] : memref<2560x128xi32, #tpu.memory_space<hbm>> -> memref<1x128xi32, #tpu.memory_space<hbm>>
      %dma_wait3A_1944 = tpu.memref_squeeze %dma_wait3A_1943 : memref<1x128xi32, #tpu.memory_space<hbm>> -> memref<128xi32, #tpu.memory_space<hbm>>
      tpu.wait_dma2 semaphore(%arg14 : memref<!tpu.dma_semaphore, #tpu.memory_space<semaphore_mem>>) src(%dma_wait3A_1944 : memref<128xi32, #tpu.memory_space<hbm>>) dst(%dma_wait3A_1941 : memref<128xi32, #tpu.memory_space<vmem>>)
      %dma_start3A_1945 = arith.constant 0 : i32
      %dma_start3A_1946 = arith.constant 0 : i32
      %dma_start3A_1947 = tpu.memref_slice %arg6[%dma_start3A_1945, %dma_start3A_1946] : memref<4x128xi32, #tpu.memory_space<vmem>> -> memref<1x128xi32, #tpu.memory_space<vmem>>
      %dma_start3A_1948 = tpu.memref_squeeze %dma_start3A_1947 : memref<1x128xi32, #tpu.memory_space<vmem>> -> memref<128xi32, #tpu.memory_space<vmem>>
      %dma_start3A_1949 = arith.constant 0 : i32
      %dma_start3A_1950 = arith.constant 0 : i32
      %dma_start3A_1951 = tpu.memref_slice %arg2[%dma_start3A_1949, %dma_start3A_1950] : memref<10000x128xf32, #tpu.memory_space<hbm>> -> memref<10000x128xf32, #tpu.memory_space<hbm>>
      tpu.enqueue_indirect_dma source(%dma_start3A_1951 : memref<10000x128xf32, #tpu.memory_space<hbm>>) target(%arg8 : memref<128x128xf32, #tpu.memory_space<vmem>>) offsets(%dma_start3A_1948 : memref<128xi32, #tpu.memory_space<vmem>>) semaphore(%arg12 : memref<!tpu.dma_semaphore, #tpu.memory_space<semaphore_mem>>)
      %add3A_1952 = arith.constant 3 : i32
      %add3A_1953 = arith.addi %mul3A_1717, %add3A_1952 : i32
      %dma_wait3A_1954 = arith.constant 3 : i32
      %dma_wait3A_1955 = arith.constant 0 : i32
      %dma_wait3A_1956 = tpu.memref_slice %arg6[%dma_wait3A_1954, %dma_wait3A_1955] : memref<4x128xi32, #tpu.memory_space<vmem>> -> memref<1x128xi32, #tpu.memory_space<vmem>>
      %dma_wait3A_1957 = tpu.memref_squeeze %dma_wait3A_1956 : memref<1x128xi32, #tpu.memory_space<vmem>> -> memref<128xi32, #tpu.memory_space<vmem>>
      %dma_wait3A_1958 = arith.constant 0 : i32
      %dma_wait3A_1959 = arith.constant 0 : i32
      %dma_wait3A_1960 = tpu.memref_slice %arg2[%dma_wait3A_1958, %dma_wait3A_1959] : memref<10000x128xf32, #tpu.memory_space<hbm>> -> memref<10000x128xf32, #tpu.memory_space<hbm>>
      tpu.wait_indirect_dma semaphore(%arg13 : memref<!tpu.dma_semaphore, #tpu.memory_space<semaphore_mem>>) src(%dma_wait3A_1960 : memref<10000x128xf32, #tpu.memory_space<hbm>>) dst(%arg9 : memref<128x128xf32, #tpu.memory_space<vmem>>)
      %run_scoped3A_1961 = arith.constant 3 : i32
      "tpu.region"() ({
        %run_scoped3A_2031 = tpu.sem_alloc : memref<!tpu.dma_semaphore, #tpu.memory_space<semaphore_mem>>
        %dma_start3A_2032 = arith.constant 0 : i32
        %dma_start3A_2033 = tpu.memref_slice %arg7[%run_scoped3A_1961, %dma_start3A_2032] : memref<4x128xi32, #tpu.memory_space<vmem>> -> memref<1x128xi32, #tpu.memory_space<vmem>>
        %dma_start3A_2034 = tpu.memref_squeeze %dma_start3A_2033 : memref<1x128xi32, #tpu.memory_space<vmem>> -> memref<128xi32, #tpu.memory_space<vmem>>
        %dma_start3A_2035 = arith.constant 0 : i32
        %dma_start3A_2036 = arith.constant 0 : i32
        %dma_start3A_2037 = tpu.memref_slice %arg11[%dma_start3A_2035, %dma_start3A_2036] : memref<10240x128xf32, #tpu.memory_space<vmem_shared>> -> memref<10240x128xf32, #tpu.memory_space<vmem_shared>>
        tpu.enqueue_indirect_dma source(%arg9 : memref<128x128xf32, #tpu.memory_space<vmem>>) target(%dma_start3A_2037 : memref<10240x128xf32, #tpu.memory_space<vmem_shared>>) offsets(%dma_start3A_2034 : memref<128xi32, #tpu.memory_space<vmem>>) semaphore(%run_scoped3A_2031 : memref<!tpu.dma_semaphore, #tpu.memory_space<semaphore_mem>>) {add = true}
        %dma_wait3A_2038 = arith.constant 0 : i32
        %dma_wait3A_2039 = tpu.memref_slice %arg7[%run_scoped3A_1961, %dma_wait3A_2038] : memref<4x128xi32, #tpu.memory_space<vmem>> -> memref<1x128xi32, #tpu.memory_space<vmem>>
        %dma_wait3A_2040 = tpu.memref_squeeze %dma_wait3A_2039 : memref<1x128xi32, #tpu.memory_space<vmem>> -> memref<128xi32, #tpu.memory_space<vmem>>
        %dma_wait3A_2041 = arith.constant 0 : i32
        %dma_wait3A_2042 = arith.constant 0 : i32
        %dma_wait3A_2043 = tpu.memref_slice %arg11[%dma_wait3A_2041, %dma_wait3A_2042] : memref<10240x128xf32, #tpu.memory_space<vmem_shared>> -> memref<10240x128xf32, #tpu.memory_space<vmem_shared>>
        tpu.wait_indirect_dma semaphore(%run_scoped3A_2031 : memref<!tpu.dma_semaphore, #tpu.memory_space<semaphore_mem>>) src(%arg9 : memref<128x128xf32, #tpu.memory_space<vmem>>) dst(%dma_wait3A_2043 : memref<10240x128xf32, #tpu.memory_space<vmem_shared>>)
        tpu.yield
      }) : () -> ()
      %add3A_1962 = arith.constant 4 : i32
      %add3A_1963 = arith.addi %add3A_1953, %add3A_1962 : i32
      %rem3A_1964 = arith.remsi %add3A_1963, %select_n3A : i32
      %add3A_1965 = arith.addi %select_n3A_8, %rem3A_1964 : i32
      %dma_start3A_1966 = arith.constant 3 : i32
      %dma_start3A_1967 = arith.constant 0 : i32
      %dma_start3A_1968 = tpu.memref_slice %arg6[%dma_start3A_1966, %dma_start3A_1967] : memref<4x128xi32, #tpu.memory_space<vmem>> -> memref<1x128xi32, #tpu.memory_space<vmem>>
      %dma_start3A_1969 = tpu.memref_squeeze %dma_start3A_1968 : memref<1x128xi32, #tpu.memory_space<vmem>> -> memref<128xi32, #tpu.memory_space<vmem>>
      %dma_start3A_1970 = arith.constant 0 : i32
      %dma_start3A_1971 = tpu.memref_slice %arg3[%add3A_1965, %dma_start3A_1970] : memref<2560x128xi32, #tpu.memory_space<hbm>> -> memref<1x128xi32, #tpu.memory_space<hbm>>
      %dma_start3A_1972 = tpu.memref_squeeze %dma_start3A_1971 : memref<1x128xi32, #tpu.memory_space<hbm>> -> memref<128xi32, #tpu.memory_space<hbm>>
      %dma_start3A_1973 = arith.constant 0 : i32
      %dma_start3A_1974 = tpu.memref_slice %arg6[%dma_start3A_1966, %dma_start3A_1973] : memref<4x128xi32, #tpu.memory_space<vmem>> -> memref<1x128xi32, #tpu.memory_space<vmem>>
      %dma_start3A_1975 = tpu.memref_squeeze %dma_start3A_1974 : memref<1x128xi32, #tpu.memory_space<vmem>> -> memref<128xi32, #tpu.memory_space<vmem>>
      %dma_start3A_1976 = arith.constant 0 : i32
      %dma_start3A_1977 = tpu.memref_slice %arg3[%add3A_1965, %dma_start3A_1976] : memref<2560x128xi32, #tpu.memory_space<hbm>> -> memref<1x128xi32, #tpu.memory_space<hbm>>
      %dma_start3A_1978 = tpu.memref_squeeze %dma_start3A_1977 : memref<1x128xi32, #tpu.memory_space<hbm>> -> memref<128xi32, #tpu.memory_space<hbm>>
      tpu.enqueue_dma source(%dma_start3A_1978 : memref<128xi32, #tpu.memory_space<hbm>>) target(%dma_start3A_1975 : memref<128xi32, #tpu.memory_space<vmem>>) target_semaphore(%arg17 : memref<!tpu.dma_semaphore, #tpu.memory_space<semaphore_mem>>)
      %add3A_1979 = arith.addi %select_n3A_8, %rem3A_1964 : i32
      %dma_start3A_1980 = arith.constant 3 : i32
      %dma_start3A_1981 = arith.constant 0 : i32
      %dma_start3A_1982 = tpu.memref_slice %arg7[%dma_start3A_1980, %dma_start3A_1981] : memref<4x128xi32, #tpu.memory_space<vmem>> -> memref<1x128xi32, #tpu.memory_space<vmem>>
      %dma_start3A_1983 = tpu.memref_squeeze %dma_start3A_1982 : memref<1x128xi32, #tpu.memory_space<vmem>> -> memref<128xi32, #tpu.memory_space<vmem>>
      %dma_start3A_1984 = arith.constant 0 : i32
      %dma_start3A_1985 = tpu.memref_slice %arg4[%add3A_1979, %dma_start3A_1984] : memref<2560x128xi32, #tpu.memory_space<hbm>> -> memref<1x128xi32, #tpu.memory_space<hbm>>
      %dma_start3A_1986 = tpu.memref_squeeze %dma_start3A_1985 : memref<1x128xi32, #tpu.memory_space<hbm>> -> memref<128xi32, #tpu.memory_space<hbm>>
      %dma_start3A_1987 = arith.constant 0 : i32
      %dma_start3A_1988 = tpu.memref_slice %arg7[%dma_start3A_1980, %dma_start3A_1987] : memref<4x128xi32, #tpu.memory_space<vmem>> -> memref<1x128xi32, #tpu.memory_space<vmem>>
      %dma_start3A_1989 = tpu.memref_squeeze %dma_start3A_1988 : memref<1x128xi32, #tpu.memory_space<vmem>> -> memref<128xi32, #tpu.memory_space<vmem>>
      %dma_start3A_1990 = arith.constant 0 : i32
      %dma_start3A_1991 = tpu.memref_slice %arg4[%add3A_1979, %dma_start3A_1990] : memref<2560x128xi32, #tpu.memory_space<hbm>> -> memref<1x128xi32, #tpu.memory_space<hbm>>
      %dma_start3A_1992 = tpu.memref_squeeze %dma_start3A_1991 : memref<1x128xi32, #tpu.memory_space<hbm>> -> memref<128xi32, #tpu.memory_space<hbm>>
      tpu.enqueue_dma source(%dma_start3A_1992 : memref<128xi32, #tpu.memory_space<hbm>>) target(%dma_start3A_1989 : memref<128xi32, #tpu.memory_space<vmem>>) target_semaphore(%arg17 : memref<!tpu.dma_semaphore, #tpu.memory_space<semaphore_mem>>)
      %add3A_1993 = arith.constant 2 : i32
      %add3A_1994 = arith.addi %add3A_1953, %add3A_1993 : i32
      %rem3A_1995 = arith.remsi %add3A_1994, %select_n3A : i32
      %add3A_1996 = arith.addi %select_n3A_8, %rem3A_1995 : i32
      %dma_wait3A_1997 = arith.constant 1 : i32
      %dma_wait3A_1998 = arith.constant 0 : i32
      %dma_wait3A_1999 = tpu.memref_slice %arg6[%dma_wait3A_1997, %dma_wait3A_1998] : memref<4x128xi32, #tpu.memory_space<vmem>> -> memref<1x128xi32, #tpu.memory_space<vmem>>
      %dma_wait3A_2000 = tpu.memref_squeeze %dma_wait3A_1999 : memref<1x128xi32, #tpu.memory_space<vmem>> -> memref<128xi32, #tpu.memory_space<vmem>>
      %dma_wait3A_2001 = arith.constant 0 : i32
      %dma_wait3A_2002 = tpu.memref_slice %arg3[%add3A_1996, %dma_wait3A_2001] : memref<2560x128xi32, #tpu.memory_space<hbm>> -> memref<1x128xi32, #tpu.memory_space<hbm>>
      %dma_wait3A_2003 = tpu.memref_squeeze %dma_wait3A_2002 : memref<1x128xi32, #tpu.memory_space<hbm>> -> memref<128xi32, #tpu.memory_space<hbm>>
      %dma_wait3A_2004 = arith.constant 0 : i32
      %dma_wait3A_2005 = tpu.memref_slice %arg6[%dma_wait3A_1997, %dma_wait3A_2004] : memref<4x128xi32, #tpu.memory_space<vmem>> -> memref<1x128xi32, #tpu.memory_space<vmem>>
      %dma_wait3A_2006 = tpu.memref_squeeze %dma_wait3A_2005 : memref<1x128xi32, #tpu.memory_space<vmem>> -> memref<128xi32, #tpu.memory_space<vmem>>
      %dma_wait3A_2007 = arith.constant 0 : i32
      %dma_wait3A_2008 = tpu.memref_slice %arg3[%add3A_1996, %dma_wait3A_2007] : memref<2560x128xi32, #tpu.memory_space<hbm>> -> memref<1x128xi32, #tpu.memory_space<hbm>>
      %dma_wait3A_2009 = tpu.memref_squeeze %dma_wait3A_2008 : memref<1x128xi32, #tpu.memory_space<hbm>> -> memref<128xi32, #tpu.memory_space<hbm>>
      tpu.wait_dma2 semaphore(%arg15 : memref<!tpu.dma_semaphore, #tpu.memory_space<semaphore_mem>>) src(%dma_wait3A_2009 : memref<128xi32, #tpu.memory_space<hbm>>) dst(%dma_wait3A_2006 : memref<128xi32, #tpu.memory_space<vmem>>)
      %add3A_2010 = arith.addi %select_n3A_8, %rem3A_1995 : i32
      %dma_wait3A_2011 = arith.constant 1 : i32
      %dma_wait3A_2012 = arith.constant 0 : i32
      %dma_wait3A_2013 = tpu.memref_slice %arg7[%dma_wait3A_2011, %dma_wait3A_2012] : memref<4x128xi32, #tpu.memory_space<vmem>> -> memref<1x128xi32, #tpu.memory_space<vmem>>
      %dma_wait3A_2014 = tpu.memref_squeeze %dma_wait3A_2013 : memref<1x128xi32, #tpu.memory_space<vmem>> -> memref<128xi32, #tpu.memory_space<vmem>>
      %dma_wait3A_2015 = arith.constant 0 : i32
      %dma_wait3A_2016 = tpu.memref_slice %arg4[%add3A_2010, %dma_wait3A_2015] : memref<2560x128xi32, #tpu.memory_space<hbm>> -> memref<1x128xi32, #tpu.memory_space<hbm>>
      %dma_wait3A_2017 = tpu.memref_squeeze %dma_wait3A_2016 : memref<1x128xi32, #tpu.memory_space<hbm>> -> memref<128xi32, #tpu.memory_space<hbm>>
      %dma_wait3A_2018 = arith.constant 0 : i32
      %dma_wait3A_2019 = tpu.memref_slice %arg7[%dma_wait3A_2011, %dma_wait3A_2018] : memref<4x128xi32, #tpu.memory_space<vmem>> -> memref<1x128xi32, #tpu.memory_space<vmem>>
      %dma_wait3A_2020 = tpu.memref_squeeze %dma_wait3A_2019 : memref<1x128xi32, #tpu.memory_space<vmem>> -> memref<128xi32, #tpu.memory_space<vmem>>
      %dma_wait3A_2021 = arith.constant 0 : i32
      %dma_wait3A_2022 = tpu.memref_slice %arg4[%add3A_2010, %dma_wait3A_2021] : memref<2560x128xi32, #tpu.memory_space<hbm>> -> memref<1x128xi32, #tpu.memory_space<hbm>>
      %dma_wait3A_2023 = tpu.memref_squeeze %dma_wait3A_2022 : memref<1x128xi32, #tpu.memory_space<hbm>> -> memref<128xi32, #tpu.memory_space<hbm>>
      tpu.wait_dma2 semaphore(%arg15 : memref<!tpu.dma_semaphore, #tpu.memory_space<semaphore_mem>>) src(%dma_wait3A_2023 : memref<128xi32, #tpu.memory_space<hbm>>) dst(%dma_wait3A_2020 : memref<128xi32, #tpu.memory_space<vmem>>)
      %dma_start3A_2024 = arith.constant 1 : i32
      %dma_start3A_2025 = arith.constant 0 : i32
      %dma_start3A_2026 = tpu.memref_slice %arg6[%dma_start3A_2024, %dma_start3A_2025] : memref<4x128xi32, #tpu.memory_space<vmem>> -> memref<1x128xi32, #tpu.memory_space<vmem>>
      %dma_start3A_2027 = tpu.memref_squeeze %dma_start3A_2026 : memref<1x128xi32, #tpu.memory_space<vmem>> -> memref<128xi32, #tpu.memory_space<vmem>>
      %dma_start3A_2028 = arith.constant 0 : i32
      %dma_start3A_2029 = arith.constant 0 : i32
      %dma_start3A_2030 = tpu.memref_slice %arg2[%dma_start3A_2028, %dma_start3A_2029] : memref<10000x128xf32, #tpu.memory_space<hbm>> -> memref<10000x128xf32, #tpu.memory_space<hbm>>
      tpu.enqueue_indirect_dma source(%dma_start3A_2030 : memref<10000x128xf32, #tpu.memory_space<hbm>>) target(%arg9 : memref<128x128xf32, #tpu.memory_space<vmem>>) offsets(%dma_start3A_2027 : memref<128xi32, #tpu.memory_space<vmem>>) semaphore(%arg13 : memref<!tpu.dma_semaphore, #tpu.memory_space<semaphore_mem>>)
    }
    %dma_wait3A_1636 = arith.constant 0 : i32
    %dma_wait3A_1637 = arith.constant 0 : i32
    %dma_wait3A_1638 = tpu.memref_slice %arg6[%dma_wait3A_1636, %dma_wait3A_1637] : memref<4x128xi32, #tpu.memory_space<vmem>> -> memref<1x128xi32, #tpu.memory_space<vmem>>
    %dma_wait3A_1639 = tpu.memref_squeeze %dma_wait3A_1638 : memref<1x128xi32, #tpu.memory_space<vmem>> -> memref<128xi32, #tpu.memory_space<vmem>>
    %dma_wait3A_1640 = arith.constant 0 : i32
    %dma_wait3A_1641 = arith.constant 0 : i32
    %dma_wait3A_1642 = tpu.memref_slice %arg2[%dma_wait3A_1640, %dma_wait3A_1641] : memref<10000x128xf32, #tpu.memory_space<hbm>> -> memref<10000x128xf32, #tpu.memory_space<hbm>>
    tpu.wait_indirect_dma semaphore(%arg12 : memref<!tpu.dma_semaphore, #tpu.memory_space<semaphore_mem>>) src(%dma_wait3A_1642 : memref<10000x128xf32, #tpu.memory_space<hbm>>) dst(%arg8 : memref<128x128xf32, #tpu.memory_space<vmem>>)
    %dma_wait3A_1643 = arith.constant 1 : i32
    %dma_wait3A_1644 = arith.constant 0 : i32
    %dma_wait3A_1645 = tpu.memref_slice %arg6[%dma_wait3A_1643, %dma_wait3A_1644] : memref<4x128xi32, #tpu.memory_space<vmem>> -> memref<1x128xi32, #tpu.memory_space<vmem>>
    %dma_wait3A_1646 = tpu.memref_squeeze %dma_wait3A_1645 : memref<1x128xi32, #tpu.memory_space<vmem>> -> memref<128xi32, #tpu.memory_space<vmem>>
    %dma_wait3A_1647 = arith.constant 0 : i32
    %dma_wait3A_1648 = arith.constant 0 : i32
    %dma_wait3A_1649 = tpu.memref_slice %arg2[%dma_wait3A_1647, %dma_wait3A_1648] : memref<10000x128xf32, #tpu.memory_space<hbm>> -> memref<10000x128xf32, #tpu.memory_space<hbm>>
    tpu.wait_indirect_dma semaphore(%arg13 : memref<!tpu.dma_semaphore, #tpu.memory_space<semaphore_mem>>) src(%dma_wait3A_1649 : memref<10000x128xf32, #tpu.memory_space<hbm>>) dst(%arg9 : memref<128x128xf32, #tpu.memory_space<vmem>>)
    %add3A_1650 = arith.constant 2 : i32
    %add3A_1651 = arith.addi %select_n3A_8, %add3A_1650 : i32
    %dma_wait3A_1652 = arith.constant 2 : i32
    %dma_wait3A_1653 = arith.constant 0 : i32
    %dma_wait3A_1654 = tpu.memref_slice %arg6[%dma_wait3A_1652, %dma_wait3A_1653] : memref<4x128xi32, #tpu.memory_space<vmem>> -> memref<1x128xi32, #tpu.memory_space<vmem>>
    %dma_wait3A_1655 = tpu.memref_squeeze %dma_wait3A_1654 : memref<1x128xi32, #tpu.memory_space<vmem>> -> memref<128xi32, #tpu.memory_space<vmem>>
    %dma_wait3A_1656 = arith.constant 0 : i32
    %dma_wait3A_1657 = tpu.memref_slice %arg3[%add3A_1651, %dma_wait3A_1656] : memref<2560x128xi32, #tpu.memory_space<hbm>> -> memref<1x128xi32, #tpu.memory_space<hbm>>
    %dma_wait3A_1658 = tpu.memref_squeeze %dma_wait3A_1657 : memref<1x128xi32, #tpu.memory_space<hbm>> -> memref<128xi32, #tpu.memory_space<hbm>>
    %dma_wait3A_1659 = arith.constant 0 : i32
    %dma_wait3A_1660 = tpu.memref_slice %arg6[%dma_wait3A_1652, %dma_wait3A_1659] : memref<4x128xi32, #tpu.memory_space<vmem>> -> memref<1x128xi32, #tpu.memory_space<vmem>>
    %dma_wait3A_1661 = tpu.memref_squeeze %dma_wait3A_1660 : memref<1x128xi32, #tpu.memory_space<vmem>> -> memref<128xi32, #tpu.memory_space<vmem>>
    %dma_wait3A_1662 = arith.constant 0 : i32
    %dma_wait3A_1663 = tpu.memref_slice %arg3[%add3A_1651, %dma_wait3A_1662] : memref<2560x128xi32, #tpu.memory_space<hbm>> -> memref<1x128xi32, #tpu.memory_space<hbm>>
    %dma_wait3A_1664 = tpu.memref_squeeze %dma_wait3A_1663 : memref<1x128xi32, #tpu.memory_space<hbm>> -> memref<128xi32, #tpu.memory_space<hbm>>
    tpu.wait_dma2 semaphore(%arg16 : memref<!tpu.dma_semaphore, #tpu.memory_space<semaphore_mem>>) src(%dma_wait3A_1664 : memref<128xi32, #tpu.memory_space<hbm>>) dst(%dma_wait3A_1661 : memref<128xi32, #tpu.memory_space<vmem>>)
    %add3A_1665 = arith.constant 2 : i32
    %add3A_1666 = arith.addi %select_n3A_8, %add3A_1665 : i32
    %dma_wait3A_1667 = arith.constant 2 : i32
    %dma_wait3A_1668 = arith.constant 0 : i32
    %dma_wait3A_1669 = tpu.memref_slice %arg7[%dma_wait3A_1667, %dma_wait3A_1668] : memref<4x128xi32, #tpu.memory_space<vmem>> -> memref<1x128xi32, #tpu.memory_space<vmem>>
    %dma_wait3A_1670 = tpu.memref_squeeze %dma_wait3A_1669 : memref<1x128xi32, #tpu.memory_space<vmem>> -> memref<128xi32, #tpu.memory_space<vmem>>
    %dma_wait3A_1671 = arith.constant 0 : i32
    %dma_wait3A_1672 = tpu.memref_slice %arg4[%add3A_1666, %dma_wait3A_1671] : memref<2560x128xi32, #tpu.memory_space<hbm>> -> memref<1x128xi32, #tpu.memory_space<hbm>>
    %dma_wait3A_1673 = tpu.memref_squeeze %dma_wait3A_1672 : memref<1x128xi32, #tpu.memory_space<hbm>> -> memref<128xi32, #tpu.memory_space<hbm>>
    %dma_wait3A_1674 = arith.constant 0 : i32
    %dma_wait3A_1675 = tpu.memref_slice %arg7[%dma_wait3A_1667, %dma_wait3A_1674] : memref<4x128xi32, #tpu.memory_space<vmem>> -> memref<1x128xi32, #tpu.memory_space<vmem>>
    %dma_wait3A_1676 = tpu.memref_squeeze %dma_wait3A_1675 : memref<1x128xi32, #tpu.memory_space<vmem>> -> memref<128xi32, #tpu.memory_space<vmem>>
    %dma_wait3A_1677 = arith.constant 0 : i32
    %dma_wait3A_1678 = tpu.memref_slice %arg4[%add3A_1666, %dma_wait3A_1677] : memref<2560x128xi32, #tpu.memory_space<hbm>> -> memref<1x128xi32, #tpu.memory_space<hbm>>
    %dma_wait3A_1679 = tpu.memref_squeeze %dma_wait3A_1678 : memref<1x128xi32, #tpu.memory_space<hbm>> -> memref<128xi32, #tpu.memory_space<hbm>>
    tpu.wait_dma2 semaphore(%arg16 : memref<!tpu.dma_semaphore, #tpu.memory_space<semaphore_mem>>) src(%dma_wait3A_1679 : memref<128xi32, #tpu.memory_space<hbm>>) dst(%dma_wait3A_1676 : memref<128xi32, #tpu.memory_space<vmem>>)
    %add3A_1680 = arith.constant 3 : i32
    %add3A_1681 = arith.addi %select_n3A_8, %add3A_1680 : i32
    %dma_wait3A_1682 = arith.constant 3 : i32
    %dma_wait3A_1683 = arith.constant 0 : i32
    %dma_wait3A_1684 = tpu.memref_slice %arg6[%dma_wait3A_1682, %dma_wait3A_1683] : memref<4x128xi32, #tpu.memory_space<vmem>> -> memref<1x128xi32, #tpu.memory_space<vmem>>
    %dma_wait3A_1685 = tpu.memref_squeeze %dma_wait3A_1684 : memref<1x128xi32, #tpu.memory_space<vmem>> -> memref<128xi32, #tpu.memory_space<vmem>>
    %dma_wait3A_1686 = arith.constant 0 : i32
    %dma_wait3A_1687 = tpu.memref_slice %arg3[%add3A_1681, %dma_wait3A_1686] : memref<2560x128xi32, #tpu.memory_space<hbm>> -> memref<1x128xi32, #tpu.memory_space<hbm>>
    %dma_wait3A_1688 = tpu.memref_squeeze %dma_wait3A_1687 : memref<1x128xi32, #tpu.memory_space<hbm>> -> memref<128xi32, #tpu.memory_space<hbm>>
    %dma_wait3A_1689 = arith.constant 0 : i32
    %dma_wait3A_1690 = tpu.memref_slice %arg6[%dma_wait3A_1682, %dma_wait3A_1689] : memref<4x128xi32, #tpu.memory_space<vmem>> -> memref<1x128xi32, #tpu.memory_space<vmem>>
    %dma_wait3A_1691 = tpu.memref_squeeze %dma_wait3A_1690 : memref<1x128xi32, #tpu.memory_space<vmem>> -> memref<128xi32, #tpu.memory_space<vmem>>
    %dma_wait3A_1692 = arith.constant 0 : i32
    %dma_wait3A_1693 = tpu.memref_slice %arg3[%add3A_1681, %dma_wait3A_1692] : memref<2560x128xi32, #tpu.memory_space<hbm>> -> memref<1x128xi32, #tpu.memory_space<hbm>>
    %dma_wait3A_1694 = tpu.memref_squeeze %dma_wait3A_1693 : memref<1x128xi32, #tpu.memory_space<hbm>> -> memref<128xi32, #tpu.memory_space<hbm>>
    tpu.wait_dma2 semaphore(%arg17 : memref<!tpu.dma_semaphore, #tpu.memory_space<semaphore_mem>>) src(%dma_wait3A_1694 : memref<128xi32, #tpu.memory_space<hbm>>) dst(%dma_wait3A_1691 : memref<128xi32, #tpu.memory_space<vmem>>)
    %add3A_1695 = arith.constant 3 : i32
    %add3A_1696 = arith.addi %select_n3A_8, %add3A_1695 : i32
    %dma_wait3A_1697 = arith.constant 3 : i32
    %dma_wait3A_1698 = arith.constant 0 : i32
    %dma_wait3A_1699 = tpu.memref_slice %arg7[%dma_wait3A_1697, %dma_wait3A_1698] : memref<4x128xi32, #tpu.memory_space<vmem>> -> memref<1x128xi32, #tpu.memory_space<vmem>>
    %dma_wait3A_1700 = tpu.memref_squeeze %dma_wait3A_1699 : memref<1x128xi32, #tpu.memory_space<vmem>> -> memref<128xi32, #tpu.memory_space<vmem>>
    %dma_wait3A_1701 = arith.constant 0 : i32
    %dma_wait3A_1702 = tpu.memref_slice %arg4[%add3A_1696, %dma_wait3A_1701] : memref<2560x128xi32, #tpu.memory_space<hbm>> -> memref<1x128xi32, #tpu.memory_space<hbm>>
    %dma_wait3A_1703 = tpu.memref_squeeze %dma_wait3A_1702 : memref<1x128xi32, #tpu.memory_space<hbm>> -> memref<128xi32, #tpu.memory_space<hbm>>
    %dma_wait3A_1704 = arith.constant 0 : i32
    %dma_wait3A_1705 = tpu.memref_slice %arg7[%dma_wait3A_1697, %dma_wait3A_1704] : memref<4x128xi32, #tpu.memory_space<vmem>> -> memref<1x128xi32, #tpu.memory_space<vmem>>
    %dma_wait3A_1706 = tpu.memref_squeeze %dma_wait3A_1705 : memref<1x128xi32, #tpu.memory_space<vmem>> -> memref<128xi32, #tpu.memory_space<vmem>>
    %dma_wait3A_1707 = arith.constant 0 : i32
    %dma_wait3A_1708 = tpu.memref_slice %arg4[%add3A_1696, %dma_wait3A_1707] : memref<2560x128xi32, #tpu.memory_space<hbm>> -> memref<1x128xi32, #tpu.memory_space<hbm>>
    %dma_wait3A_1709 = tpu.memref_squeeze %dma_wait3A_1708 : memref<1x128xi32, #tpu.memory_space<hbm>> -> memref<128xi32, #tpu.memory_space<hbm>>
    tpu.wait_dma2 semaphore(%arg17 : memref<!tpu.dma_semaphore, #tpu.memory_space<semaphore_mem>>) src(%dma_wait3A_1709 : memref<128xi32, #tpu.memory_space<hbm>>) dst(%dma_wait3A_1706 : memref<128xi32, #tpu.memory_space<vmem>>)
    %barrier3A_1710 = arith.constant 0 : index
    tpu.barrier barrier_id(%barrier3A_1710)
    %mul3A_1711 = arith.constant 640 : i32
    %mul3A_1712 = arith.muli %arg1, %mul3A_1711 : i32
    %mul3A_1713 = arith.constant 640 : i32
    %mul3A_1714 = arith.muli %arg1, %mul3A_1713 : i32
    "tpu.region"() ({
      %run_scoped3A = tpu.sem_alloc : memref<!tpu.dma_semaphore, #tpu.memory_space<semaphore_mem>>
      %dma_start3A_1715 = arith.constant 0 : i32
      %dma_start3A_1716 = tpu.memref_slice %arg5[%arg0, %mul3A_1714, %dma_start3A_1715] : memref<2x10240x128xf32, #tpu.memory_space<hbm>> -> memref<1x640x128xf32, #tpu.memory_space<hbm>>
      %dma_start3A_1717 = tpu.memref_squeeze %dma_start3A_1716 : memref<1x640x128xf32, #tpu.memory_space<hbm>> -> memref<640x128xf32, #tpu.memory_space<hbm>>
      %dma_start3A_1718 = arith.constant 0 : i32
      %dma_start3A_1719 = tpu.memref_slice %arg11[%mul3A_1712, %dma_start3A_1718] : memref<10240x128xf32, #tpu.memory_space<vmem_shared>> -> memref<640x128xf32, #tpu.memory_space<vmem_shared>>
      tpu.enqueue_dma source(%dma_start3A_1719 : memref<640x128xf32, #tpu.memory_space<vmem_shared>>) target(%dma_start3A_1717 : memref<640x128xf32, #tpu.memory_space<hbm>>) target_semaphore(%run_scoped3A : memref<!tpu.dma_semaphore, #tpu.memory_space<semaphore_mem>>)
      %dma_wait3A_1720 = arith.constant 0 : i32
      %dma_wait3A_1721 = tpu.memref_slice %arg5[%arg0, %mul3A_1714, %dma_wait3A_1720] : memref<2x10240x128xf32, #tpu.memory_space<hbm>> -> memref<1x640x128xf32, #tpu.memory_space<hbm>>
      %dma_wait3A_1722 = tpu.memref_squeeze %dma_wait3A_1721 : memref<1x640x128xf32, #tpu.memory_space<hbm>> -> memref<640x128xf32, #tpu.memory_space<hbm>>
      %dma_wait3A_1723 = arith.constant 0 : i32
      %dma_wait3A_1724 = tpu.memref_slice %arg11[%mul3A_1712, %dma_wait3A_1723] : memref<10240x128xf32, #tpu.memory_space<vmem_shared>> -> memref<640x128xf32, #tpu.memory_space<vmem_shared>>
      tpu.wait_dma2 semaphore(%run_scoped3A : memref<!tpu.dma_semaphore, #tpu.memory_space<semaphore_mem>>) src(%dma_wait3A_1724 : memref<640x128xf32, #tpu.memory_space<vmem_shared>>) dst(%dma_wait3A_1722 : memref<640x128xf32, #tpu.memory_space<hbm>>)
      tpu.yield
    }) : () -> ()
    return
  }
}

module attributes {stable_mosaic.version = 14 : i64} {
  func.func @_tc_x0_body(%arg0: i32, %arg1: memref<1000x128xf32, #tpu.memory_space<vmem>>, %arg2: memref<128x128xf32, #tpu.memory_space<vmem>>, %arg3: memref<1x128xf32, #tpu.memory_space<vmem>>, %arg4: memref<1000x128xf32, #tpu.memory_space<vmem>>) attributes {dimension_semantics = [#tpu.dimension_semantics<arbitrary>], iteration_bounds = array<i64: 10>, scalar_prefetch = 0 : i64, scratch_operands = 0 : i64, tpu.core_type = #tpu.core_type<tc>, window_params = [{transform_indices = @transform_0, window_bounds = array<i64: 1000, 128>}, {pipeline_mode = #tpu.pipeline_mode<synchronous>, transform_indices = @transform_1, window_bounds = array<i64: 128, 128>}, {pipeline_mode = #tpu.pipeline_mode<synchronous>, transform_indices = @transform_2, window_bounds = array<i64: 1, 128>}, {transform_indices = @transform_3, window_bounds = array<i64: 1000, 128>}]} {
    %get3A = arith.constant 0 : index
    %get3A_0 = arith.constant 0 : index
    %get3A_1 = vector.load %arg1[%get3A, %get3A_0] : memref<1000x128xf32, #tpu.memory_space<vmem>>, vector<1000x128xf32>
    %get3A_2 = arith.constant 0 : index
    %get3A_3 = arith.constant 0 : index
    %get3A_4 = vector.load %arg2[%get3A_2, %get3A_3] : memref<128x128xf32, #tpu.memory_space<vmem>>, vector<128x128xf32>
    %dot_general3A = arith.constant dense<0.000000e+00> : vector<1000x128xf32>
    %dot_general3A_5 = tpu.matmul %get3A_1, %get3A_4, %dot_general3A {dimension_numbers = #tpu.dot_dimension_numbers<[1], [0], [0], [1], [0, 0, 1, 1], [], []>, transpose_lhs_hint = false} : vector<1000x128xf32>, vector<128x128xf32>, vector<1000x128xf32> -> vector<1000x128xf32>
    %get3A_6 = arith.constant 0 : index
    %get3A_7 = arith.constant 0 : index
    %get3A_8 = vector.load %arg3[%get3A_6, %get3A_7] : memref<1x128xf32, #tpu.memory_space<vmem>>, vector<1x128xf32>
    %add3A = vector.broadcast %get3A_8 : vector<1x128xf32> to vector<1000x128xf32>
    %add3A_9 = arith.addf %dot_general3A_5, %add3A : vector<1000x128xf32>
    %max3A = arith.constant 0.000000e+00 : f32
    %max3A_10 = vector.broadcast %max3A : f32 to vector<1000x128xf32>
    %max3A_11 = arith.maximumf %add3A_9, %max3A_10 : vector<1000x128xf32>
    %swap3A = arith.constant 0 : index
    %swap3A_12 = arith.constant 0 : index
    %swap3A_13 = vector.load %arg4[%swap3A, %swap3A_12] : memref<1000x128xf32, #tpu.memory_space<vmem>>, vector<1000x128xf32>
    tpu.vector_store %arg4[%swap3A, %swap3A_12], %max3A_11 {strides = array<i32>} : memref<1000x128xf32, #tpu.memory_space<vmem>>, vector<1000x128xf32>,
    return
  }
  func.func @transform_0(%arg0: i32) -> (i32, i32) {
    %c0_i32 = arith.constant 0 : i32
    %c0_i32_0 = arith.constant 0 : i32
    return %arg0, %c0_i32 : i32, i32
  }
  func.func @transform_1(%arg0: i32) -> (i32, i32) {
    %c0_i32 = arith.constant 0 : i32
    %c0_i32_0 = arith.constant 0 : i32
    %c0_i32_1 = arith.constant 0 : i32
    return %c0_i32, %c0_i32_0 : i32, i32
  }
  func.func @transform_2(%arg0: i32) -> (i32, i32) {
    %c0_i32 = arith.constant 0 : i32
    %c0_i32_0 = arith.constant 0 : i32
    %c0_i32_1 = arith.constant 0 : i32
    return %c0_i32, %c0_i32_0 : i32, i32
  }
  func.func @transform_3(%arg0: i32) -> (i32, i32) {
    %c0_i32 = arith.constant 0 : i32
    %c0_i32_0 = arith.constant 0 : i32
    return %arg0, %c0_i32 : i32, i32
  }
}

module attributes {stable_mosaic.version = 14 : i64} {
  func.func @_tc_x1_body(%arg0: i32, %arg1: memref<1x1000x128xf32, #tpu.memory_space<vmem>>, %arg2: memref<1x1000x128xf32, #tpu.memory_space<vmem>>, %arg3: memref<128x128xf32, #tpu.memory_space<vmem>>, %arg4: memref<1x128xf32, #tpu.memory_space<vmem>>, %arg5: memref<1000x128xf32, #tpu.memory_space<vmem>>) attributes {dimension_semantics = [#tpu.dimension_semantics<arbitrary>], iteration_bounds = array<i64: 10>, scalar_prefetch = 0 : i64, scratch_operands = 0 : i64, tpu.core_type = #tpu.core_type<tc>, window_params = [{transform_indices = @transform_0, window_bounds = array<i64: 1, 1000, 128>}, {transform_indices = @transform_1, window_bounds = array<i64: 1, 1000, 128>}, {pipeline_mode = #tpu.pipeline_mode<synchronous>, transform_indices = @transform_2, window_bounds = array<i64: 128, 128>}, {pipeline_mode = #tpu.pipeline_mode<synchronous>, transform_indices = @transform_3, window_bounds = array<i64: 1, 128>}, {transform_indices = @transform_4, window_bounds = array<i64: 1000, 128>}]} {
    %get3A = arith.constant 0 : index
    %get3A_0 = arith.constant 0 : index
    %get3A_1 = arith.constant 0 : index
    %get3A_2 = vector.load %arg1[%get3A, %get3A_0, %get3A_1] : memref<1x1000x128xf32, #tpu.memory_space<vmem>>, vector<1x1000x128xf32>
    %get3A_3 = vector.shape_cast %get3A_2 : vector<1x1000x128xf32> to vector<1000x128xf32>
    %get3A_4 = arith.constant 0 : index
    %get3A_5 = arith.constant 0 : index
    %get3A_6 = arith.constant 0 : index
    %get3A_7 = vector.load %arg2[%get3A_4, %get3A_5, %get3A_6] : memref<1x1000x128xf32, #tpu.memory_space<vmem>>, vector<1x1000x128xf32>
    %get3A_8 = vector.shape_cast %get3A_7 : vector<1x1000x128xf32> to vector<1000x128xf32>
    %add3A = arith.addf %get3A_3, %get3A_8 : vector<1000x128xf32>
    %get3A_9 = arith.constant 0 : index
    %get3A_10 = arith.constant 0 : index
    %get3A_11 = vector.load %arg3[%get3A_9, %get3A_10] : memref<128x128xf32, #tpu.memory_space<vmem>>, vector<128x128xf32>
    %dot_general3A = arith.constant dense<0.000000e+00> : vector<1000x128xf32>
    %dot_general3A_12 = tpu.matmul %add3A, %get3A_11, %dot_general3A {dimension_numbers = #tpu.dot_dimension_numbers<[1], [0], [0], [1], [0, 0, 1, 1], [], []>, transpose_lhs_hint = false} : vector<1000x128xf32>, vector<128x128xf32>, vector<1000x128xf32> -> vector<1000x128xf32>
    %get3A_13 = arith.constant 0 : index
    %get3A_14 = arith.constant 0 : index
    %get3A_15 = vector.load %arg4[%get3A_13, %get3A_14] : memref<1x128xf32, #tpu.memory_space<vmem>>, vector<1x128xf32>
    %add3A_16 = vector.broadcast %get3A_15 : vector<1x128xf32> to vector<1000x128xf32>
    %add3A_17 = arith.addf %dot_general3A_12, %add3A_16 : vector<1000x128xf32>
    %max3A = arith.constant 0.000000e+00 : f32
    %max3A_18 = vector.broadcast %max3A : f32 to vector<1000x128xf32>
    %max3A_19 = arith.maximumf %add3A_17, %max3A_18 : vector<1000x128xf32>
    %swap3A = arith.constant 0 : index
    %swap3A_20 = arith.constant 0 : index
    %swap3A_21 = vector.load %arg5[%swap3A, %swap3A_20] : memref<1000x128xf32, #tpu.memory_space<vmem>>, vector<1000x128xf32>
    tpu.vector_store %arg5[%swap3A, %swap3A_20], %max3A_19 {strides = array<i32>} : memref<1000x128xf32, #tpu.memory_space<vmem>>, vector<1000x128xf32>,
    return
  }
  func.func @transform_0(%arg0: i32) -> (i32, i32, i32) {
    %c0_i32 = arith.constant 0 : i32
    %c0_i32_0 = arith.constant 0 : i32
    %c0_i32_1 = arith.constant 0 : i32
    return %c0_i32, %arg0, %c0_i32_0 : i32, i32, i32
  }
  func.func @transform_1(%arg0: i32) -> (i32, i32, i32) {
    %c1_i32 = arith.constant 1 : i32
    %c0_i32 = arith.constant 0 : i32
    %c0_i32_0 = arith.constant 0 : i32
    return %c1_i32, %arg0, %c0_i32 : i32, i32, i32
  }
  func.func @transform_2(%arg0: i32) -> (i32, i32) {
    %c0_i32 = arith.constant 0 : i32
    %c0_i32_0 = arith.constant 0 : i32
    %c0_i32_1 = arith.constant 0 : i32
    return %c0_i32, %c0_i32_0 : i32, i32
  }
  func.func @transform_3(%arg0: i32) -> (i32, i32) {
    %c0_i32 = arith.constant 0 : i32
    %c0_i32_0 = arith.constant 0 : i32
    %c0_i32_1 = arith.constant 0 : i32
    return %c0_i32, %c0_i32_0 : i32, i32
  }
  func.func @transform_4(%arg0: i32) -> (i32, i32) {
    %c0_i32 = arith.constant 0 : i32
    %c0_i32_0 = arith.constant 0 : i32
    return %arg0, %c0_i32 : i32, i32
  }
}

</mosaic_0001>

<sc_bundles>
// kernel: kernel.5.cloned.1.call-start
scs
__scs_entry_jumppad:
0x0: {  	(pc) =	sbr.rel $0x88, $3  }
0x1: {  	(tag) =	ssettag $0x0;
	lr =	simm.s32 $0x1  }
0x2: {  	[smem:$0x3F98] =	sst lr;
	_ =	strace $0xD0000000  }
0x3: {  	_ = 	snop  }
0x4: {  	_ = 	snop  }
0x5: {  	_ = 	snop  }
0x6: {  	_ = 	snop  }
0x7: {  	_ = 	snop  }
__scs_overlays_trampoline_lowered:
0x8: {  	[smem:$0x3FA7] =	sst s0  }
0x9: {  	[smem:$0x3FA8] =	sst s1  }
0xa: {  	[smem:$0x3FA9] =	sst s2  }
0xb: {  	[smem:$0x3FAA] =	sst s3  }
0xc: {  	[smem:$0x3FAB] =	sst s4  }
0xd: {  	[smem:$0x3FAC] =	sst s5  }
0xe: {  	[smem:$0x3FAD] =	sst s6  }
0xf: {  	[smem:$0x3FAE] =	sst s7  }
0x10: {  	[smem:$0x3FAF] =	sst s8  }
0x11: {  	[smem:$0x3FB0] =	sst s9;
	s0 =	simm.s32 @!p0 $0x0  }
0x12: {  	s1 =	sld [smem:$0x3F96];
	s0 =	simm.s32 @p0 $0x1  }
0x13: {  	[smem:$0x3FB1] =	sst s0;
	s0 =	simm.s32 @!p1 $0x0  }
0x14: {  	s2 =	sld [smem:$0x3F95];
	s0 =	simm.s32 @p1 $0x1  }
0x15: {  	[smem:$0x3FB2] =	sst s0;
	s0 =	simm.s32 @!p2 $0x0  }
0x16: {  	s3 =	sld [smem:$0x3FDB];
	s0 =	simm.s32 @p2 $0x1  }
0x17: {  	s4 =	simm.s32 $0x1BF5;
	[smem:$0x3FB4] =	sst s0  }
0x18: {  	s0 =	sld [smem:$0x3F97];
	_ =	swait.ge [sflag:s4], $0x0  }
0x19: {  	s7 =	sld [smem:$0x3F98]  }
0x1a: {  	s8 =	sadd.s32 $0xFFFFE003, lr  }
0x1b: {  	s9 =	sadd.s32 $0xFFFFFEF7, lr;
	s5 =	simm.s32 $0xFFFFFFFF;
	p2 =	slt.u32 s8, $0xFFFFF086  }
0x1c: {  	p1 =	slt.u32 s9, $0xF7A;
	s5 =	simm.s32 @!p2 $0x0  }
0x1d: {  	s5 =	simm.s32 @p1 $0x1;
	p0 =	seq.s32 s7, s2  }
0x1e: {  	s7 =	smul.u32 @!p0 $0xF7A, s2;
	p2 =	seq.s32 @!p0 s5, $0x0  }
0x1f: {  	s9 =	smul.u32 $0xF7A, s1;
	s8 =	simm.s32 @!p0 $0x1BF5;
	p2 =	por !p2, p0  }
0x20: {  	[sflag:s8] =	ssyncset.s32 @!p0 $0xFFFFF086;
	s6 =	sadd.s32 @!p0 s3, s7;
	s7 =	simm.s32 @!p0 $0x108  }
0x21: {  	s3 =	sadd.s32 s3, s9;
	s6 =	sadd.s32 @!p0 $0x88, s6;
	s7 =	simm.s32 @p2 $0x1082  }
0x22: {  	[simem:s7], [sflag:s8] =	dma.local @!p0 [hbm:s6], $0xF7A  }
0x23: {  	s9 =	sor.u32 $0xD0000000, s2;
	s6 =	simm.s32 $0x108;
	_ =	swait.ge @!p0 [sflag:s8], $0x0  }
0x24: {  	s3 =	sadd.s32 $0x88, s3;
	s6 =	simm.s32 @!p1 $0x1082;
	[sflag:s4] =	ssyncset.s32 $0xFFFFF086  }
0x25: {  	[simem:s6], [sflag:s4] =	dma.local [hbm:s3], $0xF7A  }
0x26: {  	[smem:$0x3F98] =	sst s1;
	(tag) =	ssettag s2;
	_ =	strace s9  }
0x27: {  	s1 =	sld [smem:$0x3FA8]  }
0x28: {  	s2 =	sld [smem:$0x3FA9]  }
0x29: {  	s4 =	sld [smem:$0x3FAB]  }
0x2a: {  	p0 =	seq.s32 s5, $0x0;
	s5 =	sld [smem:$0x3FAC]  }
0x2b: {  	s6 =	sld [smem:$0x3FAD]  }
0x2c: {  	s7 =	sld [smem:$0x3FAE]  }
0x2d: {  	s3 =	simm.s32 $0x108;
	s8 =	sld [smem:$0x3FAF]  }
0x2e: {  	s3 =	simm.s32 @!p0 $0x1082;
	s9 =	sld [smem:$0x3FB0]  }
0x2f: {  	lr =	sadd.s32 s0, s3;
	s0 =	sld [smem:$0x3FA7]  }
0x30: {  	s3 =	sld [smem:$0x3FAA]  }
0x31: {  	[smem:$0x3FB3] =	sst s10  }
0x32: {  	s10 =	sld [smem:$0x3FB1];
	_ =	sdelay $0x3  }
0x33: {  	p0 =	seq.s32 s10, $0x1;
	s10 =	sld [smem:$0x3FB3];
	_ =	sdelay $0x3  }
0x34: {  	[smem:$0x3FB3] =	sst s10  }
0x35: {  	s10 =	sld [smem:$0x3FB2];
	_ =	sdelay $0x3  }
0x36: {  	p1 =	seq.s32 s10, $0x1;
	s10 =	sld [smem:$0x3FB3];
	_ =	sdelay $0x3  }
0x37: {  	[smem:$0x3FB3] =	sst s10  }
0x38: {  	s10 =	sld [smem:$0x3FB4]  }
0x39: {  	_ = 	snop;
	(pc) =	sbr.ind lr, $3  }
0x3a: {  	_ = 	snop  }
0x3b: {  	_ = 	snop  }
0x3c: {  	p2 =	seq.s32 s10, $0x1;
	s10 =	sld [smem:$0x3FB3]  }
0x3d: {  	_ =	shalt  }
0x3e: {  	_ =	shalt  }
0x3f: {  	_ =	shalt  }
0x40: {  	_ =	shalt  }
0x41: {  	_ =	shalt  }
0x42: {  	_ =	shalt  }
0x43: {  	_ =	shalt  }
0x44: {  	_ =	shalt  }
0x45: {  	_ =	shalt  }
0x46: {  	_ =	shalt  }
0x47: {  	_ =	shalt  }
0x48: {  	_ =	shalt  }
0x49: {  	_ =	shalt  }
0x4a: {  	_ =	shalt  }
0x4b: {  	_ =	shalt  }
0x4c: {  	_ =	shalt  }
0x4d: {  	_ =	shalt  }
0x4e: {  	_ =	shalt  }
0x4f: {  	_ =	shalt  }
0x50: {  	_ =	shalt  }
0x51: {  	_ =	shalt  }
0x52: {  	_ =	shalt  }
0x53: {  	_ =	shalt  }
0x54: {  	_ =	shalt  }
0x55: {  	_ =	shalt  }
0x56: {  	_ =	shalt  }
0x57: {  	_ =	shalt  }
0x58: {  	_ =	shalt  }
0x59: {  	_ =	shalt  }
0x5a: {  	_ =	shalt  }
0x5b: {  	_ =	shalt  }
0x5c: {  	_ =	shalt  }
0x5d: {  	_ =	shalt  }
0x5e: {  	_ =	shalt  }
0x5f: {  	_ =	shalt  }
0x60: {  	_ =	shalt  }
0x61: {  	_ =	shalt  }
0x62: {  	_ =	shalt  }
0x63: {  	_ =	shalt  }
0x64: {  	_ =	shalt  }
0x65: {  	_ =	shalt  }
0x66: {  	_ =	shalt  }
0x67: {  	_ =	shalt  }
0x68: {  	_ =	shalt  }
0x69: {  	_ =	shalt  }
0x6a: {  	_ =	shalt  }
0x6b: {  	_ =	shalt  }
0x6c: {  	_ =	shalt  }
0x6d: {  	_ =	shalt  }
0x6e: {  	_ =	shalt  }
0x6f: {  	_ =	shalt  }
0x70: {  	_ =	shalt  }
0x71: {  	_ =	shalt  }
0x72: {  	_ =	shalt  }
0x73: {  	_ =	shalt  }
0x74: {  	_ =	shalt  }
0x75: {  	_ =	shalt  }
0x76: {  	_ =	shalt  }
0x77: {  	_ =	shalt  }
0x78: {  	_ =	shalt  }
0x79: {  	_ =	shalt  }
0x7a: {  	_ =	shalt  }
0x7b: {  	_ =	shalt  }
0x7c: {  	_ =	shalt  }
0x7d: {  	_ =	shalt  }
0x7e: {  	_ =	shalt  }
0x7f: {  	_ =	shalt  }
0x80: {  	_ =	shalt  }
0x81: {  	_ =	shalt  }
0x82: {  	_ =	shalt  }
0x83: {  	_ =	shalt  }
0x84: {  	_ =	shalt  }
0x85: {  	_ =	shalt  }
0x86: {  	_ =	shalt  }
0x87: {  	_ =	shalt  }
.Lfunc_end0:
.L_simem_size_0:
called_computation_lowered:
.L_overlay_start_0:
0x88: {  	s2 =	sld [smem:$0x3FD9]  }
0x89: {  	s3 =	sld [smem:$0x3FFE];
	_ =	sdelay $0x1  }
0x8a: {  	s1 =	srdreg.scid  }
0x8b: {  	s0 =	sand.u32 $0x1, s1  }
0x8c: {  	s14 =	sshll.u32 s0, $0xA;
	s2 =	sadd.s32 s3, s2  }
0x8d: {  	s2 =	sadd.s32 s2, s14  }
0x8e: {  	[smem:$0x3FBF] =	sst s2  }
0x8f: {  	_ = 	snop  }
0x90: {  	s2 =	sld [smem:$0x3FD0];
	_ =	sdelay $0x2  }
0x91: {  	s4 =	simm.s32 $0xA;
	s5 =	simm.s32 $0x10;
	s15 =	sld [smem:$0x3FC9]  }
0x92: {  	[smem:s5], [sflag:s4] =	dma.local [hbm:s2], $0x1  }
0x93: {  	_ =	swait.eq [sflag:s4], $0x1  }
0x94: {  	[sflag:s4] =	ssyncset.done $0x0  }
0x95: {  	[sflag:s4] =	ssyncadd.s32 $0xFFFFFFFF  }
0x96: {  	s16 =	sld [smem:$0x13];
	(tm) =	ssettm $0x1  }
0x97: {  	s17 =	sld [smem:$0x3FFB];
	_ =	sdelay $0x3  }
0x98: {  	_ =	strace s17  }
0x99: {  	s4 =	sld [smem:$0x3FFC];
	_ =	sdelay $0x3  }
0x9a: {  	_ =	strace s4  }
0x9b: {  	s4 =	sld [smem:$0x3FFD];
	_ =	sdelay $0x3  }
0x9c: {  	_ =	strace s4  }
0x9d: {  	_ =	strace $0x8FFFFFFF  }
0x9e: {  	s18 =	sld [smem:$0x3FDB];
	_ =	sdelay $0x1  }
0x9f: {  	s19 =	simm.s32 $_scs_section_size  }
0xa0: {  	s6 =	simm.s32 $_size__tile_overlayer_lowered;
	s7 =	simm.s32 $_tile_overlayer_lowered  }
0xa1: {  	s22 =	simm.s32 $0x1BFF;
	s21 =	sshll.u32 s7, $0x1;
	s4 =	sadd.s32 s19, s18  }
0xa2: {  	s8 =	simm.s32 $0x0;
	s20 =	sshll.u32 s6, $0x1;
	s6 =	sadd.s32 s21, s4  }
0xa3: {  	[timem:s8], [sflag:s22] =	dma.local [hbm:s6], s20  }
0xa4: {  	_ =	swait.ge [sflag:s22], s20  }
0xa5: {  	s5 =	ssub.s32 $0x0, s20;
	[sflag:s22] =	ssyncset.done $0x0  }
0xa6: {  	[sflag:s22] =	ssyncadd.s32 s5;
	_ =	sdelay $0x1  }
0xa7: {  	s23 =	simm.s32 $0x1B8B  }
0xa8: {  	_ =	swait.ge [sflag:s23], $0x1  }
0xa9: {  	[sflag:s23] =	ssyncset.done $0x0  }
0xaa: {  	s25 =	simm.s32 $0x1B8E;
	s24 =	sld [smem:$0x3FFE];
	[sflag:s23] =	ssyncadd.s32 $0xFFFFFFFF  }
0xab: {  	s26 =	simm.s32 $execute0_lowered;
	[smem:$0x3FD2] =	sst s25  }
0xac: {  	s6 =	sshll.u32 s26, $0x1;
	_ =	strace $0x80000046;
	[dreg:$0x1] =	wrdreg $0xFFFFFFFF  }
0xad: {  	s28 =	simm.s32 $_size_execute0_lowered;
	s4 =	sadd.s32 s4, s6;
	[dreg:$0x0] =	wrdreg $0x0  }
0xae: {  	s6 =	sshll.u32 s28, $0x1;
	[dreg:$0x2] =	wrdreg s4  }
0xaf: {  	[dreg:$0x3] =	wrdreg s6  }
0xb0: {  	[dreg:$0x4] =	wrdreg $0xC0  }
0xb1: {  	_ =	task [dreg:s8], $0x5FFFF  }
0xb2: {  	[dreg:$0x1] =	wrdreg $0xFFFFFFFF  }
0xb3: {  	[dreg:$0x0] =	wrdreg $0x60  }
0xb4: {  	[dreg:$0x2] =	wrdreg s15  }
0xb5: {  	[dreg:$0x3] =	wrdreg s16  }
0xb6: {  	[dreg:$0x4] =	wrdreg s24  }
0xb7: {  	[dreg:$0x5] =	wrdreg $0x8C000  }
0xb8: {  	[dreg:$0x6] =	wrdreg $0x9  }
0xb9: {  	_ =	task.clear_ibuf [dreg:s8], $0x7FFFF;
	_ =	strace $0x90000046  }
0xba: {  	s29 =	simm.s32 $0x9;
	_ =	strace $0x80000048  }
0xbb: {  	_ =	swait.ge [sflag:s29], $0x1  }
0xbc: {  	[sflag:s29] =	ssyncadd.s32 $0xFFFFFFFF  }
0xbd: {  	_ =	strace $0x90000048  }
0xbe: {  	_ =	sfence  }
0xbf: {  	s30 =	sld [smem:$0x0];
	_ =	sdelay $0x2  }
0xc0: {  	s31 =	sshll.u32 s1, $0xD;
	s1 =	sshrl.u32 s1, $0x2  }
0xc1: {  	s3 =	sand.u32 $0x4000, s31;
	s1 =	sadd.s32 s1, s30  }
0xc2: {  	s0 =	sor.u32 s3, s0;
	s1 =	sshll.u32 s1, $0x11  }
0xc3: {  	s0 =	sor.u32 s1, s0  }
0xc4: {  	s0 =	sadd.s32 $0x8F2B, s0  }
0xc5: {  	[sflag:s0] =	ssyncadd.remote.s32 $0x1  }
0xc6: {  	_ =	sfence.sel $0xFFFF  }
0xc7: {  	[dreg:$0x0] =	wrdreg $0xFFFFFFFF;
	(pc) =	sbr.abs _section_cstart, $3  }
0xc8: {  	[dreg:$0x1] =	wrdreg $0xFFFFFFFF  }
0xc9: {  	_ =	task.clear_ibuf [dreg:s8], $0x2FFFF;
	_ =	strace $0x9FFFFFFF  }
0xca: {  	(tm) =	ssettm $0x7FFFFFFF  }
0xcb: {  	_ =	shalt  }
tec
execute0_lowered:
.L_overlay_start_1:
0x0: {  	(tag) =	ssettag $0x1  }
0x1: {  	s1 =	rddreg [dreg:$0x0]  }
0x2: {  	s2 =	rddreg [dreg:$0x1]  }
0x3: {  	s0 =	rddreg [dreg:$0x2]  }
0x4: {  	s3 =	rddreg [dreg:$0x3];
	s11 =	stileid.u32  }
0x5: {  	s4 =	srdreg.scid;
	s5 =	simm.s32 $0x0;
	s9 =	smul.u32 $0x50, s11  }
0x6: {  	s4 =	sand.u32 $0x1, s4;
	[smem:$0x7FF] =	sst s5;
	s10 =	smul.u32 $0x14000, s11  }
0x7: {  	s8 =	smul.u32 $0x140000, s4;
	p0 =	seq.s32 s4, $0x0;
	s4 =	ssub.s32 $0x2, s4  }
0x8: {  	s6 =	sadd.s32 $0x1C00, s0;
	s7 =	sadd.s32 $0x500, s9;
	s22 =	sshrl.u32 s4, $0x1  }
0x9: {  	_ =	strace $0x80000047;
	s7 =	smov.u32 @p0 s9;
	s4 =	ssub.s32 s4, s22  }
0xa: {  	s8 =	sadd.s32 s10, s8;
	s23 =	sshll.u32 s7, $0x4;
	s21 =	smax.u32 s4, $0x1  }
0xb: {  	s8 =	sshrl.u32 s8, $0x3;
	s24 =	sadd.s32 s2, s23;
	[dreg:$0x16] =	wrdreg s21  }
0xc: {  	s25 =	sadd.s32 s6, s23;
	s26 =	sor.u32 $0x10, s23;
	[dreg:$0x5] =	wrdreg s24  }
0xd: {  	s0 =	sadd.s32 s8, s0;
	[dreg:$0x6] =	wrdreg s25;
	s29 =	sadd.s32 s2, s26  }
0xe: {  	s30 =	sor.u32 $0x20, s23;
	s8 =	sadd.s32 s6, s26;
	[dreg:$0x7] =	wrdreg s29  }
0xf: {  	s10 =	sor.u32 $0x30, s23;
	s31 =	sadd.s32 s2, s30;
	[dreg:$0x8] =	wrdreg s8  }
0x10: {  	s12 =	sadd.s32 s2, s10;
	[dreg:$0x9] =	wrdreg s31  }
0x11: {  	s28 =	smul.u32 $0x50000, s11;
	s13 =	sadd.s32 s6, s10;
	[dreg:$0xb] =	wrdreg s12  }
0x12: {  	s0 =	sadd.s32 $0xBC00, s0;
	[dreg:$0xd] =	wrdreg s13  }
0x13: {  	s9 =	sshrl.u32 s28, $0x2;
	s8 =	sadd.s32 s6, s30;
	[dreg:$0x15] =	wrdreg s0  }
0x14: {  	[dreg:$0xa] =	wrdreg s8;
	s8 =	sadd.s32 s9, s3  }
0x15: {  	s14 =	sadd.s32 $0x800, s8;
	[dreg:$0xc] =	wrdreg s8  }
0x16: {  	s15 =	sadd.s32 $0x1000, s8;
	[dreg:$0xe] =	wrdreg s14  }
0x17: {  	s16 =	sadd.s32 $0x1800, s8;
	[dreg:$0xf] =	wrdreg s15  }
0x18: {  	s17 =	sadd.s32 $0x2000, s8;
	[dreg:$0x10] =	wrdreg s16  }
0x19: {  	s18 =	sadd.s32 $0x2800, s8;
	[dreg:$0x11] =	wrdreg s17  }
0x1a: {  	s19 =	sadd.s32 $0x3000, s8;
	[dreg:$0x12] =	wrdreg s18  }
0x1b: {  	s20 =	sadd.s32 $0x3800, s8;
	[dreg:$0x13] =	wrdreg s19  }
0x1c: {  	s22 =	sadd.s32 $0x4000, s8;
	[dreg:$0x14] =	wrdreg s20  }
0x1d: {  	s23 =	sadd.s32 $0x4800, s8;
	[dreg:$0x17] =	wrdreg s22  }
0x1e: {  	s24 =	sadd.s32 $0x5000, s8;
	[dreg:$0x18] =	wrdreg s23  }
0x1f: {  	s25 =	sadd.s32 $0x5800, s8;
	[dreg:$0x19] =	wrdreg s24  }
0x20: {  	s26 =	sadd.s32 $0x6000, s8;
	[dreg:$0x1a] =	wrdreg s25  }
0x21: {  	s28 =	sadd.s32 $0x6800, s8;
	[dreg:$0x1b] =	wrdreg s26  }
0x22: {  	s29 =	sadd.s32 $0x7000, s8;
	[dreg:$0x1c] =	wrdreg s28  }
0x23: {  	s30 =	sadd.s32 $0x7800, s8;
	[dreg:$0x1d] =	wrdreg s29  }
0x24: {  	s31 =	sadd.s32 $0x8000, s8;
	[dreg:$0x1e] =	wrdreg s30  }
0x25: {  	s4 =	sadd.s32 $0x8800, s8;
	[dreg:$0x1f] =	wrdreg s31  }
0x26: {  	s9 =	sadd.s32 $0x9000, s8;
	[smem:$0x7E7] =	sst s4  }
0x27: {  	s10 =	sadd.s32 $0x9800, s8;
	[smem:$0x7E8] =	sst s9  }
0x28: {  	s11 =	sadd.s32 $0xA000, s8;
	[smem:$0x7E9] =	sst s10  }
0x29: {  	s12 =	sadd.s32 $0xA800, s8;
	[smem:$0x7EA] =	sst s11  }
0x2a: {  	s13 =	sadd.s32 $0xB000, s8;
	[smem:$0x7EB] =	sst s12  }
0x2b: {  	s21 =	sadd.s32 $0xF000, s8;
	[smem:$0x7EC] =	sst s13  }
0x2c: {  	s14 =	sadd.s32 $0xB800, s8;
	[smem:$0x7F4] =	sst s21  }
0x2d: {  	s15 =	sadd.s32 $0xC000, s8;
	[smem:$0x7ED] =	sst s14  }
0x2e: {  	s16 =	sadd.s32 $0xC800, s8;
	[smem:$0x7EE] =	sst s15  }
0x2f: {  	s17 =	sadd.s32 $0xD000, s8;
	[smem:$0x7EF] =	sst s16  }
0x30: {  	s18 =	sadd.s32 $0xD800, s8;
	[smem:$0x7F0] =	sst s17  }
0x31: {  	s19 =	sadd.s32 $0xE000, s8;
	[smem:$0x7F1] =	sst s18  }
0x32: {  	s20 =	sadd.s32 $0xE800, s8;
	[smem:$0x7F2] =	sst s19  }
0x33: {  	s22 =	sadd.s32 $0xF800, s8;
	[smem:$0x7F3] =	sst s20  }
0x34: {  	s23 =	sadd.s32 $0x10000, s8;
	[smem:$0x7F5] =	sst s22  }
0x35: {  	s24 =	sadd.s32 $0x10800, s8;
	[smem:$0x7F6] =	sst s23  }
0x36: {  	s25 =	sadd.s32 $0x11000, s8;
	s26 =	sadd.s32 $0x11800, s8;
	[smem:$0x7F7] =	sst s24  }
0x37: {  	s28 =	sadd.s32 $0x12000, s8;
	s29 =	sadd.s32 $0x12800, s8;
	[smem:$0x7F8] =	sst s25  }
0x38: {  	s30 =	sadd.s32 $0x13000, s8;
	s31 =	sadd.s32 $0x13800, s8;
	[smem:$0x7F9] =	sst s26  }
0x39: {  	s10 =	simm.s32 $0x80;
	s11 =	simm.s32 $0x280;
	[smem:$0x7FA] =	sst s28  }
0x3a: {  	s12 =	simm.s32 $0x100;
	s13 =	simm.s32 $0x300;
	[smem:$0x7FB] =	sst s29  }
0x3b: {  	s21 =	simm.s32 $0x4;
	s4 =	simm.s32 $0x0;
	[smem:$0x7FC] =	sst s30  }
0x3c: {  	[smem:$0x7FD] =	sst s31;
	s17 =	simm.s32 $0x200;
	s14 =	simm.s32 $0x180  }
0x3d: {  	s16 =	simm.s32 $0x380;
	s18 =	simm.s32 $0x1;
	s19 =	simm.s32 $0x3  }
0x3e: {  	s20 =	simm.s32 $0x400;
	s22 =	simm.s32 $0x4400;
	s23 =	simm.s32 $0x7  }
0x3f: {  	v0 =	vimm.f32 $0.0e+00;
	s24 =	simm.s32 $0x5;
	s25 =	simm.s32 $0x2;
	s26 =	simm.s32 $0x6  }
.LBB2_1:
0x40: {  	[smem:$0x7E6] =	sst s4  }
0x41: {  	s0 =	rddreg [dreg:$0x5]  }
0x42: {  	[tilespmem:s5], [sflag:$0x3] =	stream.linear.gather [hbm4b:s0+s5], $0x80, $0x38;
	[tilespmem:$0x1CC00] =	vst v63  }
0x43: {  	s29 =	rddreg [dreg:$0x6]  }
0x44: {  	[tilespmem:s17], [sflag:$0x3] =	stream.linear.gather [hbm4b:s29+s5], $0x80, $0x38;
	[tilespmem:$0x1CC00] =	vst v63  }
0x45: {  	s31 =	rddreg [dreg:$0x7]  }
0x46: {  	[tilespmem:s10], [sflag:$0x4] =	stream.linear.gather [hbm4b:s31+s5], $0x80, $0x38;
	[tilespmem:$0x1CC00] =	vst v63  }
0x47: {  	s4 =	rddreg [dreg:$0x8]  }
0x48: {  	[tilespmem:s11], [sflag:$0x4] =	stream.linear.gather [hbm4b:s4+s5], $0x80, $0x38;
	[tilespmem:$0x1CC00] =	vst v63  }
0x49: {  	s9 =	rddreg [dreg:$0x9]  }
0x4a: {  	[tilespmem:s12], [sflag:$0x5] =	stream.linear.gather [hbm4b:s9+s5], $0x80, $0x38;
	[tilespmem:$0x1CC00] =	vst v63  }
0x4b: {  	s15 =	rddreg [dreg:$0xa]  }
0x4c: {  	[tilespmem:s13], [sflag:$0x5] =	stream.linear.gather [hbm4b:s15+s5], $0x80, $0x38;
	[tilespmem:$0x1CC00] =	vst v63  }
0x4d: {  	s28 =	rddreg [dreg:$0xb]  }
0x4e: {  	[tilespmem:s14], [sflag:$0x6] =	stream.linear.gather [hbm4b:s28+s5], $0x80, $0x38;
	[tilespmem:$0x1CC00] =	vst v63  }
0x4f: {  	s29 =	rddreg [dreg:$0xd]  }
0x50: {  	[tilespmem:s16], [sflag:$0x6] =	stream.linear.gather [hbm4b:s29+s5], $0x80, $0x38;
	[tilespmem:$0x1CC00] =	vst v63  }
0x51: {  	[tilespmem:$0x8400] =	vst v0  }
0x52: {  	[tilespmem:$0x8410] =	vst v0  }
0x53: {  	[tilespmem:$0x8420] =	vst v0  }
0x54: {  	[tilespmem:$0x8430] =	vst v0  }
0x55: {  	[tilespmem:$0x8440] =	vst v0  }
0x56: {  	[tilespmem:$0x8450] =	vst v0  }
0x57: {  	[tilespmem:$0x8460] =	vst v0  }
0x58: {  	[tilespmem:$0x8470] =	vst v0  }
0x59: {  	[tilespmem:$0x8480] =	vst v0  }
0x5a: {  	[tilespmem:$0x8490] =	vst v0  }
0x5b: {  	[tilespmem:$0x84A0] =	vst v0  }
0x5c: {  	[tilespmem:$0x84B0] =	vst v0  }
0x5d: {  	[tilespmem:$0x84C0] =	vst v0  }
0x5e: {  	[tilespmem:$0x84D0] =	vst v0  }
0x5f: {  	[tilespmem:$0x84E0] =	vst v0  }
0x60: {  	[tilespmem:$0x84F0] =	vst v0  }
0x61: {  	[tilespmem:$0x8500] =	vst v0  }
0x62: {  	[tilespmem:$0x8510] =	vst v0  }
0x63: {  	[tilespmem:$0x8520] =	vst v0  }
0x64: {  	[tilespmem:$0x8530] =	vst v0  }
0x65: {  	[tilespmem:$0x8540] =	vst v0  }
0x66: {  	[tilespmem:$0x8550] =	vst v0  }
0x67: {  	[tilespmem:$0x8560] =	vst v0  }
0x68: {  	[tilespmem:$0x8570] =	vst v0  }
0x69: {  	[tilespmem:$0x8580] =	vst v0  }
0x6a: {  	[tilespmem:$0x8590] =	vst v0  }
0x6b: {  	[tilespmem:$0x85A0] =	vst v0  }
0x6c: {  	[tilespmem:$0x85B0] =	vst v0  }
0x6d: {  	[tilespmem:$0x85C0] =	vst v0  }
0x6e: {  	[tilespmem:$0x85D0] =	vst v0  }
0x6f: {  	[tilespmem:$0x85E0] =	vst v0  }
0x70: {  	[tilespmem:$0x85F0] =	vst v0  }
0x71: {  	[tilespmem:$0x8600] =	vst v0  }
0x72: {  	[tilespmem:$0x8610] =	vst v0  }
0x73: {  	[tilespmem:$0x8620] =	vst v0  }
0x74: {  	[tilespmem:$0x8630] =	vst v0  }
0x75: {  	[tilespmem:$0x8640] =	vst v0  }
0x76: {  	[tilespmem:$0x8650] =	vst v0  }
0x77: {  	[tilespmem:$0x8660] =	vst v0  }
0x78: {  	[tilespmem:$0x8670] =	vst v0  }
0x79: {  	[tilespmem:$0x8680] =	vst v0  }
0x7a: {  	[tilespmem:$0x8690] =	vst v0  }
0x7b: {  	[tilespmem:$0x86A0] =	vst v0  }
0x7c: {  	[tilespmem:$0x86B0] =	vst v0  }
0x7d: {  	[tilespmem:$0x86C0] =	vst v0  }
0x7e: {  	[tilespmem:$0x86D0] =	vst v0  }
0x7f: {  	[tilespmem:$0x86E0] =	vst v0  }
0x80: {  	[tilespmem:$0x86F0] =	vst v0  }
0x81: {  	[tilespmem:$0x8700] =	vst v0  }
0x82: {  	[tilespmem:$0x8710] =	vst v0  }
0x83: {  	[tilespmem:$0x8720] =	vst v0  }
0x84: {  	[tilespmem:$0x8730] =	vst v0  }
0x85: {  	[tilespmem:$0x8740] =	vst v0  }
0x86: {  	[tilespmem:$0x8750] =	vst v0  }
0x87: {  	[tilespmem:$0x8760] =	vst v0  }
0x88: {  	[tilespmem:$0x8770] =	vst v0  }
0x89: {  	[tilespmem:$0x8780] =	vst v0  }
0x8a: {  	[tilespmem:$0x8790] =	vst v0  }
0x8b: {  	[tilespmem:$0x87A0] =	vst v0  }
0x8c: {  	[tilespmem:$0x87B0] =	vst v0  }
0x8d: {  	[tilespmem:$0x87C0] =	vst v0  }
0x8e: {  	[tilespmem:$0x87D0] =	vst v0  }
0x8f: {  	[tilespmem:$0x87E0] =	vst v0  }
0x90: {  	[tilespmem:$0x87F0] =	vst v0  }
0x91: {  	[tilespmem:$0x8800] =	vst v0  }
0x92: {  	[tilespmem:$0x8810] =	vst v0  }
0x93: {  	[tilespmem:$0x8820] =	vst v0  }
0x94: {  	[tilespmem:$0x8830] =	vst v0  }
0x95: {  	[tilespmem:$0x8840] =	vst v0  }
0x96: {  	[tilespmem:$0x8850] =	vst v0  }
0x97: {  	[tilespmem:$0x8860] =	vst v0  }
0x98: {  	[tilespmem:$0x8870] =	vst v0  }
0x99: {  	[tilespmem:$0x8880] =	vst v0  }
0x9a: {  	[tilespmem:$0x8890] =	vst v0  }
0x9b: {  	[tilespmem:$0x88A0] =	vst v0  }
0x9c: {  	[tilespmem:$0x88B0] =	vst v0  }
0x9d: {  	[tilespmem:$0x88C0] =	vst v0  }
0x9e: {  	[tilespmem:$0x88D0] =	vst v0  }
0x9f: {  	[tilespmem:$0x88E0] =	vst v0  }
0xa0: {  	[tilespmem:$0x88F0] =	vst v0  }
0xa1: {  	[tilespmem:$0x8900] =	vst v0  }
0xa2: {  	[tilespmem:$0x8910] =	vst v0  }
0xa3: {  	[tilespmem:$0x8920] =	vst v0  }
0xa4: {  	[tilespmem:$0x8930] =	vst v0  }
0xa5: {  	[tilespmem:$0x8940] =	vst v0  }
0xa6: {  	[tilespmem:$0x8950] =	vst v0  }
0xa7: {  	[tilespmem:$0x8960] =	vst v0  }
0xa8: {  	[tilespmem:$0x8970] =	vst v0  }
0xa9: {  	[tilespmem:$0x8980] =	vst v0  }
0xaa: {  	[tilespmem:$0x8990] =	vst v0  }
0xab: {  	[tilespmem:$0x89A0] =	vst v0  }
0xac: {  	[tilespmem:$0x89B0] =	vst v0  }
0xad: {  	[tilespmem:$0x89C0] =	vst v0  }
0xae: {  	[tilespmem:$0x89D0] =	vst v0  }
0xaf: {  	[tilespmem:$0x89E0] =	vst v0  }
0xb0: {  	[tilespmem:$0x89F0] =	vst v0  }
0xb1: {  	[tilespmem:$0x8A00] =	vst v0  }
0xb2: {  	[tilespmem:$0x8A10] =	vst v0  }
0xb3: {  	[tilespmem:$0x8A20] =	vst v0  }
0xb4: {  	[tilespmem:$0x8A30] =	vst v0  }
0xb5: {  	[tilespmem:$0x8A40] =	vst v0  }
0xb6: {  	[tilespmem:$0x8A50] =	vst v0  }
0xb7: {  	[tilespmem:$0x8A60] =	vst v0  }
0xb8: {  	[tilespmem:$0x8A70] =	vst v0  }
0xb9: {  	[tilespmem:$0x8A80] =	vst v0  }
0xba: {  	[tilespmem:$0x8A90] =	vst v0  }
0xbb: {  	[tilespmem:$0x8AA0] =	vst v0  }
0xbc: {  	[tilespmem:$0x8AB0] =	vst v0  }
0xbd: {  	[tilespmem:$0x8AC0] =	vst v0  }
0xbe: {  	[tilespmem:$0x8AD0] =	vst v0  }
0xbf: {  	[tilespmem:$0x8AE0] =	vst v0  }
0xc0: {  	[tilespmem:$0x8AF0] =	vst v0  }
0xc1: {  	[tilespmem:$0x8B00] =	vst v0  }
0xc2: {  	[tilespmem:$0x8B10] =	vst v0  }
0xc3: {  	[tilespmem:$0x8B20] =	vst v0  }
0xc4: {  	[tilespmem:$0x8B30] =	vst v0  }
0xc5: {  	[tilespmem:$0x8B40] =	vst v0  }
0xc6: {  	[tilespmem:$0x8B50] =	vst v0  }
0xc7: {  	[tilespmem:$0x8B60] =	vst v0  }
0xc8: {  	[tilespmem:$0x8B70] =	vst v0  }
0xc9: {  	[tilespmem:$0x8B80] =	vst v0  }
0xca: {  	[tilespmem:$0x8B90] =	vst v0  }
0xcb: {  	[tilespmem:$0x8BA0] =	vst v0  }
0xcc: {  	[tilespmem:$0x8BB0] =	vst v0  }
0xcd: {  	[tilespmem:$0x8BC0] =	vst v0  }
0xce: {  	[tilespmem:$0x8BD0] =	vst v0  }
0xcf: {  	[tilespmem:$0x8BE0] =	vst v0  }
0xd0: {  	s31 =	rddreg [dreg:$0xe];
	s4 =	simm.s32 $0x8400;
	[tilespmem:$0x8BF0] =	vst v0  }
0xd1: {  	[spmem:s8] =	stream.linear.scatter [tilespmem:s4], [sflag:$0x1], $0x800, $0x38;
	[tilespmem:$0x1CC00] =	vst v63  }
0xd2: {  	s9 =	rddreg [dreg:$0x10]  }
0xd3: {  	[spmem:s31] =	stream.linear.scatter [tilespmem:s4], [sflag:$0x1], $0x800, $0x38;
	[tilespmem:$0x1CC00] =	vst v63  }
0xd4: {  	s8 =	rddreg [dreg:$0xf]  }
0xd5: {  	[spmem:s8] =	stream.linear.scatter [tilespmem:s4], [sflag:$0x1], $0x800, $0x38;
	[tilespmem:$0x1CC00] =	vst v63  }
0xd6: {  	s15 =	rddreg [dreg:$0x11]  }
0xd7: {  	[spmem:s9] =	stream.linear.scatter [tilespmem:s4], [sflag:$0x1], $0x800, $0x38;
	[tilespmem:$0x1CC00] =	vst v63  }
0xd8: {  	s28 =	rddreg [dreg:$0x12]  }
0xd9: {  	[spmem:s15] =	stream.linear.scatter [tilespmem:s4], [sflag:$0x1], $0x800, $0x38;
	[tilespmem:$0x1CC00] =	vst v63  }
0xda: {  	s29 =	rddreg [dreg:$0x13]  }
0xdb: {  	[spmem:s28] =	stream.linear.scatter [tilespmem:s4], [sflag:$0x1], $0x800, $0x38;
	[tilespmem:$0x1CC00] =	vst v63  }
0xdc: {  	s31 =	rddreg [dreg:$0x14]  }
0xdd: {  	[spmem:s29] =	stream.linear.scatter [tilespmem:s4], [sflag:$0x1], $0x800, $0x38;
	[tilespmem:$0x1CC00] =	vst v63  }
0xde: {  	s8 =	rddreg [dreg:$0x17]  }
0xdf: {  	[spmem:s31] =	stream.linear.scatter [tilespmem:s4], [sflag:$0x1], $0x800, $0x38;
	[tilespmem:$0x1CC00] =	vst v63  }
0xe0: {  	s9 =	rddreg [dreg:$0x18]  }
0xe1: {  	[spmem:s8] =	stream.linear.scatter [tilespmem:s4], [sflag:$0x1], $0x800, $0x38;
	[tilespmem:$0x1CC00] =	vst v63  }
0xe2: {  	s15 =	rddreg [dreg:$0x19]  }
0xe3: {  	[spmem:s9] =	stream.linear.scatter [tilespmem:s4], [sflag:$0x1], $0x800, $0x38;
	[tilespmem:$0x1CC00] =	vst v63  }
0xe4: {  	s28 =	rddreg [dreg:$0x1a]  }
0xe5: {  	[spmem:s15] =	stream.linear.scatter [tilespmem:s4], [sflag:$0x1], $0x800, $0x38;
	[tilespmem:$0x1CC00] =	vst v63  }
0xe6: {  	s29 =	rddreg [dreg:$0x1b]  }
0xe7: {  	[spmem:s28] =	stream.linear.scatter [tilespmem:s4], [sflag:$0x1], $0x800, $0x38;
	[tilespmem:$0x1CC00] =	vst v63  }
0xe8: {  	s31 =	rddreg [dreg:$0x1c]  }
0xe9: {  	[spmem:s29] =	stream.linear.scatter [tilespmem:s4], [sflag:$0x1], $0x800, $0x38;
	[tilespmem:$0x1CC00] =	vst v63  }
0xea: {  	s8 =	rddreg [dreg:$0x1d]  }
0xeb: {  	[spmem:s31] =	stream.linear.scatter [tilespmem:s4], [sflag:$0x1], $0x800, $0x38;
	[tilespmem:$0x1CC00] =	vst v63  }
0xec: {  	s9 =	rddreg [dreg:$0x1e]  }
0xed: {  	[spmem:s8] =	stream.linear.scatter [tilespmem:s4], [sflag:$0x1], $0x800, $0x38;
	[tilespmem:$0x1CC00] =	vst v63  }
0xee: {  	s15 =	rddreg [dreg:$0x1f]  }
0xef: {  	[spmem:s9] =	stream.linear.scatter [tilespmem:s4], [sflag:$0x1], $0x800, $0x38;
	[tilespmem:$0x1CC00] =	vst v63  }
0xf0: {  	s28 =	sld [smem:$0x7E7]  }
0xf1: {  	[spmem:s15] =	stream.linear.scatter [tilespmem:s4], [sflag:$0x1], $0x800, $0x38;
	[tilespmem:$0x1CC00] =	vst v63  }
0xf2: {  	s29 =	sld [smem:$0x7E8]  }
0xf3: {  	[spmem:s28] =	stream.linear.scatter [tilespmem:s4], [sflag:$0x1], $0x800, $0x38;
	[tilespmem:$0x1CC00] =	vst v63  }
0xf4: {  	s31 =	sld [smem:$0x7E9]  }
0xf5: {  	[spmem:s29] =	stream.linear.scatter [tilespmem:s4], [sflag:$0x1], $0x800, $0x38;
	[tilespmem:$0x1CC00] =	vst v63  }
0xf6: {  	s8 =	sld [smem:$0x7EA]  }
0xf7: {  	[spmem:s31] =	stream.linear.scatter [tilespmem:s4], [sflag:$0x1], $0x800, $0x38;
	[tilespmem:$0x1CC00] =	vst v63  }
0xf8: {  	s9 =	sld [smem:$0x7EB]  }
0xf9: {  	[spmem:s8] =	stream.linear.scatter [tilespmem:s4], [sflag:$0x1], $0x800, $0x38;
	[tilespmem:$0x1CC00] =	vst v63  }
0xfa: {  	s15 =	sld [smem:$0x7EC]  }
0xfb: {  	[spmem:s9] =	stream.linear.scatter [tilespmem:s4], [sflag:$0x1], $0x800, $0x38;
	[tilespmem:$0x1CC00] =	vst v63  }
0xfc: {  	s28 =	sld [smem:$0x7ED]  }
0xfd: {  	[spmem:s15] =	stream.linear.scatter [tilespmem:s4], [sflag:$0x1], $0x800, $0x38;
	[tilespmem:$0x1CC00] =	vst v63  }
0xfe: {  	s29 =	sld [smem:$0x7EE]  }
0xff: {  	[spmem:s28] =	stream.linear.scatter [tilespmem:s4], [sflag:$0x1], $0x800, $0x38;
	[tilespmem:$0x1CC00] =	vst v63  }
0x100: {  	s31 =	sld [smem:$0x7EF]  }
0x101: {  	[spmem:s29] =	stream.linear.scatter [tilespmem:s4], [sflag:$0x1], $0x800, $0x38;
	[tilespmem:$0x1CC00] =	vst v63  }
0x102: {  	s8 =	sld [smem:$0x7F0]  }
0x103: {  	[spmem:s31] =	stream.linear.scatter [tilespmem:s4], [sflag:$0x1], $0x800, $0x38;
	[tilespmem:$0x1CC00] =	vst v63  }
0x104: {  	s9 =	sld [smem:$0x7F1]  }
0x105: {  	[spmem:s8] =	stream.linear.scatter [tilespmem:s4], [sflag:$0x1], $0x800, $0x38;
	[tilespmem:$0x1CC00] =	vst v63  }
0x106: {  	s15 =	sld [smem:$0x7F2]  }
0x107: {  	[spmem:s9] =	stream.linear.scatter [tilespmem:s4], [sflag:$0x1], $0x800, $0x38;
	[tilespmem:$0x1CC00] =	vst v63  }
0x108: {  	s28 =	sld [smem:$0x7F3]  }
0x109: {  	[spmem:s15] =	stream.linear.scatter [tilespmem:s4], [sflag:$0x1], $0x800, $0x38;
	[tilespmem:$0x1CC00] =	vst v63  }
0x10a: {  	s29 =	sld [smem:$0x7F4]  }
0x10b: {  	[spmem:s28] =	stream.linear.scatter [tilespmem:s4], [sflag:$0x1], $0x800, $0x38;
	[tilespmem:$0x1CC00] =	vst v63  }
0x10c: {  	s31 =	sld [smem:$0x7F5]  }
0x10d: {  	[spmem:s29] =	stream.linear.scatter [tilespmem:s4], [sflag:$0x1], $0x800, $0x38;
	[tilespmem:$0x1CC00] =	vst v63  }
0x10e: {  	s8 =	sld [smem:$0x7F6]  }
0x10f: {  	[spmem:s31] =	stream.linear.scatter [tilespmem:s4], [sflag:$0x1], $0x800, $0x38;
	[tilespmem:$0x1CC00] =	vst v63  }
0x110: {  	s9 =	sld [smem:$0x7F7]  }
0x111: {  	[spmem:s8] =	stream.linear.scatter [tilespmem:s4], [sflag:$0x1], $0x800, $0x38;
	[tilespmem:$0x1CC00] =	vst v63  }
0x112: {  	s15 =	sld [smem:$0x7F8]  }
0x113: {  	[spmem:s9] =	stream.linear.scatter [tilespmem:s4], [sflag:$0x1], $0x800, $0x38;
	[tilespmem:$0x1CC00] =	vst v63  }
0x114: {  	s28 =	sld [smem:$0x7F9]  }
0x115: {  	[spmem:s15] =	stream.linear.scatter [tilespmem:s4], [sflag:$0x1], $0x800, $0x38;
	[tilespmem:$0x1CC00] =	vst v63  }
0x116: {  	s29 =	sld [smem:$0x7FA]  }
0x117: {  	[spmem:s28] =	stream.linear.scatter [tilespmem:s4], [sflag:$0x1], $0x800, $0x38;
	[tilespmem:$0x1CC00] =	vst v63  }
0x118: {  	s31 =	sld [smem:$0x7FB]  }
0x119: {  	[spmem:s29] =	stream.linear.scatter [tilespmem:s4], [sflag:$0x1], $0x800, $0x38;
	[tilespmem:$0x1CC00] =	vst v63  }
0x11a: {  	s8 =	sld [smem:$0x7FC]  }
0x11b: {  	[spmem:s31] =	stream.linear.scatter [tilespmem:s4], [sflag:$0x1], $0x800, $0x38;
	[tilespmem:$0x1CC00] =	vst v63  }
0x11c: {  	s9 =	sld [smem:$0x7FD]  }
0x11d: {  	[spmem:s8] =	stream.linear.scatter [tilespmem:s4], [sflag:$0x1], $0x800, $0x38;
	[tilespmem:$0x1CC00] =	vst v63  }
0x11e: {  	_ = 	snop  }
0x11f: {  	[spmem:s9] =	stream.linear.scatter [tilespmem:s4], [sflag:$0x1], $0x800, $0x38;
	[tilespmem:$0x1CC00] =	vst v63  }
0x120: {  	_ =	swait.ge [sflag:s18], $0x800  }
0x121: {  	[sflag:s18] =	ssyncset.done $0x0  }
0x122: {  	[sflag:s18] =	ssyncadd.s32 $0xFFFFF800  }
0x123: {  	_ =	swait.ge [sflag:s18], $0x800  }
0x124: {  	[sflag:s18] =	ssyncset.done $0x0  }
0x125: {  	[sflag:s18] =	ssyncadd.s32 $0xFFFFF800  }
0x126: {  	_ =	swait.ge [sflag:s18], $0x800  }
0x127: {  	[sflag:s18] =	ssyncset.done $0x0  }
0x128: {  	[sflag:s18] =	ssyncadd.s32 $0xFFFFF800  }
0x129: {  	_ =	swait.ge [sflag:s18], $0x800  }
0x12a: {  	[sflag:s18] =	ssyncset.done $0x0  }
0x12b: {  	[sflag:s18] =	ssyncadd.s32 $0xFFFFF800  }
0x12c: {  	_ =	swait.ge [sflag:s18], $0x800  }
0x12d: {  	[sflag:s18] =	ssyncset.done $0x0  }
0x12e: {  	[sflag:s18] =	ssyncadd.s32 $0xFFFFF800  }
0x12f: {  	_ =	swait.ge [sflag:s18], $0x800  }
0x130: {  	[sflag:s18] =	ssyncset.done $0x0  }
0x131: {  	[sflag:s18] =	ssyncadd.s32 $0xFFFFF800  }
0x132: {  	_ =	swait.ge [sflag:s18], $0x800  }
0x133: {  	[sflag:s18] =	ssyncset.done $0x0  }
0x134: {  	[sflag:s18] =	ssyncadd.s32 $0xFFFFF800  }
0x135: {  	_ =	swait.ge [sflag:s18], $0x800  }
0x136: {  	[sflag:s18] =	ssyncset.done $0x0  }
0x137: {  	[sflag:s18] =	ssyncadd.s32 $0xFFFFF800  }
0x138: {  	_ =	swait.ge [sflag:s18], $0x800  }
0x139: {  	[sflag:s18] =	ssyncset.done $0x0  }
0x13a: {  	[sflag:s18] =	ssyncadd.s32 $0xFFFFF800  }
0x13b: {  	_ =	swait.ge [sflag:s18], $0x800  }
0x13c: {  	[sflag:s18] =	ssyncset.done $0x0  }
0x13d: {  	[sflag:s18] =	ssyncadd.s32 $0xFFFFF800  }
0x13e: {  	_ =	swait.ge [sflag:s18], $0x800  }
0x13f: {  	[sflag:s18] =	ssyncset.done $0x0  }
0x140: {  	[sflag:s18] =	ssyncadd.s32 $0xFFFFF800  }
0x141: {  	_ =	swait.ge [sflag:s18], $0x800  }
0x142: {  	[sflag:s18] =	ssyncset.done $0x0  }
0x143: {  	[sflag:s18] =	ssyncadd.s32 $0xFFFFF800  }
0x144: {  	_ =	swait.ge [sflag:s18], $0x800  }
0x145: {  	[sflag:s18] =	ssyncset.done $0x0  }
0x146: {  	[sflag:s18] =	ssyncadd.s32 $0xFFFFF800  }
0x147: {  	_ =	swait.ge [sflag:s18], $0x800  }
0x148: {  	[sflag:s18] =	ssyncset.done $0x0  }
0x149: {  	[sflag:s18] =	ssyncadd.s32 $0xFFFFF800  }
0x14a: {  	_ =	swait.ge [sflag:s18], $0x800  }
0x14b: {  	[sflag:s18] =	ssyncset.done $0x0  }
0x14c: {  	[sflag:s18] =	ssyncadd.s32 $0xFFFFF800  }
0x14d: {  	_ =	swait.ge [sflag:s18], $0x800  }
0x14e: {  	[sflag:s18] =	ssyncset.done $0x0  }
0x14f: {  	[sflag:s18] =	ssyncadd.s32 $0xFFFFF800  }
0x150: {  	_ =	swait.ge [sflag:s18], $0x800  }
0x151: {  	[sflag:s18] =	ssyncset.done $0x0  }
0x152: {  	[sflag:s18] =	ssyncadd.s32 $0xFFFFF800  }
0x153: {  	_ =	swait.ge [sflag:s18], $0x800  }
0x154: {  	[sflag:s18] =	ssyncset.done $0x0  }
0x155: {  	[sflag:s18] =	ssyncadd.s32 $0xFFFFF800  }
0x156: {  	_ =	swait.ge [sflag:s18], $0x800  }
0x157: {  	[sflag:s18] =	ssyncset.done $0x0  }
0x158: {  	[sflag:s18] =	ssyncadd.s32 $0xFFFFF800  }
0x159: {  	_ =	swait.ge [sflag:s18], $0x800  }
0x15a: {  	[sflag:s18] =	ssyncset.done $0x0  }
0x15b: {  	[sflag:s18] =	ssyncadd.s32 $0xFFFFF800  }
0x15c: {  	_ =	swait.ge [sflag:s18], $0x800  }
0x15d: {  	[sflag:s18] =	ssyncset.done $0x0  }
0x15e: {  	[sflag:s18] =	ssyncadd.s32 $0xFFFFF800  }
0x15f: {  	_ =	swait.ge [sflag:s18], $0x800  }
0x160: {  	[sflag:s18] =	ssyncset.done $0x0  }
0x161: {  	[sflag:s18] =	ssyncadd.s32 $0xFFFFF800  }
0x162: {  	_ =	swait.ge [sflag:s18], $0x800  }
0x163: {  	[sflag:s18] =	ssyncset.done $0x0  }
0x164: {  	[sflag:s18] =	ssyncadd.s32 $0xFFFFF800  }
0x165: {  	_ =	swait.ge [sflag:s18], $0x800  }
0x166: {  	[sflag:s18] =	ssyncset.done $0x0  }
0x167: {  	[sflag:s18] =	ssyncadd.s32 $0xFFFFF800  }
0x168: {  	_ =	swait.ge [sflag:s18], $0x800  }
0x169: {  	[sflag:s18] =	ssyncset.done $0x0  }
0x16a: {  	[sflag:s18] =	ssyncadd.s32 $0xFFFFF800  }
0x16b: {  	_ =	swait.ge [sflag:s18], $0x800  }
0x16c: {  	[sflag:s18] =	ssyncset.done $0x0  }
0x16d: {  	[sflag:s18] =	ssyncadd.s32 $0xFFFFF800  }
0x16e: {  	_ =	swait.ge [sflag:s18], $0x800  }
0x16f: {  	[sflag:s18] =	ssyncset.done $0x0  }
0x170: {  	[sflag:s18] =	ssyncadd.s32 $0xFFFFF800  }
0x171: {  	_ =	swait.ge [sflag:s18], $0x800  }
0x172: {  	[sflag:s18] =	ssyncset.done $0x0  }
0x173: {  	[sflag:s18] =	ssyncadd.s32 $0xFFFFF800  }
0x174: {  	_ =	swait.ge [sflag:s18], $0x800  }
0x175: {  	[sflag:s18] =	ssyncset.done $0x0  }
0x176: {  	[sflag:s18] =	ssyncadd.s32 $0xFFFFF800  }
0x177: {  	_ =	swait.ge [sflag:s18], $0x800  }
0x178: {  	[sflag:s18] =	ssyncset.done $0x0  }
0x179: {  	[sflag:s18] =	ssyncadd.s32 $0xFFFFF800  }
0x17a: {  	_ =	swait.ge [sflag:s18], $0x800  }
0x17b: {  	[sflag:s18] =	ssyncset.done $0x0  }
0x17c: {  	[sflag:s18] =	ssyncadd.s32 $0xFFFFF800  }
0x17d: {  	_ =	swait.ge [sflag:s18], $0x800  }
0x17e: {  	[sflag:s18] =	ssyncset.done $0x0  }
0x17f: {  	[sflag:s18] =	ssyncadd.s32 $0xFFFFF800  }
0x180: {  	_ =	swait.ge [sflag:s18], $0x800  }
0x181: {  	[sflag:s18] =	ssyncset.done $0x0  }
0x182: {  	[sflag:s18] =	ssyncadd.s32 $0xFFFFF800  }
0x183: {  	_ =	swait.ge [sflag:s18], $0x800  }
0x184: {  	[sflag:s18] =	ssyncset.done $0x0  }
0x185: {  	[sflag:s18] =	ssyncadd.s32 $0xFFFFF800  }
0x186: {  	_ =	swait.ge [sflag:s18], $0x800  }
0x187: {  	[sflag:s18] =	ssyncset.done $0x0  }
0x188: {  	[sflag:s18] =	ssyncadd.s32 $0xFFFFF800  }
0x189: {  	_ =	swait.ge [sflag:s18], $0x800  }
0x18a: {  	[sflag:s18] =	ssyncset.done $0x0  }
0x18b: {  	[sflag:s18] =	ssyncadd.s32 $0xFFFFF800  }
0x18c: {  	_ =	swait.ge [sflag:s18], $0x800  }
0x18d: {  	[sflag:s18] =	ssyncset.done $0x0  }
0x18e: {  	[sflag:s18] =	ssyncadd.s32 $0xFFFFF800  }
0x18f: {  	_ =	swait.ge [sflag:s18], $0x800  }
0x190: {  	[sflag:s18] =	ssyncset.done $0x0  }
0x191: {  	[sflag:s18] =	ssyncadd.s32 $0xFFFFF800  }
0x192: {  	_ =	swait.ge [sflag:s18], $0x800  }
0x193: {  	[sflag:s18] =	ssyncset.done $0x0  }
0x194: {  	[sflag:s18] =	ssyncadd.s32 $0xFFFFF800  }
0x195: {  	_ =	swait.ge [sflag:s18], $0x800  }
0x196: {  	[sflag:s18] =	ssyncset.done $0x0  }
0x197: {  	[sflag:s18] =	ssyncadd.s32 $0xFFFFF800  }
0x198: {  	[bflag:$0x0] =	sbarrier.arrive $0xFFFF  }
0x199: {  	_ =	swait.ge [sflag:s19], $0x80  }
0x19a: {  	[sflag:s19] =	ssyncset.done $0x0  }
0x19b: {  	[sflag:s19] =	ssyncadd.s32 $0xFFFFFF80  }
0x19c: {  	_ =	swait.ge [sflag:s19], $0x80  }
0x19d: {  	[sflag:s19] =	ssyncset.done $0x0  }
0x19e: {  	[sflag:s19] =	ssyncadd.s32 $0xFFFFFF80  }
0x19f: {  	[tilespmem:s20], [sflag:$0x1] =	stream.indirect.gather [hbm4b:s1+s10], $0x80, s5, s10, $0xb8;
	[tilespmem:$0x1CC00] =	vst v63  }
0x1a0: {  	_ =	swait.ge [sflag:s21], $0x80  }
0x1a1: {  	[sflag:s21] =	ssyncset.done $0x0  }
0x1a2: {  	[sflag:s21] =	ssyncadd.s32 $0xFFFFFF80  }
0x1a3: {  	_ =	swait.ge [sflag:s21], $0x80  }
0x1a4: {  	[sflag:s21] =	ssyncset.done $0x0  }
0x1a5: {  	p0 =	por $0x0, $0x0;
	s0 =	simm.s32 $0x4;
	[sflag:s21] =	ssyncadd.s32 $0xFFFFFF80  }
0x1a6: {  	[tilespmem:s22], [sflag:$0x2] =	stream.indirect.gather [hbm4b:s1+s10], $0x80, s10, s10, $0xb8;
	[tilespmem:$0x1CC00] =	vst v63  }
0x1a7: {  	s0 =	simm.s32 @p0 $0x0;
	_ =	swait.ge [sflag:s18], $0x4000  }
0x1a8: {  	s15 =	sadd.s32 s7, s0;
	[sflag:s18] =	ssyncset.done $0x0  }
0x1a9: {  	s0 =	sshll.u32 s0, $0x4;
	s4 =	sshll.u32 s15, $0x4;
	[sflag:s18] =	ssyncadd.s32 $0xFFFFC000  }
0x1aa: {  	[spmem:s3] =	stream.indirect.scatter.add.f32 [tilespmem:s20], [sflag:$0x7], $0x80, s17, s10, $0xb8;
	[tilespmem:$0x1CC00] =	vst v63  }
0x1ab: {  	s0 =	sand.u32 $0x40, s0;
	s4 =	sand.u32 $0xFFFFF80, s4;
	_ =	swait.ge [sflag:s23], $0x4000  }
0x1ac: {  	s0 =	sor.u32 s0, s4;
	[sflag:s23] =	ssyncset.done $0x0  }
0x1ad: {  	s4 =	sadd.s32 s2, s0;
	[sflag:s23] =	ssyncadd.s32 $0xFFFFC000  }
0x1ae: {  	[tilespmem:s5], [sflag:$0x3] =	stream.linear.gather [hbm4b:s4+s5], $0x80, $0x38;
	[tilespmem:$0x1CC00] =	vst v63  }
0x1af: {  	s0 =	sadd.s32 s6, s0  }
0x1b0: {  	[tilespmem:s17], [sflag:$0x3] =	stream.linear.gather [hbm4b:s0+s5], $0x80, $0x38;
	[tilespmem:$0x1CC00] =	vst v63  }
0x1b1: {  	_ =	swait.ge [sflag:s24], $0x80  }
0x1b2: {  	[sflag:s24] =	ssyncset.done $0x0  }
0x1b3: {  	[sflag:s24] =	ssyncadd.s32 $0xFFFFFF80  }
0x1b4: {  	_ =	swait.ge [sflag:s24], $0x80  }
0x1b5: {  	[sflag:s24] =	ssyncset.done $0x0  }
0x1b6: {  	s0 =	simm.s32 $0x5;
	[sflag:s24] =	ssyncadd.s32 $0xFFFFFF80  }
0x1b7: {  	[tilespmem:s20], [sflag:$0x1] =	stream.indirect.gather [hbm4b:s1+s10], $0x80, s12, s10, $0xb8;
	[tilespmem:$0x1CC00] =	vst v63  }
0x1b8: {  	s0 =	simm.s32 @p0 $0x1;
	_ =	swait.ge [sflag:s25], $0x4000  }
0x1b9: {  	s28 =	sadd.s32 s7, s0;
	[sflag:s25] =	ssyncset.done $0x0  }
0x1ba: {  	s0 =	sshll.u32 s0, $0x4;
	s4 =	sshll.u32 s28, $0x4;
	[sflag:s25] =	ssyncadd.s32 $0xFFFFC000  }
0x1bb: {  	[spmem:s3] =	stream.indirect.scatter.add.f32 [tilespmem:s22], [sflag:$0x7], $0x80, s11, s10, $0xb8;
	[tilespmem:$0x1CC00] =	vst v63  }
0x1bc: {  	s0 =	sand.u32 $0x50, s0;
	s4 =	sand.u32 $0xFFFFF80, s4;
	_ =	swait.ge [sflag:s23], $0x4000  }
0x1bd: {  	s0 =	sor.u32 s0, s4;
	[sflag:s23] =	ssyncset.done $0x0  }
0x1be: {  	s4 =	sadd.s32 s2, s0;
	[sflag:s23] =	ssyncadd.s32 $0xFFFFC000  }
0x1bf: {  	[tilespmem:s10], [sflag:$0x4] =	stream.linear.gather [hbm4b:s4+s5], $0x80, $0x38;
	[tilespmem:$0x1CC00] =	vst v63  }
0x1c0: {  	s0 =	sadd.s32 s6, s0  }
0x1c1: {  	[tilespmem:s11], [sflag:$0x4] =	stream.linear.gather [hbm4b:s0+s5], $0x80, $0x38;
	[tilespmem:$0x1CC00] =	vst v63  }
0x1c2: {  	_ =	swait.ge [sflag:s26], $0x80  }
0x1c3: {  	[sflag:s26] =	ssyncset.done $0x0  }
0x1c4: {  	[sflag:s26] =	ssyncadd.s32 $0xFFFFFF80  }
0x1c5: {  	_ =	swait.ge [sflag:s26], $0x80  }
0x1c6: {  	[sflag:s26] =	ssyncset.done $0x0  }
0x1c7: {  	s0 =	simm.s32 $0x6;
	[sflag:s26] =	ssyncadd.s32 $0xFFFFFF80  }
0x1c8: {  	[tilespmem:s22], [sflag:$0x2] =	stream.indirect.gather [hbm4b:s1+s10], $0x80, s14, s10, $0xb8;
	[tilespmem:$0x1CC00] =	vst v63  }
0x1c9: {  	s0 =	simm.s32 @p0 $0x2;
	_ =	swait.ge [sflag:s18], $0x4000  }
0x1ca: {  	s29 =	sadd.s32 s7, s0;
	[sflag:s18] =	ssyncset.done $0x0  }
0x1cb: {  	s0 =	sshll.u32 s0, $0x4;
	s4 =	sshll.u32 s29, $0x4;
	[sflag:s18] =	ssyncadd.s32 $0xFFFFC000  }
0x1cc: {  	[spmem:s3] =	stream.indirect.scatter.add.f32 [tilespmem:s20], [sflag:$0x7], $0x80, s13, s10, $0xb8;
	[tilespmem:$0x1CC00] =	vst v63  }
0x1cd: {  	s0 =	sand.u32 $0x60, s0;
	s4 =	sand.u32 $0xFFFFF80, s4;
	_ =	swait.ge [sflag:s23], $0x4000  }
0x1ce: {  	s0 =	sor.u32 s0, s4;
	[sflag:s23] =	ssyncset.done $0x0  }
0x1cf: {  	s4 =	sadd.s32 s2, s0;
	[sflag:s23] =	ssyncadd.s32 $0xFFFFC000  }
0x1d0: {  	[tilespmem:s12], [sflag:$0x5] =	stream.linear.gather [hbm4b:s4+s5], $0x80, $0x38;
	[tilespmem:$0x1CC00] =	vst v63  }
0x1d1: {  	s0 =	sadd.s32 s6, s0  }
0x1d2: {  	[tilespmem:s13], [sflag:$0x5] =	stream.linear.gather [hbm4b:s0+s5], $0x80, $0x38;
	[tilespmem:$0x1CC00] =	vst v63  }
0x1d3: {  	_ =	swait.ge [sflag:s19], $0x80  }
0x1d4: {  	[sflag:s19] =	ssyncset.done $0x0  }
0x1d5: {  	s0 =	simm.s32 $0x7;
	[sflag:s19] =	ssyncadd.s32 $0xFFFFFF80  }
0x1d6: {  	s0 =	simm.s32 @p0 $0x3;
	_ =	swait.ge [sflag:s19], $0x80  }
0x1d7: {  	s31 =	sadd.s32 s7, s0;
	[sflag:s19] =	ssyncset.done $0x0  }
0x1d8: {  	s0 =	sshll.u32 s0, $0x4;
	s4 =	sshll.u32 s31, $0x4;
	[sflag:s19] =	ssyncadd.s32 $0xFFFFFF80  }
0x1d9: {  	[tilespmem:s20], [sflag:$0x1] =	stream.indirect.gather [hbm4b:s1+s10], $0x80, s5, s10, $0xb8;
	[tilespmem:$0x1CC00] =	vst v63  }
0x1da: {  	s0 =	sand.u32 $0x70, s0;
	s4 =	sand.u32 $0xFFFFF80, s4;
	_ =	swait.ge [sflag:s25], $0x4000  }
0x1db: {  	s30 =	simm.s32 $0xB;
	s0 =	sor.u32 s0, s4;
	[sflag:s25] =	ssyncset.done $0x0  }
0x1dc: {  	s8 =	sadd.s32 s2, s0;
	s0 =	sadd.s32 s6, s0;
	[sflag:s25] =	ssyncadd.s32 $0xFFFFC000  }
.LBB2_2:
0x1dd: {  	[spmem:s3] =	stream.indirect.scatter.add.f32 [tilespmem:s22], [sflag:$0x7], $0x80, s16, s10, $0xb8;
	[tilespmem:$0x1CC00] =	vst v63  }
0x1de: {  	s4 =	smov.u32 s30;
	p0 =	seq.s32 s30, $0x53;
	s29 =	sadd.s32 $0xFFFFFFFE, s30  }
0x1df: {  	s15 =	smov.u32 s30;
	s4 =	sadd.s32 $0xFFFFFFFD, s30;
	_ =	swait.ge [sflag:s23], $0x4000  }
0x1e0: {  	s28 =	sadd.s32 $0xFFFFFFFF, s30;
	s4 =	simm.s32 @p0 $0x0;
	[sflag:s23] =	ssyncset.done $0x0  }
0x1e1: {  	s29 =	simm.s32 @p0 $0x1;
	s15 =	simm.s32 @p0 $0x3;
	[sflag:s23] =	ssyncadd.s32 $0xFFFFC000  }
0x1e2: {  	s28 =	simm.s32 @p0 $0x2;
	s17 =	sshll.u32 s15, $0x4;
	s31 =	sshll.u32 s4, $0x4  }
0x1e3: {  	[tilespmem:s14], [sflag:$0x6] =	stream.linear.gather [hbm4b:s8+s5], $0x80, $0x38;
	[tilespmem:$0x1CC00] =	vst v63  }
0x1e4: {  	s9 =	sand.u32 $0x40, s31;
	s8 =	sadd.s32 s7, s29;
	s29 =	sshll.u32 s29, $0x4  }
0x1e5: {  	[tilespmem:s16], [sflag:$0x6] =	stream.linear.gather [hbm4b:s0+s5], $0x80, $0x38;
	[tilespmem:$0x1CC00] =	vst v63  }
0x1e6: {  	s31 =	sshll.u32 s28, $0x4;
	s0 =	sadd.s32 s7, s4;
	_ =	swait.ge [sflag:s21], $0x80  }
0x1e7: {  	s4 =	sshll.u32 s8, $0x4;
	s0 =	sshll.u32 s0, $0x4;
	[sflag:s21] =	ssyncset.done $0x0  }
0x1e8: {  	s8 =	sand.u32 $0x50, s29;
	s4 =	sand.u32 $0xFFFFF80, s4;
	[sflag:s21] =	ssyncadd.s32 $0xFFFFFF80  }
0x1e9: {  	s29 =	sand.u32 $0xFFFFF80, s0;
	s8 =	sor.u32 s8, s4;
	_ =	swait.ge [sflag:s21], $0x80  }
0x1ea: {  	s0 =	sadd.s32 s7, s28;
	s4 =	sadd.s32 s7, s15;
	[sflag:s21] =	ssyncset.done $0x0  }
0x1eb: {  	s15 =	sand.u32 $0x70, s17;
	s0 =	sshll.u32 s0, $0x4;
	[sflag:s21] =	ssyncadd.s32 $0xFFFFFF80  }
0x1ec: {  	[tilespmem:s22], [sflag:$0x2] =	stream.indirect.gather [hbm4b:s1+s10], $0x80, s10, s10, $0xb8;
	[tilespmem:$0x1CC00] =	vst v63  }
0x1ed: {  	s4 =	sshll.u32 s4, $0x4;
	s0 =	sand.u32 $0xFFFFF80, s0;
	_ =	swait.ge [sflag:s18], $0x4000  }
0x1ee: {  	s17 =	simm.s32 $0x200;
	s4 =	sand.u32 $0xFFFFF80, s4;
	[sflag:s18] =	ssyncset.done $0x0  }
0x1ef: {  	s9 =	sor.u32 s9, s29;
	s29 =	sor.u32 s15, s4;
	[sflag:s18] =	ssyncadd.s32 $0xFFFFC000  }
0x1f0: {  	[spmem:s3] =	stream.indirect.scatter.add.f32 [tilespmem:s20], [sflag:$0x7], $0x80, s17, s10, $0xb8;
	[tilespmem:$0x1CC00] =	vst v63  }
0x1f1: {  	s15 =	sadd.s32 s2, s9;
	s4 =	sadd.s32 $0x4, s30;
	_ =	swait.ge [sflag:s23], $0x4000  }
0x1f2: {  	p0 =	sne.s32 s30, $0x53;
	[sflag:s23] =	ssyncset.done $0x0  }
0x1f3: {  	[sflag:s23] =	ssyncadd.s32 $0xFFFFC000  }
0x1f4: {  	[tilespmem:s5], [sflag:$0x3] =	stream.linear.gather [hbm4b:s15+s5], $0x80, $0x38;
	[tilespmem:$0x1CC00] =	vst v63  }
0x1f5: {  	s9 =	sadd.s32 s6, s9  }
0x1f6: {  	[tilespmem:s17], [sflag:$0x3] =	stream.linear.gather [hbm4b:s9+s5], $0x80, $0x38;
	[tilespmem:$0x1CC00] =	vst v63  }
0x1f7: {  	_ =	swait.ge [sflag:s24], $0x80  }
0x1f8: {  	[sflag:s24] =	ssyncset.done $0x0  }
0x1f9: {  	[sflag:s24] =	ssyncadd.s32 $0xFFFFFF80  }
0x1fa: {  	_ =	swait.ge [sflag:s24], $0x80  }
0x1fb: {  	[sflag:s24] =	ssyncset.done $0x0  }
0x1fc: {  	[sflag:s24] =	ssyncadd.s32 $0xFFFFFF80  }
0x1fd: {  	[tilespmem:s20], [sflag:$0x1] =	stream.indirect.gather [hbm4b:s1+s10], $0x80, s12, s10, $0xb8;
	[tilespmem:$0x1CC00] =	vst v63  }
0x1fe: {  	_ =	swait.ge [sflag:s25], $0x4000  }
0x1ff: {  	[sflag:s25] =	ssyncset.done $0x0  }
0x200: {  	[sflag:s25] =	ssyncadd.s32 $0xFFFFC000  }
0x201: {  	[spmem:s3] =	stream.indirect.scatter.add.f32 [tilespmem:s22], [sflag:$0x7], $0x80, s11, s10, $0xb8;
	[tilespmem:$0x1CC00] =	vst v63  }
0x202: {  	_ =	swait.ge [sflag:s23], $0x4000  }
0x203: {  	[sflag:s23] =	ssyncset.done $0x0  }
0x204: {  	s9 =	sadd.s32 s2, s8;
	[sflag:s23] =	ssyncadd.s32 $0xFFFFC000  }
0x205: {  	[tilespmem:s10], [sflag:$0x4] =	stream.linear.gather [hbm4b:s9+s5], $0x80, $0x38;
	[tilespmem:$0x1CC00] =	vst v63  }
0x206: {  	s8 =	sadd.s32 s6, s8  }
0x207: {  	[tilespmem:s11], [sflag:$0x4] =	stream.linear.gather [hbm4b:s8+s5], $0x80, $0x38;
	[tilespmem:$0x1CC00] =	vst v63  }
0x208: {  	_ =	swait.ge [sflag:s26], $0x80  }
0x209: {  	[sflag:s26] =	ssyncset.done $0x0  }
0x20a: {  	[sflag:s26] =	ssyncadd.s32 $0xFFFFFF80  }
0x20b: {  	_ =	swait.ge [sflag:s26], $0x80  }
0x20c: {  	[sflag:s26] =	ssyncset.done $0x0  }
0x20d: {  	[sflag:s26] =	ssyncadd.s32 $0xFFFFFF80  }
0x20e: {  	[tilespmem:s22], [sflag:$0x2] =	stream.indirect.gather [hbm4b:s1+s10], $0x80, s14, s10, $0xb8;
	[tilespmem:$0x1CC00] =	vst v63  }
0x20f: {  	_ =	swait.ge [sflag:s18], $0x4000  }
0x210: {  	[sflag:s18] =	ssyncset.done $0x0  }
0x211: {  	[sflag:s18] =	ssyncadd.s32 $0xFFFFC000  }
0x212: {  	[spmem:s3] =	stream.indirect.scatter.add.f32 [tilespmem:s20], [sflag:$0x7], $0x80, s13, s10, $0xb8;
	[tilespmem:$0x1CC00] =	vst v63  }
0x213: {  	s8 =	sand.u32 $0x60, s31;
	_ =	swait.ge [sflag:s23], $0x4000  }
0x214: {  	s0 =	sor.u32 s8, s0;
	[sflag:s23] =	ssyncset.done $0x0  }
0x215: {  	s8 =	sadd.s32 s2, s0;
	[sflag:s23] =	ssyncadd.s32 $0xFFFFC000  }
0x216: {  	[tilespmem:s12], [sflag:$0x5] =	stream.linear.gather [hbm4b:s8+s5], $0x80, $0x38;
	[tilespmem:$0x1CC00] =	vst v63  }
0x217: {  	s0 =	sadd.s32 s6, s0  }
0x218: {  	[tilespmem:s13], [sflag:$0x5] =	stream.linear.gather [hbm4b:s0+s5], $0x80, $0x38;
	[tilespmem:$0x1CC00] =	vst v63  }
0x219: {  	_ =	swait.ge [sflag:s19], $0x80  }
0x21a: {  	[sflag:s19] =	ssyncset.done $0x0  }
0x21b: {  	[sflag:s19] =	ssyncadd.s32 $0xFFFFFF80  }
0x21c: {  	_ =	swait.ge [sflag:s19], $0x80  }
0x21d: {  	[sflag:s19] =	ssyncset.done $0x0  }
.Ltmp0:
0x21e: {  	[sflag:s19] =	ssyncadd.s32 $0xFFFFFF80;
	(pc) =	sbr.rel @p0 .LBB2_2-.Ltmp0, $4  }
0x21f: {  	[tilespmem:s20], [sflag:$0x1] =	stream.indirect.gather [hbm4b:s1+s10], $0x80, s5, s10, $0xb8;
	[tilespmem:$0x1CC00] =	vst v63  }
0x220: {  	_ =	swait.ge [sflag:s25], $0x4000  }
0x221: {  	s30 =	smov.u32 s4;
	[sflag:s25] =	ssyncset.done $0x0  }
0x222: {  	s8 =	sadd.s32 s2, s29;
	s0 =	sadd.s32 s6, s29;
	[sflag:s25] =	ssyncadd.s32 $0xFFFFC000  }
0x223: {  	[spmem:s3] =	stream.indirect.scatter.add.f32 [tilespmem:s22], [sflag:$0x7], $0x80, s16, s10, $0xb8;
	[tilespmem:$0x1CC00] =	vst v63  }
0x224: {  	_ =	swait.ge [sflag:s23], $0x4000  }
0x225: {  	[sflag:s23] =	ssyncset.done $0x0  }
0x226: {  	[sflag:s23] =	ssyncadd.s32 $0xFFFFC000  }
0x227: {  	[tilespmem:s14], [sflag:$0x6] =	stream.linear.gather [hbm4b:s8+s5], $0x80, $0x38;
	[tilespmem:$0x1CC00] =	vst v63  }
0x228: {  	_ = 	snop  }
0x229: {  	[tilespmem:s16], [sflag:$0x6] =	stream.linear.gather [hbm4b:s0+s5], $0x80, $0x38;
	[tilespmem:$0x1CC00] =	vst v63  }
0x22a: {  	_ =	swait.ge [sflag:s21], $0x80  }
0x22b: {  	[sflag:s21] =	ssyncset.done $0x0  }
0x22c: {  	[sflag:s21] =	ssyncadd.s32 $0xFFFFFF80  }
0x22d: {  	_ =	swait.ge [sflag:s21], $0x80  }
0x22e: {  	[sflag:s21] =	ssyncset.done $0x0  }
0x22f: {  	[sflag:s21] =	ssyncadd.s32 $0xFFFFFF80  }
0x230: {  	[tilespmem:s22], [sflag:$0x2] =	stream.indirect.gather [hbm4b:s1+s10], $0x80, s10, s10, $0xb8;
	[tilespmem:$0x1CC00] =	vst v63  }
0x231: {  	_ =	swait.ge [sflag:s18], $0x4000  }
0x232: {  	[sflag:s18] =	ssyncset.done $0x0  }
0x233: {  	[sflag:s18] =	ssyncadd.s32 $0xFFFFC000  }
0x234: {  	_ =	swait.ge [sflag:s25], $0x4000  }
0x235: {  	[sflag:s25] =	ssyncset.done $0x0  }
0x236: {  	[sflag:s25] =	ssyncadd.s32 $0xFFFFC000  }
0x237: {  	_ =	swait.ge [sflag:s24], $0x80  }
0x238: {  	[sflag:s24] =	ssyncset.done $0x0  }
0x239: {  	[sflag:s24] =	ssyncadd.s32 $0xFFFFFF80  }
0x23a: {  	_ =	swait.ge [sflag:s24], $0x80  }
0x23b: {  	[sflag:s24] =	ssyncset.done $0x0  }
0x23c: {  	[sflag:s24] =	ssyncadd.s32 $0xFFFFFF80  }
0x23d: {  	_ =	swait.ge [sflag:s26], $0x80  }
0x23e: {  	[sflag:s26] =	ssyncset.done $0x0  }
0x23f: {  	[sflag:s26] =	ssyncadd.s32 $0xFFFFFF80  }
0x240: {  	_ =	swait.ge [sflag:s26], $0x80  }
0x241: {  	[sflag:s26] =	ssyncset.done $0x0  }
0x242: {  	[sflag:s26] =	ssyncadd.s32 $0xFFFFFF80  }
0x243: {  	s29 =	stileid.u32;
	[bflag:$0x0] =	sbarrier.arrive $0xFFFF  }
0x244: {  	s0 =	sshll.u32 s29, $0x6;
	s8 =	rddreg [dreg:$0xc]  }
0x245: {  	s0 =	sor.u32 $0x1C07, s0;
	s9 =	rddreg [dreg:$0x15];
	s4 =	sshrl.u32 s8, $0x3  }
0x246: {  	[hbm:s9], [sflag:s0] =	dma.local [spmem:s4], $0x2800  }
0x247: {  	_ =	swait.ge [sflag:s23], $0x2800  }
0x248: {  	s30 =	sld [smem:$0x7E6];
	_ =	sdelay $0x2  }
0x249: {  	s31 =	rddreg [dreg:$0x16];
	s4 =	sadd.s32 $0x1, s30  }
0x24a: {  	p0 =	sne.s32 s4, s31  }
.Ltmp1:
0x24b: {  	_ = 	snop;
	(pc) =	sbr.rel @p0 .LBB2_1-.Ltmp1, $3  }
0x24c: {  	_ =	sdelay $0x1  }
0x24d: {  	[sflag:s23] =	ssyncset.done $0x0  }
0x24e: {  	[sflag:s23] =	ssyncadd.s32 $0xFFFFD800  }
0x24f: {  	_ =	sfence.sel $0x180000  }
0x250: {  	[bflag:$0x0] =	sbarrier.arrive $0xFFFF  }
0x251: {  	_ =	strace $0x90000047  }
0x252: {  	s0 =	stileid.u32;
	[bflag:$0x2] =	sbarrier.arrive $0xFFFF  }
0x253: {  	p0 =	sne.s32 s0, $0x0;
	s0 =	rddreg [dreg:$0x4]  }
0x254: {  	s0 =	sadd.s32 @!p0 $0x100000, s0  }
0x255: {  	[sflag:s0] =	ssyncadd.tile.s32 @!p0 $0x1;
	_ =	shalt  }
.Lfunc_end2:
_tile_overlayer_lowered:
.L_overlay_start_2:
0x256: {  	(tag) =	ssettag $0x2  }
0x257: {  	s0 =	rddreg [dreg:$0x0];
	s2 =	stileid.u32  }
0x258: {  	s1 =	rddreg [dreg:$0x1];
	p0 =	sne.s32 s2, $0x0  }
0x259: {  	s3 =	rddreg [dreg:$0x2];
	[bflag:$0x3] =	sbarrier.arrive $0xFFFF;
	s2 =	simm.s32 @!p0 $0x1C07  }
0x25a: {  	[timem:s3], [sflag:s2] =	dma.local @!p0 [hbm:s0], s1  }
0x25b: {  	s0 =	simm.s32 @!p0 $0x7  }
0x25c: {  	_ =	swait.ge @!p0 [sflag:s0], s1  }
0x25d: {  	s1 =	ssub.s32 @!p0 $0x0, s1;
	[sflag:s0] =	ssyncset.done @!p0 $0x0  }
0x25e: {  	[sflag:s0] =	ssyncadd.s32 @!p0 s1  }
0x25f: {  	[bflag:$0x3] =	sbarrier.arrive $0xFFFF  }
0x260: {  	_ =	shalt  }

</sc_bundles>
